<compile_context>
chip_gen: v7x
topology: tpu7x:2x2x1
jax: 0.10.2.dev20260603
libtpu: 0.0.44.dev20260713+nightly
codegen_flags: <defaults>
</compile_context>

<pallas_src>
import functools

import jax
import jax.numpy as jnp
from jax import lax
from jax.experimental import pallas as pl
from jax.experimental.pallas import tpu as pltpu
from jax.experimental.pallas import tpu_sc as plsc

N = 10000
E = 320000
D = 128
NC = 2
NS = 16
NW = NC * NS
CH = 128
NCHUNK = E // CH
ROWS_PER_TILE = 632
ROWS_LAST = N - 15 * ROWS_PER_TILE
BE = 512
NBE = E // BE


def _prep_body(s_ref, ngW1d_ref, ngb1_ref, ngW2_ref, egW2_ref, mgW1_ref,
               mgb1_ref, ngb2_ref, egb2_ref,
               h_ref, ci_ref, cj_ref, ce_ref, zb_ref):
    f32 = jnp.float32
    h_ref[...] = (jnp.dot(s_ref[...], ngW1d_ref[...], preferred_element_type=f32)
                  + ngb1_ref[...])
    mgW1 = mgW1_ref[...]
    A = mgW1[0:D, :]
    B = mgW1[D:2 * D, :]
    C = mgW1[2 * D:3 * D, :]
    ci_ref[...] = jnp.dot(ngW2_ref[...], A, preferred_element_type=f32)
    cj_ref[...] = jnp.dot(ngW2_ref[...], B, preferred_element_type=f32)
    ce_ref[...] = jnp.dot(egW2_ref[...], C, preferred_element_type=f32)
    zb_ref[...] = (jnp.dot(ngb2_ref[...], A + B, preferred_element_type=f32)
                   + jnp.dot(egb2_ref[...], C, preferred_element_type=f32)
                   + mgb1_ref[...])


def _edge_sc_body(h_hbm, vflat_hbm, ei_hbm, evut_hbm,
                  hi_hbm, hj_hbm, rij_hbm, rji_hbm, cm2_hbm,
                  vtab, rowb, colb, evub, hib, hjb, rijb, rjib, cm2b,
                  sem1, sem2):
    cid = lax.axis_index("c")
    sid = lax.axis_index("s")
    w = sid * NC + cid
    pltpu.sync_copy(vflat_hbm, vtab)
    nmy = (NCHUNK - 1 - w) // NW + 1

    def step(k, carry):
        c = w + k * NW
        off = c * CH
        pltpu.sync_copy(ei_hbm.at[0, pl.ds(off, CH)], rowb)
        pltpu.sync_copy(ei_hbm.at[1, pl.ds(off, CH)], colb)
        pltpu.sync_copy(evut_hbm.at[:, pl.ds(off, CH)], evub)
        cp1 = pltpu.async_copy(h_hbm.at[rowb], hib, sem1)
        cp2 = pltpu.async_copy(h_hbm.at[colb], hjb, sem2)
        for g in range(CH // 16):
            sl = pl.ds(g * 16, 16)
            r16 = rowb[sl]
            c16 = colb[sl]
            vix = plsc.load_gather(vtab, [r16])
            viy = plsc.load_gather(vtab, [r16 + N])
            viz = plsc.load_gather(vtab, [r16 + 2 * N])
            vjx = plsc.load_gather(vtab, [c16])
            vjy = plsc.load_gather(vtab, [c16 + N])
            vjz = plsc.load_gather(vtab, [c16 + 2 * N])
            ex = evub[0, sl]
            ey = evub[1, sl]
            ez = evub[2, sl]
            rijb[sl] = 1.0 - (vix * ex + viy * ey + viz * ez)
            rjib[sl] = 1.0 + (vjx * ex + vjy * ey + vjz * ez)
            cx = viy * vjz - viz * vjy
            cy = viz * vjx - vix * vjz
            cz = vix * vjy - viy * vjx
            cm2b[sl] = cx * cx + cy * cy + cz * cz
        pltpu.sync_copy(rijb, rij_hbm.at[pl.ds(off, CH)])
        pltpu.sync_copy(rjib, rji_hbm.at[pl.ds(off, CH)])
        pltpu.sync_copy(cm2b, cm2_hbm.at[pl.ds(off, CH)])
        cp1.wait()
        cp2.wait()
        pltpu.sync_copy(hib, hi_hbm.at[pl.ds(off, CH), :])
        pltpu.sync_copy(hjb, hj_hbm.at[pl.ds(off, CH), :])
        return carry

    lax.fori_loop(0, nmy, step, 0)


def _mlp_body(hi_ref, hj_ref, ea_ref, rij_ref, rji_ref, cm2_ref,
              wng_ref, weg_ref, egW1d_ref, egb1_ref,
              ci_ref, cj_ref, ce_ref, zb_ref, mgW2_ref, mgb2_ref,
              peW_ref, peb_ref,
              msg_ref, coeff_ref):
    f32 = jnp.float32
    rij = rij_ref[...]
    rji = rji_ref[...]
    cm = jnp.sqrt(cm2_ref[...])
    wng = wng_ref[...]
    ai = jax.nn.silu(hi_ref[...] + rij * wng)
    aj = jax.nn.silu(hj_ref[...] + rji * wng)
    t = (jnp.dot(ea_ref[...], egW1d_ref[...], preferred_element_type=f32)
         + cm * weg_ref[...] + egb1_ref[...])
    ae = jax.nn.silu(t)
    z = (jnp.dot(ai, ci_ref[...], preferred_element_type=f32)
         + jnp.dot(aj, cj_ref[...], preferred_element_type=f32)
         + jnp.dot(ae, ce_ref[...], preferred_element_type=f32)
         + zb_ref[...])
    m = jax.nn.silu(z)
    msg = jnp.dot(m, mgW2_ref[...], preferred_element_type=f32) + mgb2_ref[...]
    msg_ref[...] = msg
    coeff_ref[...] = jnp.dot(msg, peW_ref[...], preferred_element_type=f32) + peb_ref[...]


def _scatter_sc_body(msg_hbm, coeff_hbm, evut_hbm, row_hbm, zs_hbm, zv_hbm,
                     spart_hbm, vpart_hbm,
                     sacc, vacc, msgb, rowb, cofb, evub, valb, idxb):
    cid = lax.axis_index("c")
    sid = lax.axis_index("s")
    w = sid * NC + cid
    r0 = sid * ROWS_PER_TILE

    @pl.when(sid < NS - 1)
    def _():
        pltpu.sync_copy(zs_hbm.at[pl.ds(r0, ROWS_PER_TILE), :],
                        sacc.at[pl.ds(r0, ROWS_PER_TILE), :])

    @pl.when(sid == NS - 1)
    def _():
        pltpu.sync_copy(zs_hbm.at[pl.ds(r0, ROWS_LAST), :],
                        sacc.at[pl.ds(r0, ROWS_LAST), :])

    @pl.when(sid == 0)
    def _():
        pltpu.sync_copy(zv_hbm, vacc)

    plsc.subcore_barrier()
    nmy = (NCHUNK - 1 - w) // NW + 1

    def step(k, carry):
        c = w + k * NW
        off = c * CH
        pltpu.sync_copy(msg_hbm.at[pl.ds(off, CH), :], msgb)
        pltpu.sync_copy(row_hbm.at[pl.ds(off, CH)], rowb)
        pltpu.sync_copy(coeff_hbm.at[pl.ds(off, CH)], cofb)
        pltpu.sync_copy(evut_hbm.at[:, pl.ds(off, CH)], evub)
        pltpu.sync_copy(msgb, sacc.at[rowb], add=True)
        for g in range(CH // 16):
            sl = pl.ds(g * 16, 16)
            r16 = rowb[sl]
            cf = cofb[sl]
            idxb[0, sl] = r16
            idxb[1, sl] = r16 + N
            idxb[2, sl] = r16 + 2 * N
            valb[0, sl] = evub[0, sl] * cf
            valb[1, sl] = evub[1, sl] * cf
            valb[2, sl] = evub[2, sl] * cf
        for comp in range(3):
            pltpu.sync_copy(valb.at[comp], vacc.at[idxb.at[comp]], add=True)
        return carry

    lax.fori_loop(0, nmy, step, 0)
    plsc.subcore_barrier()

    @pl.when(sid < NS - 1)
    def _():
        pltpu.sync_copy(sacc.at[pl.ds(r0, ROWS_PER_TILE), :],
                        spart_hbm.at[cid, pl.ds(r0, ROWS_PER_TILE), :])

    @pl.when(sid == NS - 1)
    def _():
        pltpu.sync_copy(sacc.at[pl.ds(r0, ROWS_LAST), :],
                        spart_hbm.at[cid, pl.ds(r0, ROWS_LAST), :])

    @pl.when(sid == 0)
    def _():
        pltpu.sync_copy(vacc, vpart_hbm.at[cid])


def _final_body(s_ref, spart_ref, vt_ref, vpart_ref, upW_ref, upb_ref,
                lng_ref, lnb_ref, snew_ref, vnewt_ref):
    f32 = jnp.float32
    s_out = spart_ref[0] + spart_ref[1]
    q = (jnp.dot(jax.nn.silu(s_out), upW_ref[...], preferred_element_type=f32)
         + upb_ref[...] + s_ref[...])
    mean = jnp.mean(q, axis=-1, keepdims=True)
    var = jnp.mean((q - mean) ** 2, axis=-1, keepdims=True)
    snew_ref[...] = (q - mean) / jnp.sqrt(var + 1e-5) * lng_ref[...] + lnb_ref[...]
    vn = vt_ref[...] + vpart_ref[0] + vpart_ref[1]
    nx = vn[0:1, :]
    ny = vn[1:2, :]
    nz = vn[2:3, :]
    denom = jnp.maximum(jnp.sqrt(nx * nx + ny * ny + nz * nz), 1e-6)
    vnewt_ref[...] = vn / denom


def kernel(s, v, edge_index, edge_attr, edge_vec_unit,
           ng_W1, ng_b1, ng_W2, ng_b2,
           eg_W1, eg_b1, eg_W2, eg_b2,
           mg_W1, mg_b1, mg_W2, mg_b2,
           pe_W, pe_b, up_W, up_b, ln_g, ln_b):
    f32 = jnp.float32

    vt = v.T.reshape(3, N)
    vflat = vt.reshape(3 * N)
    evut = edge_vec_unit.T.reshape(3, E)
    row = edge_index[0]
    ngW1d = ng_W1[:D]
    wng = ng_W1[D:D + 1]
    egW1d = eg_W1[:D]
    weg = eg_W1[D:D + 1]
    zeros_s = jnp.zeros((N, D), f32)
    zeros_v = jnp.zeros((3 * N,), f32)

    h, ci, cj, ce, zb = pl.pallas_call(
        _prep_body,
        out_shape=[
            jax.ShapeDtypeStruct((N, D), f32),
            jax.ShapeDtypeStruct((D, 2 * D), f32),
            jax.ShapeDtypeStruct((D, 2 * D), f32),
            jax.ShapeDtypeStruct((D, 2 * D), f32),
            jax.ShapeDtypeStruct((1, 2 * D), f32),
        ],
    )(s, ngW1d, ng_b1.reshape(1, D), ng_W2, eg_W2, mg_W1,
      mg_b1.reshape(1, 2 * D), ng_b2.reshape(1, D), eg_b2.reshape(1, D))

    mesh = plsc.VectorSubcoreMesh(core_axis_name="c", subcore_axis_name="s",
                                  num_cores=NC, num_subcores=NS)
    sc_params = pltpu.CompilerParams(needs_layout_passes=False)
    edge_sc = pl.kernel(
        _edge_sc_body,
        compiler_params=sc_params,
        out_type=[
            jax.ShapeDtypeStruct((E, D), f32),
            jax.ShapeDtypeStruct((E, D), f32),
            jax.ShapeDtypeStruct((E,), f32),
            jax.ShapeDtypeStruct((E,), f32),
            jax.ShapeDtypeStruct((E,), f32),
        ],
        mesh=mesh,
        scratch_types=[
            pltpu.VMEM((3 * N,), f32),
            pltpu.VMEM((CH,), jnp.int32),
            pltpu.VMEM((CH,), jnp.int32),
            pltpu.VMEM((3, CH), f32),
            pltpu.VMEM((CH, D), f32),
            pltpu.VMEM((CH, D), f32),
            pltpu.VMEM((CH,), f32),
            pltpu.VMEM((CH,), f32),
            pltpu.VMEM((CH,), f32),
            pltpu.SemaphoreType.DMA,
            pltpu.SemaphoreType.DMA,
        ],
    )
    hi, hj, rij, rji, cm2 = edge_sc(h, vflat, edge_index, evut)

    full = lambda shape: pl.BlockSpec(shape, lambda i: tuple(0 for _ in shape))
    msg, coeff = pl.pallas_call(
        _mlp_body,
        grid=(NBE,),
        in_specs=[
            pl.BlockSpec((BE, D), lambda i: (i, 0)),
            pl.BlockSpec((BE, D), lambda i: (i, 0)),
            pl.BlockSpec((BE, D), lambda i: (i, 0)),
            pl.BlockSpec((BE, 1), lambda i: (i, 0)),
            pl.BlockSpec((BE, 1), lambda i: (i, 0)),
            pl.BlockSpec((BE, 1), lambda i: (i, 0)),
            full((1, D)),
            full((1, D)),
            full((D, D)),
            full((1, D)),
            full((D, 2 * D)),
            full((D, 2 * D)),
            full((D, 2 * D)),
            full((1, 2 * D)),
            full((2 * D, D)),
            full((1, D)),
            full((D, 1)),
            full((1, 1)),
        ],
        out_specs=[
            pl.BlockSpec((BE, D), lambda i: (i, 0)),
            pl.BlockSpec((BE, 1), lambda i: (i, 0)),
        ],
        out_shape=[
            jax.ShapeDtypeStruct((E, D), f32),
            jax.ShapeDtypeStruct((E, 1), f32),
        ],
    )(hi, hj, edge_attr, rij.reshape(E, 1), rji.reshape(E, 1),
      cm2.reshape(E, 1), wng, weg, egW1d, eg_b1.reshape(1, D),
      ci, cj, ce, zb, mg_W2, mg_b2.reshape(1, D),
      pe_W, pe_b.reshape(1, 1))

    scatter_sc = pl.kernel(
        _scatter_sc_body,
        compiler_params=sc_params,
        out_type=[
            jax.ShapeDtypeStruct((NC, N, D), f32),
            jax.ShapeDtypeStruct((NC, 3 * N), f32),
        ],
        mesh=mesh,
        scratch_types=[
            pltpu.VMEM_SHARED((N, D), f32),
            pltpu.VMEM_SHARED((3 * N,), f32),
            pltpu.VMEM((CH, D), f32),
            pltpu.VMEM((CH,), jnp.int32),
            pltpu.VMEM((CH,), f32),
            pltpu.VMEM((3, CH), f32),
            pltpu.VMEM((3, CH), f32),
            pltpu.VMEM((3, CH), jnp.int32),
        ],
    )
    spart, vpart = scatter_sc(msg, coeff.reshape(E), evut, row,
                              zeros_s, zeros_v)

    snew, vnewt = pl.pallas_call(
        _final_body,
        out_shape=[
            jax.ShapeDtypeStruct((N, D), f32),
            jax.ShapeDtypeStruct((3, N), f32),
        ],
    )(s, spart, vt, vpart.reshape(NC, 3, N), up_W, up_b.reshape(1, D),
      ln_g.reshape(1, D), ln_b.reshape(1, D))

    return (snew, vnewt.T.reshape(N, 3))

# --- scband reference (transcript-rebuilt; emitter-appended) ---
"""Pipeline reference for scband-unified-equivariant-gnn-51479478010568 (READ-ONLY COPY).

The authoritative reference and input builder live on the scoring server;
editing this copy changes nothing except your own understanding.
"""

import jax, jax.numpy as jnp
import numpy as np


def _silu(x):
    return jax.nn.silu(x)


def _ln(x, g, b, eps=1e-5):
    m = jnp.mean(x, axis=-1, keepdims=True)
    var = jnp.var(x, axis=-1, keepdims=True)
    return (x - m) / jnp.sqrt(var + eps) * g + b


def setup_inputs(seed: int = 0) -> dict:
    key = jax.random.key(seed)
    N, E, D = 10000, 320000, 128
    ks = [jax.random.fold_in(key, i) for i in range(16)]
    s = jax.random.normal(ks[0], (N, D), jnp.float32)
    v = jax.random.normal(ks[1], (N, 3), jnp.float32)
    v = v / jnp.clip(jnp.linalg.norm(v, axis=-1, keepdims=True), 1e-6, None)
    edge_index = jax.random.randint(ks[2], (2, E), 0, N).astype(jnp.int32)
    edge_attr = jax.random.uniform(ks[3], (E, D), jnp.float32)
    evu = jax.random.normal(ks[4], (E, 3), jnp.float32)
    evu = evu / jnp.clip(jnp.linalg.norm(evu, axis=-1, keepdims=True), 1e-6, None)

    def lin(k, fi, fo):
        bound = 1.0 / np.sqrt(fi)
        kw, kb = jax.random.split(k)
        W = jax.random.uniform(kw, (fi, fo), jnp.float32, -bound, bound)
        b = jax.random.uniform(kb, (fo,), jnp.float32, -bound, bound)
        return W, b

    ng_W1, ng_b1 = lin(ks[5], D + 1, D)
    ng_W2, ng_b2 = lin(ks[6], D, D)
    eg_W1, eg_b1 = lin(ks[7], D + 1, D)
    eg_W2, eg_b2 = lin(ks[8], D, D)
    mg_W1, mg_b1 = lin(ks[9], 3 * D, 2 * D)
    mg_W2, mg_b2 = lin(ks[10], 2 * D, D)
    pe_W, pe_b = lin(ks[11], D, 1)
    up_W, up_b = lin(ks[12], D, D)
    ln_g = jnp.ones((D,), jnp.float32)
    ln_b = jnp.zeros((D,), jnp.float32)
    return {
        "s": s, "v": v, "edge_index": edge_index, "edge_attr": edge_attr,
        "edge_vec_unit": evu,
        "ng_W1": ng_W1, "ng_b1": ng_b1, "ng_W2": ng_W2, "ng_b2": ng_b2,
        "eg_W1": eg_W1, "eg_b1": eg_b1, "eg_W2": eg_W2, "eg_b2": eg_b2,
        "mg_W1": mg_W1, "mg_b1": mg_b1, "mg_W2": mg_W2, "mg_b2": mg_b2,
        "pe_W": pe_W, "pe_b": pe_b, "up_W": up_W, "up_b": up_b,
        "ln_g": ln_g, "ln_b": ln_b,
    }


def reference(s, v, edge_index, edge_attr, edge_vec_unit,
              ng_W1, ng_b1, ng_W2, ng_b2,
              eg_W1, eg_b1, eg_W2, eg_b2,
              mg_W1, mg_b1, mg_W2, mg_b2,
              pe_W, pe_b, up_W, up_b, ln_g, ln_b):
    row = edge_index[0]
    col = edge_index[1]
    s_i = jnp.take(s, row, axis=0)
    s_j = jnp.take(s, col, axis=0)
    v_i = jnp.take(v, row, axis=0)
    v_j = jnp.take(v, col, axis=0)
    dot_ij = jnp.sum(v_i * edge_vec_unit, axis=-1, keepdims=True)
    dot_ji = jnp.sum(v_j * (-edge_vec_unit), axis=-1, keepdims=True)
    res_ij = 1.0 - dot_ij
    res_ji = 1.0 - dot_ji
    cross_prod = jnp.cross(v_i, v_j)
    cross_mag = jnp.linalg.norm(cross_prod, axis=-1, keepdims=True)
    nf_i = _silu(jnp.concatenate([s_i, res_ij], axis=-1) @ ng_W1 + ng_b1) @ ng_W2 + ng_b2
    nf_j = _silu(jnp.concatenate([s_j, res_ji], axis=-1) @ ng_W1 + ng_b1) @ ng_W2 + ng_b2
    ef = _silu(jnp.concatenate([edge_attr, cross_mag], axis=-1) @ eg_W1 + eg_b1) @ eg_W2 + eg_b2
    msg = _silu(jnp.concatenate([nf_i, nf_j, ef], axis=-1) @ mg_W1 + mg_b1) @ mg_W2 + mg_b2
    s_msg = msg
    coeff = msg @ pe_W + pe_b
    v_msg = edge_vec_unit * coeff
    s_out = jnp.zeros_like(s).at[row].add(s_msg)
    v_out = jnp.zeros_like(v).at[row].add(v_msg)
    s_new = _ln(s + (_silu(s_out) @ up_W + up_b), ln_g, ln_b)
    v_new = v + v_out
    denom = jnp.clip(jnp.linalg.norm(v_new, axis=-1, keepdims=True), 1e-6, None)
    v_new = v_new / denom
    return (s_new, v_new)

if __name__ == "__main__":
    import jax
    _d = setup_inputs()
    print(jax.jit(kernel)(*tuple(_d.values())))

</pallas_src>

<mosaic_0001>
#map = affine_map<(d0, d1) -> (0, 0)>
#map1 = affine_map<(d0, d1) -> (0)>
#map2 = affine_map<(d0, d1) -> (0, 0, 0)>
module attributes {stable_mosaic.version = 14 : i64} {
  func.func @_scatter_sc_body(%arg0: i32, %arg1: i32, %arg2: memref<320000x128xf32, #tpu.memory_space<hbm>>, %arg3: memref<320000xf32, #tpu.memory_space<hbm>>, %arg4: memref<3x320000xf32, #tpu.memory_space<hbm>>, %arg5: memref<320000xi32, #tpu.memory_space<hbm>>, %arg6: memref<10000x128xf32, #tpu.memory_space<hbm>>, %arg7: memref<30000xf32, #tpu.memory_space<hbm>>, %arg8: memref<2x10000x128xf32, #tpu.memory_space<hbm>>, %arg9: memref<2x30000xf32, #tpu.memory_space<hbm>>, %arg10: memref<10000x128xf32, #tpu.memory_space<vmem_shared>>, %arg11: memref<30000xf32, #tpu.memory_space<vmem_shared>>, %arg12: memref<128x128xf32, #tpu.memory_space<vmem>>, %arg13: memref<128xi32, #tpu.memory_space<vmem>>, %arg14: memref<128xf32, #tpu.memory_space<vmem>>, %arg15: memref<3x128xf32, #tpu.memory_space<vmem>>, %arg16: memref<3x128xf32, #tpu.memory_space<vmem>>, %arg17: memref<3x128xi32, #tpu.memory_space<vmem>>) attributes {dimension_semantics = [#tpu.dimension_semantics<core_parallel>, #tpu.dimension_semantics<subcore_parallel>], iteration_bounds = array<i64: 2, 16>, scalar_prefetch = 0 : i64, scratch_operands = 8 : i64, tpu.core_type = #tpu.core_type<sc_vector_subcore>, window_params = [{transform_indices = #map}, {transform_indices = #map1}, {transform_indices = #map}, {transform_indices = #map1}, {transform_indices = #map}, {transform_indices = #map1}, {transform_indices = #map2}, {transform_indices = #map}]} {
    %mul3A = arith.constant 2 : i32
    %mul3A_0 = arith.muli %arg1, %mul3A : i32
    %add3A = arith.addi %mul3A_0, %arg0 : i32
    %mul3A_1 = arith.constant 632 : i32
    %mul3A_2 = arith.muli %arg1, %mul3A_1 : i32
    %lt3A = arith.constant 15 : i32
    %lt3A_3 = arith.cmpi slt, %arg1, %lt3A : i32
    %convert_element_type3A = arith.extui %lt3A_3 : i1 to i32
    %cond3A = arith.constant 0 : i32
    %cond3A_4 = arith.cmpi ne, %convert_element_type3A, %cond3A : i32
    scf.if %cond3A_4 {
      "tpu.region"() ({
        %run_scoped3A = tpu.sem_alloc : memref<!tpu.dma_semaphore, #tpu.memory_space<semaphore_mem>>
        %dma_start3A = arith.constant 0 : i32
        %dma_start3A_59 = tpu.memref_slice %arg10[%mul3A_2, %dma_start3A] : memref<10000x128xf32, #tpu.memory_space<vmem_shared>> -> memref<632x128xf32, #tpu.memory_space<vmem_shared>>
        %dma_start3A_60 = arith.constant 0 : i32
        %dma_start3A_61 = tpu.memref_slice %arg6[%mul3A_2, %dma_start3A_60] : memref<10000x128xf32, #tpu.memory_space<hbm>> -> memref<632x128xf32, #tpu.memory_space<hbm>>
        tpu.enqueue_dma source(%dma_start3A_61 : memref<632x128xf32, #tpu.memory_space<hbm>>) target(%dma_start3A_59 : memref<632x128xf32, #tpu.memory_space<vmem_shared>>) target_semaphore(%run_scoped3A : memref<!tpu.dma_semaphore, #tpu.memory_space<semaphore_mem>>)
        %dma_wait3A = arith.constant 0 : i32
        %dma_wait3A_62 = tpu.memref_slice %arg10[%mul3A_2, %dma_wait3A] : memref<10000x128xf32, #tpu.memory_space<vmem_shared>> -> memref<632x128xf32, #tpu.memory_space<vmem_shared>>
        %dma_wait3A_63 = arith.constant 0 : i32
        %dma_wait3A_64 = tpu.memref_slice %arg6[%mul3A_2, %dma_wait3A_63] : memref<10000x128xf32, #tpu.memory_space<hbm>> -> memref<632x128xf32, #tpu.memory_space<hbm>>
        tpu.wait_dma2 semaphore(%run_scoped3A : memref<!tpu.dma_semaphore, #tpu.memory_space<semaphore_mem>>) src(%dma_wait3A_64 : memref<632x128xf32, #tpu.memory_space<hbm>>) dst(%dma_wait3A_62 : memref<632x128xf32, #tpu.memory_space<vmem_shared>>)
        tpu.yield
      }) : () -> ()
    } else {
    }
    %eq3A = arith.constant 15 : i32
    %eq3A_5 = arith.cmpi eq, %arg1, %eq3A : i32
    %convert_element_type3A_6 = arith.extui %eq3A_5 : i1 to i32
    %cond3A_7 = arith.constant 0 : i32
    %cond3A_8 = arith.cmpi ne, %convert_element_type3A_6, %cond3A_7 : i32
    scf.if %cond3A_8 {
      "tpu.region"() ({
        %run_scoped3A = tpu.sem_alloc : memref<!tpu.dma_semaphore, #tpu.memory_space<semaphore_mem>>
        %dma_start3A = arith.constant 0 : i32
        %dma_start3A_59 = tpu.memref_slice %arg10[%mul3A_2, %dma_start3A] : memref<10000x128xf32, #tpu.memory_space<vmem_shared>> -> memref<520x128xf32, #tpu.memory_space<vmem_shared>>
        %dma_start3A_60 = arith.constant 0 : i32
        %dma_start3A_61 = tpu.memref_slice %arg6[%mul3A_2, %dma_start3A_60] : memref<10000x128xf32, #tpu.memory_space<hbm>> -> memref<520x128xf32, #tpu.memory_space<hbm>>
        tpu.enqueue_dma source(%dma_start3A_61 : memref<520x128xf32, #tpu.memory_space<hbm>>) target(%dma_start3A_59 : memref<520x128xf32, #tpu.memory_space<vmem_shared>>) target_semaphore(%run_scoped3A : memref<!tpu.dma_semaphore, #tpu.memory_space<semaphore_mem>>)
        %dma_wait3A = arith.constant 0 : i32
        %dma_wait3A_62 = tpu.memref_slice %arg10[%mul3A_2, %dma_wait3A] : memref<10000x128xf32, #tpu.memory_space<vmem_shared>> -> memref<520x128xf32, #tpu.memory_space<vmem_shared>>
        %dma_wait3A_63 = arith.constant 0 : i32
        %dma_wait3A_64 = tpu.memref_slice %arg6[%mul3A_2, %dma_wait3A_63] : memref<10000x128xf32, #tpu.memory_space<hbm>> -> memref<520x128xf32, #tpu.memory_space<hbm>>
        tpu.wait_dma2 semaphore(%run_scoped3A : memref<!tpu.dma_semaphore, #tpu.memory_space<semaphore_mem>>) src(%dma_wait3A_64 : memref<520x128xf32, #tpu.memory_space<hbm>>) dst(%dma_wait3A_62 : memref<520x128xf32, #tpu.memory_space<vmem_shared>>)
        tpu.yield
      }) : () -> ()
    } else {
    }
    %eq3A_9 = arith.constant 0 : i32
    %eq3A_10 = arith.cmpi eq, %arg1, %eq3A_9 : i32
    %convert_element_type3A_11 = arith.extui %eq3A_10 : i1 to i32
    %cond3A_12 = arith.constant 0 : i32
    %cond3A_13 = arith.cmpi ne, %convert_element_type3A_11, %cond3A_12 : i32
    scf.if %cond3A_13 {
      "tpu.region"() ({
        %run_scoped3A = tpu.sem_alloc : memref<!tpu.dma_semaphore, #tpu.memory_space<semaphore_mem>>
        tpu.enqueue_dma source(%arg7 : memref<30000xf32, #tpu.memory_space<hbm>>) target(%arg11 : memref<30000xf32, #tpu.memory_space<vmem_shared>>) target_semaphore(%run_scoped3A : memref<!tpu.dma_semaphore, #tpu.memory_space<semaphore_mem>>)
        tpu.wait_dma2 semaphore(%run_scoped3A : memref<!tpu.dma_semaphore, #tpu.memory_space<semaphore_mem>>) src(%arg7 : memref<30000xf32, #tpu.memory_space<hbm>>) dst(%arg11 : memref<30000xf32, #tpu.memory_space<vmem_shared>>)
        tpu.yield
      }) : () -> ()
    } else {
    }
    %barrier3A = arith.constant 0 : index
    tpu.barrier barrier_id(%barrier3A)
    %sub3A = arith.constant 2499 : i32
    %sub3A_14 = arith.subi %sub3A, %add3A : i32
    %jit3A = arith.constant 32 : i32
    %div3A = arith.divsi %sub3A_14, %jit3A : i32
    %sign3A = arith.constant 0 : i32
    %sign3A_15 = arith.cmpi sgt, %sub3A_14, %sign3A : i32
    %sign3A_16 = arith.extui %sign3A_15 : i1 to i32
    %sign3A_17 = arith.constant 0 : i32
    %sign3A_18 = arith.cmpi slt, %sub3A_14, %sign3A_17 : i32
    %sign3A_19 = arith.extui %sign3A_18 : i1 to i32
    %sign3A_20 = arith.subi %sign3A_16, %sign3A_19 : i32
    %sign3A_21 = arith.constant 0 : i32
    %sign3A_22 = arith.cmpi sgt, %jit3A, %sign3A_21 : i32
    %sign3A_23 = arith.extui %sign3A_22 : i1 to i32
    %sign3A_24 = arith.constant 0 : i32
    %sign3A_25 = arith.cmpi slt, %jit3A, %sign3A_24 : i32
    %sign3A_26 = arith.extui %sign3A_25 : i1 to i32
    %sign3A_27 = arith.subi %sign3A_23, %sign3A_26 : i32
    %ne3A = arith.cmpi ne, %sign3A_20, %sign3A_27 : i32
    %rem3A = arith.remsi %sub3A_14, %jit3A : i32
    %ne3A_28 = arith.constant 0 : i32
    %ne3A_29 = arith.cmpi ne, %rem3A, %ne3A_28 : i32
    %and3A = arith.andi %ne3A, %ne3A_29 : i1
    %sub3A_30 = arith.constant 1 : i32
    %sub3A_31 = arith.subi %div3A, %sub3A_30 : i32
    %select_n3A = arith.select %and3A, %sub3A_31, %div3A : i32
    %add3A_32 = arith.constant 1 : i32
    %add3A_33 = arith.addi %select_n3A, %add3A_32 : i32
    %while3A = arith.constant 0 : i32
    %while3A_34 = arith.constant 0 : i32
    %while3A_35 = arith.subi %add3A_33, %while3A_34 : i32
    %while3A_36 = arith.addi %while3A_34, %while3A_35 : i32
    %while3A_37 = arith.constant 1 : i32
    %while3A_38 = arith.divsi %while3A_35, %while3A_37 : i32
    %while3A_39 = arith.muli %while3A_38, %while3A_37 : i32
    %while3A_40 = arith.addi %while3A_34, %while3A_39 : i32
    %while3A_41 = arith.constant 1 : i32
    scf.for %while3A_59 = %while3A_34 to %while3A_40 step %while3A_41  : i32 {
      %mul3A_60 = arith.constant 32 : i32
      %mul3A_61 = arith.muli %while3A_59, %mul3A_60 : i32
      %add3A_62 = arith.addi %add3A, %mul3A_61 : i32
      %mul3A_63 = arith.constant 128 : i32
      %mul3A_64 = arith.muli %add3A_62, %mul3A_63 : i32
      "tpu.region"() ({
        %run_scoped3A_460 = tpu.sem_alloc : memref<!tpu.dma_semaphore, #tpu.memory_space<semaphore_mem>>
        %dma_start3A = arith.constant 0 : i32
        %dma_start3A_461 = tpu.memref_slice %arg2[%mul3A_64, %dma_start3A] : memref<320000x128xf32, #tpu.memory_space<hbm>> -> memref<128x128xf32, #tpu.memory_space<hbm>>
        %dma_start3A_462 = arith.constant 0 : i32
        %dma_start3A_463 = tpu.memref_slice %arg2[%mul3A_64, %dma_start3A_462] : memref<320000x128xf32, #tpu.memory_space<hbm>> -> memref<128x128xf32, #tpu.memory_space<hbm>>
        tpu.enqueue_dma source(%dma_start3A_463 : memref<128x128xf32, #tpu.memory_space<hbm>>) target(%arg12 : memref<128x128xf32, #tpu.memory_space<vmem>>) target_semaphore(%run_scoped3A_460 : memref<!tpu.dma_semaphore, #tpu.memory_space<semaphore_mem>>)
        %dma_wait3A = arith.constant 0 : i32
        %dma_wait3A_464 = tpu.memref_slice %arg2[%mul3A_64, %dma_wait3A] : memref<320000x128xf32, #tpu.memory_space<hbm>> -> memref<128x128xf32, #tpu.memory_space<hbm>>
        %dma_wait3A_465 = arith.constant 0 : i32
        %dma_wait3A_466 = tpu.memref_slice %arg2[%mul3A_64, %dma_wait3A_465] : memref<320000x128xf32, #tpu.memory_space<hbm>> -> memref<128x128xf32, #tpu.memory_space<hbm>>
        tpu.wait_dma2 semaphore(%run_scoped3A_460 : memref<!tpu.dma_semaphore, #tpu.memory_space<semaphore_mem>>) src(%dma_wait3A_466 : memref<128x128xf32, #tpu.memory_space<hbm>>) dst(%arg12 : memref<128x128xf32, #tpu.memory_space<vmem>>)
        tpu.yield
      }) : () -> ()
      "tpu.region"() ({
        %run_scoped3A_460 = tpu.sem_alloc : memref<!tpu.dma_semaphore, #tpu.memory_space<semaphore_mem>>
        %dma_start3A = tpu.memref_slice %arg5[%mul3A_64] : memref<320000xi32, #tpu.memory_space<hbm>> -> memref<128xi32, #tpu.memory_space<hbm>>
        %dma_start3A_461 = tpu.memref_slice %arg5[%mul3A_64] : memref<320000xi32, #tpu.memory_space<hbm>> -> memref<128xi32, #tpu.memory_space<hbm>>
        tpu.enqueue_dma source(%dma_start3A_461 : memref<128xi32, #tpu.memory_space<hbm>>) target(%arg13 : memref<128xi32, #tpu.memory_space<vmem>>) target_semaphore(%run_scoped3A_460 : memref<!tpu.dma_semaphore, #tpu.memory_space<semaphore_mem>>)
        %dma_wait3A = tpu.memref_slice %arg5[%mul3A_64] : memref<320000xi32, #tpu.memory_space<hbm>> -> memref<128xi32, #tpu.memory_space<hbm>>
        %dma_wait3A_462 = tpu.memref_slice %arg5[%mul3A_64] : memref<320000xi32, #tpu.memory_space<hbm>> -> memref<128xi32, #tpu.memory_space<hbm>>
        tpu.wait_dma2 semaphore(%run_scoped3A_460 : memref<!tpu.dma_semaphore, #tpu.memory_space<semaphore_mem>>) src(%dma_wait3A_462 : memref<128xi32, #tpu.memory_space<hbm>>) dst(%arg13 : memref<128xi32, #tpu.memory_space<vmem>>)
        tpu.yield
      }) : () -> ()
      "tpu.region"() ({
        %run_scoped3A_460 = tpu.sem_alloc : memref<!tpu.dma_semaphore, #tpu.memory_space<semaphore_mem>>
        %dma_start3A = tpu.memref_slice %arg3[%mul3A_64] : memref<320000xf32, #tpu.memory_space<hbm>> -> memref<128xf32, #tpu.memory_space<hbm>>
        %dma_start3A_461 = tpu.memref_slice %arg3[%mul3A_64] : memref<320000xf32, #tpu.memory_space<hbm>> -> memref<128xf32, #tpu.memory_space<hbm>>
        tpu.enqueue_dma source(%dma_start3A_461 : memref<128xf32, #tpu.memory_space<hbm>>) target(%arg14 : memref<128xf32, #tpu.memory_space<vmem>>) target_semaphore(%run_scoped3A_460 : memref<!tpu.dma_semaphore, #tpu.memory_space<semaphore_mem>>)
        %dma_wait3A = tpu.memref_slice %arg3[%mul3A_64] : memref<320000xf32, #tpu.memory_space<hbm>> -> memref<128xf32, #tpu.memory_space<hbm>>
        %dma_wait3A_462 = tpu.memref_slice %arg3[%mul3A_64] : memref<320000xf32, #tpu.memory_space<hbm>> -> memref<128xf32, #tpu.memory_space<hbm>>
        tpu.wait_dma2 semaphore(%run_scoped3A_460 : memref<!tpu.dma_semaphore, #tpu.memory_space<semaphore_mem>>) src(%dma_wait3A_462 : memref<128xf32, #tpu.memory_space<hbm>>) dst(%arg14 : memref<128xf32, #tpu.memory_space<vmem>>)
        tpu.yield
      }) : () -> ()
      "tpu.region"() ({
        %run_scoped3A_460 = tpu.sem_alloc : memref<!tpu.dma_semaphore, #tpu.memory_space<semaphore_mem>>
        %dma_start3A = arith.constant 0 : i32
        %dma_start3A_461 = tpu.memref_slice %arg4[%dma_start3A, %mul3A_64] : memref<3x320000xf32, #tpu.memory_space<hbm>> -> memref<3x128xf32, #tpu.memory_space<hbm>>
        %dma_start3A_462 = arith.constant 0 : i32
        %dma_start3A_463 = tpu.memref_slice %arg4[%dma_start3A_462, %mul3A_64] : memref<3x320000xf32, #tpu.memory_space<hbm>> -> memref<3x128xf32, #tpu.memory_space<hbm>>
        tpu.enqueue_dma source(%dma_start3A_463 : memref<3x128xf32, #tpu.memory_space<hbm>>) target(%arg15 : memref<3x128xf32, #tpu.memory_space<vmem>>) target_semaphore(%run_scoped3A_460 : memref<!tpu.dma_semaphore, #tpu.memory_space<semaphore_mem>>)
        %dma_wait3A = arith.constant 0 : i32
        %dma_wait3A_464 = tpu.memref_slice %arg4[%dma_wait3A, %mul3A_64] : memref<3x320000xf32, #tpu.memory_space<hbm>> -> memref<3x128xf32, #tpu.memory_space<hbm>>
        %dma_wait3A_465 = arith.constant 0 : i32
        %dma_wait3A_466 = tpu.memref_slice %arg4[%dma_wait3A_465, %mul3A_64] : memref<3x320000xf32, #tpu.memory_space<hbm>> -> memref<3x128xf32, #tpu.memory_space<hbm>>
        tpu.wait_dma2 semaphore(%run_scoped3A_460 : memref<!tpu.dma_semaphore, #tpu.memory_space<semaphore_mem>>) src(%dma_wait3A_466 : memref<3x128xf32, #tpu.memory_space<hbm>>) dst(%arg15 : memref<3x128xf32, #tpu.memory_space<vmem>>)
        tpu.yield
      }) : () -> ()
      "tpu.region"() ({
        %run_scoped3A_460 = tpu.sem_alloc : memref<!tpu.dma_semaphore, #tpu.memory_space<semaphore_mem>>
        %dma_start3A = arith.constant 0 : i32
        %dma_start3A_461 = arith.constant 0 : i32
        %dma_start3A_462 = tpu.memref_slice %arg10[%dma_start3A, %dma_start3A_461] : memref<10000x128xf32, #tpu.memory_space<vmem_shared>> -> memref<10000x128xf32, #tpu.memory_space<vmem_shared>>
        tpu.enqueue_indirect_dma source(%arg12 : memref<128x128xf32, #tpu.memory_space<vmem>>) target(%dma_start3A_462 : memref<10000x128xf32, #tpu.memory_space<vmem_shared>>) offsets(%arg13 : memref<128xi32, #tpu.memory_space<vmem>>) semaphore(%run_scoped3A_460 : memref<!tpu.dma_semaphore, #tpu.memory_space<semaphore_mem>>) {add = true}
        %dma_wait3A = arith.constant 0 : i32
        %dma_wait3A_463 = arith.constant 0 : i32
        %dma_wait3A_464 = tpu.memref_slice %arg10[%dma_wait3A, %dma_wait3A_463] : memref<10000x128xf32, #tpu.memory_space<vmem_shared>> -> memref<10000x128xf32, #tpu.memory_space<vmem_shared>>
        tpu.wait_indirect_dma semaphore(%run_scoped3A_460 : memref<!tpu.dma_semaphore, #tpu.memory_space<semaphore_mem>>) src(%arg12 : memref<128x128xf32, #tpu.memory_space<vmem>>) dst(%dma_wait3A_464 : memref<10000x128xf32, #tpu.memory_space<vmem_shared>>)
        tpu.yield
      }) : () -> ()
      %get3A = arith.constant 0 : index
      %get3A_65 = tpu.vector_load %arg13[%get3A] {strides = array<i32>} : memref<128xi32, #tpu.memory_space<vmem>>, vector<16xi32>,
      %get3A_66 = arith.constant 0 : index
      %get3A_67 = tpu.vector_load %arg14[%get3A_66] {strides = array<i32>} : memref<128xf32, #tpu.memory_space<vmem>>, vector<16xf32>,
      %swap3A = arith.constant 0 : i32
      %swap3A_68 = arith.index_cast %swap3A : i32 to index
      %swap3A_69 = arith.constant 0 : index
      %swap3A_70 = tpu.vector_load %arg17[%swap3A_68, %swap3A_69] {strides = array<i32>} : memref<3x128xi32, #tpu.memory_space<vmem>>, vector<16xi32>,
      tpu.vector_store %arg17[%swap3A_68, %swap3A_69], %get3A_65 {strides = array<i32>} : memref<3x128xi32, #tpu.memory_space<vmem>>, vector<16xi32>,
      %add3A_71 = arith.constant 10000 : i32
      %add3A_72 = vector.broadcast %add3A_71 : i32 to vector<16xi32>
      %add3A_73 = arith.addi %get3A_65, %add3A_72 : vector<16xi32>
      %swap3A_74 = arith.constant 1 : i32
      %swap3A_75 = arith.index_cast %swap3A_74 : i32 to index
      %swap3A_76 = arith.constant 0 : index
      %swap3A_77 = tpu.vector_load %arg17[%swap3A_75, %swap3A_76] {strides = array<i32>} : memref<3x128xi32, #tpu.memory_space<vmem>>, vector<16xi32>,
      tpu.vector_store %arg17[%swap3A_75, %swap3A_76], %add3A_73 {strides = array<i32>} : memref<3x128xi32, #tpu.memory_space<vmem>>, vector<16xi32>,
      %add3A_78 = arith.constant 20000 : i32
      %add3A_79 = vector.broadcast %add3A_78 : i32 to vector<16xi32>
      %add3A_80 = arith.addi %get3A_65, %add3A_79 : vector<16xi32>
      %swap3A_81 = arith.constant 2 : i32
      %swap3A_82 = arith.index_cast %swap3A_81 : i32 to index
      %swap3A_83 = arith.constant 0 : index
      %swap3A_84 = tpu.vector_load %arg17[%swap3A_82, %swap3A_83] {strides = array<i32>} : memref<3x128xi32, #tpu.memory_space<vmem>>, vector<16xi32>,
      tpu.vector_store %arg17[%swap3A_82, %swap3A_83], %add3A_80 {strides = array<i32>} : memref<3x128xi32, #tpu.memory_space<vmem>>, vector<16xi32>,
      %get3A_85 = arith.constant 0 : i32
      %get3A_86 = arith.index_cast %get3A_85 : i32 to index
      %get3A_87 = arith.constant 0 : index
      %get3A_88 = tpu.vector_load %arg15[%get3A_86, %get3A_87] {strides = array<i32>} : memref<3x128xf32, #tpu.memory_space<vmem>>, vector<16xf32>,
      %mul3A_89 = arith.mulf %get3A_88, %get3A_67 : vector<16xf32>
      %swap3A_90 = arith.constant 0 : i32
      %swap3A_91 = arith.index_cast %swap3A_90 : i32 to index
      %swap3A_92 = arith.constant 0 : index
      %swap3A_93 = tpu.vector_load %arg16[%swap3A_91, %swap3A_92] {strides = array<i32>} : memref<3x128xf32, #tpu.memory_space<vmem>>, vector<16xf32>,
      tpu.vector_store %arg16[%swap3A_91, %swap3A_92], %mul3A_89 {strides = array<i32>} : memref<3x128xf32, #tpu.memory_space<vmem>>, vector<16xf32>,
      %get3A_94 = arith.constant 1 : i32
      %get3A_95 = arith.index_cast %get3A_94 : i32 to index
      %get3A_96 = arith.constant 0 : index
      %get3A_97 = tpu.vector_load %arg15[%get3A_95, %get3A_96] {strides = array<i32>} : memref<3x128xf32, #tpu.memory_space<vmem>>, vector<16xf32>,
      %mul3A_98 = arith.mulf %get3A_97, %get3A_67 : vector<16xf32>
      %swap3A_99 = arith.constant 1 : i32
      %swap3A_100 = arith.index_cast %swap3A_99 : i32 to index
      %swap3A_101 = arith.constant 0 : index
      %swap3A_102 = tpu.vector_load %arg16[%swap3A_100, %swap3A_101] {strides = array<i32>} : memref<3x128xf32, #tpu.memory_space<vmem>>, vector<16xf32>,
      tpu.vector_store %arg16[%swap3A_100, %swap3A_101], %mul3A_98 {strides = array<i32>} : memref<3x128xf32, #tpu.memory_space<vmem>>, vector<16xf32>,
      %get3A_103 = arith.constant 2 : i32
      %get3A_104 = arith.index_cast %get3A_103 : i32 to index
      %get3A_105 = arith.constant 0 : index
      %get3A_106 = tpu.vector_load %arg15[%get3A_104, %get3A_105] {strides = array<i32>} : memref<3x128xf32, #tpu.memory_space<vmem>>, vector<16xf32>,
      %mul3A_107 = arith.mulf %get3A_106, %get3A_67 : vector<16xf32>
      %swap3A_108 = arith.constant 2 : i32
      %swap3A_109 = arith.index_cast %swap3A_108 : i32 to index
      %swap3A_110 = arith.constant 0 : index
      %swap3A_111 = tpu.vector_load %arg16[%swap3A_109, %swap3A_110] {strides = array<i32>} : memref<3x128xf32, #tpu.memory_space<vmem>>, vector<16xf32>,
      tpu.vector_store %arg16[%swap3A_109, %swap3A_110], %mul3A_107 {strides = array<i32>} : memref<3x128xf32, #tpu.memory_space<vmem>>, vector<16xf32>,
      %get3A_112 = arith.constant 16 : index
      %get3A_113 = tpu.vector_load %arg13[%get3A_112] {strides = array<i32>} : memref<128xi32, #tpu.memory_space<vmem>>, vector<16xi32>,
      %get3A_114 = arith.constant 16 : index
      %get3A_115 = tpu.vector_load %arg14[%get3A_114] {strides = array<i32>} : memref<128xf32, #tpu.memory_space<vmem>>, vector<16xf32>,
      %swap3A_116 = arith.constant 0 : i32
      %swap3A_117 = arith.index_cast %swap3A_116 : i32 to index
      %swap3A_118 = arith.constant 16 : index
      %swap3A_119 = tpu.vector_load %arg17[%swap3A_117, %swap3A_118] {strides = array<i32>} : memref<3x128xi32, #tpu.memory_space<vmem>>, vector<16xi32>,
      tpu.vector_store %arg17[%swap3A_117, %swap3A_118], %get3A_113 {strides = array<i32>} : memref<3x128xi32, #tpu.memory_space<vmem>>, vector<16xi32>,
      %add3A_120 = arith.constant 10000 : i32
      %add3A_121 = vector.broadcast %add3A_120 : i32 to vector<16xi32>
      %add3A_122 = arith.addi %get3A_113, %add3A_121 : vector<16xi32>
      %swap3A_123 = arith.constant 1 : i32
      %swap3A_124 = arith.index_cast %swap3A_123 : i32 to index
      %swap3A_125 = arith.constant 16 : index
      %swap3A_126 = tpu.vector_load %arg17[%swap3A_124, %swap3A_125] {strides = array<i32>} : memref<3x128xi32, #tpu.memory_space<vmem>>, vector<16xi32>,
      tpu.vector_store %arg17[%swap3A_124, %swap3A_125], %add3A_122 {strides = array<i32>} : memref<3x128xi32, #tpu.memory_space<vmem>>, vector<16xi32>,
      %add3A_127 = arith.constant 20000 : i32
      %add3A_128 = vector.broadcast %add3A_127 : i32 to vector<16xi32>
      %add3A_129 = arith.addi %get3A_113, %add3A_128 : vector<16xi32>
      %swap3A_130 = arith.constant 2 : i32
      %swap3A_131 = arith.index_cast %swap3A_130 : i32 to index
      %swap3A_132 = arith.constant 16 : index
      %swap3A_133 = tpu.vector_load %arg17[%swap3A_131, %swap3A_132] {strides = array<i32>} : memref<3x128xi32, #tpu.memory_space<vmem>>, vector<16xi32>,
      tpu.vector_store %arg17[%swap3A_131, %swap3A_132], %add3A_129 {strides = array<i32>} : memref<3x128xi32, #tpu.memory_space<vmem>>, vector<16xi32>,
      %get3A_134 = arith.constant 0 : i32
      %get3A_135 = arith.index_cast %get3A_134 : i32 to index
      %get3A_136 = arith.constant 16 : index
      %get3A_137 = tpu.vector_load %arg15[%get3A_135, %get3A_136] {strides = array<i32>} : memref<3x128xf32, #tpu.memory_space<vmem>>, vector<16xf32>,
      %mul3A_138 = arith.mulf %get3A_137, %get3A_115 : vector<16xf32>
      %swap3A_139 = arith.constant 0 : i32
      %swap3A_140 = arith.index_cast %swap3A_139 : i32 to index
      %swap3A_141 = arith.constant 16 : index
      %swap3A_142 = tpu.vector_load %arg16[%swap3A_140, %swap3A_141] {strides = array<i32>} : memref<3x128xf32, #tpu.memory_space<vmem>>, vector<16xf32>,
      tpu.vector_store %arg16[%swap3A_140, %swap3A_141], %mul3A_138 {strides = array<i32>} : memref<3x128xf32, #tpu.memory_space<vmem>>, vector<16xf32>,
      %get3A_143 = arith.constant 1 : i32
      %get3A_144 = arith.index_cast %get3A_143 : i32 to index
      %get3A_145 = arith.constant 16 : index
      %get3A_146 = tpu.vector_load %arg15[%get3A_144, %get3A_145] {strides = array<i32>} : memref<3x128xf32, #tpu.memory_space<vmem>>, vector<16xf32>,
      %mul3A_147 = arith.mulf %get3A_146, %get3A_115 : vector<16xf32>
      %swap3A_148 = arith.constant 1 : i32
      %swap3A_149 = arith.index_cast %swap3A_148 : i32 to index
      %swap3A_150 = arith.constant 16 : index
      %swap3A_151 = tpu.vector_load %arg16[%swap3A_149, %swap3A_150] {strides = array<i32>} : memref<3x128xf32, #tpu.memory_space<vmem>>, vector<16xf32>,
      tpu.vector_store %arg16[%swap3A_149, %swap3A_150], %mul3A_147 {strides = array<i32>} : memref<3x128xf32, #tpu.memory_space<vmem>>, vector<16xf32>,
      %get3A_152 = arith.constant 2 : i32
      %get3A_153 = arith.index_cast %get3A_152 : i32 to index
      %get3A_154 = arith.constant 16 : index
      %get3A_155 = tpu.vector_load %arg15[%get3A_153, %get3A_154] {strides = array<i32>} : memref<3x128xf32, #tpu.memory_space<vmem>>, vector<16xf32>,
      %mul3A_156 = arith.mulf %get3A_155, %get3A_115 : vector<16xf32>
      %swap3A_157 = arith.constant 2 : i32
      %swap3A_158 = arith.index_cast %swap3A_157 : i32 to index
      %swap3A_159 = arith.constant 16 : index
      %swap3A_160 = tpu.vector_load %arg16[%swap3A_158, %swap3A_159] {strides = array<i32>} : memref<3x128xf32, #tpu.memory_space<vmem>>, vector<16xf32>,
      tpu.vector_store %arg16[%swap3A_158, %swap3A_159], %mul3A_156 {strides = array<i32>} : memref<3x128xf32, #tpu.memory_space<vmem>>, vector<16xf32>,
      %get3A_161 = arith.constant 32 : index
      %get3A_162 = tpu.vector_load %arg13[%get3A_161] {strides = array<i32>} : memref<128xi32, #tpu.memory_space<vmem>>, vector<16xi32>,
      %get3A_163 = arith.constant 32 : index
      %get3A_164 = tpu.vector_load %arg14[%get3A_163] {strides = array<i32>} : memref<128xf32, #tpu.memory_space<vmem>>, vector<16xf32>,
      %swap3A_165 = arith.constant 0 : i32
      %swap3A_166 = arith.index_cast %swap3A_165 : i32 to index
      %swap3A_167 = arith.constant 32 : index
      %swap3A_168 = tpu.vector_load %arg17[%swap3A_166, %swap3A_167] {strides = array<i32>} : memref<3x128xi32, #tpu.memory_space<vmem>>, vector<16xi32>,
      tpu.vector_store %arg17[%swap3A_166, %swap3A_167], %get3A_162 {strides = array<i32>} : memref<3x128xi32, #tpu.memory_space<vmem>>, vector<16xi32>,
      %add3A_169 = arith.constant 10000 : i32
      %add3A_170 = vector.broadcast %add3A_169 : i32 to vector<16xi32>
      %add3A_171 = arith.addi %get3A_162, %add3A_170 : vector<16xi32>
      %swap3A_172 = arith.constant 1 : i32
      %swap3A_173 = arith.index_cast %swap3A_172 : i32 to index
      %swap3A_174 = arith.constant 32 : index
      %swap3A_175 = tpu.vector_load %arg17[%swap3A_173, %swap3A_174] {strides = array<i32>} : memref<3x128xi32, #tpu.memory_space<vmem>>, vector<16xi32>,
      tpu.vector_store %arg17[%swap3A_173, %swap3A_174], %add3A_171 {strides = array<i32>} : memref<3x128xi32, #tpu.memory_space<vmem>>, vector<16xi32>,
      %add3A_176 = arith.constant 20000 : i32
      %add3A_177 = vector.broadcast %add3A_176 : i32 to vector<16xi32>
      %add3A_178 = arith.addi %get3A_162, %add3A_177 : vector<16xi32>
      %swap3A_179 = arith.constant 2 : i32
      %swap3A_180 = arith.index_cast %swap3A_179 : i32 to index
      %swap3A_181 = arith.constant 32 : index
      %swap3A_182 = tpu.vector_load %arg17[%swap3A_180, %swap3A_181] {strides = array<i32>} : memref<3x128xi32, #tpu.memory_space<vmem>>, vector<16xi32>,
      tpu.vector_store %arg17[%swap3A_180, %swap3A_181], %add3A_178 {strides = array<i32>} : memref<3x128xi32, #tpu.memory_space<vmem>>, vector<16xi32>,
      %get3A_183 = arith.constant 0 : i32
      %get3A_184 = arith.index_cast %get3A_183 : i32 to index
      %get3A_185 = arith.constant 32 : index
      %get3A_186 = tpu.vector_load %arg15[%get3A_184, %get3A_185] {strides = array<i32>} : memref<3x128xf32, #tpu.memory_space<vmem>>, vector<16xf32>,
      %mul3A_187 = arith.mulf %get3A_186, %get3A_164 : vector<16xf32>
      %swap3A_188 = arith.constant 0 : i32
      %swap3A_189 = arith.index_cast %swap3A_188 : i32 to index
      %swap3A_190 = arith.constant 32 : index
      %swap3A_191 = tpu.vector_load %arg16[%swap3A_189, %swap3A_190] {strides = array<i32>} : memref<3x128xf32, #tpu.memory_space<vmem>>, vector<16xf32>,
      tpu.vector_store %arg16[%swap3A_189, %swap3A_190], %mul3A_187 {strides = array<i32>} : memref<3x128xf32, #tpu.memory_space<vmem>>, vector<16xf32>,
      %get3A_192 = arith.constant 1 : i32
      %get3A_193 = arith.index_cast %get3A_192 : i32 to index
      %get3A_194 = arith.constant 32 : index
      %get3A_195 = tpu.vector_load %arg15[%get3A_193, %get3A_194] {strides = array<i32>} : memref<3x128xf32, #tpu.memory_space<vmem>>, vector<16xf32>,
      %mul3A_196 = arith.mulf %get3A_195, %get3A_164 : vector<16xf32>
      %swap3A_197 = arith.constant 1 : i32
      %swap3A_198 = arith.index_cast %swap3A_197 : i32 to index
      %swap3A_199 = arith.constant 32 : index
      %swap3A_200 = tpu.vector_load %arg16[%swap3A_198, %swap3A_199] {strides = array<i32>} : memref<3x128xf32, #tpu.memory_space<vmem>>, vector<16xf32>,
      tpu.vector_store %arg16[%swap3A_198, %swap3A_199], %mul3A_196 {strides = array<i32>} : memref<3x128xf32, #tpu.memory_space<vmem>>, vector<16xf32>,
      %get3A_201 = arith.constant 2 : i32
      %get3A_202 = arith.index_cast %get3A_201 : i32 to index
      %get3A_203 = arith.constant 32 : index
      %get3A_204 = tpu.vector_load %arg15[%get3A_202, %get3A_203] {strides = array<i32>} : memref<3x128xf32, #tpu.memory_space<vmem>>, vector<16xf32>,
      %mul3A_205 = arith.mulf %get3A_204, %get3A_164 : vector<16xf32>
      %swap3A_206 = arith.constant 2 : i32
      %swap3A_207 = arith.index_cast %swap3A_206 : i32 to index
      %swap3A_208 = arith.constant 32 : index
      %swap3A_209 = tpu.vector_load %arg16[%swap3A_207, %swap3A_208] {strides = array<i32>} : memref<3x128xf32, #tpu.memory_space<vmem>>, vector<16xf32>,
      tpu.vector_store %arg16[%swap3A_207, %swap3A_208], %mul3A_205 {strides = array<i32>} : memref<3x128xf32, #tpu.memory_space<vmem>>, vector<16xf32>,
      %get3A_210 = arith.constant 48 : index
      %get3A_211 = tpu.vector_load %arg13[%get3A_210] {strides = array<i32>} : memref<128xi32, #tpu.memory_space<vmem>>, vector<16xi32>,
      %get3A_212 = arith.constant 48 : index
      %get3A_213 = tpu.vector_load %arg14[%get3A_212] {strides = array<i32>} : memref<128xf32, #tpu.memory_space<vmem>>, vector<16xf32>,
      %swap3A_214 = arith.constant 0 : i32
      %swap3A_215 = arith.index_cast %swap3A_214 : i32 to index
      %swap3A_216 = arith.constant 48 : index
      %swap3A_217 = tpu.vector_load %arg17[%swap3A_215, %swap3A_216] {strides = array<i32>} : memref<3x128xi32, #tpu.memory_space<vmem>>, vector<16xi32>,
      tpu.vector_store %arg17[%swap3A_215, %swap3A_216], %get3A_211 {strides = array<i32>} : memref<3x128xi32, #tpu.memory_space<vmem>>, vector<16xi32>,
      %add3A_218 = arith.constant 10000 : i32
      %add3A_219 = vector.broadcast %add3A_218 : i32 to vector<16xi32>
      %add3A_220 = arith.addi %get3A_211, %add3A_219 : vector<16xi32>
      %swap3A_221 = arith.constant 1 : i32
      %swap3A_222 = arith.index_cast %swap3A_221 : i32 to index
      %swap3A_223 = arith.constant 48 : index
      %swap3A_224 = tpu.vector_load %arg17[%swap3A_222, %swap3A_223] {strides = array<i32>} : memref<3x128xi32, #tpu.memory_space<vmem>>, vector<16xi32>,
      tpu.vector_store %arg17[%swap3A_222, %swap3A_223], %add3A_220 {strides = array<i32>} : memref<3x128xi32, #tpu.memory_space<vmem>>, vector<16xi32>,
      %add3A_225 = arith.constant 20000 : i32
      %add3A_226 = vector.broadcast %add3A_225 : i32 to vector<16xi32>
      %add3A_227 = arith.addi %get3A_211, %add3A_226 : vector<16xi32>
      %swap3A_228 = arith.constant 2 : i32
      %swap3A_229 = arith.index_cast %swap3A_228 : i32 to index
      %swap3A_230 = arith.constant 48 : index
      %swap3A_231 = tpu.vector_load %arg17[%swap3A_229, %swap3A_230] {strides = array<i32>} : memref<3x128xi32, #tpu.memory_space<vmem>>, vector<16xi32>,
      tpu.vector_store %arg17[%swap3A_229, %swap3A_230], %add3A_227 {strides = array<i32>} : memref<3x128xi32, #tpu.memory_space<vmem>>, vector<16xi32>,
      %get3A_232 = arith.constant 0 : i32
      %get3A_233 = arith.index_cast %get3A_232 : i32 to index
      %get3A_234 = arith.constant 48 : index
      %get3A_235 = tpu.vector_load %arg15[%get3A_233, %get3A_234] {strides = array<i32>} : memref<3x128xf32, #tpu.memory_space<vmem>>, vector<16xf32>,
      %mul3A_236 = arith.mulf %get3A_235, %get3A_213 : vector<16xf32>
      %swap3A_237 = arith.constant 0 : i32
      %swap3A_238 = arith.index_cast %swap3A_237 : i32 to index
      %swap3A_239 = arith.constant 48 : index
      %swap3A_240 = tpu.vector_load %arg16[%swap3A_238, %swap3A_239] {strides = array<i32>} : memref<3x128xf32, #tpu.memory_space<vmem>>, vector<16xf32>,
      tpu.vector_store %arg16[%swap3A_238, %swap3A_239], %mul3A_236 {strides = array<i32>} : memref<3x128xf32, #tpu.memory_space<vmem>>, vector<16xf32>,
      %get3A_241 = arith.constant 1 : i32
      %get3A_242 = arith.index_cast %get3A_241 : i32 to index
      %get3A_243 = arith.constant 48 : index
      %get3A_244 = tpu.vector_load %arg15[%get3A_242, %get3A_243] {strides = array<i32>} : memref<3x128xf32, #tpu.memory_space<vmem>>, vector<16xf32>,
      %mul3A_245 = arith.mulf %get3A_244, %get3A_213 : vector<16xf32>
      %swap3A_246 = arith.constant 1 : i32
      %swap3A_247 = arith.index_cast %swap3A_246 : i32 to index
      %swap3A_248 = arith.constant 48 : index
      %swap3A_249 = tpu.vector_load %arg16[%swap3A_247, %swap3A_248] {strides = array<i32>} : memref<3x128xf32, #tpu.memory_space<vmem>>, vector<16xf32>,
      tpu.vector_store %arg16[%swap3A_247, %swap3A_248], %mul3A_245 {strides = array<i32>} : memref<3x128xf32, #tpu.memory_space<vmem>>, vector<16xf32>,
      %get3A_250 = arith.constant 2 : i32
      %get3A_251 = arith.index_cast %get3A_250 : i32 to index
      %get3A_252 = arith.constant 48 : index
      %get3A_253 = tpu.vector_load %arg15[%get3A_251, %get3A_252] {strides = array<i32>} : memref<3x128xf32, #tpu.memory_space<vmem>>, vector<16xf32>,
      %mul3A_254 = arith.mulf %get3A_253, %get3A_213 : vector<16xf32>
      %swap3A_255 = arith.constant 2 : i32
      %swap3A_256 = arith.index_cast %swap3A_255 : i32 to index
      %swap3A_257 = arith.constant 48 : index
      %swap3A_258 = tpu.vector_load %arg16[%swap3A_256, %swap3A_257] {strides = array<i32>} : memref<3x128xf32, #tpu.memory_space<vmem>>, vector<16xf32>,
      tpu.vector_store %arg16[%swap3A_256, %swap3A_257], %mul3A_254 {strides = array<i32>} : memref<3x128xf32, #tpu.memory_space<vmem>>, vector<16xf32>,
      %get3A_259 = arith.constant 64 : index
      %get3A_260 = tpu.vector_load %arg13[%get3A_259] {strides = array<i32>} : memref<128xi32, #tpu.memory_space<vmem>>, vector<16xi32>,
      %get3A_261 = arith.constant 64 : index
      %get3A_262 = tpu.vector_load %arg14[%get3A_261] {strides = array<i32>} : memref<128xf32, #tpu.memory_space<vmem>>, vector<16xf32>,
      %swap3A_263 = arith.constant 0 : i32
      %swap3A_264 = arith.index_cast %swap3A_263 : i32 to index
      %swap3A_265 = arith.constant 64 : index
      %swap3A_266 = tpu.vector_load %arg17[%swap3A_264, %swap3A_265] {strides = array<i32>} : memref<3x128xi32, #tpu.memory_space<vmem>>, vector<16xi32>,
      tpu.vector_store %arg17[%swap3A_264, %swap3A_265], %get3A_260 {strides = array<i32>} : memref<3x128xi32, #tpu.memory_space<vmem>>, vector<16xi32>,
      %add3A_267 = arith.constant 10000 : i32
      %add3A_268 = vector.broadcast %add3A_267 : i32 to vector<16xi32>
      %add3A_269 = arith.addi %get3A_260, %add3A_268 : vector<16xi32>
      %swap3A_270 = arith.constant 1 : i32
      %swap3A_271 = arith.index_cast %swap3A_270 : i32 to index
      %swap3A_272 = arith.constant 64 : index
      %swap3A_273 = tpu.vector_load %arg17[%swap3A_271, %swap3A_272] {strides = array<i32>} : memref<3x128xi32, #tpu.memory_space<vmem>>, vector<16xi32>,
      tpu.vector_store %arg17[%swap3A_271, %swap3A_272], %add3A_269 {strides = array<i32>} : memref<3x128xi32, #tpu.memory_space<vmem>>, vector<16xi32>,
      %add3A_274 = arith.constant 20000 : i32
      %add3A_275 = vector.broadcast %add3A_274 : i32 to vector<16xi32>
      %add3A_276 = arith.addi %get3A_260, %add3A_275 : vector<16xi32>
      %swap3A_277 = arith.constant 2 : i32
      %swap3A_278 = arith.index_cast %swap3A_277 : i32 to index
      %swap3A_279 = arith.constant 64 : index
      %swap3A_280 = tpu.vector_load %arg17[%swap3A_278, %swap3A_279] {strides = array<i32>} : memref<3x128xi32, #tpu.memory_space<vmem>>, vector<16xi32>,
      tpu.vector_store %arg17[%swap3A_278, %swap3A_279], %add3A_276 {strides = array<i32>} : memref<3x128xi32, #tpu.memory_space<vmem>>, vector<16xi32>,
      %get3A_281 = arith.constant 0 : i32
      %get3A_282 = arith.index_cast %get3A_281 : i32 to index
      %get3A_283 = arith.constant 64 : index
      %get3A_284 = tpu.vector_load %arg15[%get3A_282, %get3A_283] {strides = array<i32>} : memref<3x128xf32, #tpu.memory_space<vmem>>, vector<16xf32>,
      %mul3A_285 = arith.mulf %get3A_284, %get3A_262 : vector<16xf32>
      %swap3A_286 = arith.constant 0 : i32
      %swap3A_287 = arith.index_cast %swap3A_286 : i32 to index
      %swap3A_288 = arith.constant 64 : index
      %swap3A_289 = tpu.vector_load %arg16[%swap3A_287, %swap3A_288] {strides = array<i32>} : memref<3x128xf32, #tpu.memory_space<vmem>>, vector<16xf32>,
      tpu.vector_store %arg16[%swap3A_287, %swap3A_288], %mul3A_285 {strides = array<i32>} : memref<3x128xf32, #tpu.memory_space<vmem>>, vector<16xf32>,
      %get3A_290 = arith.constant 1 : i32
      %get3A_291 = arith.index_cast %get3A_290 : i32 to index
      %get3A_292 = arith.constant 64 : index
      %get3A_293 = tpu.vector_load %arg15[%get3A_291, %get3A_292] {strides = array<i32>} : memref<3x128xf32, #tpu.memory_space<vmem>>, vector<16xf32>,
      %mul3A_294 = arith.mulf %get3A_293, %get3A_262 : vector<16xf32>
      %swap3A_295 = arith.constant 1 : i32
      %swap3A_296 = arith.index_cast %swap3A_295 : i32 to index
      %swap3A_297 = arith.constant 64 : index
      %swap3A_298 = tpu.vector_load %arg16[%swap3A_296, %swap3A_297] {strides = array<i32>} : memref<3x128xf32, #tpu.memory_space<vmem>>, vector<16xf32>,
      tpu.vector_store %arg16[%swap3A_296, %swap3A_297], %mul3A_294 {strides = array<i32>} : memref<3x128xf32, #tpu.memory_space<vmem>>, vector<16xf32>,
      %get3A_299 = arith.constant 2 : i32
      %get3A_300 = arith.index_cast %get3A_299 : i32 to index
      %get3A_301 = arith.constant 64 : index
      %get3A_302 = tpu.vector_load %arg15[%get3A_300, %get3A_301] {strides = array<i32>} : memref<3x128xf32, #tpu.memory_space<vmem>>, vector<16xf32>,
      %mul3A_303 = arith.mulf %get3A_302, %get3A_262 : vector<16xf32>
      %swap3A_304 = arith.constant 2 : i32
      %swap3A_305 = arith.index_cast %swap3A_304 : i32 to index
      %swap3A_306 = arith.constant 64 : index
      %swap3A_307 = tpu.vector_load %arg16[%swap3A_305, %swap3A_306] {strides = array<i32>} : memref<3x128xf32, #tpu.memory_space<vmem>>, vector<16xf32>,
      tpu.vector_store %arg16[%swap3A_305, %swap3A_306], %mul3A_303 {strides = array<i32>} : memref<3x128xf32, #tpu.memory_space<vmem>>, vector<16xf32>,
      %get3A_308 = arith.constant 80 : index
      %get3A_309 = tpu.vector_load %arg13[%get3A_308] {strides = array<i32>} : memref<128xi32, #tpu.memory_space<vmem>>, vector<16xi32>,
      %get3A_310 = arith.constant 80 : index
      %get3A_311 = tpu.vector_load %arg14[%get3A_310] {strides = array<i32>} : memref<128xf32, #tpu.memory_space<vmem>>, vector<16xf32>,
      %swap3A_312 = arith.constant 0 : i32
      %swap3A_313 = arith.index_cast %swap3A_312 : i32 to index
      %swap3A_314 = arith.constant 80 : index
      %swap3A_315 = tpu.vector_load %arg17[%swap3A_313, %swap3A_314] {strides = array<i32>} : memref<3x128xi32, #tpu.memory_space<vmem>>, vector<16xi32>,
      tpu.vector_store %arg17[%swap3A_313, %swap3A_314], %get3A_309 {strides = array<i32>} : memref<3x128xi32, #tpu.memory_space<vmem>>, vector<16xi32>,
      %add3A_316 = arith.constant 10000 : i32
      %add3A_317 = vector.broadcast %add3A_316 : i32 to vector<16xi32>
      %add3A_318 = arith.addi %get3A_309, %add3A_317 : vector<16xi32>
      %swap3A_319 = arith.constant 1 : i32
      %swap3A_320 = arith.index_cast %swap3A_319 : i32 to index
      %swap3A_321 = arith.constant 80 : index
      %swap3A_322 = tpu.vector_load %arg17[%swap3A_320, %swap3A_321] {strides = array<i32>} : memref<3x128xi32, #tpu.memory_space<vmem>>, vector<16xi32>,
      tpu.vector_store %arg17[%swap3A_320, %swap3A_321], %add3A_318 {strides = array<i32>} : memref<3x128xi32, #tpu.memory_space<vmem>>, vector<16xi32>,
      %add3A_323 = arith.constant 20000 : i32
      %add3A_324 = vector.broadcast %add3A_323 : i32 to vector<16xi32>
      %add3A_325 = arith.addi %get3A_309, %add3A_324 : vector<16xi32>
      %swap3A_326 = arith.constant 2 : i32
      %swap3A_327 = arith.index_cast %swap3A_326 : i32 to index
      %swap3A_328 = arith.constant 80 : index
      %swap3A_329 = tpu.vector_load %arg17[%swap3A_327, %swap3A_328] {strides = array<i32>} : memref<3x128xi32, #tpu.memory_space<vmem>>, vector<16xi32>,
      tpu.vector_store %arg17[%swap3A_327, %swap3A_328], %add3A_325 {strides = array<i32>} : memref<3x128xi32, #tpu.memory_space<vmem>>, vector<16xi32>,
      %get3A_330 = arith.constant 0 : i32
      %get3A_331 = arith.index_cast %get3A_330 : i32 to index
      %get3A_332 = arith.constant 80 : index
      %get3A_333 = tpu.vector_load %arg15[%get3A_331, %get3A_332] {strides = array<i32>} : memref<3x128xf32, #tpu.memory_space<vmem>>, vector<16xf32>,
      %mul3A_334 = arith.mulf %get3A_333, %get3A_311 : vector<16xf32>
      %swap3A_335 = arith.constant 0 : i32
      %swap3A_336 = arith.index_cast %swap3A_335 : i32 to index
      %swap3A_337 = arith.constant 80 : index
      %swap3A_338 = tpu.vector_load %arg16[%swap3A_336, %swap3A_337] {strides = array<i32>} : memref<3x128xf32, #tpu.memory_space<vmem>>, vector<16xf32>,
      tpu.vector_store %arg16[%swap3A_336, %swap3A_337], %mul3A_334 {strides = array<i32>} : memref<3x128xf32, #tpu.memory_space<vmem>>, vector<16xf32>,
      %get3A_339 = arith.constant 1 : i32
      %get3A_340 = arith.index_cast %get3A_339 : i32 to index
      %get3A_341 = arith.constant 80 : index
      %get3A_342 = tpu.vector_load %arg15[%get3A_340, %get3A_341] {strides = array<i32>} : memref<3x128xf32, #tpu.memory_space<vmem>>, vector<16xf32>,
      %mul3A_343 = arith.mulf %get3A_342, %get3A_311 : vector<16xf32>
      %swap3A_344 = arith.constant 1 : i32
      %swap3A_345 = arith.index_cast %swap3A_344 : i32 to index
      %swap3A_346 = arith.constant 80 : index
      %swap3A_347 = tpu.vector_load %arg16[%swap3A_345, %swap3A_346] {strides = array<i32>} : memref<3x128xf32, #tpu.memory_space<vmem>>, vector<16xf32>,
      tpu.vector_store %arg16[%swap3A_345, %swap3A_346], %mul3A_343 {strides = array<i32>} : memref<3x128xf32, #tpu.memory_space<vmem>>, vector<16xf32>,
      %get3A_348 = arith.constant 2 : i32
      %get3A_349 = arith.index_cast %get3A_348 : i32 to index
      %get3A_350 = arith.constant 80 : index
      %get3A_351 = tpu.vector_load %arg15[%get3A_349, %get3A_350] {strides = array<i32>} : memref<3x128xf32, #tpu.memory_space<vmem>>, vector<16xf32>,
      %mul3A_352 = arith.mulf %get3A_351, %get3A_311 : vector<16xf32>
      %swap3A_353 = arith.constant 2 : i32
      %swap3A_354 = arith.index_cast %swap3A_353 : i32 to index
      %swap3A_355 = arith.constant 80 : index
      %swap3A_356 = tpu.vector_load %arg16[%swap3A_354, %swap3A_355] {strides = array<i32>} : memref<3x128xf32, #tpu.memory_space<vmem>>, vector<16xf32>,
      tpu.vector_store %arg16[%swap3A_354, %swap3A_355], %mul3A_352 {strides = array<i32>} : memref<3x128xf32, #tpu.memory_space<vmem>>, vector<16xf32>,
      %get3A_357 = arith.constant 96 : index
      %get3A_358 = tpu.vector_load %arg13[%get3A_357] {strides = array<i32>} : memref<128xi32, #tpu.memory_space<vmem>>, vector<16xi32>,
      %get3A_359 = arith.constant 96 : index
      %get3A_360 = tpu.vector_load %arg14[%get3A_359] {strides = array<i32>} : memref<128xf32, #tpu.memory_space<vmem>>, vector<16xf32>,
      %swap3A_361 = arith.constant 0 : i32
      %swap3A_362 = arith.index_cast %swap3A_361 : i32 to index
      %swap3A_363 = arith.constant 96 : index
      %swap3A_364 = tpu.vector_load %arg17[%swap3A_362, %swap3A_363] {strides = array<i32>} : memref<3x128xi32, #tpu.memory_space<vmem>>, vector<16xi32>,
      tpu.vector_store %arg17[%swap3A_362, %swap3A_363], %get3A_358 {strides = array<i32>} : memref<3x128xi32, #tpu.memory_space<vmem>>, vector<16xi32>,
      %add3A_365 = arith.constant 10000 : i32
      %add3A_366 = vector.broadcast %add3A_365 : i32 to vector<16xi32>
      %add3A_367 = arith.addi %get3A_358, %add3A_366 : vector<16xi32>
      %swap3A_368 = arith.constant 1 : i32
      %swap3A_369 = arith.index_cast %swap3A_368 : i32 to index
      %swap3A_370 = arith.constant 96 : index
      %swap3A_371 = tpu.vector_load %arg17[%swap3A_369, %swap3A_370] {strides = array<i32>} : memref<3x128xi32, #tpu.memory_space<vmem>>, vector<16xi32>,
      tpu.vector_store %arg17[%swap3A_369, %swap3A_370], %add3A_367 {strides = array<i32>} : memref<3x128xi32, #tpu.memory_space<vmem>>, vector<16xi32>,
      %add3A_372 = arith.constant 20000 : i32
      %add3A_373 = vector.broadcast %add3A_372 : i32 to vector<16xi32>
      %add3A_374 = arith.addi %get3A_358, %add3A_373 : vector<16xi32>
      %swap3A_375 = arith.constant 2 : i32
      %swap3A_376 = arith.index_cast %swap3A_375 : i32 to index
      %swap3A_377 = arith.constant 96 : index
      %swap3A_378 = tpu.vector_load %arg17[%swap3A_376, %swap3A_377] {strides = array<i32>} : memref<3x128xi32, #tpu.memory_space<vmem>>, vector<16xi32>,
      tpu.vector_store %arg17[%swap3A_376, %swap3A_377], %add3A_374 {strides = array<i32>} : memref<3x128xi32, #tpu.memory_space<vmem>>, vector<16xi32>,
      %get3A_379 = arith.constant 0 : i32
      %get3A_380 = arith.index_cast %get3A_379 : i32 to index
      %get3A_381 = arith.constant 96 : index
      %get3A_382 = tpu.vector_load %arg15[%get3A_380, %get3A_381] {strides = array<i32>} : memref<3x128xf32, #tpu.memory_space<vmem>>, vector<16xf32>,
      %mul3A_383 = arith.mulf %get3A_382, %get3A_360 : vector<16xf32>
      %swap3A_384 = arith.constant 0 : i32
      %swap3A_385 = arith.index_cast %swap3A_384 : i32 to index
      %swap3A_386 = arith.constant 96 : index
      %swap3A_387 = tpu.vector_load %arg16[%swap3A_385, %swap3A_386] {strides = array<i32>} : memref<3x128xf32, #tpu.memory_space<vmem>>, vector<16xf32>,
      tpu.vector_store %arg16[%swap3A_385, %swap3A_386], %mul3A_383 {strides = array<i32>} : memref<3x128xf32, #tpu.memory_space<vmem>>, vector<16xf32>,
      %get3A_388 = arith.constant 1 : i32
      %get3A_389 = arith.index_cast %get3A_388 : i32 to index
      %get3A_390 = arith.constant 96 : index
      %get3A_391 = tpu.vector_load %arg15[%get3A_389, %get3A_390] {strides = array<i32>} : memref<3x128xf32, #tpu.memory_space<vmem>>, vector<16xf32>,
      %mul3A_392 = arith.mulf %get3A_391, %get3A_360 : vector<16xf32>
      %swap3A_393 = arith.constant 1 : i32
      %swap3A_394 = arith.index_cast %swap3A_393 : i32 to index
      %swap3A_395 = arith.constant 96 : index
      %swap3A_396 = tpu.vector_load %arg16[%swap3A_394, %swap3A_395] {strides = array<i32>} : memref<3x128xf32, #tpu.memory_space<vmem>>, vector<16xf32>,
      tpu.vector_store %arg16[%swap3A_394, %swap3A_395], %mul3A_392 {strides = array<i32>} : memref<3x128xf32, #tpu.memory_space<vmem>>, vector<16xf32>,
      %get3A_397 = arith.constant 2 : i32
      %get3A_398 = arith.index_cast %get3A_397 : i32 to index
      %get3A_399 = arith.constant 96 : index
      %get3A_400 = tpu.vector_load %arg15[%get3A_398, %get3A_399] {strides = array<i32>} : memref<3x128xf32, #tpu.memory_space<vmem>>, vector<16xf32>,
      %mul3A_401 = arith.mulf %get3A_400, %get3A_360 : vector<16xf32>
      %swap3A_402 = arith.constant 2 : i32
      %swap3A_403 = arith.index_cast %swap3A_402 : i32 to index
      %swap3A_404 = arith.constant 96 : index
      %swap3A_405 = tpu.vector_load %arg16[%swap3A_403, %swap3A_404] {strides = array<i32>} : memref<3x128xf32, #tpu.memory_space<vmem>>, vector<16xf32>,
      tpu.vector_store %arg16[%swap3A_403, %swap3A_404], %mul3A_401 {strides = array<i32>} : memref<3x128xf32, #tpu.memory_space<vmem>>, vector<16xf32>,
      %get3A_406 = arith.constant 112 : index
      %get3A_407 = tpu.vector_load %arg13[%get3A_406] {strides = array<i32>} : memref<128xi32, #tpu.memory_space<vmem>>, vector<16xi32>,
      %get3A_408 = arith.constant 112 : index
      %get3A_409 = tpu.vector_load %arg14[%get3A_408] {strides = array<i32>} : memref<128xf32, #tpu.memory_space<vmem>>, vector<16xf32>,
      %swap3A_410 = arith.constant 0 : i32
      %swap3A_411 = arith.index_cast %swap3A_410 : i32 to index
      %swap3A_412 = arith.constant 112 : index
      %swap3A_413 = tpu.vector_load %arg17[%swap3A_411, %swap3A_412] {strides = array<i32>} : memref<3x128xi32, #tpu.memory_space<vmem>>, vector<16xi32>,
      tpu.vector_store %arg17[%swap3A_411, %swap3A_412], %get3A_407 {strides = array<i32>} : memref<3x128xi32, #tpu.memory_space<vmem>>, vector<16xi32>,
      %add3A_414 = arith.constant 10000 : i32
      %add3A_415 = vector.broadcast %add3A_414 : i32 to vector<16xi32>
      %add3A_416 = arith.addi %get3A_407, %add3A_415 : vector<16xi32>
      %swap3A_417 = arith.constant 1 : i32
      %swap3A_418 = arith.index_cast %swap3A_417 : i32 to index
      %swap3A_419 = arith.constant 112 : index
      %swap3A_420 = tpu.vector_load %arg17[%swap3A_418, %swap3A_419] {strides = array<i32>} : memref<3x128xi32, #tpu.memory_space<vmem>>, vector<16xi32>,
      tpu.vector_store %arg17[%swap3A_418, %swap3A_419], %add3A_416 {strides = array<i32>} : memref<3x128xi32, #tpu.memory_space<vmem>>, vector<16xi32>,
      %add3A_421 = arith.constant 20000 : i32
      %add3A_422 = vector.broadcast %add3A_421 : i32 to vector<16xi32>
      %add3A_423 = arith.addi %get3A_407, %add3A_422 : vector<16xi32>
      %swap3A_424 = arith.constant 2 : i32
      %swap3A_425 = arith.index_cast %swap3A_424 : i32 to index
      %swap3A_426 = arith.constant 112 : index
      %swap3A_427 = tpu.vector_load %arg17[%swap3A_425, %swap3A_426] {strides = array<i32>} : memref<3x128xi32, #tpu.memory_space<vmem>>, vector<16xi32>,
      tpu.vector_store %arg17[%swap3A_425, %swap3A_426], %add3A_423 {strides = array<i32>} : memref<3x128xi32, #tpu.memory_space<vmem>>, vector<16xi32>,
      %get3A_428 = arith.constant 0 : i32
      %get3A_429 = arith.index_cast %get3A_428 : i32 to index
      %get3A_430 = arith.constant 112 : index
      %get3A_431 = tpu.vector_load %arg15[%get3A_429, %get3A_430] {strides = array<i32>} : memref<3x128xf32, #tpu.memory_space<vmem>>, vector<16xf32>,
      %mul3A_432 = arith.mulf %get3A_431, %get3A_409 : vector<16xf32>
      %swap3A_433 = arith.constant 0 : i32
      %swap3A_434 = arith.index_cast %swap3A_433 : i32 to index
      %swap3A_435 = arith.constant 112 : index
      %swap3A_436 = tpu.vector_load %arg16[%swap3A_434, %swap3A_435] {strides = array<i32>} : memref<3x128xf32, #tpu.memory_space<vmem>>, vector<16xf32>,
      tpu.vector_store %arg16[%swap3A_434, %swap3A_435], %mul3A_432 {strides = array<i32>} : memref<3x128xf32, #tpu.memory_space<vmem>>, vector<16xf32>,
      %get3A_437 = arith.constant 1 : i32
      %get3A_438 = arith.index_cast %get3A_437 : i32 to index
      %get3A_439 = arith.constant 112 : index
      %get3A_440 = tpu.vector_load %arg15[%get3A_438, %get3A_439] {strides = array<i32>} : memref<3x128xf32, #tpu.memory_space<vmem>>, vector<16xf32>,
      %mul3A_441 = arith.mulf %get3A_440, %get3A_409 : vector<16xf32>
      %swap3A_442 = arith.constant 1 : i32
      %swap3A_443 = arith.index_cast %swap3A_442 : i32 to index
      %swap3A_444 = arith.constant 112 : index
      %swap3A_445 = tpu.vector_load %arg16[%swap3A_443, %swap3A_444] {strides = array<i32>} : memref<3x128xf32, #tpu.memory_space<vmem>>, vector<16xf32>,
      tpu.vector_store %arg16[%swap3A_443, %swap3A_444], %mul3A_441 {strides = array<i32>} : memref<3x128xf32, #tpu.memory_space<vmem>>, vector<16xf32>,
      %get3A_446 = arith.constant 2 : i32
      %get3A_447 = arith.index_cast %get3A_446 : i32 to index
      %get3A_448 = arith.constant 112 : index
      %get3A_449 = tpu.vector_load %arg15[%get3A_447, %get3A_448] {strides = array<i32>} : memref<3x128xf32, #tpu.memory_space<vmem>>, vector<16xf32>,
      %mul3A_450 = arith.mulf %get3A_449, %get3A_409 : vector<16xf32>
      %swap3A_451 = arith.constant 2 : i32
      %swap3A_452 = arith.index_cast %swap3A_451 : i32 to index
      %swap3A_453 = arith.constant 112 : index
      %swap3A_454 = tpu.vector_load %arg16[%swap3A_452, %swap3A_453] {strides = array<i32>} : memref<3x128xf32, #tpu.memory_space<vmem>>, vector<16xf32>,
      tpu.vector_store %arg16[%swap3A_452, %swap3A_453], %mul3A_450 {strides = array<i32>} : memref<3x128xf32, #tpu.memory_space<vmem>>, vector<16xf32>,
      %run_scoped3A = arith.constant 0 : i32
      %run_scoped3A_455 = arith.constant 0 : i32
      "tpu.region"() ({
        %run_scoped3A_460 = tpu.sem_alloc : memref<!tpu.dma_semaphore, #tpu.memory_space<semaphore_mem>>
        %dma_start3A = arith.constant 0 : i32
        %dma_start3A_461 = tpu.memref_slice %arg16[%run_scoped3A, %dma_start3A] : memref<3x128xf32, #tpu.memory_space<vmem>> -> memref<1x128xf32, #tpu.memory_space<vmem>>
        %dma_start3A_462 = tpu.memref_squeeze %dma_start3A_461 : memref<1x128xf32, #tpu.memory_space<vmem>> -> memref<128xf32, #tpu.memory_space<vmem>>
        %dma_start3A_463 = arith.constant 0 : i32
        %dma_start3A_464 = tpu.memref_slice %arg17[%run_scoped3A_455, %dma_start3A_463] : memref<3x128xi32, #tpu.memory_space<vmem>> -> memref<1x128xi32, #tpu.memory_space<vmem>>
        %dma_start3A_465 = tpu.memref_squeeze %dma_start3A_464 : memref<1x128xi32, #tpu.memory_space<vmem>> -> memref<128xi32, #tpu.memory_space<vmem>>
        %dma_start3A_466 = arith.constant 0 : i32
        %dma_start3A_467 = tpu.memref_slice %arg11[%dma_start3A_466] : memref<30000xf32, #tpu.memory_space<vmem_shared>> -> memref<30000xf32, #tpu.memory_space<vmem_shared>>
        tpu.enqueue_indirect_dma source(%dma_start3A_462 : memref<128xf32, #tpu.memory_space<vmem>>) target(%dma_start3A_467 : memref<30000xf32, #tpu.memory_space<vmem_shared>>) offsets(%dma_start3A_465 : memref<128xi32, #tpu.memory_space<vmem>>) semaphore(%run_scoped3A_460 : memref<!tpu.dma_semaphore, #tpu.memory_space<semaphore_mem>>) {add = true}
        %dma_wait3A = arith.constant 0 : i32
        %dma_wait3A_468 = tpu.memref_slice %arg16[%run_scoped3A, %dma_wait3A] : memref<3x128xf32, #tpu.memory_space<vmem>> -> memref<1x128xf32, #tpu.memory_space<vmem>>
        %dma_wait3A_469 = tpu.memref_squeeze %dma_wait3A_468 : memref<1x128xf32, #tpu.memory_space<vmem>> -> memref<128xf32, #tpu.memory_space<vmem>>
        %dma_wait3A_470 = arith.constant 0 : i32
        %dma_wait3A_471 = tpu.memref_slice %arg17[%run_scoped3A_455, %dma_wait3A_470] : memref<3x128xi32, #tpu.memory_space<vmem>> -> memref<1x128xi32, #tpu.memory_space<vmem>>
        %dma_wait3A_472 = tpu.memref_squeeze %dma_wait3A_471 : memref<1x128xi32, #tpu.memory_space<vmem>> -> memref<128xi32, #tpu.memory_space<vmem>>
        %dma_wait3A_473 = arith.constant 0 : i32
        %dma_wait3A_474 = tpu.memref_slice %arg11[%dma_wait3A_473] : memref<30000xf32, #tpu.memory_space<vmem_shared>> -> memref<30000xf32, #tpu.memory_space<vmem_shared>>
        tpu.wait_indirect_dma semaphore(%run_scoped3A_460 : memref<!tpu.dma_semaphore, #tpu.memory_space<semaphore_mem>>) src(%dma_wait3A_469 : memref<128xf32, #tpu.memory_space<vmem>>) dst(%dma_wait3A_474 : memref<30000xf32, #tpu.memory_space<vmem_shared>>)
        tpu.yield
      }) : () -> ()
      %run_scoped3A_456 = arith.constant 1 : i32
      %run_scoped3A_457 = arith.constant 1 : i32
      "tpu.region"() ({
        %run_scoped3A_460 = tpu.sem_alloc : memref<!tpu.dma_semaphore, #tpu.memory_space<semaphore_mem>>
        %dma_start3A = arith.constant 0 : i32
        %dma_start3A_461 = tpu.memref_slice %arg16[%run_scoped3A_456, %dma_start3A] : memref<3x128xf32, #tpu.memory_space<vmem>> -> memref<1x128xf32, #tpu.memory_space<vmem>>
        %dma_start3A_462 = tpu.memref_squeeze %dma_start3A_461 : memref<1x128xf32, #tpu.memory_space<vmem>> -> memref<128xf32, #tpu.memory_space<vmem>>
        %dma_start3A_463 = arith.constant 0 : i32
        %dma_start3A_464 = tpu.memref_slice %arg17[%run_scoped3A_457, %dma_start3A_463] : memref<3x128xi32, #tpu.memory_space<vmem>> -> memref<1x128xi32, #tpu.memory_space<vmem>>
        %dma_start3A_465 = tpu.memref_squeeze %dma_start3A_464 : memref<1x128xi32, #tpu.memory_space<vmem>> -> memref<128xi32, #tpu.memory_space<vmem>>
        %dma_start3A_466 = arith.constant 0 : i32
        %dma_start3A_467 = tpu.memref_slice %arg11[%dma_start3A_466] : memref<30000xf32, #tpu.memory_space<vmem_shared>> -> memref<30000xf32, #tpu.memory_space<vmem_shared>>
        tpu.enqueue_indirect_dma source(%dma_start3A_462 : memref<128xf32, #tpu.memory_space<vmem>>) target(%dma_start3A_467 : memref<30000xf32, #tpu.memory_space<vmem_shared>>) offsets(%dma_start3A_465 : memref<128xi32, #tpu.memory_space<vmem>>) semaphore(%run_scoped3A_460 : memref<!tpu.dma_semaphore, #tpu.memory_space<semaphore_mem>>) {add = true}
        %dma_wait3A = arith.constant 0 : i32
        %dma_wait3A_468 = tpu.memref_slice %arg16[%run_scoped3A_456, %dma_wait3A] : memref<3x128xf32, #tpu.memory_space<vmem>> -> memref<1x128xf32, #tpu.memory_space<vmem>>
        %dma_wait3A_469 = tpu.memref_squeeze %dma_wait3A_468 : memref<1x128xf32, #tpu.memory_space<vmem>> -> memref<128xf32, #tpu.memory_space<vmem>>
        %dma_wait3A_470 = arith.constant 0 : i32
        %dma_wait3A_471 = tpu.memref_slice %arg17[%run_scoped3A_457, %dma_wait3A_470] : memref<3x128xi32, #tpu.memory_space<vmem>> -> memref<1x128xi32, #tpu.memory_space<vmem>>
        %dma_wait3A_472 = tpu.memref_squeeze %dma_wait3A_471 : memref<1x128xi32, #tpu.memory_space<vmem>> -> memref<128xi32, #tpu.memory_space<vmem>>
        %dma_wait3A_473 = arith.constant 0 : i32
        %dma_wait3A_474 = tpu.memref_slice %arg11[%dma_wait3A_473] : memref<30000xf32, #tpu.memory_space<vmem_shared>> -> memref<30000xf32, #tpu.memory_space<vmem_shared>>
        tpu.wait_indirect_dma semaphore(%run_scoped3A_460 : memref<!tpu.dma_semaphore, #tpu.memory_space<semaphore_mem>>) src(%dma_wait3A_469 : memref<128xf32, #tpu.memory_space<vmem>>) dst(%dma_wait3A_474 : memref<30000xf32, #tpu.memory_space<vmem_shared>>)
        tpu.yield
      }) : () -> ()
      %run_scoped3A_458 = arith.constant 2 : i32
      %run_scoped3A_459 = arith.constant 2 : i32
      "tpu.region"() ({
        %run_scoped3A_460 = tpu.sem_alloc : memref<!tpu.dma_semaphore, #tpu.memory_space<semaphore_mem>>
        %dma_start3A = arith.constant 0 : i32
        %dma_start3A_461 = tpu.memref_slice %arg16[%run_scoped3A_458, %dma_start3A] : memref<3x128xf32, #tpu.memory_space<vmem>> -> memref<1x128xf32, #tpu.memory_space<vmem>>
        %dma_start3A_462 = tpu.memref_squeeze %dma_start3A_461 : memref<1x128xf32, #tpu.memory_space<vmem>> -> memref<128xf32, #tpu.memory_space<vmem>>
        %dma_start3A_463 = arith.constant 0 : i32
        %dma_start3A_464 = tpu.memref_slice %arg17[%run_scoped3A_459, %dma_start3A_463] : memref<3x128xi32, #tpu.memory_space<vmem>> -> memref<1x128xi32, #tpu.memory_space<vmem>>
        %dma_start3A_465 = tpu.memref_squeeze %dma_start3A_464 : memref<1x128xi32, #tpu.memory_space<vmem>> -> memref<128xi32, #tpu.memory_space<vmem>>
        %dma_start3A_466 = arith.constant 0 : i32
        %dma_start3A_467 = tpu.memref_slice %arg11[%dma_start3A_466] : memref<30000xf32, #tpu.memory_space<vmem_shared>> -> memref<30000xf32, #tpu.memory_space<vmem_shared>>
        tpu.enqueue_indirect_dma source(%dma_start3A_462 : memref<128xf32, #tpu.memory_space<vmem>>) target(%dma_start3A_467 : memref<30000xf32, #tpu.memory_space<vmem_shared>>) offsets(%dma_start3A_465 : memref<128xi32, #tpu.memory_space<vmem>>) semaphore(%run_scoped3A_460 : memref<!tpu.dma_semaphore, #tpu.memory_space<semaphore_mem>>) {add = true}
        %dma_wait3A = arith.constant 0 : i32
        %dma_wait3A_468 = tpu.memref_slice %arg16[%run_scoped3A_458, %dma_wait3A] : memref<3x128xf32, #tpu.memory_space<vmem>> -> memref<1x128xf32, #tpu.memory_space<vmem>>
        %dma_wait3A_469 = tpu.memref_squeeze %dma_wait3A_468 : memref<1x128xf32, #tpu.memory_space<vmem>> -> memref<128xf32, #tpu.memory_space<vmem>>
        %dma_wait3A_470 = arith.constant 0 : i32
        %dma_wait3A_471 = tpu.memref_slice %arg17[%run_scoped3A_459, %dma_wait3A_470] : memref<3x128xi32, #tpu.memory_space<vmem>> -> memref<1x128xi32, #tpu.memory_space<vmem>>
        %dma_wait3A_472 = tpu.memref_squeeze %dma_wait3A_471 : memref<1x128xi32, #tpu.memory_space<vmem>> -> memref<128xi32, #tpu.memory_space<vmem>>
        %dma_wait3A_473 = arith.constant 0 : i32
        %dma_wait3A_474 = tpu.memref_slice %arg11[%dma_wait3A_473] : memref<30000xf32, #tpu.memory_space<vmem_shared>> -> memref<30000xf32, #tpu.memory_space<vmem_shared>>
        tpu.wait_indirect_dma semaphore(%run_scoped3A_460 : memref<!tpu.dma_semaphore, #tpu.memory_space<semaphore_mem>>) src(%dma_wait3A_469 : memref<128xf32, #tpu.memory_space<vmem>>) dst(%dma_wait3A_474 : memref<30000xf32, #tpu.memory_space<vmem_shared>>)
        tpu.yield
      }) : () -> ()
    }
    %while3A_42 = arith.constant 1 : i32
    scf.for %while3A_59 = %while3A_40 to %while3A_36 step %while3A_42  : i32 {
      %mul3A_60 = arith.constant 32 : i32
      %mul3A_61 = arith.muli %while3A_59, %mul3A_60 : i32
      %add3A_62 = arith.addi %add3A, %mul3A_61 : i32
      %mul3A_63 = arith.constant 128 : i32
      %mul3A_64 = arith.muli %add3A_62, %mul3A_63 : i32
      "tpu.region"() ({
        %run_scoped3A_460 = tpu.sem_alloc : memref<!tpu.dma_semaphore, #tpu.memory_space<semaphore_mem>>
        %dma_start3A = arith.constant 0 : i32
        %dma_start3A_461 = tpu.memref_slice %arg2[%mul3A_64, %dma_start3A] : memref<320000x128xf32, #tpu.memory_space<hbm>> -> memref<128x128xf32, #tpu.memory_space<hbm>>
        %dma_start3A_462 = arith.constant 0 : i32
        %dma_start3A_463 = tpu.memref_slice %arg2[%mul3A_64, %dma_start3A_462] : memref<320000x128xf32, #tpu.memory_space<hbm>> -> memref<128x128xf32, #tpu.memory_space<hbm>>
        tpu.enqueue_dma source(%dma_start3A_463 : memref<128x128xf32, #tpu.memory_space<hbm>>) target(%arg12 : memref<128x128xf32, #tpu.memory_space<vmem>>) target_semaphore(%run_scoped3A_460 : memref<!tpu.dma_semaphore, #tpu.memory_space<semaphore_mem>>)
        %dma_wait3A = arith.constant 0 : i32
        %dma_wait3A_464 = tpu.memref_slice %arg2[%mul3A_64, %dma_wait3A] : memref<320000x128xf32, #tpu.memory_space<hbm>> -> memref<128x128xf32, #tpu.memory_space<hbm>>
        %dma_wait3A_465 = arith.constant 0 : i32
        %dma_wait3A_466 = tpu.memref_slice %arg2[%mul3A_64, %dma_wait3A_465] : memref<320000x128xf32, #tpu.memory_space<hbm>> -> memref<128x128xf32, #tpu.memory_space<hbm>>
        tpu.wait_dma2 semaphore(%run_scoped3A_460 : memref<!tpu.dma_semaphore, #tpu.memory_space<semaphore_mem>>) src(%dma_wait3A_466 : memref<128x128xf32, #tpu.memory_space<hbm>>) dst(%arg12 : memref<128x128xf32, #tpu.memory_space<vmem>>)
        tpu.yield
      }) : () -> ()
      "tpu.region"() ({
        %run_scoped3A_460 = tpu.sem_alloc : memref<!tpu.dma_semaphore, #tpu.memory_space<semaphore_mem>>
        %dma_start3A = tpu.memref_slice %arg5[%mul3A_64] : memref<320000xi32, #tpu.memory_space<hbm>> -> memref<128xi32, #tpu.memory_space<hbm>>
        %dma_start3A_461 = tpu.memref_slice %arg5[%mul3A_64] : memref<320000xi32, #tpu.memory_space<hbm>> -> memref<128xi32, #tpu.memory_space<hbm>>
        tpu.enqueue_dma source(%dma_start3A_461 : memref<128xi32, #tpu.memory_space<hbm>>) target(%arg13 : memref<128xi32, #tpu.memory_space<vmem>>) target_semaphore(%run_scoped3A_460 : memref<!tpu.dma_semaphore, #tpu.memory_space<semaphore_mem>>)
        %dma_wait3A = tpu.memref_slice %arg5[%mul3A_64] : memref<320000xi32, #tpu.memory_space<hbm>> -> memref<128xi32, #tpu.memory_space<hbm>>
        %dma_wait3A_462 = tpu.memref_slice %arg5[%mul3A_64] : memref<320000xi32, #tpu.memory_space<hbm>> -> memref<128xi32, #tpu.memory_space<hbm>>
        tpu.wait_dma2 semaphore(%run_scoped3A_460 : memref<!tpu.dma_semaphore, #tpu.memory_space<semaphore_mem>>) src(%dma_wait3A_462 : memref<128xi32, #tpu.memory_space<hbm>>) dst(%arg13 : memref<128xi32, #tpu.memory_space<vmem>>)
        tpu.yield
      }) : () -> ()
      "tpu.region"() ({
        %run_scoped3A_460 = tpu.sem_alloc : memref<!tpu.dma_semaphore, #tpu.memory_space<semaphore_mem>>
        %dma_start3A = tpu.memref_slice %arg3[%mul3A_64] : memref<320000xf32, #tpu.memory_space<hbm>> -> memref<128xf32, #tpu.memory_space<hbm>>
        %dma_start3A_461 = tpu.memref_slice %arg3[%mul3A_64] : memref<320000xf32, #tpu.memory_space<hbm>> -> memref<128xf32, #tpu.memory_space<hbm>>
        tpu.enqueue_dma source(%dma_start3A_461 : memref<128xf32, #tpu.memory_space<hbm>>) target(%arg14 : memref<128xf32, #tpu.memory_space<vmem>>) target_semaphore(%run_scoped3A_460 : memref<!tpu.dma_semaphore, #tpu.memory_space<semaphore_mem>>)
        %dma_wait3A = tpu.memref_slice %arg3[%mul3A_64] : memref<320000xf32, #tpu.memory_space<hbm>> -> memref<128xf32, #tpu.memory_space<hbm>>
        %dma_wait3A_462 = tpu.memref_slice %arg3[%mul3A_64] : memref<320000xf32, #tpu.memory_space<hbm>> -> memref<128xf32, #tpu.memory_space<hbm>>
        tpu.wait_dma2 semaphore(%run_scoped3A_460 : memref<!tpu.dma_semaphore, #tpu.memory_space<semaphore_mem>>) src(%dma_wait3A_462 : memref<128xf32, #tpu.memory_space<hbm>>) dst(%arg14 : memref<128xf32, #tpu.memory_space<vmem>>)
        tpu.yield
      }) : () -> ()
      "tpu.region"() ({
        %run_scoped3A_460 = tpu.sem_alloc : memref<!tpu.dma_semaphore, #tpu.memory_space<semaphore_mem>>
        %dma_start3A = arith.constant 0 : i32
        %dma_start3A_461 = tpu.memref_slice %arg4[%dma_start3A, %mul3A_64] : memref<3x320000xf32, #tpu.memory_space<hbm>> -> memref<3x128xf32, #tpu.memory_space<hbm>>
        %dma_start3A_462 = arith.constant 0 : i32
        %dma_start3A_463 = tpu.memref_slice %arg4[%dma_start3A_462, %mul3A_64] : memref<3x320000xf32, #tpu.memory_space<hbm>> -> memref<3x128xf32, #tpu.memory_space<hbm>>
        tpu.enqueue_dma source(%dma_start3A_463 : memref<3x128xf32, #tpu.memory_space<hbm>>) target(%arg15 : memref<3x128xf32, #tpu.memory_space<vmem>>) target_semaphore(%run_scoped3A_460 : memref<!tpu.dma_semaphore, #tpu.memory_space<semaphore_mem>>)
        %dma_wait3A = arith.constant 0 : i32
        %dma_wait3A_464 = tpu.memref_slice %arg4[%dma_wait3A, %mul3A_64] : memref<3x320000xf32, #tpu.memory_space<hbm>> -> memref<3x128xf32, #tpu.memory_space<hbm>>
        %dma_wait3A_465 = arith.constant 0 : i32
        %dma_wait3A_466 = tpu.memref_slice %arg4[%dma_wait3A_465, %mul3A_64] : memref<3x320000xf32, #tpu.memory_space<hbm>> -> memref<3x128xf32, #tpu.memory_space<hbm>>
        tpu.wait_dma2 semaphore(%run_scoped3A_460 : memref<!tpu.dma_semaphore, #tpu.memory_space<semaphore_mem>>) src(%dma_wait3A_466 : memref<3x128xf32, #tpu.memory_space<hbm>>) dst(%arg15 : memref<3x128xf32, #tpu.memory_space<vmem>>)
        tpu.yield
      }) : () -> ()
      "tpu.region"() ({
        %run_scoped3A_460 = tpu.sem_alloc : memref<!tpu.dma_semaphore, #tpu.memory_space<semaphore_mem>>
        %dma_start3A = arith.constant 0 : i32
        %dma_start3A_461 = arith.constant 0 : i32
        %dma_start3A_462 = tpu.memref_slice %arg10[%dma_start3A, %dma_start3A_461] : memref<10000x128xf32, #tpu.memory_space<vmem_shared>> -> memref<10000x128xf32, #tpu.memory_space<vmem_shared>>
        tpu.enqueue_indirect_dma source(%arg12 : memref<128x128xf32, #tpu.memory_space<vmem>>) target(%dma_start3A_462 : memref<10000x128xf32, #tpu.memory_space<vmem_shared>>) offsets(%arg13 : memref<128xi32, #tpu.memory_space<vmem>>) semaphore(%run_scoped3A_460 : memref<!tpu.dma_semaphore, #tpu.memory_space<semaphore_mem>>) {add = true}
        %dma_wait3A = arith.constant 0 : i32
        %dma_wait3A_463 = arith.constant 0 : i32
        %dma_wait3A_464 = tpu.memref_slice %arg10[%dma_wait3A, %dma_wait3A_463] : memref<10000x128xf32, #tpu.memory_space<vmem_shared>> -> memref<10000x128xf32, #tpu.memory_space<vmem_shared>>
        tpu.wait_indirect_dma semaphore(%run_scoped3A_460 : memref<!tpu.dma_semaphore, #tpu.memory_space<semaphore_mem>>) src(%arg12 : memref<128x128xf32, #tpu.memory_space<vmem>>) dst(%dma_wait3A_464 : memref<10000x128xf32, #tpu.memory_space<vmem_shared>>)
        tpu.yield
      }) : () -> ()
      %get3A = arith.constant 0 : index
      %get3A_65 = tpu.vector_load %arg13[%get3A] {strides = array<i32>} : memref<128xi32, #tpu.memory_space<vmem>>, vector<16xi32>,
      %get3A_66 = arith.constant 0 : index
      %get3A_67 = tpu.vector_load %arg14[%get3A_66] {strides = array<i32>} : memref<128xf32, #tpu.memory_space<vmem>>, vector<16xf32>,
      %swap3A = arith.constant 0 : i32
      %swap3A_68 = arith.index_cast %swap3A : i32 to index
      %swap3A_69 = arith.constant 0 : index
      %swap3A_70 = tpu.vector_load %arg17[%swap3A_68, %swap3A_69] {strides = array<i32>} : memref<3x128xi32, #tpu.memory_space<vmem>>, vector<16xi32>,
      tpu.vector_store %arg17[%swap3A_68, %swap3A_69], %get3A_65 {strides = array<i32>} : memref<3x128xi32, #tpu.memory_space<vmem>>, vector<16xi32>,
      %add3A_71 = arith.constant 10000 : i32
      %add3A_72 = vector.broadcast %add3A_71 : i32 to vector<16xi32>
      %add3A_73 = arith.addi %get3A_65, %add3A_72 : vector<16xi32>
      %swap3A_74 = arith.constant 1 : i32
      %swap3A_75 = arith.index_cast %swap3A_74 : i32 to index
      %swap3A_76 = arith.constant 0 : index
      %swap3A_77 = tpu.vector_load %arg17[%swap3A_75, %swap3A_76] {strides = array<i32>} : memref<3x128xi32, #tpu.memory_space<vmem>>, vector<16xi32>,
      tpu.vector_store %arg17[%swap3A_75, %swap3A_76], %add3A_73 {strides = array<i32>} : memref<3x128xi32, #tpu.memory_space<vmem>>, vector<16xi32>,
      %add3A_78 = arith.constant 20000 : i32
      %add3A_79 = vector.broadcast %add3A_78 : i32 to vector<16xi32>
      %add3A_80 = arith.addi %get3A_65, %add3A_79 : vector<16xi32>
      %swap3A_81 = arith.constant 2 : i32
      %swap3A_82 = arith.index_cast %swap3A_81 : i32 to index
      %swap3A_83 = arith.constant 0 : index
      %swap3A_84 = tpu.vector_load %arg17[%swap3A_82, %swap3A_83] {strides = array<i32>} : memref<3x128xi32, #tpu.memory_space<vmem>>, vector<16xi32>,
      tpu.vector_store %arg17[%swap3A_82, %swap3A_83], %add3A_80 {strides = array<i32>} : memref<3x128xi32, #tpu.memory_space<vmem>>, vector<16xi32>,
      %get3A_85 = arith.constant 0 : i32
      %get3A_86 = arith.index_cast %get3A_85 : i32 to index
      %get3A_87 = arith.constant 0 : index
      %get3A_88 = tpu.vector_load %arg15[%get3A_86, %get3A_87] {strides = array<i32>} : memref<3x128xf32, #tpu.memory_space<vmem>>, vector<16xf32>,
      %mul3A_89 = arith.mulf %get3A_88, %get3A_67 : vector<16xf32>
      %swap3A_90 = arith.constant 0 : i32
      %swap3A_91 = arith.index_cast %swap3A_90 : i32 to index
      %swap3A_92 = arith.constant 0 : index
      %swap3A_93 = tpu.vector_load %arg16[%swap3A_91, %swap3A_92] {strides = array<i32>} : memref<3x128xf32, #tpu.memory_space<vmem>>, vector<16xf32>,
      tpu.vector_store %arg16[%swap3A_91, %swap3A_92], %mul3A_89 {strides = array<i32>} : memref<3x128xf32, #tpu.memory_space<vmem>>, vector<16xf32>,
      %get3A_94 = arith.constant 1 : i32
      %get3A_95 = arith.index_cast %get3A_94 : i32 to index
      %get3A_96 = arith.constant 0 : index
      %get3A_97 = tpu.vector_load %arg15[%get3A_95, %get3A_96] {strides = array<i32>} : memref<3x128xf32, #tpu.memory_space<vmem>>, vector<16xf32>,
      %mul3A_98 = arith.mulf %get3A_97, %get3A_67 : vector<16xf32>
      %swap3A_99 = arith.constant 1 : i32
      %swap3A_100 = arith.index_cast %swap3A_99 : i32 to index
      %swap3A_101 = arith.constant 0 : index
      %swap3A_102 = tpu.vector_load %arg16[%swap3A_100, %swap3A_101] {strides = array<i32>} : memref<3x128xf32, #tpu.memory_space<vmem>>, vector<16xf32>,
      tpu.vector_store %arg16[%swap3A_100, %swap3A_101], %mul3A_98 {strides = array<i32>} : memref<3x128xf32, #tpu.memory_space<vmem>>, vector<16xf32>,
      %get3A_103 = arith.constant 2 : i32
      %get3A_104 = arith.index_cast %get3A_103 : i32 to index
      %get3A_105 = arith.constant 0 : index
      %get3A_106 = tpu.vector_load %arg15[%get3A_104, %get3A_105] {strides = array<i32>} : memref<3x128xf32, #tpu.memory_space<vmem>>, vector<16xf32>,
      %mul3A_107 = arith.mulf %get3A_106, %get3A_67 : vector<16xf32>
      %swap3A_108 = arith.constant 2 : i32
      %swap3A_109 = arith.index_cast %swap3A_108 : i32 to index
      %swap3A_110 = arith.constant 0 : index
      %swap3A_111 = tpu.vector_load %arg16[%swap3A_109, %swap3A_110] {strides = array<i32>} : memref<3x128xf32, #tpu.memory_space<vmem>>, vector<16xf32>,
      tpu.vector_store %arg16[%swap3A_109, %swap3A_110], %mul3A_107 {strides = array<i32>} : memref<3x128xf32, #tpu.memory_space<vmem>>, vector<16xf32>,
      %get3A_112 = arith.constant 16 : index
      %get3A_113 = tpu.vector_load %arg13[%get3A_112] {strides = array<i32>} : memref<128xi32, #tpu.memory_space<vmem>>, vector<16xi32>,
      %get3A_114 = arith.constant 16 : index
      %get3A_115 = tpu.vector_load %arg14[%get3A_114] {strides = array<i32>} : memref<128xf32, #tpu.memory_space<vmem>>, vector<16xf32>,
      %swap3A_116 = arith.constant 0 : i32
      %swap3A_117 = arith.index_cast %swap3A_116 : i32 to index
      %swap3A_118 = arith.constant 16 : index
      %swap3A_119 = tpu.vector_load %arg17[%swap3A_117, %swap3A_118] {strides = array<i32>} : memref<3x128xi32, #tpu.memory_space<vmem>>, vector<16xi32>,
      tpu.vector_store %arg17[%swap3A_117, %swap3A_118], %get3A_113 {strides = array<i32>} : memref<3x128xi32, #tpu.memory_space<vmem>>, vector<16xi32>,
      %add3A_120 = arith.constant 10000 : i32
      %add3A_121 = vector.broadcast %add3A_120 : i32 to vector<16xi32>
      %add3A_122 = arith.addi %get3A_113, %add3A_121 : vector<16xi32>
      %swap3A_123 = arith.constant 1 : i32
      %swap3A_124 = arith.index_cast %swap3A_123 : i32 to index
      %swap3A_125 = arith.constant 16 : index
      %swap3A_126 = tpu.vector_load %arg17[%swap3A_124, %swap3A_125] {strides = array<i32>} : memref<3x128xi32, #tpu.memory_space<vmem>>, vector<16xi32>,
      tpu.vector_store %arg17[%swap3A_124, %swap3A_125], %add3A_122 {strides = array<i32>} : memref<3x128xi32, #tpu.memory_space<vmem>>, vector<16xi32>,
      %add3A_127 = arith.constant 20000 : i32
      %add3A_128 = vector.broadcast %add3A_127 : i32 to vector<16xi32>
      %add3A_129 = arith.addi %get3A_113, %add3A_128 : vector<16xi32>
      %swap3A_130 = arith.constant 2 : i32
      %swap3A_131 = arith.index_cast %swap3A_130 : i32 to index
      %swap3A_132 = arith.constant 16 : index
      %swap3A_133 = tpu.vector_load %arg17[%swap3A_131, %swap3A_132] {strides = array<i32>} : memref<3x128xi32, #tpu.memory_space<vmem>>, vector<16xi32>,
      tpu.vector_store %arg17[%swap3A_131, %swap3A_132], %add3A_129 {strides = array<i32>} : memref<3x128xi32, #tpu.memory_space<vmem>>, vector<16xi32>,
      %get3A_134 = arith.constant 0 : i32
      %get3A_135 = arith.index_cast %get3A_134 : i32 to index
      %get3A_136 = arith.constant 16 : index
      %get3A_137 = tpu.vector_load %arg15[%get3A_135, %get3A_136] {strides = array<i32>} : memref<3x128xf32, #tpu.memory_space<vmem>>, vector<16xf32>,
      %mul3A_138 = arith.mulf %get3A_137, %get3A_115 : vector<16xf32>
      %swap3A_139 = arith.constant 0 : i32
      %swap3A_140 = arith.index_cast %swap3A_139 : i32 to index
      %swap3A_141 = arith.constant 16 : index
      %swap3A_142 = tpu.vector_load %arg16[%swap3A_140, %swap3A_141] {strides = array<i32>} : memref<3x128xf32, #tpu.memory_space<vmem>>, vector<16xf32>,
      tpu.vector_store %arg16[%swap3A_140, %swap3A_141], %mul3A_138 {strides = array<i32>} : memref<3x128xf32, #tpu.memory_space<vmem>>, vector<16xf32>,
      %get3A_143 = arith.constant 1 : i32
      %get3A_144 = arith.index_cast %get3A_143 : i32 to index
      %get3A_145 = arith.constant 16 : index
      %get3A_146 = tpu.vector_load %arg15[%get3A_144, %get3A_145] {strides = array<i32>} : memref<3x128xf32, #tpu.memory_space<vmem>>, vector<16xf32>,
      %mul3A_147 = arith.mulf %get3A_146, %get3A_115 : vector<16xf32>
      %swap3A_148 = arith.constant 1 : i32
      %swap3A_149 = arith.index_cast %swap3A_148 : i32 to index
      %swap3A_150 = arith.constant 16 : index
      %swap3A_151 = tpu.vector_load %arg16[%swap3A_149, %swap3A_150] {strides = array<i32>} : memref<3x128xf32, #tpu.memory_space<vmem>>, vector<16xf32>,
      tpu.vector_store %arg16[%swap3A_149, %swap3A_150], %mul3A_147 {strides = array<i32>} : memref<3x128xf32, #tpu.memory_space<vmem>>, vector<16xf32>,
      %get3A_152 = arith.constant 2 : i32
      %get3A_153 = arith.index_cast %get3A_152 : i32 to index
      %get3A_154 = arith.constant 16 : index
      %get3A_155 = tpu.vector_load %arg15[%get3A_153, %get3A_154] {strides = array<i32>} : memref<3x128xf32, #tpu.memory_space<vmem>>, vector<16xf32>,
      %mul3A_156 = arith.mulf %get3A_155, %get3A_115 : vector<16xf32>
      %swap3A_157 = arith.constant 2 : i32
      %swap3A_158 = arith.index_cast %swap3A_157 : i32 to index
      %swap3A_159 = arith.constant 16 : index
      %swap3A_160 = tpu.vector_load %arg16[%swap3A_158, %swap3A_159] {strides = array<i32>} : memref<3x128xf32, #tpu.memory_space<vmem>>, vector<16xf32>,
      tpu.vector_store %arg16[%swap3A_158, %swap3A_159], %mul3A_156 {strides = array<i32>} : memref<3x128xf32, #tpu.memory_space<vmem>>, vector<16xf32>,
      %get3A_161 = arith.constant 32 : index
      %get3A_162 = tpu.vector_load %arg13[%get3A_161] {strides = array<i32>} : memref<128xi32, #tpu.memory_space<vmem>>, vector<16xi32>,
      %get3A_163 = arith.constant 32 : index
      %get3A_164 = tpu.vector_load %arg14[%get3A_163] {strides = array<i32>} : memref<128xf32, #tpu.memory_space<vmem>>, vector<16xf32>,
      %swap3A_165 = arith.constant 0 : i32
      %swap3A_166 = arith.index_cast %swap3A_165 : i32 to index
      %swap3A_167 = arith.constant 32 : index
      %swap3A_168 = tpu.vector_load %arg17[%swap3A_166, %swap3A_167] {strides = array<i32>} : memref<3x128xi32, #tpu.memory_space<vmem>>, vector<16xi32>,
      tpu.vector_store %arg17[%swap3A_166, %swap3A_167], %get3A_162 {strides = array<i32>} : memref<3x128xi32, #tpu.memory_space<vmem>>, vector<16xi32>,
      %add3A_169 = arith.constant 10000 : i32
      %add3A_170 = vector.broadcast %add3A_169 : i32 to vector<16xi32>
      %add3A_171 = arith.addi %get3A_162, %add3A_170 : vector<16xi32>
      %swap3A_172 = arith.constant 1 : i32
      %swap3A_173 = arith.index_cast %swap3A_172 : i32 to index
      %swap3A_174 = arith.constant 32 : index
      %swap3A_175 = tpu.vector_load %arg17[%swap3A_173, %swap3A_174] {strides = array<i32>} : memref<3x128xi32, #tpu.memory_space<vmem>>, vector<16xi32>,
      tpu.vector_store %arg17[%swap3A_173, %swap3A_174], %add3A_171 {strides = array<i32>} : memref<3x128xi32, #tpu.memory_space<vmem>>, vector<16xi32>,
      %add3A_176 = arith.constant 20000 : i32
      %add3A_177 = vector.broadcast %add3A_176 : i32 to vector<16xi32>
      %add3A_178 = arith.addi %get3A_162, %add3A_177 : vector<16xi32>
      %swap3A_179 = arith.constant 2 : i32
      %swap3A_180 = arith.index_cast %swap3A_179 : i32 to index
      %swap3A_181 = arith.constant 32 : index
      %swap3A_182 = tpu.vector_load %arg17[%swap3A_180, %swap3A_181] {strides = array<i32>} : memref<3x128xi32, #tpu.memory_space<vmem>>, vector<16xi32>,
      tpu.vector_store %arg17[%swap3A_180, %swap3A_181], %add3A_178 {strides = array<i32>} : memref<3x128xi32, #tpu.memory_space<vmem>>, vector<16xi32>,
      %get3A_183 = arith.constant 0 : i32
      %get3A_184 = arith.index_cast %get3A_183 : i32 to index
      %get3A_185 = arith.constant 32 : index
      %get3A_186 = tpu.vector_load %arg15[%get3A_184, %get3A_185] {strides = array<i32>} : memref<3x128xf32, #tpu.memory_space<vmem>>, vector<16xf32>,
      %mul3A_187 = arith.mulf %get3A_186, %get3A_164 : vector<16xf32>
      %swap3A_188 = arith.constant 0 : i32
      %swap3A_189 = arith.index_cast %swap3A_188 : i32 to index
      %swap3A_190 = arith.constant 32 : index
      %swap3A_191 = tpu.vector_load %arg16[%swap3A_189, %swap3A_190] {strides = array<i32>} : memref<3x128xf32, #tpu.memory_space<vmem>>, vector<16xf32>,
      tpu.vector_store %arg16[%swap3A_189, %swap3A_190], %mul3A_187 {strides = array<i32>} : memref<3x128xf32, #tpu.memory_space<vmem>>, vector<16xf32>,
      %get3A_192 = arith.constant 1 : i32
      %get3A_193 = arith.index_cast %get3A_192 : i32 to index
      %get3A_194 = arith.constant 32 : index
      %get3A_195 = tpu.vector_load %arg15[%get3A_193, %get3A_194] {strides = array<i32>} : memref<3x128xf32, #tpu.memory_space<vmem>>, vector<16xf32>,
      %mul3A_196 = arith.mulf %get3A_195, %get3A_164 : vector<16xf32>
      %swap3A_197 = arith.constant 1 : i32
      %swap3A_198 = arith.index_cast %swap3A_197 : i32 to index
      %swap3A_199 = arith.constant 32 : index
      %swap3A_200 = tpu.vector_load %arg16[%swap3A_198, %swap3A_199] {strides = array<i32>} : memref<3x128xf32, #tpu.memory_space<vmem>>, vector<16xf32>,
      tpu.vector_store %arg16[%swap3A_198, %swap3A_199], %mul3A_196 {strides = array<i32>} : memref<3x128xf32, #tpu.memory_space<vmem>>, vector<16xf32>,
      %get3A_201 = arith.constant 2 : i32
      %get3A_202 = arith.index_cast %get3A_201 : i32 to index
      %get3A_203 = arith.constant 32 : index
      %get3A_204 = tpu.vector_load %arg15[%get3A_202, %get3A_203] {strides = array<i32>} : memref<3x128xf32, #tpu.memory_space<vmem>>, vector<16xf32>,
      %mul3A_205 = arith.mulf %get3A_204, %get3A_164 : vector<16xf32>
      %swap3A_206 = arith.constant 2 : i32
      %swap3A_207 = arith.index_cast %swap3A_206 : i32 to index
      %swap3A_208 = arith.constant 32 : index
      %swap3A_209 = tpu.vector_load %arg16[%swap3A_207, %swap3A_208] {strides = array<i32>} : memref<3x128xf32, #tpu.memory_space<vmem>>, vector<16xf32>,
      tpu.vector_store %arg16[%swap3A_207, %swap3A_208], %mul3A_205 {strides = array<i32>} : memref<3x128xf32, #tpu.memory_space<vmem>>, vector<16xf32>,
      %get3A_210 = arith.constant 48 : index
      %get3A_211 = tpu.vector_load %arg13[%get3A_210] {strides = array<i32>} : memref<128xi32, #tpu.memory_space<vmem>>, vector<16xi32>,
      %get3A_212 = arith.constant 48 : index
      %get3A_213 = tpu.vector_load %arg14[%get3A_212] {strides = array<i32>} : memref<128xf32, #tpu.memory_space<vmem>>, vector<16xf32>,
      %swap3A_214 = arith.constant 0 : i32
      %swap3A_215 = arith.index_cast %swap3A_214 : i32 to index
      %swap3A_216 = arith.constant 48 : index
      %swap3A_217 = tpu.vector_load %arg17[%swap3A_215, %swap3A_216] {strides = array<i32>} : memref<3x128xi32, #tpu.memory_space<vmem>>, vector<16xi32>,
      tpu.vector_store %arg17[%swap3A_215, %swap3A_216], %get3A_211 {strides = array<i32>} : memref<3x128xi32, #tpu.memory_space<vmem>>, vector<16xi32>,
      %add3A_218 = arith.constant 10000 : i32
      %add3A_219 = vector.broadcast %add3A_218 : i32 to vector<16xi32>
      %add3A_220 = arith.addi %get3A_211, %add3A_219 : vector<16xi32>
      %swap3A_221 = arith.constant 1 : i32
      %swap3A_222 = arith.index_cast %swap3A_221 : i32 to index
      %swap3A_223 = arith.constant 48 : index
      %swap3A_224 = tpu.vector_load %arg17[%swap3A_222, %swap3A_223] {strides = array<i32>} : memref<3x128xi32, #tpu.memory_space<vmem>>, vector<16xi32>,
      tpu.vector_store %arg17[%swap3A_222, %swap3A_223], %add3A_220 {strides = array<i32>} : memref<3x128xi32, #tpu.memory_space<vmem>>, vector<16xi32>,
      %add3A_225 = arith.constant 20000 : i32
      %add3A_226 = vector.broadcast %add3A_225 : i32 to vector<16xi32>
      %add3A_227 = arith.addi %get3A_211, %add3A_226 : vector<16xi32>
      %swap3A_228 = arith.constant 2 : i32
      %swap3A_229 = arith.index_cast %swap3A_228 : i32 to index
      %swap3A_230 = arith.constant 48 : index
      %swap3A_231 = tpu.vector_load %arg17[%swap3A_229, %swap3A_230] {strides = array<i32>} : memref<3x128xi32, #tpu.memory_space<vmem>>, vector<16xi32>,
      tpu.vector_store %arg17[%swap3A_229, %swap3A_230], %add3A_227 {strides = array<i32>} : memref<3x128xi32, #tpu.memory_space<vmem>>, vector<16xi32>,
      %get3A_232 = arith.constant 0 : i32
      %get3A_233 = arith.index_cast %get3A_232 : i32 to index
      %get3A_234 = arith.constant 48 : index
      %get3A_235 = tpu.vector_load %arg15[%get3A_233, %get3A_234] {strides = array<i32>} : memref<3x128xf32, #tpu.memory_space<vmem>>, vector<16xf32>,
      %mul3A_236 = arith.mulf %get3A_235, %get3A_213 : vector<16xf32>
      %swap3A_237 = arith.constant 0 : i32
      %swap3A_238 = arith.index_cast %swap3A_237 : i32 to index
      %swap3A_239 = arith.constant 48 : index
      %swap3A_240 = tpu.vector_load %arg16[%swap3A_238, %swap3A_239] {strides = array<i32>} : memref<3x128xf32, #tpu.memory_space<vmem>>, vector<16xf32>,
      tpu.vector_store %arg16[%swap3A_238, %swap3A_239], %mul3A_236 {strides = array<i32>} : memref<3x128xf32, #tpu.memory_space<vmem>>, vector<16xf32>,
      %get3A_241 = arith.constant 1 : i32
      %get3A_242 = arith.index_cast %get3A_241 : i32 to index
      %get3A_243 = arith.constant 48 : index
      %get3A_244 = tpu.vector_load %arg15[%get3A_242, %get3A_243] {strides = array<i32>} : memref<3x128xf32, #tpu.memory_space<vmem>>, vector<16xf32>,
      %mul3A_245 = arith.mulf %get3A_244, %get3A_213 : vector<16xf32>
      %swap3A_246 = arith.constant 1 : i32
      %swap3A_247 = arith.index_cast %swap3A_246 : i32 to index
      %swap3A_248 = arith.constant 48 : index
      %swap3A_249 = tpu.vector_load %arg16[%swap3A_247, %swap3A_248] {strides = array<i32>} : memref<3x128xf32, #tpu.memory_space<vmem>>, vector<16xf32>,
      tpu.vector_store %arg16[%swap3A_247, %swap3A_248], %mul3A_245 {strides = array<i32>} : memref<3x128xf32, #tpu.memory_space<vmem>>, vector<16xf32>,
      %get3A_250 = arith.constant 2 : i32
      %get3A_251 = arith.index_cast %get3A_250 : i32 to index
      %get3A_252 = arith.constant 48 : index
      %get3A_253 = tpu.vector_load %arg15[%get3A_251, %get3A_252] {strides = array<i32>} : memref<3x128xf32, #tpu.memory_space<vmem>>, vector<16xf32>,
      %mul3A_254 = arith.mulf %get3A_253, %get3A_213 : vector<16xf32>
      %swap3A_255 = arith.constant 2 : i32
      %swap3A_256 = arith.index_cast %swap3A_255 : i32 to index
      %swap3A_257 = arith.constant 48 : index
      %swap3A_258 = tpu.vector_load %arg16[%swap3A_256, %swap3A_257] {strides = array<i32>} : memref<3x128xf32, #tpu.memory_space<vmem>>, vector<16xf32>,
      tpu.vector_store %arg16[%swap3A_256, %swap3A_257], %mul3A_254 {strides = array<i32>} : memref<3x128xf32, #tpu.memory_space<vmem>>, vector<16xf32>,
      %get3A_259 = arith.constant 64 : index
      %get3A_260 = tpu.vector_load %arg13[%get3A_259] {strides = array<i32>} : memref<128xi32, #tpu.memory_space<vmem>>, vector<16xi32>,
      %get3A_261 = arith.constant 64 : index
      %get3A_262 = tpu.vector_load %arg14[%get3A_261] {strides = array<i32>} : memref<128xf32, #tpu.memory_space<vmem>>, vector<16xf32>,
      %swap3A_263 = arith.constant 0 : i32
      %swap3A_264 = arith.index_cast %swap3A_263 : i32 to index
      %swap3A_265 = arith.constant 64 : index
      %swap3A_266 = tpu.vector_load %arg17[%swap3A_264, %swap3A_265] {strides = array<i32>} : memref<3x128xi32, #tpu.memory_space<vmem>>, vector<16xi32>,
      tpu.vector_store %arg17[%swap3A_264, %swap3A_265], %get3A_260 {strides = array<i32>} : memref<3x128xi32, #tpu.memory_space<vmem>>, vector<16xi32>,
      %add3A_267 = arith.constant 10000 : i32
      %add3A_268 = vector.broadcast %add3A_267 : i32 to vector<16xi32>
      %add3A_269 = arith.addi %get3A_260, %add3A_268 : vector<16xi32>
      %swap3A_270 = arith.constant 1 : i32
      %swap3A_271 = arith.index_cast %swap3A_270 : i32 to index
      %swap3A_272 = arith.constant 64 : index
      %swap3A_273 = tpu.vector_load %arg17[%swap3A_271, %swap3A_272] {strides = array<i32>} : memref<3x128xi32, #tpu.memory_space<vmem>>, vector<16xi32>,
      tpu.vector_store %arg17[%swap3A_271, %swap3A_272], %add3A_269 {strides = array<i32>} : memref<3x128xi32, #tpu.memory_space<vmem>>, vector<16xi32>,
      %add3A_274 = arith.constant 20000 : i32
      %add3A_275 = vector.broadcast %add3A_274 : i32 to vector<16xi32>
      %add3A_276 = arith.addi %get3A_260, %add3A_275 : vector<16xi32>
      %swap3A_277 = arith.constant 2 : i32
      %swap3A_278 = arith.index_cast %swap3A_277 : i32 to index
      %swap3A_279 = arith.constant 64 : index
      %swap3A_280 = tpu.vector_load %arg17[%swap3A_278, %swap3A_279] {strides = array<i32>} : memref<3x128xi32, #tpu.memory_space<vmem>>, vector<16xi32>,
      tpu.vector_store %arg17[%swap3A_278, %swap3A_279], %add3A_276 {strides = array<i32>} : memref<3x128xi32, #tpu.memory_space<vmem>>, vector<16xi32>,
      %get3A_281 = arith.constant 0 : i32
      %get3A_282 = arith.index_cast %get3A_281 : i32 to index
      %get3A_283 = arith.constant 64 : index
      %get3A_284 = tpu.vector_load %arg15[%get3A_282, %get3A_283] {strides = array<i32>} : memref<3x128xf32, #tpu.memory_space<vmem>>, vector<16xf32>,
      %mul3A_285 = arith.mulf %get3A_284, %get3A_262 : vector<16xf32>
      %swap3A_286 = arith.constant 0 : i32
      %swap3A_287 = arith.index_cast %swap3A_286 : i32 to index
      %swap3A_288 = arith.constant 64 : index
      %swap3A_289 = tpu.vector_load %arg16[%swap3A_287, %swap3A_288] {strides = array<i32>} : memref<3x128xf32, #tpu.memory_space<vmem>>, vector<16xf32>,
      tpu.vector_store %arg16[%swap3A_287, %swap3A_288], %mul3A_285 {strides = array<i32>} : memref<3x128xf32, #tpu.memory_space<vmem>>, vector<16xf32>,
      %get3A_290 = arith.constant 1 : i32
      %get3A_291 = arith.index_cast %get3A_290 : i32 to index
      %get3A_292 = arith.constant 64 : index
      %get3A_293 = tpu.vector_load %arg15[%get3A_291, %get3A_292] {strides = array<i32>} : memref<3x128xf32, #tpu.memory_space<vmem>>, vector<16xf32>,
      %mul3A_294 = arith.mulf %get3A_293, %get3A_262 : vector<16xf32>
      %swap3A_295 = arith.constant 1 : i32
      %swap3A_296 = arith.index_cast %swap3A_295 : i32 to index
      %swap3A_297 = arith.constant 64 : index
      %swap3A_298 = tpu.vector_load %arg16[%swap3A_296, %swap3A_297] {strides = array<i32>} : memref<3x128xf32, #tpu.memory_space<vmem>>, vector<16xf32>,
      tpu.vector_store %arg16[%swap3A_296, %swap3A_297], %mul3A_294 {strides = array<i32>} : memref<3x128xf32, #tpu.memory_space<vmem>>, vector<16xf32>,
      %get3A_299 = arith.constant 2 : i32
      %get3A_300 = arith.index_cast %get3A_299 : i32 to index
      %get3A_301 = arith.constant 64 : index
      %get3A_302 = tpu.vector_load %arg15[%get3A_300, %get3A_301] {strides = array<i32>} : memref<3x128xf32, #tpu.memory_space<vmem>>, vector<16xf32>,
      %mul3A_303 = arith.mulf %get3A_302, %get3A_262 : vector<16xf32>
      %swap3A_304 = arith.constant 2 : i32
      %swap3A_305 = arith.index_cast %swap3A_304 : i32 to index
      %swap3A_306 = arith.constant 64 : index
      %swap3A_307 = tpu.vector_load %arg16[%swap3A_305, %swap3A_306] {strides = array<i32>} : memref<3x128xf32, #tpu.memory_space<vmem>>, vector<16xf32>,
      tpu.vector_store %arg16[%swap3A_305, %swap3A_306], %mul3A_303 {strides = array<i32>} : memref<3x128xf32, #tpu.memory_space<vmem>>, vector<16xf32>,
      %get3A_308 = arith.constant 80 : index
      %get3A_309 = tpu.vector_load %arg13[%get3A_308] {strides = array<i32>} : memref<128xi32, #tpu.memory_space<vmem>>, vector<16xi32>,
      %get3A_310 = arith.constant 80 : index
      %get3A_311 = tpu.vector_load %arg14[%get3A_310] {strides = array<i32>} : memref<128xf32, #tpu.memory_space<vmem>>, vector<16xf32>,
      %swap3A_312 = arith.constant 0 : i32
      %swap3A_313 = arith.index_cast %swap3A_312 : i32 to index
      %swap3A_314 = arith.constant 80 : index
      %swap3A_315 = tpu.vector_load %arg17[%swap3A_313, %swap3A_314] {strides = array<i32>} : memref<3x128xi32, #tpu.memory_space<vmem>>, vector<16xi32>,
      tpu.vector_store %arg17[%swap3A_313, %swap3A_314], %get3A_309 {strides = array<i32>} : memref<3x128xi32, #tpu.memory_space<vmem>>, vector<16xi32>,
      %add3A_316 = arith.constant 10000 : i32
      %add3A_317 = vector.broadcast %add3A_316 : i32 to vector<16xi32>
      %add3A_318 = arith.addi %get3A_309, %add3A_317 : vector<16xi32>
      %swap3A_319 = arith.constant 1 : i32
      %swap3A_320 = arith.index_cast %swap3A_319 : i32 to index
      %swap3A_321 = arith.constant 80 : index
      %swap3A_322 = tpu.vector_load %arg17[%swap3A_320, %swap3A_321] {strides = array<i32>} : memref<3x128xi32, #tpu.memory_space<vmem>>, vector<16xi32>,
      tpu.vector_store %arg17[%swap3A_320, %swap3A_321], %add3A_318 {strides = array<i32>} : memref<3x128xi32, #tpu.memory_space<vmem>>, vector<16xi32>,
      %add3A_323 = arith.constant 20000 : i32
      %add3A_324 = vector.broadcast %add3A_323 : i32 to vector<16xi32>
      %add3A_325 = arith.addi %get3A_309, %add3A_324 : vector<16xi32>
      %swap3A_326 = arith.constant 2 : i32
      %swap3A_327 = arith.index_cast %swap3A_326 : i32 to index
      %swap3A_328 = arith.constant 80 : index
      %swap3A_329 = tpu.vector_load %arg17[%swap3A_327, %swap3A_328] {strides = array<i32>} : memref<3x128xi32, #tpu.memory_space<vmem>>, vector<16xi32>,
      tpu.vector_store %arg17[%swap3A_327, %swap3A_328], %add3A_325 {strides = array<i32>} : memref<3x128xi32, #tpu.memory_space<vmem>>, vector<16xi32>,
      %get3A_330 = arith.constant 0 : i32
      %get3A_331 = arith.index_cast %get3A_330 : i32 to index
      %get3A_332 = arith.constant 80 : index
      %get3A_333 = tpu.vector_load %arg15[%get3A_331, %get3A_332] {strides = array<i32>} : memref<3x128xf32, #tpu.memory_space<vmem>>, vector<16xf32>,
      %mul3A_334 = arith.mulf %get3A_333, %get3A_311 : vector<16xf32>
      %swap3A_335 = arith.constant 0 : i32
      %swap3A_336 = arith.index_cast %swap3A_335 : i32 to index
      %swap3A_337 = arith.constant 80 : index
      %swap3A_338 = tpu.vector_load %arg16[%swap3A_336, %swap3A_337] {strides = array<i32>} : memref<3x128xf32, #tpu.memory_space<vmem>>, vector<16xf32>,
      tpu.vector_store %arg16[%swap3A_336, %swap3A_337], %mul3A_334 {strides = array<i32>} : memref<3x128xf32, #tpu.memory_space<vmem>>, vector<16xf32>,
      %get3A_339 = arith.constant 1 : i32
      %get3A_340 = arith.index_cast %get3A_339 : i32 to index
      %get3A_341 = arith.constant 80 : index
      %get3A_342 = tpu.vector_load %arg15[%get3A_340, %get3A_341] {strides = array<i32>} : memref<3x128xf32, #tpu.memory_space<vmem>>, vector<16xf32>,
      %mul3A_343 = arith.mulf %get3A_342, %get3A_311 : vector<16xf32>
      %swap3A_344 = arith.constant 1 : i32
      %swap3A_345 = arith.index_cast %swap3A_344 : i32 to index
      %swap3A_346 = arith.constant 80 : index
      %swap3A_347 = tpu.vector_load %arg16[%swap3A_345, %swap3A_346] {strides = array<i32>} : memref<3x128xf32, #tpu.memory_space<vmem>>, vector<16xf32>,
      tpu.vector_store %arg16[%swap3A_345, %swap3A_346], %mul3A_343 {strides = array<i32>} : memref<3x128xf32, #tpu.memory_space<vmem>>, vector<16xf32>,
      %get3A_348 = arith.constant 2 : i32
      %get3A_349 = arith.index_cast %get3A_348 : i32 to index
      %get3A_350 = arith.constant 80 : index
      %get3A_351 = tpu.vector_load %arg15[%get3A_349, %get3A_350] {strides = array<i32>} : memref<3x128xf32, #tpu.memory_space<vmem>>, vector<16xf32>,
      %mul3A_352 = arith.mulf %get3A_351, %get3A_311 : vector<16xf32>
      %swap3A_353 = arith.constant 2 : i32
      %swap3A_354 = arith.index_cast %swap3A_353 : i32 to index
      %swap3A_355 = arith.constant 80 : index
      %swap3A_356 = tpu.vector_load %arg16[%swap3A_354, %swap3A_355] {strides = array<i32>} : memref<3x128xf32, #tpu.memory_space<vmem>>, vector<16xf32>,
      tpu.vector_store %arg16[%swap3A_354, %swap3A_355], %mul3A_352 {strides = array<i32>} : memref<3x128xf32, #tpu.memory_space<vmem>>, vector<16xf32>,
      %get3A_357 = arith.constant 96 : index
      %get3A_358 = tpu.vector_load %arg13[%get3A_357] {strides = array<i32>} : memref<128xi32, #tpu.memory_space<vmem>>, vector<16xi32>,
      %get3A_359 = arith.constant 96 : index
      %get3A_360 = tpu.vector_load %arg14[%get3A_359] {strides = array<i32>} : memref<128xf32, #tpu.memory_space<vmem>>, vector<16xf32>,
      %swap3A_361 = arith.constant 0 : i32
      %swap3A_362 = arith.index_cast %swap3A_361 : i32 to index
      %swap3A_363 = arith.constant 96 : index
      %swap3A_364 = tpu.vector_load %arg17[%swap3A_362, %swap3A_363] {strides = array<i32>} : memref<3x128xi32, #tpu.memory_space<vmem>>, vector<16xi32>,
      tpu.vector_store %arg17[%swap3A_362, %swap3A_363], %get3A_358 {strides = array<i32>} : memref<3x128xi32, #tpu.memory_space<vmem>>, vector<16xi32>,
      %add3A_365 = arith.constant 10000 : i32
      %add3A_366 = vector.broadcast %add3A_365 : i32 to vector<16xi32>
      %add3A_367 = arith.addi %get3A_358, %add3A_366 : vector<16xi32>
      %swap3A_368 = arith.constant 1 : i32
      %swap3A_369 = arith.index_cast %swap3A_368 : i32 to index
      %swap3A_370 = arith.constant 96 : index
      %swap3A_371 = tpu.vector_load %arg17[%swap3A_369, %swap3A_370] {strides = array<i32>} : memref<3x128xi32, #tpu.memory_space<vmem>>, vector<16xi32>,
      tpu.vector_store %arg17[%swap3A_369, %swap3A_370], %add3A_367 {strides = array<i32>} : memref<3x128xi32, #tpu.memory_space<vmem>>, vector<16xi32>,
      %add3A_372 = arith.constant 20000 : i32
      %add3A_373 = vector.broadcast %add3A_372 : i32 to vector<16xi32>
      %add3A_374 = arith.addi %get3A_358, %add3A_373 : vector<16xi32>
      %swap3A_375 = arith.constant 2 : i32
      %swap3A_376 = arith.index_cast %swap3A_375 : i32 to index
      %swap3A_377 = arith.constant 96 : index
      %swap3A_378 = tpu.vector_load %arg17[%swap3A_376, %swap3A_377] {strides = array<i32>} : memref<3x128xi32, #tpu.memory_space<vmem>>, vector<16xi32>,
      tpu.vector_store %arg17[%swap3A_376, %swap3A_377], %add3A_374 {strides = array<i32>} : memref<3x128xi32, #tpu.memory_space<vmem>>, vector<16xi32>,
      %get3A_379 = arith.constant 0 : i32
      %get3A_380 = arith.index_cast %get3A_379 : i32 to index
      %get3A_381 = arith.constant 96 : index
      %get3A_382 = tpu.vector_load %arg15[%get3A_380, %get3A_381] {strides = array<i32>} : memref<3x128xf32, #tpu.memory_space<vmem>>, vector<16xf32>,
      %mul3A_383 = arith.mulf %get3A_382, %get3A_360 : vector<16xf32>
      %swap3A_384 = arith.constant 0 : i32
      %swap3A_385 = arith.index_cast %swap3A_384 : i32 to index
      %swap3A_386 = arith.constant 96 : index
      %swap3A_387 = tpu.vector_load %arg16[%swap3A_385, %swap3A_386] {strides = array<i32>} : memref<3x128xf32, #tpu.memory_space<vmem>>, vector<16xf32>,
      tpu.vector_store %arg16[%swap3A_385, %swap3A_386], %mul3A_383 {strides = array<i32>} : memref<3x128xf32, #tpu.memory_space<vmem>>, vector<16xf32>,
      %get3A_388 = arith.constant 1 : i32
      %get3A_389 = arith.index_cast %get3A_388 : i32 to index
      %get3A_390 = arith.constant 96 : index
      %get3A_391 = tpu.vector_load %arg15[%get3A_389, %get3A_390] {strides = array<i32>} : memref<3x128xf32, #tpu.memory_space<vmem>>, vector<16xf32>,
      %mul3A_392 = arith.mulf %get3A_391, %get3A_360 : vector<16xf32>
      %swap3A_393 = arith.constant 1 : i32
      %swap3A_394 = arith.index_cast %swap3A_393 : i32 to index
      %swap3A_395 = arith.constant 96 : index
      %swap3A_396 = tpu.vector_load %arg16[%swap3A_394, %swap3A_395] {strides = array<i32>} : memref<3x128xf32, #tpu.memory_space<vmem>>, vector<16xf32>,
      tpu.vector_store %arg16[%swap3A_394, %swap3A_395], %mul3A_392 {strides = array<i32>} : memref<3x128xf32, #tpu.memory_space<vmem>>, vector<16xf32>,
      %get3A_397 = arith.constant 2 : i32
      %get3A_398 = arith.index_cast %get3A_397 : i32 to index
      %get3A_399 = arith.constant 96 : index
      %get3A_400 = tpu.vector_load %arg15[%get3A_398, %get3A_399] {strides = array<i32>} : memref<3x128xf32, #tpu.memory_space<vmem>>, vector<16xf32>,
      %mul3A_401 = arith.mulf %get3A_400, %get3A_360 : vector<16xf32>
      %swap3A_402 = arith.constant 2 : i32
      %swap3A_403 = arith.index_cast %swap3A_402 : i32 to index
      %swap3A_404 = arith.constant 96 : index
      %swap3A_405 = tpu.vector_load %arg16[%swap3A_403, %swap3A_404] {strides = array<i32>} : memref<3x128xf32, #tpu.memory_space<vmem>>, vector<16xf32>,
      tpu.vector_store %arg16[%swap3A_403, %swap3A_404], %mul3A_401 {strides = array<i32>} : memref<3x128xf32, #tpu.memory_space<vmem>>, vector<16xf32>,
      %get3A_406 = arith.constant 112 : index
      %get3A_407 = tpu.vector_load %arg13[%get3A_406] {strides = array<i32>} : memref<128xi32, #tpu.memory_space<vmem>>, vector<16xi32>,
      %get3A_408 = arith.constant 112 : index
      %get3A_409 = tpu.vector_load %arg14[%get3A_408] {strides = array<i32>} : memref<128xf32, #tpu.memory_space<vmem>>, vector<16xf32>,
      %swap3A_410 = arith.constant 0 : i32
      %swap3A_411 = arith.index_cast %swap3A_410 : i32 to index
      %swap3A_412 = arith.constant 112 : index
      %swap3A_413 = tpu.vector_load %arg17[%swap3A_411, %swap3A_412] {strides = array<i32>} : memref<3x128xi32, #tpu.memory_space<vmem>>, vector<16xi32>,
      tpu.vector_store %arg17[%swap3A_411, %swap3A_412], %get3A_407 {strides = array<i32>} : memref<3x128xi32, #tpu.memory_space<vmem>>, vector<16xi32>,
      %add3A_414 = arith.constant 10000 : i32
      %add3A_415 = vector.broadcast %add3A_414 : i32 to vector<16xi32>
      %add3A_416 = arith.addi %get3A_407, %add3A_415 : vector<16xi32>
      %swap3A_417 = arith.constant 1 : i32
      %swap3A_418 = arith.index_cast %swap3A_417 : i32 to index
      %swap3A_419 = arith.constant 112 : index
      %swap3A_420 = tpu.vector_load %arg17[%swap3A_418, %swap3A_419] {strides = array<i32>} : memref<3x128xi32, #tpu.memory_space<vmem>>, vector<16xi32>,
      tpu.vector_store %arg17[%swap3A_418, %swap3A_419], %add3A_416 {strides = array<i32>} : memref<3x128xi32, #tpu.memory_space<vmem>>, vector<16xi32>,
      %add3A_421 = arith.constant 20000 : i32
      %add3A_422 = vector.broadcast %add3A_421 : i32 to vector<16xi32>
      %add3A_423 = arith.addi %get3A_407, %add3A_422 : vector<16xi32>
      %swap3A_424 = arith.constant 2 : i32
      %swap3A_425 = arith.index_cast %swap3A_424 : i32 to index
      %swap3A_426 = arith.constant 112 : index
      %swap3A_427 = tpu.vector_load %arg17[%swap3A_425, %swap3A_426] {strides = array<i32>} : memref<3x128xi32, #tpu.memory_space<vmem>>, vector<16xi32>,
      tpu.vector_store %arg17[%swap3A_425, %swap3A_426], %add3A_423 {strides = array<i32>} : memref<3x128xi32, #tpu.memory_space<vmem>>, vector<16xi32>,
      %get3A_428 = arith.constant 0 : i32
      %get3A_429 = arith.index_cast %get3A_428 : i32 to index
      %get3A_430 = arith.constant 112 : index
      %get3A_431 = tpu.vector_load %arg15[%get3A_429, %get3A_430] {strides = array<i32>} : memref<3x128xf32, #tpu.memory_space<vmem>>, vector<16xf32>,
      %mul3A_432 = arith.mulf %get3A_431, %get3A_409 : vector<16xf32>
      %swap3A_433 = arith.constant 0 : i32
      %swap3A_434 = arith.index_cast %swap3A_433 : i32 to index
      %swap3A_435 = arith.constant 112 : index
      %swap3A_436 = tpu.vector_load %arg16[%swap3A_434, %swap3A_435] {strides = array<i32>} : memref<3x128xf32, #tpu.memory_space<vmem>>, vector<16xf32>,
      tpu.vector_store %arg16[%swap3A_434, %swap3A_435], %mul3A_432 {strides = array<i32>} : memref<3x128xf32, #tpu.memory_space<vmem>>, vector<16xf32>,
      %get3A_437 = arith.constant 1 : i32
      %get3A_438 = arith.index_cast %get3A_437 : i32 to index
      %get3A_439 = arith.constant 112 : index
      %get3A_440 = tpu.vector_load %arg15[%get3A_438, %get3A_439] {strides = array<i32>} : memref<3x128xf32, #tpu.memory_space<vmem>>, vector<16xf32>,
      %mul3A_441 = arith.mulf %get3A_440, %get3A_409 : vector<16xf32>
      %swap3A_442 = arith.constant 1 : i32
      %swap3A_443 = arith.index_cast %swap3A_442 : i32 to index
      %swap3A_444 = arith.constant 112 : index
      %swap3A_445 = tpu.vector_load %arg16[%swap3A_443, %swap3A_444] {strides = array<i32>} : memref<3x128xf32, #tpu.memory_space<vmem>>, vector<16xf32>,
      tpu.vector_store %arg16[%swap3A_443, %swap3A_444], %mul3A_441 {strides = array<i32>} : memref<3x128xf32, #tpu.memory_space<vmem>>, vector<16xf32>,
      %get3A_446 = arith.constant 2 : i32
      %get3A_447 = arith.index_cast %get3A_446 : i32 to index
      %get3A_448 = arith.constant 112 : index
      %get3A_449 = tpu.vector_load %arg15[%get3A_447, %get3A_448] {strides = array<i32>} : memref<3x128xf32, #tpu.memory_space<vmem>>, vector<16xf32>,
      %mul3A_450 = arith.mulf %get3A_449, %get3A_409 : vector<16xf32>
      %swap3A_451 = arith.constant 2 : i32
      %swap3A_452 = arith.index_cast %swap3A_451 : i32 to index
      %swap3A_453 = arith.constant 112 : index
      %swap3A_454 = tpu.vector_load %arg16[%swap3A_452, %swap3A_453] {strides = array<i32>} : memref<3x128xf32, #tpu.memory_space<vmem>>, vector<16xf32>,
      tpu.vector_store %arg16[%swap3A_452, %swap3A_453], %mul3A_450 {strides = array<i32>} : memref<3x128xf32, #tpu.memory_space<vmem>>, vector<16xf32>,
      %run_scoped3A = arith.constant 0 : i32
      %run_scoped3A_455 = arith.constant 0 : i32
      "tpu.region"() ({
        %run_scoped3A_460 = tpu.sem_alloc : memref<!tpu.dma_semaphore, #tpu.memory_space<semaphore_mem>>
        %dma_start3A = arith.constant 0 : i32
        %dma_start3A_461 = tpu.memref_slice %arg16[%run_scoped3A, %dma_start3A] : memref<3x128xf32, #tpu.memory_space<vmem>> -> memref<1x128xf32, #tpu.memory_space<vmem>>
        %dma_start3A_462 = tpu.memref_squeeze %dma_start3A_461 : memref<1x128xf32, #tpu.memory_space<vmem>> -> memref<128xf32, #tpu.memory_space<vmem>>
        %dma_start3A_463 = arith.constant 0 : i32
        %dma_start3A_464 = tpu.memref_slice %arg17[%run_scoped3A_455, %dma_start3A_463] : memref<3x128xi32, #tpu.memory_space<vmem>> -> memref<1x128xi32, #tpu.memory_space<vmem>>
        %dma_start3A_465 = tpu.memref_squeeze %dma_start3A_464 : memref<1x128xi32, #tpu.memory_space<vmem>> -> memref<128xi32, #tpu.memory_space<vmem>>
        %dma_start3A_466 = arith.constant 0 : i32
        %dma_start3A_467 = tpu.memref_slice %arg11[%dma_start3A_466] : memref<30000xf32, #tpu.memory_space<vmem_shared>> -> memref<30000xf32, #tpu.memory_space<vmem_shared>>
        tpu.enqueue_indirect_dma source(%dma_start3A_462 : memref<128xf32, #tpu.memory_space<vmem>>) target(%dma_start3A_467 : memref<30000xf32, #tpu.memory_space<vmem_shared>>) offsets(%dma_start3A_465 : memref<128xi32, #tpu.memory_space<vmem>>) semaphore(%run_scoped3A_460 : memref<!tpu.dma_semaphore, #tpu.memory_space<semaphore_mem>>) {add = true}
        %dma_wait3A = arith.constant 0 : i32
        %dma_wait3A_468 = tpu.memref_slice %arg16[%run_scoped3A, %dma_wait3A] : memref<3x128xf32, #tpu.memory_space<vmem>> -> memref<1x128xf32, #tpu.memory_space<vmem>>
        %dma_wait3A_469 = tpu.memref_squeeze %dma_wait3A_468 : memref<1x128xf32, #tpu.memory_space<vmem>> -> memref<128xf32, #tpu.memory_space<vmem>>
        %dma_wait3A_470 = arith.constant 0 : i32
        %dma_wait3A_471 = tpu.memref_slice %arg17[%run_scoped3A_455, %dma_wait3A_470] : memref<3x128xi32, #tpu.memory_space<vmem>> -> memref<1x128xi32, #tpu.memory_space<vmem>>
        %dma_wait3A_472 = tpu.memref_squeeze %dma_wait3A_471 : memref<1x128xi32, #tpu.memory_space<vmem>> -> memref<128xi32, #tpu.memory_space<vmem>>
        %dma_wait3A_473 = arith.constant 0 : i32
        %dma_wait3A_474 = tpu.memref_slice %arg11[%dma_wait3A_473] : memref<30000xf32, #tpu.memory_space<vmem_shared>> -> memref<30000xf32, #tpu.memory_space<vmem_shared>>
        tpu.wait_indirect_dma semaphore(%run_scoped3A_460 : memref<!tpu.dma_semaphore, #tpu.memory_space<semaphore_mem>>) src(%dma_wait3A_469 : memref<128xf32, #tpu.memory_space<vmem>>) dst(%dma_wait3A_474 : memref<30000xf32, #tpu.memory_space<vmem_shared>>)
        tpu.yield
      }) : () -> ()
      %run_scoped3A_456 = arith.constant 1 : i32
      %run_scoped3A_457 = arith.constant 1 : i32
      "tpu.region"() ({
        %run_scoped3A_460 = tpu.sem_alloc : memref<!tpu.dma_semaphore, #tpu.memory_space<semaphore_mem>>
        %dma_start3A = arith.constant 0 : i32
        %dma_start3A_461 = tpu.memref_slice %arg16[%run_scoped3A_456, %dma_start3A] : memref<3x128xf32, #tpu.memory_space<vmem>> -> memref<1x128xf32, #tpu.memory_space<vmem>>
        %dma_start3A_462 = tpu.memref_squeeze %dma_start3A_461 : memref<1x128xf32, #tpu.memory_space<vmem>> -> memref<128xf32, #tpu.memory_space<vmem>>
        %dma_start3A_463 = arith.constant 0 : i32
        %dma_start3A_464 = tpu.memref_slice %arg17[%run_scoped3A_457, %dma_start3A_463] : memref<3x128xi32, #tpu.memory_space<vmem>> -> memref<1x128xi32, #tpu.memory_space<vmem>>
        %dma_start3A_465 = tpu.memref_squeeze %dma_start3A_464 : memref<1x128xi32, #tpu.memory_space<vmem>> -> memref<128xi32, #tpu.memory_space<vmem>>
        %dma_start3A_466 = arith.constant 0 : i32
        %dma_start3A_467 = tpu.memref_slice %arg11[%dma_start3A_466] : memref<30000xf32, #tpu.memory_space<vmem_shared>> -> memref<30000xf32, #tpu.memory_space<vmem_shared>>
        tpu.enqueue_indirect_dma source(%dma_start3A_462 : memref<128xf32, #tpu.memory_space<vmem>>) target(%dma_start3A_467 : memref<30000xf32, #tpu.memory_space<vmem_shared>>) offsets(%dma_start3A_465 : memref<128xi32, #tpu.memory_space<vmem>>) semaphore(%run_scoped3A_460 : memref<!tpu.dma_semaphore, #tpu.memory_space<semaphore_mem>>) {add = true}
        %dma_wait3A = arith.constant 0 : i32
        %dma_wait3A_468 = tpu.memref_slice %arg16[%run_scoped3A_456, %dma_wait3A] : memref<3x128xf32, #tpu.memory_space<vmem>> -> memref<1x128xf32, #tpu.memory_space<vmem>>
        %dma_wait3A_469 = tpu.memref_squeeze %dma_wait3A_468 : memref<1x128xf32, #tpu.memory_space<vmem>> -> memref<128xf32, #tpu.memory_space<vmem>>
        %dma_wait3A_470 = arith.constant 0 : i32
        %dma_wait3A_471 = tpu.memref_slice %arg17[%run_scoped3A_457, %dma_wait3A_470] : memref<3x128xi32, #tpu.memory_space<vmem>> -> memref<1x128xi32, #tpu.memory_space<vmem>>
        %dma_wait3A_472 = tpu.memref_squeeze %dma_wait3A_471 : memref<1x128xi32, #tpu.memory_space<vmem>> -> memref<128xi32, #tpu.memory_space<vmem>>
        %dma_wait3A_473 = arith.constant 0 : i32
        %dma_wait3A_474 = tpu.memref_slice %arg11[%dma_wait3A_473] : memref<30000xf32, #tpu.memory_space<vmem_shared>> -> memref<30000xf32, #tpu.memory_space<vmem_shared>>
        tpu.wait_indirect_dma semaphore(%run_scoped3A_460 : memref<!tpu.dma_semaphore, #tpu.memory_space<semaphore_mem>>) src(%dma_wait3A_469 : memref<128xf32, #tpu.memory_space<vmem>>) dst(%dma_wait3A_474 : memref<30000xf32, #tpu.memory_space<vmem_shared>>)
        tpu.yield
      }) : () -> ()
      %run_scoped3A_458 = arith.constant 2 : i32
      %run_scoped3A_459 = arith.constant 2 : i32
      "tpu.region"() ({
        %run_scoped3A_460 = tpu.sem_alloc : memref<!tpu.dma_semaphore, #tpu.memory_space<semaphore_mem>>
        %dma_start3A = arith.constant 0 : i32
        %dma_start3A_461 = tpu.memref_slice %arg16[%run_scoped3A_458, %dma_start3A] : memref<3x128xf32, #tpu.memory_space<vmem>> -> memref<1x128xf32, #tpu.memory_space<vmem>>
        %dma_start3A_462 = tpu.memref_squeeze %dma_start3A_461 : memref<1x128xf32, #tpu.memory_space<vmem>> -> memref<128xf32, #tpu.memory_space<vmem>>
        %dma_start3A_463 = arith.constant 0 : i32
        %dma_start3A_464 = tpu.memref_slice %arg17[%run_scoped3A_459, %dma_start3A_463] : memref<3x128xi32, #tpu.memory_space<vmem>> -> memref<1x128xi32, #tpu.memory_space<vmem>>
        %dma_start3A_465 = tpu.memref_squeeze %dma_start3A_464 : memref<1x128xi32, #tpu.memory_space<vmem>> -> memref<128xi32, #tpu.memory_space<vmem>>
        %dma_start3A_466 = arith.constant 0 : i32
        %dma_start3A_467 = tpu.memref_slice %arg11[%dma_start3A_466] : memref<30000xf32, #tpu.memory_space<vmem_shared>> -> memref<30000xf32, #tpu.memory_space<vmem_shared>>
        tpu.enqueue_indirect_dma source(%dma_start3A_462 : memref<128xf32, #tpu.memory_space<vmem>>) target(%dma_start3A_467 : memref<30000xf32, #tpu.memory_space<vmem_shared>>) offsets(%dma_start3A_465 : memref<128xi32, #tpu.memory_space<vmem>>) semaphore(%run_scoped3A_460 : memref<!tpu.dma_semaphore, #tpu.memory_space<semaphore_mem>>) {add = true}
        %dma_wait3A = arith.constant 0 : i32
        %dma_wait3A_468 = tpu.memref_slice %arg16[%run_scoped3A_458, %dma_wait3A] : memref<3x128xf32, #tpu.memory_space<vmem>> -> memref<1x128xf32, #tpu.memory_space<vmem>>
        %dma_wait3A_469 = tpu.memref_squeeze %dma_wait3A_468 : memref<1x128xf32, #tpu.memory_space<vmem>> -> memref<128xf32, #tpu.memory_space<vmem>>
        %dma_wait3A_470 = arith.constant 0 : i32
        %dma_wait3A_471 = tpu.memref_slice %arg17[%run_scoped3A_459, %dma_wait3A_470] : memref<3x128xi32, #tpu.memory_space<vmem>> -> memref<1x128xi32, #tpu.memory_space<vmem>>
        %dma_wait3A_472 = tpu.memref_squeeze %dma_wait3A_471 : memref<1x128xi32, #tpu.memory_space<vmem>> -> memref<128xi32, #tpu.memory_space<vmem>>
        %dma_wait3A_473 = arith.constant 0 : i32
        %dma_wait3A_474 = tpu.memref_slice %arg11[%dma_wait3A_473] : memref<30000xf32, #tpu.memory_space<vmem_shared>> -> memref<30000xf32, #tpu.memory_space<vmem_shared>>
        tpu.wait_indirect_dma semaphore(%run_scoped3A_460 : memref<!tpu.dma_semaphore, #tpu.memory_space<semaphore_mem>>) src(%dma_wait3A_469 : memref<128xf32, #tpu.memory_space<vmem>>) dst(%dma_wait3A_474 : memref<30000xf32, #tpu.memory_space<vmem_shared>>)
        tpu.yield
      }) : () -> ()
    }
    %barrier3A_43 = arith.constant 0 : index
    tpu.barrier barrier_id(%barrier3A_43)
    %lt3A_44 = arith.constant 15 : i32
    %lt3A_45 = arith.cmpi slt, %arg1, %lt3A_44 : i32
    %convert_element_type3A_46 = arith.extui %lt3A_45 : i1 to i32
    %cond3A_47 = arith.constant 0 : i32
    %cond3A_48 = arith.cmpi ne, %convert_element_type3A_46, %cond3A_47 : i32
    scf.if %cond3A_48 {
      "tpu.region"() ({
        %run_scoped3A = tpu.sem_alloc : memref<!tpu.dma_semaphore, #tpu.memory_space<semaphore_mem>>
        %dma_start3A = arith.constant 0 : i32
        %dma_start3A_59 = tpu.memref_slice %arg8[%arg0, %mul3A_2, %dma_start3A] : memref<2x10000x128xf32, #tpu.memory_space<hbm>> -> memref<1x632x128xf32, #tpu.memory_space<hbm>>
        %dma_start3A_60 = tpu.memref_squeeze %dma_start3A_59 : memref<1x632x128xf32, #tpu.memory_space<hbm>> -> memref<632x128xf32, #tpu.memory_space<hbm>>
        %dma_start3A_61 = arith.constant 0 : i32
        %dma_start3A_62 = tpu.memref_slice %arg10[%mul3A_2, %dma_start3A_61] : memref<10000x128xf32, #tpu.memory_space<vmem_shared>> -> memref<632x128xf32, #tpu.memory_space<vmem_shared>>
        tpu.enqueue_dma source(%dma_start3A_62 : memref<632x128xf32, #tpu.memory_space<vmem_shared>>) target(%dma_start3A_60 : memref<632x128xf32, #tpu.memory_space<hbm>>) target_semaphore(%run_scoped3A : memref<!tpu.dma_semaphore, #tpu.memory_space<semaphore_mem>>)
        %dma_wait3A = arith.constant 0 : i32
        %dma_wait3A_63 = tpu.memref_slice %arg8[%arg0, %mul3A_2, %dma_wait3A] : memref<2x10000x128xf32, #tpu.memory_space<hbm>> -> memref<1x632x128xf32, #tpu.memory_space<hbm>>
        %dma_wait3A_64 = tpu.memref_squeeze %dma_wait3A_63 : memref<1x632x128xf32, #tpu.memory_space<hbm>> -> memref<632x128xf32, #tpu.memory_space<hbm>>
        %dma_wait3A_65 = arith.constant 0 : i32
        %dma_wait3A_66 = tpu.memref_slice %arg10[%mul3A_2, %dma_wait3A_65] : memref<10000x128xf32, #tpu.memory_space<vmem_shared>> -> memref<632x128xf32, #tpu.memory_space<vmem_shared>>
        tpu.wait_dma2 semaphore(%run_scoped3A : memref<!tpu.dma_semaphore, #tpu.memory_space<semaphore_mem>>) src(%dma_wait3A_66 : memref<632x128xf32, #tpu.memory_space<vmem_shared>>) dst(%dma_wait3A_64 : memref<632x128xf32, #tpu.memory_space<hbm>>)
        tpu.yield
      }) : () -> ()
    } else {
    }
    %eq3A_49 = arith.constant 15 : i32
    %eq3A_50 = arith.cmpi eq, %arg1, %eq3A_49 : i32
    %convert_element_type3A_51 = arith.extui %eq3A_50 : i1 to i32
    %cond3A_52 = arith.constant 0 : i32
    %cond3A_53 = arith.cmpi ne, %convert_element_type3A_51, %cond3A_52 : i32
    scf.if %cond3A_53 {
      "tpu.region"() ({
        %run_scoped3A = tpu.sem_alloc : memref<!tpu.dma_semaphore, #tpu.memory_space<semaphore_mem>>
        %dma_start3A = arith.constant 0 : i32
        %dma_start3A_59 = tpu.memref_slice %arg8[%arg0, %mul3A_2, %dma_start3A] : memref<2x10000x128xf32, #tpu.memory_space<hbm>> -> memref<1x520x128xf32, #tpu.memory_space<hbm>>
        %dma_start3A_60 = tpu.memref_squeeze %dma_start3A_59 : memref<1x520x128xf32, #tpu.memory_space<hbm>> -> memref<520x128xf32, #tpu.memory_space<hbm>>
        %dma_start3A_61 = arith.constant 0 : i32
        %dma_start3A_62 = tpu.memref_slice %arg10[%mul3A_2, %dma_start3A_61] : memref<10000x128xf32, #tpu.memory_space<vmem_shared>> -> memref<520x128xf32, #tpu.memory_space<vmem_shared>>
        tpu.enqueue_dma source(%dma_start3A_62 : memref<520x128xf32, #tpu.memory_space<vmem_shared>>) target(%dma_start3A_60 : memref<520x128xf32, #tpu.memory_space<hbm>>) target_semaphore(%run_scoped3A : memref<!tpu.dma_semaphore, #tpu.memory_space<semaphore_mem>>)
        %dma_wait3A = arith.constant 0 : i32
        %dma_wait3A_63 = tpu.memref_slice %arg8[%arg0, %mul3A_2, %dma_wait3A] : memref<2x10000x128xf32, #tpu.memory_space<hbm>> -> memref<1x520x128xf32, #tpu.memory_space<hbm>>
        %dma_wait3A_64 = tpu.memref_squeeze %dma_wait3A_63 : memref<1x520x128xf32, #tpu.memory_space<hbm>> -> memref<520x128xf32, #tpu.memory_space<hbm>>
        %dma_wait3A_65 = arith.constant 0 : i32
        %dma_wait3A_66 = tpu.memref_slice %arg10[%mul3A_2, %dma_wait3A_65] : memref<10000x128xf32, #tpu.memory_space<vmem_shared>> -> memref<520x128xf32, #tpu.memory_space<vmem_shared>>
        tpu.wait_dma2 semaphore(%run_scoped3A : memref<!tpu.dma_semaphore, #tpu.memory_space<semaphore_mem>>) src(%dma_wait3A_66 : memref<520x128xf32, #tpu.memory_space<vmem_shared>>) dst(%dma_wait3A_64 : memref<520x128xf32, #tpu.memory_space<hbm>>)
        tpu.yield
      }) : () -> ()
    } else {
    }
    %eq3A_54 = arith.constant 0 : i32
    %eq3A_55 = arith.cmpi eq, %arg1, %eq3A_54 : i32
    %convert_element_type3A_56 = arith.extui %eq3A_55 : i1 to i32
    %cond3A_57 = arith.constant 0 : i32
    %cond3A_58 = arith.cmpi ne, %convert_element_type3A_56, %cond3A_57 : i32
    scf.if %cond3A_58 {
      "tpu.region"() ({
        %run_scoped3A = tpu.sem_alloc : memref<!tpu.dma_semaphore, #tpu.memory_space<semaphore_mem>>
        %dma_start3A = arith.constant 0 : i32
        %dma_start3A_59 = tpu.memref_slice %arg9[%arg0, %dma_start3A] : memref<2x30000xf32, #tpu.memory_space<hbm>> -> memref<1x30000xf32, #tpu.memory_space<hbm>>
        %dma_start3A_60 = tpu.memref_squeeze %dma_start3A_59 : memref<1x30000xf32, #tpu.memory_space<hbm>> -> memref<30000xf32, #tpu.memory_space<hbm>>
        tpu.enqueue_dma source(%arg11 : memref<30000xf32, #tpu.memory_space<vmem_shared>>) target(%dma_start3A_60 : memref<30000xf32, #tpu.memory_space<hbm>>) target_semaphore(%run_scoped3A : memref<!tpu.dma_semaphore, #tpu.memory_space<semaphore_mem>>)
        %dma_wait3A = arith.constant 0 : i32
        %dma_wait3A_61 = tpu.memref_slice %arg9[%arg0, %dma_wait3A] : memref<2x30000xf32, #tpu.memory_space<hbm>> -> memref<1x30000xf32, #tpu.memory_space<hbm>>
        %dma_wait3A_62 = tpu.memref_squeeze %dma_wait3A_61 : memref<1x30000xf32, #tpu.memory_space<hbm>> -> memref<30000xf32, #tpu.memory_space<hbm>>
        tpu.wait_dma2 semaphore(%run_scoped3A : memref<!tpu.dma_semaphore, #tpu.memory_space<semaphore_mem>>) src(%arg11 : memref<30000xf32, #tpu.memory_space<vmem_shared>>) dst(%dma_wait3A_62 : memref<30000xf32, #tpu.memory_space<hbm>>)
        tpu.yield
      }) : () -> ()
    } else {
    }
    return
  }
}

#map = affine_map<(d0, d1) -> (0, 0)>
#map1 = affine_map<(d0, d1) -> (0)>
module attributes {stable_mosaic.version = 14 : i64} {
  func.func @_edge_sc_body(%arg0: i32, %arg1: i32, %arg2: memref<10000x128xf32, #tpu.memory_space<hbm>>, %arg3: memref<30000xf32, #tpu.memory_space<hbm>>, %arg4: memref<2x320000xi32, #tpu.memory_space<hbm>>, %arg5: memref<3x320000xf32, #tpu.memory_space<hbm>>, %arg6: memref<320000x128xf32, #tpu.memory_space<hbm>>, %arg7: memref<320000x128xf32, #tpu.memory_space<hbm>>, %arg8: memref<320000xf32, #tpu.memory_space<hbm>>, %arg9: memref<320000xf32, #tpu.memory_space<hbm>>, %arg10: memref<320000xf32, #tpu.memory_space<hbm>>, %arg11: memref<30000xf32, #tpu.memory_space<vmem>>, %arg12: memref<128xi32, #tpu.memory_space<vmem>>, %arg13: memref<128xi32, #tpu.memory_space<vmem>>, %arg14: memref<3x128xf32, #tpu.memory_space<vmem>>, %arg15: memref<128x128xf32, #tpu.memory_space<vmem>>, %arg16: memref<128x128xf32, #tpu.memory_space<vmem>>, %arg17: memref<128xf32, #tpu.memory_space<vmem>>, %arg18: memref<128xf32, #tpu.memory_space<vmem>>, %arg19: memref<128xf32, #tpu.memory_space<vmem>>, %arg20: memref<!tpu.dma_semaphore, #tpu.memory_space<semaphore_mem>>, %arg21: memref<!tpu.dma_semaphore, #tpu.memory_space<semaphore_mem>>) attributes {dimension_semantics = [#tpu.dimension_semantics<core_parallel>, #tpu.dimension_semantics<subcore_parallel>], iteration_bounds = array<i64: 2, 16>, scalar_prefetch = 0 : i64, scratch_operands = 11 : i64, tpu.core_type = #tpu.core_type<sc_vector_subcore>, window_params = [{transform_indices = #map}, {transform_indices = #map1}, {transform_indices = #map}, {transform_indices = #map}, {transform_indices = #map}, {transform_indices = #map}, {transform_indices = #map1}, {transform_indices = #map1}, {transform_indices = #map1}]} {
    %mul3A = arith.constant 2 : i32
    %mul3A_0 = arith.muli %arg1, %mul3A : i32
    %add3A = arith.addi %mul3A_0, %arg0 : i32
    "tpu.region"() ({
      %run_scoped3A = tpu.sem_alloc : memref<!tpu.dma_semaphore, #tpu.memory_space<semaphore_mem>>
      tpu.enqueue_dma source(%arg3 : memref<30000xf32, #tpu.memory_space<hbm>>) target(%arg11 : memref<30000xf32, #tpu.memory_space<vmem>>) target_semaphore(%run_scoped3A : memref<!tpu.dma_semaphore, #tpu.memory_space<semaphore_mem>>)
      tpu.wait_dma2 semaphore(%run_scoped3A : memref<!tpu.dma_semaphore, #tpu.memory_space<semaphore_mem>>) src(%arg3 : memref<30000xf32, #tpu.memory_space<hbm>>) dst(%arg11 : memref<30000xf32, #tpu.memory_space<vmem>>)
      tpu.yield
    }) : () -> ()
    %sub3A = arith.constant 2499 : i32
    %sub3A_1 = arith.subi %sub3A, %add3A : i32
    %jit3A = arith.constant 32 : i32
    %div3A = arith.divsi %sub3A_1, %jit3A : i32
    %sign3A = arith.constant 0 : i32
    %sign3A_2 = arith.cmpi sgt, %sub3A_1, %sign3A : i32
    %sign3A_3 = arith.extui %sign3A_2 : i1 to i32
    %sign3A_4 = arith.constant 0 : i32
    %sign3A_5 = arith.cmpi slt, %sub3A_1, %sign3A_4 : i32
    %sign3A_6 = arith.extui %sign3A_5 : i1 to i32
    %sign3A_7 = arith.subi %sign3A_3, %sign3A_6 : i32
    %sign3A_8 = arith.constant 0 : i32
    %sign3A_9 = arith.cmpi sgt, %jit3A, %sign3A_8 : i32
    %sign3A_10 = arith.extui %sign3A_9 : i1 to i32
    %sign3A_11 = arith.constant 0 : i32
    %sign3A_12 = arith.cmpi slt, %jit3A, %sign3A_11 : i32
    %sign3A_13 = arith.extui %sign3A_12 : i1 to i32
    %sign3A_14 = arith.subi %sign3A_10, %sign3A_13 : i32
    %ne3A = arith.cmpi ne, %sign3A_7, %sign3A_14 : i32
    %rem3A = arith.remsi %sub3A_1, %jit3A : i32
    %ne3A_15 = arith.constant 0 : i32
    %ne3A_16 = arith.cmpi ne, %rem3A, %ne3A_15 : i32
    %and3A = arith.andi %ne3A, %ne3A_16 : i1
    %sub3A_17 = arith.constant 1 : i32
    %sub3A_18 = arith.subi %div3A, %sub3A_17 : i32
    %select_n3A = arith.select %and3A, %sub3A_18, %div3A : i32
    %add3A_19 = arith.constant 1 : i32
    %add3A_20 = arith.addi %select_n3A, %add3A_19 : i32
    %while3A = arith.constant 0 : i32
    %while3A_21 = arith.constant 0 : i32
    %while3A_22 = arith.subi %add3A_20, %while3A_21 : i32
    %while3A_23 = arith.addi %while3A_21, %while3A_22 : i32
    %while3A_24 = arith.constant 1 : i32
    %while3A_25 = arith.divsi %while3A_22, %while3A_24 : i32
    %while3A_26 = arith.muli %while3A_25, %while3A_24 : i32
    %while3A_27 = arith.addi %while3A_21, %while3A_26 : i32
    %while3A_28 = arith.constant 1 : i32
    scf.for %while3A_30 = %while3A_21 to %while3A_27 step %while3A_28  : i32 {
      %mul3A_31 = arith.constant 32 : i32
      %mul3A_32 = arith.muli %while3A_30, %mul3A_31 : i32
      %add3A_33 = arith.addi %add3A, %mul3A_32 : i32
      %mul3A_34 = arith.constant 128 : i32
      %mul3A_35 = arith.muli %add3A_33, %mul3A_34 : i32
      %run_scoped3A = arith.constant 0 : i32
      "tpu.region"() ({
        %run_scoped3A_604 = tpu.sem_alloc : memref<!tpu.dma_semaphore, #tpu.memory_space<semaphore_mem>>
        %dma_start3A_605 = tpu.memref_slice %arg4[%run_scoped3A, %mul3A_35] : memref<2x320000xi32, #tpu.memory_space<hbm>> -> memref<1x128xi32, #tpu.memory_space<hbm>>
        %dma_start3A_606 = tpu.memref_squeeze %dma_start3A_605 : memref<1x128xi32, #tpu.memory_space<hbm>> -> memref<128xi32, #tpu.memory_space<hbm>>
        %dma_start3A_607 = tpu.memref_slice %arg4[%run_scoped3A, %mul3A_35] : memref<2x320000xi32, #tpu.memory_space<hbm>> -> memref<1x128xi32, #tpu.memory_space<hbm>>
        %dma_start3A_608 = tpu.memref_squeeze %dma_start3A_607 : memref<1x128xi32, #tpu.memory_space<hbm>> -> memref<128xi32, #tpu.memory_space<hbm>>
        tpu.enqueue_dma source(%dma_start3A_608 : memref<128xi32, #tpu.memory_space<hbm>>) target(%arg12 : memref<128xi32, #tpu.memory_space<vmem>>) target_semaphore(%run_scoped3A_604 : memref<!tpu.dma_semaphore, #tpu.memory_space<semaphore_mem>>)
        %dma_wait3A_609 = tpu.memref_slice %arg4[%run_scoped3A, %mul3A_35] : memref<2x320000xi32, #tpu.memory_space<hbm>> -> memref<1x128xi32, #tpu.memory_space<hbm>>
        %dma_wait3A_610 = tpu.memref_squeeze %dma_wait3A_609 : memref<1x128xi32, #tpu.memory_space<hbm>> -> memref<128xi32, #tpu.memory_space<hbm>>
        %dma_wait3A_611 = tpu.memref_slice %arg4[%run_scoped3A, %mul3A_35] : memref<2x320000xi32, #tpu.memory_space<hbm>> -> memref<1x128xi32, #tpu.memory_space<hbm>>
        %dma_wait3A_612 = tpu.memref_squeeze %dma_wait3A_611 : memref<1x128xi32, #tpu.memory_space<hbm>> -> memref<128xi32, #tpu.memory_space<hbm>>
        tpu.wait_dma2 semaphore(%run_scoped3A_604 : memref<!tpu.dma_semaphore, #tpu.memory_space<semaphore_mem>>) src(%dma_wait3A_612 : memref<128xi32, #tpu.memory_space<hbm>>) dst(%arg12 : memref<128xi32, #tpu.memory_space<vmem>>)
        tpu.yield
      }) : () -> ()
      %run_scoped3A_36 = arith.constant 1 : i32
      "tpu.region"() ({
        %run_scoped3A_604 = tpu.sem_alloc : memref<!tpu.dma_semaphore, #tpu.memory_space<semaphore_mem>>
        %dma_start3A_605 = tpu.memref_slice %arg4[%run_scoped3A_36, %mul3A_35] : memref<2x320000xi32, #tpu.memory_space<hbm>> -> memref<1x128xi32, #tpu.memory_space<hbm>>
        %dma_start3A_606 = tpu.memref_squeeze %dma_start3A_605 : memref<1x128xi32, #tpu.memory_space<hbm>> -> memref<128xi32, #tpu.memory_space<hbm>>
        %dma_start3A_607 = tpu.memref_slice %arg4[%run_scoped3A_36, %mul3A_35] : memref<2x320000xi32, #tpu.memory_space<hbm>> -> memref<1x128xi32, #tpu.memory_space<hbm>>
        %dma_start3A_608 = tpu.memref_squeeze %dma_start3A_607 : memref<1x128xi32, #tpu.memory_space<hbm>> -> memref<128xi32, #tpu.memory_space<hbm>>
        tpu.enqueue_dma source(%dma_start3A_608 : memref<128xi32, #tpu.memory_space<hbm>>) target(%arg13 : memref<128xi32, #tpu.memory_space<vmem>>) target_semaphore(%run_scoped3A_604 : memref<!tpu.dma_semaphore, #tpu.memory_space<semaphore_mem>>)
        %dma_wait3A_609 = tpu.memref_slice %arg4[%run_scoped3A_36, %mul3A_35] : memref<2x320000xi32, #tpu.memory_space<hbm>> -> memref<1x128xi32, #tpu.memory_space<hbm>>
        %dma_wait3A_610 = tpu.memref_squeeze %dma_wait3A_609 : memref<1x128xi32, #tpu.memory_space<hbm>> -> memref<128xi32, #tpu.memory_space<hbm>>
        %dma_wait3A_611 = tpu.memref_slice %arg4[%run_scoped3A_36, %mul3A_35] : memref<2x320000xi32, #tpu.memory_space<hbm>> -> memref<1x128xi32, #tpu.memory_space<hbm>>
        %dma_wait3A_612 = tpu.memref_squeeze %dma_wait3A_611 : memref<1x128xi32, #tpu.memory_space<hbm>> -> memref<128xi32, #tpu.memory_space<hbm>>
        tpu.wait_dma2 semaphore(%run_scoped3A_604 : memref<!tpu.dma_semaphore, #tpu.memory_space<semaphore_mem>>) src(%dma_wait3A_612 : memref<128xi32, #tpu.memory_space<hbm>>) dst(%arg13 : memref<128xi32, #tpu.memory_space<vmem>>)
        tpu.yield
      }) : () -> ()
      "tpu.region"() ({
        %run_scoped3A_604 = tpu.sem_alloc : memref<!tpu.dma_semaphore, #tpu.memory_space<semaphore_mem>>
        %dma_start3A_605 = arith.constant 0 : i32
        %dma_start3A_606 = tpu.memref_slice %arg5[%dma_start3A_605, %mul3A_35] : memref<3x320000xf32, #tpu.memory_space<hbm>> -> memref<3x128xf32, #tpu.memory_space<hbm>>
        %dma_start3A_607 = arith.constant 0 : i32
        %dma_start3A_608 = tpu.memref_slice %arg5[%dma_start3A_607, %mul3A_35] : memref<3x320000xf32, #tpu.memory_space<hbm>> -> memref<3x128xf32, #tpu.memory_space<hbm>>
        tpu.enqueue_dma source(%dma_start3A_608 : memref<3x128xf32, #tpu.memory_space<hbm>>) target(%arg14 : memref<3x128xf32, #tpu.memory_space<vmem>>) target_semaphore(%run_scoped3A_604 : memref<!tpu.dma_semaphore, #tpu.memory_space<semaphore_mem>>)
        %dma_wait3A_609 = arith.constant 0 : i32
        %dma_wait3A_610 = tpu.memref_slice %arg5[%dma_wait3A_609, %mul3A_35] : memref<3x320000xf32, #tpu.memory_space<hbm>> -> memref<3x128xf32, #tpu.memory_space<hbm>>
        %dma_wait3A_611 = arith.constant 0 : i32
        %dma_wait3A_612 = tpu.memref_slice %arg5[%dma_wait3A_611, %mul3A_35] : memref<3x320000xf32, #tpu.memory_space<hbm>> -> memref<3x128xf32, #tpu.memory_space<hbm>>
        tpu.wait_dma2 semaphore(%run_scoped3A_604 : memref<!tpu.dma_semaphore, #tpu.memory_space<semaphore_mem>>) src(%dma_wait3A_612 : memref<3x128xf32, #tpu.memory_space<hbm>>) dst(%arg14 : memref<3x128xf32, #tpu.memory_space<vmem>>)
        tpu.yield
      }) : () -> ()
      %dma_start3A = arith.constant 0 : i32
      %dma_start3A_37 = arith.constant 0 : i32
      %dma_start3A_38 = tpu.memref_slice %arg2[%dma_start3A, %dma_start3A_37] : memref<10000x128xf32, #tpu.memory_space<hbm>> -> memref<10000x128xf32, #tpu.memory_space<hbm>>
      tpu.enqueue_indirect_dma source(%dma_start3A_38 : memref<10000x128xf32, #tpu.memory_space<hbm>>) target(%arg15 : memref<128x128xf32, #tpu.memory_space<vmem>>) offsets(%arg12 : memref<128xi32, #tpu.memory_space<vmem>>) semaphore(%arg20 : memref<!tpu.dma_semaphore, #tpu.memory_space<semaphore_mem>>)
      %dma_start3A_39 = arith.constant 0 : i32
      %dma_start3A_40 = arith.constant 0 : i32
      %dma_start3A_41 = tpu.memref_slice %arg2[%dma_start3A_39, %dma_start3A_40] : memref<10000x128xf32, #tpu.memory_space<hbm>> -> memref<10000x128xf32, #tpu.memory_space<hbm>>
      tpu.enqueue_indirect_dma source(%dma_start3A_41 : memref<10000x128xf32, #tpu.memory_space<hbm>>) target(%arg16 : memref<128x128xf32, #tpu.memory_space<vmem>>) offsets(%arg13 : memref<128xi32, #tpu.memory_space<vmem>>) semaphore(%arg21 : memref<!tpu.dma_semaphore, #tpu.memory_space<semaphore_mem>>)
      %get3A = arith.constant 0 : index
      %get3A_42 = tpu.vector_load %arg12[%get3A] {strides = array<i32>} : memref<128xi32, #tpu.memory_space<vmem>>, vector<16xi32>,
      %get3A_43 = arith.constant 0 : index
      %get3A_44 = tpu.vector_load %arg13[%get3A_43] {strides = array<i32>} : memref<128xi32, #tpu.memory_space<vmem>>, vector<16xi32>,
      %gather3A = tpu.vector_load_idx %arg11[%get3A_42] : memref<30000xf32, #tpu.memory_space<vmem>>[vector<16xi32>], vector<16xf32>,
      %add3A_45 = arith.constant 10000 : i32
      %add3A_46 = vector.broadcast %add3A_45 : i32 to vector<16xi32>
      %add3A_47 = arith.addi %get3A_42, %add3A_46 : vector<16xi32>
      %gather3A_48 = tpu.vector_load_idx %arg11[%add3A_47] : memref<30000xf32, #tpu.memory_space<vmem>>[vector<16xi32>], vector<16xf32>,
      %add3A_49 = arith.constant 20000 : i32
      %add3A_50 = vector.broadcast %add3A_49 : i32 to vector<16xi32>
      %add3A_51 = arith.addi %get3A_42, %add3A_50 : vector<16xi32>
      %gather3A_52 = tpu.vector_load_idx %arg11[%add3A_51] : memref<30000xf32, #tpu.memory_space<vmem>>[vector<16xi32>], vector<16xf32>,
      %gather3A_53 = tpu.vector_load_idx %arg11[%get3A_44] : memref<30000xf32, #tpu.memory_space<vmem>>[vector<16xi32>], vector<16xf32>,
      %add3A_54 = arith.constant 10000 : i32
      %add3A_55 = vector.broadcast %add3A_54 : i32 to vector<16xi32>
      %add3A_56 = arith.addi %get3A_44, %add3A_55 : vector<16xi32>
      %gather3A_57 = tpu.vector_load_idx %arg11[%add3A_56] : memref<30000xf32, #tpu.memory_space<vmem>>[vector<16xi32>], vector<16xf32>,
      %add3A_58 = arith.constant 20000 : i32
      %add3A_59 = vector.broadcast %add3A_58 : i32 to vector<16xi32>
      %add3A_60 = arith.addi %get3A_44, %add3A_59 : vector<16xi32>
      %gather3A_61 = tpu.vector_load_idx %arg11[%add3A_60] : memref<30000xf32, #tpu.memory_space<vmem>>[vector<16xi32>], vector<16xf32>,
      %get3A_62 = arith.constant 0 : i32
      %get3A_63 = arith.index_cast %get3A_62 : i32 to index
      %get3A_64 = arith.constant 0 : index
      %get3A_65 = tpu.vector_load %arg14[%get3A_63, %get3A_64] {strides = array<i32>} : memref<3x128xf32, #tpu.memory_space<vmem>>, vector<16xf32>,
      %get3A_66 = arith.constant 1 : i32
      %get3A_67 = arith.index_cast %get3A_66 : i32 to index
      %get3A_68 = arith.constant 0 : index
      %get3A_69 = tpu.vector_load %arg14[%get3A_67, %get3A_68] {strides = array<i32>} : memref<3x128xf32, #tpu.memory_space<vmem>>, vector<16xf32>,
      %get3A_70 = arith.constant 2 : i32
      %get3A_71 = arith.index_cast %get3A_70 : i32 to index
      %get3A_72 = arith.constant 0 : index
      %get3A_73 = tpu.vector_load %arg14[%get3A_71, %get3A_72] {strides = array<i32>} : memref<3x128xf32, #tpu.memory_space<vmem>>, vector<16xf32>,
      %mul3A_74 = arith.mulf %gather3A, %get3A_65 : vector<16xf32>
      %mul3A_75 = arith.mulf %gather3A_48, %get3A_69 : vector<16xf32>
      %add3A_76 = arith.addf %mul3A_74, %mul3A_75 : vector<16xf32>
      %mul3A_77 = arith.mulf %gather3A_52, %get3A_73 : vector<16xf32>
      %add3A_78 = arith.addf %add3A_76, %mul3A_77 : vector<16xf32>
      %sub3A_79 = arith.constant 1.000000e+00 : f32
      %sub3A_80 = vector.broadcast %sub3A_79 : f32 to vector<16xf32>
      %sub3A_81 = arith.subf %sub3A_80, %add3A_78 : vector<16xf32>
      %swap3A = arith.constant 0 : index
      %swap3A_82 = tpu.vector_load %arg17[%swap3A] {strides = array<i32>} : memref<128xf32, #tpu.memory_space<vmem>>, vector<16xf32>,
      tpu.vector_store %arg17[%swap3A], %sub3A_81 {strides = array<i32>} : memref<128xf32, #tpu.memory_space<vmem>>, vector<16xf32>,
      %mul3A_83 = arith.mulf %gather3A_53, %get3A_65 : vector<16xf32>
      %mul3A_84 = arith.mulf %gather3A_57, %get3A_69 : vector<16xf32>
      %add3A_85 = arith.addf %mul3A_83, %mul3A_84 : vector<16xf32>
      %mul3A_86 = arith.mulf %gather3A_61, %get3A_73 : vector<16xf32>
      %add3A_87 = arith.addf %add3A_85, %mul3A_86 : vector<16xf32>
      %add3A_88 = arith.constant 1.000000e+00 : f32
      %add3A_89 = vector.broadcast %add3A_88 : f32 to vector<16xf32>
      %add3A_90 = arith.addf %add3A_89, %add3A_87 : vector<16xf32>
      %swap3A_91 = arith.constant 0 : index
      %swap3A_92 = tpu.vector_load %arg18[%swap3A_91] {strides = array<i32>} : memref<128xf32, #tpu.memory_space<vmem>>, vector<16xf32>,
      tpu.vector_store %arg18[%swap3A_91], %add3A_90 {strides = array<i32>} : memref<128xf32, #tpu.memory_space<vmem>>, vector<16xf32>,
      %mul3A_93 = arith.mulf %gather3A_48, %gather3A_61 : vector<16xf32>
      %mul3A_94 = arith.mulf %gather3A_52, %gather3A_57 : vector<16xf32>
      %sub3A_95 = arith.subf %mul3A_93, %mul3A_94 : vector<16xf32>
      %mul3A_96 = arith.mulf %gather3A_52, %gather3A_53 : vector<16xf32>
      %mul3A_97 = arith.mulf %gather3A, %gather3A_61 : vector<16xf32>
      %sub3A_98 = arith.subf %mul3A_96, %mul3A_97 : vector<16xf32>
      %mul3A_99 = arith.mulf %gather3A, %gather3A_57 : vector<16xf32>
      %mul3A_100 = arith.mulf %gather3A_48, %gather3A_53 : vector<16xf32>
      %sub3A_101 = arith.subf %mul3A_99, %mul3A_100 : vector<16xf32>
      %mul3A_102 = arith.mulf %sub3A_95, %sub3A_95 : vector<16xf32>
      %mul3A_103 = arith.mulf %sub3A_98, %sub3A_98 : vector<16xf32>
      %add3A_104 = arith.addf %mul3A_102, %mul3A_103 : vector<16xf32>
      %mul3A_105 = arith.mulf %sub3A_101, %sub3A_101 : vector<16xf32>
      %add3A_106 = arith.addf %add3A_104, %mul3A_105 : vector<16xf32>
      %swap3A_107 = arith.constant 0 : index
      %swap3A_108 = tpu.vector_load %arg19[%swap3A_107] {strides = array<i32>} : memref<128xf32, #tpu.memory_space<vmem>>, vector<16xf32>,
      tpu.vector_store %arg19[%swap3A_107], %add3A_106 {strides = array<i32>} : memref<128xf32, #tpu.memory_space<vmem>>, vector<16xf32>,
      %get3A_109 = arith.constant 16 : index
      %get3A_110 = tpu.vector_load %arg12[%get3A_109] {strides = array<i32>} : memref<128xi32, #tpu.memory_space<vmem>>, vector<16xi32>,
      %get3A_111 = arith.constant 16 : index
      %get3A_112 = tpu.vector_load %arg13[%get3A_111] {strides = array<i32>} : memref<128xi32, #tpu.memory_space<vmem>>, vector<16xi32>,
      %gather3A_113 = tpu.vector_load_idx %arg11[%get3A_110] : memref<30000xf32, #tpu.memory_space<vmem>>[vector<16xi32>], vector<16xf32>,
      %add3A_114 = arith.constant 10000 : i32
      %add3A_115 = vector.broadcast %add3A_114 : i32 to vector<16xi32>
      %add3A_116 = arith.addi %get3A_110, %add3A_115 : vector<16xi32>
      %gather3A_117 = tpu.vector_load_idx %arg11[%add3A_116] : memref<30000xf32, #tpu.memory_space<vmem>>[vector<16xi32>], vector<16xf32>,
      %add3A_118 = arith.constant 20000 : i32
      %add3A_119 = vector.broadcast %add3A_118 : i32 to vector<16xi32>
      %add3A_120 = arith.addi %get3A_110, %add3A_119 : vector<16xi32>
      %gather3A_121 = tpu.vector_load_idx %arg11[%add3A_120] : memref<30000xf32, #tpu.memory_space<vmem>>[vector<16xi32>], vector<16xf32>,
      %gather3A_122 = tpu.vector_load_idx %arg11[%get3A_112] : memref<30000xf32, #tpu.memory_space<vmem>>[vector<16xi32>], vector<16xf32>,
      %add3A_123 = arith.constant 10000 : i32
      %add3A_124 = vector.broadcast %add3A_123 : i32 to vector<16xi32>
      %add3A_125 = arith.addi %get3A_112, %add3A_124 : vector<16xi32>
      %gather3A_126 = tpu.vector_load_idx %arg11[%add3A_125] : memref<30000xf32, #tpu.memory_space<vmem>>[vector<16xi32>], vector<16xf32>,
      %add3A_127 = arith.constant 20000 : i32
      %add3A_128 = vector.broadcast %add3A_127 : i32 to vector<16xi32>
      %add3A_129 = arith.addi %get3A_112, %add3A_128 : vector<16xi32>
      %gather3A_130 = tpu.vector_load_idx %arg11[%add3A_129] : memref<30000xf32, #tpu.memory_space<vmem>>[vector<16xi32>], vector<16xf32>,
      %get3A_131 = arith.constant 0 : i32
      %get3A_132 = arith.index_cast %get3A_131 : i32 to index
      %get3A_133 = arith.constant 16 : index
      %get3A_134 = tpu.vector_load %arg14[%get3A_132, %get3A_133] {strides = array<i32>} : memref<3x128xf32, #tpu.memory_space<vmem>>, vector<16xf32>,
      %get3A_135 = arith.constant 1 : i32
      %get3A_136 = arith.index_cast %get3A_135 : i32 to index
      %get3A_137 = arith.constant 16 : index
      %get3A_138 = tpu.vector_load %arg14[%get3A_136, %get3A_137] {strides = array<i32>} : memref<3x128xf32, #tpu.memory_space<vmem>>, vector<16xf32>,
      %get3A_139 = arith.constant 2 : i32
      %get3A_140 = arith.index_cast %get3A_139 : i32 to index
      %get3A_141 = arith.constant 16 : index
      %get3A_142 = tpu.vector_load %arg14[%get3A_140, %get3A_141] {strides = array<i32>} : memref<3x128xf32, #tpu.memory_space<vmem>>, vector<16xf32>,
      %mul3A_143 = arith.mulf %gather3A_113, %get3A_134 : vector<16xf32>
      %mul3A_144 = arith.mulf %gather3A_117, %get3A_138 : vector<16xf32>
      %add3A_145 = arith.addf %mul3A_143, %mul3A_144 : vector<16xf32>
      %mul3A_146 = arith.mulf %gather3A_121, %get3A_142 : vector<16xf32>
      %add3A_147 = arith.addf %add3A_145, %mul3A_146 : vector<16xf32>
      %sub3A_148 = arith.constant 1.000000e+00 : f32
      %sub3A_149 = vector.broadcast %sub3A_148 : f32 to vector<16xf32>
      %sub3A_150 = arith.subf %sub3A_149, %add3A_147 : vector<16xf32>
      %swap3A_151 = arith.constant 16 : index
      %swap3A_152 = tpu.vector_load %arg17[%swap3A_151] {strides = array<i32>} : memref<128xf32, #tpu.memory_space<vmem>>, vector<16xf32>,
      tpu.vector_store %arg17[%swap3A_151], %sub3A_150 {strides = array<i32>} : memref<128xf32, #tpu.memory_space<vmem>>, vector<16xf32>,
      %mul3A_153 = arith.mulf %gather3A_122, %get3A_134 : vector<16xf32>
      %mul3A_154 = arith.mulf %gather3A_126, %get3A_138 : vector<16xf32>
      %add3A_155 = arith.addf %mul3A_153, %mul3A_154 : vector<16xf32>
      %mul3A_156 = arith.mulf %gather3A_130, %get3A_142 : vector<16xf32>
      %add3A_157 = arith.addf %add3A_155, %mul3A_156 : vector<16xf32>
      %add3A_158 = arith.constant 1.000000e+00 : f32
      %add3A_159 = vector.broadcast %add3A_158 : f32 to vector<16xf32>
      %add3A_160 = arith.addf %add3A_159, %add3A_157 : vector<16xf32>
      %swap3A_161 = arith.constant 16 : index
      %swap3A_162 = tpu.vector_load %arg18[%swap3A_161] {strides = array<i32>} : memref<128xf32, #tpu.memory_space<vmem>>, vector<16xf32>,
      tpu.vector_store %arg18[%swap3A_161], %add3A_160 {strides = array<i32>} : memref<128xf32, #tpu.memory_space<vmem>>, vector<16xf32>,
      %mul3A_163 = arith.mulf %gather3A_117, %gather3A_130 : vector<16xf32>
      %mul3A_164 = arith.mulf %gather3A_121, %gather3A_126 : vector<16xf32>
      %sub3A_165 = arith.subf %mul3A_163, %mul3A_164 : vector<16xf32>
      %mul3A_166 = arith.mulf %gather3A_121, %gather3A_122 : vector<16xf32>
      %mul3A_167 = arith.mulf %gather3A_113, %gather3A_130 : vector<16xf32>
      %sub3A_168 = arith.subf %mul3A_166, %mul3A_167 : vector<16xf32>
      %mul3A_169 = arith.mulf %gather3A_113, %gather3A_126 : vector<16xf32>
      %mul3A_170 = arith.mulf %gather3A_117, %gather3A_122 : vector<16xf32>
      %sub3A_171 = arith.subf %mul3A_169, %mul3A_170 : vector<16xf32>
      %mul3A_172 = arith.mulf %sub3A_165, %sub3A_165 : vector<16xf32>
      %mul3A_173 = arith.mulf %sub3A_168, %sub3A_168 : vector<16xf32>
      %add3A_174 = arith.addf %mul3A_172, %mul3A_173 : vector<16xf32>
      %mul3A_175 = arith.mulf %sub3A_171, %sub3A_171 : vector<16xf32>
      %add3A_176 = arith.addf %add3A_174, %mul3A_175 : vector<16xf32>
      %swap3A_177 = arith.constant 16 : index
      %swap3A_178 = tpu.vector_load %arg19[%swap3A_177] {strides = array<i32>} : memref<128xf32, #tpu.memory_space<vmem>>, vector<16xf32>,
      tpu.vector_store %arg19[%swap3A_177], %add3A_176 {strides = array<i32>} : memref<128xf32, #tpu.memory_space<vmem>>, vector<16xf32>,
      %get3A_179 = arith.constant 32 : index
      %get3A_180 = tpu.vector_load %arg12[%get3A_179] {strides = array<i32>} : memref<128xi32, #tpu.memory_space<vmem>>, vector<16xi32>,
      %get3A_181 = arith.constant 32 : index
      %get3A_182 = tpu.vector_load %arg13[%get3A_181] {strides = array<i32>} : memref<128xi32, #tpu.memory_space<vmem>>, vector<16xi32>,
      %gather3A_183 = tpu.vector_load_idx %arg11[%get3A_180] : memref<30000xf32, #tpu.memory_space<vmem>>[vector<16xi32>], vector<16xf32>,
      %add3A_184 = arith.constant 10000 : i32
      %add3A_185 = vector.broadcast %add3A_184 : i32 to vector<16xi32>
      %add3A_186 = arith.addi %get3A_180, %add3A_185 : vector<16xi32>
      %gather3A_187 = tpu.vector_load_idx %arg11[%add3A_186] : memref<30000xf32, #tpu.memory_space<vmem>>[vector<16xi32>], vector<16xf32>,
      %add3A_188 = arith.constant 20000 : i32
      %add3A_189 = vector.broadcast %add3A_188 : i32 to vector<16xi32>
      %add3A_190 = arith.addi %get3A_180, %add3A_189 : vector<16xi32>
      %gather3A_191 = tpu.vector_load_idx %arg11[%add3A_190] : memref<30000xf32, #tpu.memory_space<vmem>>[vector<16xi32>], vector<16xf32>,
      %gather3A_192 = tpu.vector_load_idx %arg11[%get3A_182] : memref<30000xf32, #tpu.memory_space<vmem>>[vector<16xi32>], vector<16xf32>,
      %add3A_193 = arith.constant 10000 : i32
      %add3A_194 = vector.broadcast %add3A_193 : i32 to vector<16xi32>
      %add3A_195 = arith.addi %get3A_182, %add3A_194 : vector<16xi32>
      %gather3A_196 = tpu.vector_load_idx %arg11[%add3A_195] : memref<30000xf32, #tpu.memory_space<vmem>>[vector<16xi32>], vector<16xf32>,
      %add3A_197 = arith.constant 20000 : i32
      %add3A_198 = vector.broadcast %add3A_197 : i32 to vector<16xi32>
      %add3A_199 = arith.addi %get3A_182, %add3A_198 : vector<16xi32>
      %gather3A_200 = tpu.vector_load_idx %arg11[%add3A_199] : memref<30000xf32, #tpu.memory_space<vmem>>[vector<16xi32>], vector<16xf32>,
      %get3A_201 = arith.constant 0 : i32
      %get3A_202 = arith.index_cast %get3A_201 : i32 to index
      %get3A_203 = arith.constant 32 : index
      %get3A_204 = tpu.vector_load %arg14[%get3A_202, %get3A_203] {strides = array<i32>} : memref<3x128xf32, #tpu.memory_space<vmem>>, vector<16xf32>,
      %get3A_205 = arith.constant 1 : i32
      %get3A_206 = arith.index_cast %get3A_205 : i32 to index
      %get3A_207 = arith.constant 32 : index
      %get3A_208 = tpu.vector_load %arg14[%get3A_206, %get3A_207] {strides = array<i32>} : memref<3x128xf32, #tpu.memory_space<vmem>>, vector<16xf32>,
      %get3A_209 = arith.constant 2 : i32
      %get3A_210 = arith.index_cast %get3A_209 : i32 to index
      %get3A_211 = arith.constant 32 : index
      %get3A_212 = tpu.vector_load %arg14[%get3A_210, %get3A_211] {strides = array<i32>} : memref<3x128xf32, #tpu.memory_space<vmem>>, vector<16xf32>,
      %mul3A_213 = arith.mulf %gather3A_183, %get3A_204 : vector<16xf32>
      %mul3A_214 = arith.mulf %gather3A_187, %get3A_208 : vector<16xf32>
      %add3A_215 = arith.addf %mul3A_213, %mul3A_214 : vector<16xf32>
      %mul3A_216 = arith.mulf %gather3A_191, %get3A_212 : vector<16xf32>
      %add3A_217 = arith.addf %add3A_215, %mul3A_216 : vector<16xf32>
      %sub3A_218 = arith.constant 1.000000e+00 : f32
      %sub3A_219 = vector.broadcast %sub3A_218 : f32 to vector<16xf32>
      %sub3A_220 = arith.subf %sub3A_219, %add3A_217 : vector<16xf32>
      %swap3A_221 = arith.constant 32 : index
      %swap3A_222 = tpu.vector_load %arg17[%swap3A_221] {strides = array<i32>} : memref<128xf32, #tpu.memory_space<vmem>>, vector<16xf32>,
      tpu.vector_store %arg17[%swap3A_221], %sub3A_220 {strides = array<i32>} : memref<128xf32, #tpu.memory_space<vmem>>, vector<16xf32>,
      %mul3A_223 = arith.mulf %gather3A_192, %get3A_204 : vector<16xf32>
      %mul3A_224 = arith.mulf %gather3A_196, %get3A_208 : vector<16xf32>
      %add3A_225 = arith.addf %mul3A_223, %mul3A_224 : vector<16xf32>
      %mul3A_226 = arith.mulf %gather3A_200, %get3A_212 : vector<16xf32>
      %add3A_227 = arith.addf %add3A_225, %mul3A_226 : vector<16xf32>
      %add3A_228 = arith.constant 1.000000e+00 : f32
      %add3A_229 = vector.broadcast %add3A_228 : f32 to vector<16xf32>
      %add3A_230 = arith.addf %add3A_229, %add3A_227 : vector<16xf32>
      %swap3A_231 = arith.constant 32 : index
      %swap3A_232 = tpu.vector_load %arg18[%swap3A_231] {strides = array<i32>} : memref<128xf32, #tpu.memory_space<vmem>>, vector<16xf32>,
      tpu.vector_store %arg18[%swap3A_231], %add3A_230 {strides = array<i32>} : memref<128xf32, #tpu.memory_space<vmem>>, vector<16xf32>,
      %mul3A_233 = arith.mulf %gather3A_187, %gather3A_200 : vector<16xf32>
      %mul3A_234 = arith.mulf %gather3A_191, %gather3A_196 : vector<16xf32>
      %sub3A_235 = arith.subf %mul3A_233, %mul3A_234 : vector<16xf32>
      %mul3A_236 = arith.mulf %gather3A_191, %gather3A_192 : vector<16xf32>
      %mul3A_237 = arith.mulf %gather3A_183, %gather3A_200 : vector<16xf32>
      %sub3A_238 = arith.subf %mul3A_236, %mul3A_237 : vector<16xf32>
      %mul3A_239 = arith.mulf %gather3A_183, %gather3A_196 : vector<16xf32>
      %mul3A_240 = arith.mulf %gather3A_187, %gather3A_192 : vector<16xf32>
      %sub3A_241 = arith.subf %mul3A_239, %mul3A_240 : vector<16xf32>
      %mul3A_242 = arith.mulf %sub3A_235, %sub3A_235 : vector<16xf32>
      %mul3A_243 = arith.mulf %sub3A_238, %sub3A_238 : vector<16xf32>
      %add3A_244 = arith.addf %mul3A_242, %mul3A_243 : vector<16xf32>
      %mul3A_245 = arith.mulf %sub3A_241, %sub3A_241 : vector<16xf32>
      %add3A_246 = arith.addf %add3A_244, %mul3A_245 : vector<16xf32>
      %swap3A_247 = arith.constant 32 : index
      %swap3A_248 = tpu.vector_load %arg19[%swap3A_247] {strides = array<i32>} : memref<128xf32, #tpu.memory_space<vmem>>, vector<16xf32>,
      tpu.vector_store %arg19[%swap3A_247], %add3A_246 {strides = array<i32>} : memref<128xf32, #tpu.memory_space<vmem>>, vector<16xf32>,
      %get3A_249 = arith.constant 48 : index
      %get3A_250 = tpu.vector_load %arg12[%get3A_249] {strides = array<i32>} : memref<128xi32, #tpu.memory_space<vmem>>, vector<16xi32>,
      %get3A_251 = arith.constant 48 : index
      %get3A_252 = tpu.vector_load %arg13[%get3A_251] {strides = array<i32>} : memref<128xi32, #tpu.memory_space<vmem>>, vector<16xi32>,
      %gather3A_253 = tpu.vector_load_idx %arg11[%get3A_250] : memref<30000xf32, #tpu.memory_space<vmem>>[vector<16xi32>], vector<16xf32>,
      %add3A_254 = arith.constant 10000 : i32
      %add3A_255 = vector.broadcast %add3A_254 : i32 to vector<16xi32>
      %add3A_256 = arith.addi %get3A_250, %add3A_255 : vector<16xi32>
      %gather3A_257 = tpu.vector_load_idx %arg11[%add3A_256] : memref<30000xf32, #tpu.memory_space<vmem>>[vector<16xi32>], vector<16xf32>,
      %add3A_258 = arith.constant 20000 : i32
      %add3A_259 = vector.broadcast %add3A_258 : i32 to vector<16xi32>
      %add3A_260 = arith.addi %get3A_250, %add3A_259 : vector<16xi32>
      %gather3A_261 = tpu.vector_load_idx %arg11[%add3A_260] : memref<30000xf32, #tpu.memory_space<vmem>>[vector<16xi32>], vector<16xf32>,
      %gather3A_262 = tpu.vector_load_idx %arg11[%get3A_252] : memref<30000xf32, #tpu.memory_space<vmem>>[vector<16xi32>], vector<16xf32>,
      %add3A_263 = arith.constant 10000 : i32
      %add3A_264 = vector.broadcast %add3A_263 : i32 to vector<16xi32>
      %add3A_265 = arith.addi %get3A_252, %add3A_264 : vector<16xi32>
      %gather3A_266 = tpu.vector_load_idx %arg11[%add3A_265] : memref<30000xf32, #tpu.memory_space<vmem>>[vector<16xi32>], vector<16xf32>,
      %add3A_267 = arith.constant 20000 : i32
      %add3A_268 = vector.broadcast %add3A_267 : i32 to vector<16xi32>
      %add3A_269 = arith.addi %get3A_252, %add3A_268 : vector<16xi32>
      %gather3A_270 = tpu.vector_load_idx %arg11[%add3A_269] : memref<30000xf32, #tpu.memory_space<vmem>>[vector<16xi32>], vector<16xf32>,
      %get3A_271 = arith.constant 0 : i32
      %get3A_272 = arith.index_cast %get3A_271 : i32 to index
      %get3A_273 = arith.constant 48 : index
      %get3A_274 = tpu.vector_load %arg14[%get3A_272, %get3A_273] {strides = array<i32>} : memref<3x128xf32, #tpu.memory_space<vmem>>, vector<16xf32>,
      %get3A_275 = arith.constant 1 : i32
      %get3A_276 = arith.index_cast %get3A_275 : i32 to index
      %get3A_277 = arith.constant 48 : index
      %get3A_278 = tpu.vector_load %arg14[%get3A_276, %get3A_277] {strides = array<i32>} : memref<3x128xf32, #tpu.memory_space<vmem>>, vector<16xf32>,
      %get3A_279 = arith.constant 2 : i32
      %get3A_280 = arith.index_cast %get3A_279 : i32 to index
      %get3A_281 = arith.constant 48 : index
      %get3A_282 = tpu.vector_load %arg14[%get3A_280, %get3A_281] {strides = array<i32>} : memref<3x128xf32, #tpu.memory_space<vmem>>, vector<16xf32>,
      %mul3A_283 = arith.mulf %gather3A_253, %get3A_274 : vector<16xf32>
      %mul3A_284 = arith.mulf %gather3A_257, %get3A_278 : vector<16xf32>
      %add3A_285 = arith.addf %mul3A_283, %mul3A_284 : vector<16xf32>
      %mul3A_286 = arith.mulf %gather3A_261, %get3A_282 : vector<16xf32>
      %add3A_287 = arith.addf %add3A_285, %mul3A_286 : vector<16xf32>
      %sub3A_288 = arith.constant 1.000000e+00 : f32
      %sub3A_289 = vector.broadcast %sub3A_288 : f32 to vector<16xf32>
      %sub3A_290 = arith.subf %sub3A_289, %add3A_287 : vector<16xf32>
      %swap3A_291 = arith.constant 48 : index
      %swap3A_292 = tpu.vector_load %arg17[%swap3A_291] {strides = array<i32>} : memref<128xf32, #tpu.memory_space<vmem>>, vector<16xf32>,
      tpu.vector_store %arg17[%swap3A_291], %sub3A_290 {strides = array<i32>} : memref<128xf32, #tpu.memory_space<vmem>>, vector<16xf32>,
      %mul3A_293 = arith.mulf %gather3A_262, %get3A_274 : vector<16xf32>
      %mul3A_294 = arith.mulf %gather3A_266, %get3A_278 : vector<16xf32>
      %add3A_295 = arith.addf %mul3A_293, %mul3A_294 : vector<16xf32>
      %mul3A_296 = arith.mulf %gather3A_270, %get3A_282 : vector<16xf32>
      %add3A_297 = arith.addf %add3A_295, %mul3A_296 : vector<16xf32>
      %add3A_298 = arith.constant 1.000000e+00 : f32
      %add3A_299 = vector.broadcast %add3A_298 : f32 to vector<16xf32>
      %add3A_300 = arith.addf %add3A_299, %add3A_297 : vector<16xf32>
      %swap3A_301 = arith.constant 48 : index
      %swap3A_302 = tpu.vector_load %arg18[%swap3A_301] {strides = array<i32>} : memref<128xf32, #tpu.memory_space<vmem>>, vector<16xf32>,
      tpu.vector_store %arg18[%swap3A_301], %add3A_300 {strides = array<i32>} : memref<128xf32, #tpu.memory_space<vmem>>, vector<16xf32>,
      %mul3A_303 = arith.mulf %gather3A_257, %gather3A_270 : vector<16xf32>
      %mul3A_304 = arith.mulf %gather3A_261, %gather3A_266 : vector<16xf32>
      %sub3A_305 = arith.subf %mul3A_303, %mul3A_304 : vector<16xf32>
      %mul3A_306 = arith.mulf %gather3A_261, %gather3A_262 : vector<16xf32>
      %mul3A_307 = arith.mulf %gather3A_253, %gather3A_270 : vector<16xf32>
      %sub3A_308 = arith.subf %mul3A_306, %mul3A_307 : vector<16xf32>
      %mul3A_309 = arith.mulf %gather3A_253, %gather3A_266 : vector<16xf32>
      %mul3A_310 = arith.mulf %gather3A_257, %gather3A_262 : vector<16xf32>
      %sub3A_311 = arith.subf %mul3A_309, %mul3A_310 : vector<16xf32>
      %mul3A_312 = arith.mulf %sub3A_305, %sub3A_305 : vector<16xf32>
      %mul3A_313 = arith.mulf %sub3A_308, %sub3A_308 : vector<16xf32>
      %add3A_314 = arith.addf %mul3A_312, %mul3A_313 : vector<16xf32>
      %mul3A_315 = arith.mulf %sub3A_311, %sub3A_311 : vector<16xf32>
      %add3A_316 = arith.addf %add3A_314, %mul3A_315 : vector<16xf32>
      %swap3A_317 = arith.constant 48 : index
      %swap3A_318 = tpu.vector_load %arg19[%swap3A_317] {strides = array<i32>} : memref<128xf32, #tpu.memory_space<vmem>>, vector<16xf32>,
      tpu.vector_store %arg19[%swap3A_317], %add3A_316 {strides = array<i32>} : memref<128xf32, #tpu.memory_space<vmem>>, vector<16xf32>,
      %get3A_319 = arith.constant 64 : index
      %get3A_320 = tpu.vector_load %arg12[%get3A_319] {strides = array<i32>} : memref<128xi32, #tpu.memory_space<vmem>>, vector<16xi32>,
      %get3A_321 = arith.constant 64 : index
      %get3A_322 = tpu.vector_load %arg13[%get3A_321] {strides = array<i32>} : memref<128xi32, #tpu.memory_space<vmem>>, vector<16xi32>,
      %gather3A_323 = tpu.vector_load_idx %arg11[%get3A_320] : memref<30000xf32, #tpu.memory_space<vmem>>[vector<16xi32>], vector<16xf32>,
      %add3A_324 = arith.constant 10000 : i32
      %add3A_325 = vector.broadcast %add3A_324 : i32 to vector<16xi32>
      %add3A_326 = arith.addi %get3A_320, %add3A_325 : vector<16xi32>
      %gather3A_327 = tpu.vector_load_idx %arg11[%add3A_326] : memref<30000xf32, #tpu.memory_space<vmem>>[vector<16xi32>], vector<16xf32>,
      %add3A_328 = arith.constant 20000 : i32
      %add3A_329 = vector.broadcast %add3A_328 : i32 to vector<16xi32>
      %add3A_330 = arith.addi %get3A_320, %add3A_329 : vector<16xi32>
      %gather3A_331 = tpu.vector_load_idx %arg11[%add3A_330] : memref<30000xf32, #tpu.memory_space<vmem>>[vector<16xi32>], vector<16xf32>,
      %gather3A_332 = tpu.vector_load_idx %arg11[%get3A_322] : memref<30000xf32, #tpu.memory_space<vmem>>[vector<16xi32>], vector<16xf32>,
      %add3A_333 = arith.constant 10000 : i32
      %add3A_334 = vector.broadcast %add3A_333 : i32 to vector<16xi32>
      %add3A_335 = arith.addi %get3A_322, %add3A_334 : vector<16xi32>
      %gather3A_336 = tpu.vector_load_idx %arg11[%add3A_335] : memref<30000xf32, #tpu.memory_space<vmem>>[vector<16xi32>], vector<16xf32>,
      %add3A_337 = arith.constant 20000 : i32
      %add3A_338 = vector.broadcast %add3A_337 : i32 to vector<16xi32>
      %add3A_339 = arith.addi %get3A_322, %add3A_338 : vector<16xi32>
      %gather3A_340 = tpu.vector_load_idx %arg11[%add3A_339] : memref<30000xf32, #tpu.memory_space<vmem>>[vector<16xi32>], vector<16xf32>,
      %get3A_341 = arith.constant 0 : i32
      %get3A_342 = arith.index_cast %get3A_341 : i32 to index
      %get3A_343 = arith.constant 64 : index
      %get3A_344 = tpu.vector_load %arg14[%get3A_342, %get3A_343] {strides = array<i32>} : memref<3x128xf32, #tpu.memory_space<vmem>>, vector<16xf32>,
      %get3A_345 = arith.constant 1 : i32
      %get3A_346 = arith.index_cast %get3A_345 : i32 to index
      %get3A_347 = arith.constant 64 : index
      %get3A_348 = tpu.vector_load %arg14[%get3A_346, %get3A_347] {strides = array<i32>} : memref<3x128xf32, #tpu.memory_space<vmem>>, vector<16xf32>,
      %get3A_349 = arith.constant 2 : i32
      %get3A_350 = arith.index_cast %get3A_349 : i32 to index
      %get3A_351 = arith.constant 64 : index
      %get3A_352 = tpu.vector_load %arg14[%get3A_350, %get3A_351] {strides = array<i32>} : memref<3x128xf32, #tpu.memory_space<vmem>>, vector<16xf32>,
      %mul3A_353 = arith.mulf %gather3A_323, %get3A_344 : vector<16xf32>
      %mul3A_354 = arith.mulf %gather3A_327, %get3A_348 : vector<16xf32>
      %add3A_355 = arith.addf %mul3A_353, %mul3A_354 : vector<16xf32>
      %mul3A_356 = arith.mulf %gather3A_331, %get3A_352 : vector<16xf32>
      %add3A_357 = arith.addf %add3A_355, %mul3A_356 : vector<16xf32>
      %sub3A_358 = arith.constant 1.000000e+00 : f32
      %sub3A_359 = vector.broadcast %sub3A_358 : f32 to vector<16xf32>
      %sub3A_360 = arith.subf %sub3A_359, %add3A_357 : vector<16xf32>
      %swap3A_361 = arith.constant 64 : index
      %swap3A_362 = tpu.vector_load %arg17[%swap3A_361] {strides = array<i32>} : memref<128xf32, #tpu.memory_space<vmem>>, vector<16xf32>,
      tpu.vector_store %arg17[%swap3A_361], %sub3A_360 {strides = array<i32>} : memref<128xf32, #tpu.memory_space<vmem>>, vector<16xf32>,
      %mul3A_363 = arith.mulf %gather3A_332, %get3A_344 : vector<16xf32>
      %mul3A_364 = arith.mulf %gather3A_336, %get3A_348 : vector<16xf32>
      %add3A_365 = arith.addf %mul3A_363, %mul3A_364 : vector<16xf32>
      %mul3A_366 = arith.mulf %gather3A_340, %get3A_352 : vector<16xf32>
      %add3A_367 = arith.addf %add3A_365, %mul3A_366 : vector<16xf32>
      %add3A_368 = arith.constant 1.000000e+00 : f32
      %add3A_369 = vector.broadcast %add3A_368 : f32 to vector<16xf32>
      %add3A_370 = arith.addf %add3A_369, %add3A_367 : vector<16xf32>
      %swap3A_371 = arith.constant 64 : index
      %swap3A_372 = tpu.vector_load %arg18[%swap3A_371] {strides = array<i32>} : memref<128xf32, #tpu.memory_space<vmem>>, vector<16xf32>,
      tpu.vector_store %arg18[%swap3A_371], %add3A_370 {strides = array<i32>} : memref<128xf32, #tpu.memory_space<vmem>>, vector<16xf32>,
      %mul3A_373 = arith.mulf %gather3A_327, %gather3A_340 : vector<16xf32>
      %mul3A_374 = arith.mulf %gather3A_331, %gather3A_336 : vector<16xf32>
      %sub3A_375 = arith.subf %mul3A_373, %mul3A_374 : vector<16xf32>
      %mul3A_376 = arith.mulf %gather3A_331, %gather3A_332 : vector<16xf32>
      %mul3A_377 = arith.mulf %gather3A_323, %gather3A_340 : vector<16xf32>
      %sub3A_378 = arith.subf %mul3A_376, %mul3A_377 : vector<16xf32>
      %mul3A_379 = arith.mulf %gather3A_323, %gather3A_336 : vector<16xf32>
      %mul3A_380 = arith.mulf %gather3A_327, %gather3A_332 : vector<16xf32>
      %sub3A_381 = arith.subf %mul3A_379, %mul3A_380 : vector<16xf32>
      %mul3A_382 = arith.mulf %sub3A_375, %sub3A_375 : vector<16xf32>
      %mul3A_383 = arith.mulf %sub3A_378, %sub3A_378 : vector<16xf32>
      %add3A_384 = arith.addf %mul3A_382, %mul3A_383 : vector<16xf32>
      %mul3A_385 = arith.mulf %sub3A_381, %sub3A_381 : vector<16xf32>
      %add3A_386 = arith.addf %add3A_384, %mul3A_385 : vector<16xf32>
      %swap3A_387 = arith.constant 64 : index
      %swap3A_388 = tpu.vector_load %arg19[%swap3A_387] {strides = array<i32>} : memref<128xf32, #tpu.memory_space<vmem>>, vector<16xf32>,
      tpu.vector_store %arg19[%swap3A_387], %add3A_386 {strides = array<i32>} : memref<128xf32, #tpu.memory_space<vmem>>, vector<16xf32>,
      %get3A_389 = arith.constant 80 : index
      %get3A_390 = tpu.vector_load %arg12[%get3A_389] {strides = array<i32>} : memref<128xi32, #tpu.memory_space<vmem>>, vector<16xi32>,
      %get3A_391 = arith.constant 80 : index
      %get3A_392 = tpu.vector_load %arg13[%get3A_391] {strides = array<i32>} : memref<128xi32, #tpu.memory_space<vmem>>, vector<16xi32>,
      %gather3A_393 = tpu.vector_load_idx %arg11[%get3A_390] : memref<30000xf32, #tpu.memory_space<vmem>>[vector<16xi32>], vector<16xf32>,
      %add3A_394 = arith.constant 10000 : i32
      %add3A_395 = vector.broadcast %add3A_394 : i32 to vector<16xi32>
      %add3A_396 = arith.addi %get3A_390, %add3A_395 : vector<16xi32>
      %gather3A_397 = tpu.vector_load_idx %arg11[%add3A_396] : memref<30000xf32, #tpu.memory_space<vmem>>[vector<16xi32>], vector<16xf32>,
      %add3A_398 = arith.constant 20000 : i32
      %add3A_399 = vector.broadcast %add3A_398 : i32 to vector<16xi32>
      %add3A_400 = arith.addi %get3A_390, %add3A_399 : vector<16xi32>
      %gather3A_401 = tpu.vector_load_idx %arg11[%add3A_400] : memref<30000xf32, #tpu.memory_space<vmem>>[vector<16xi32>], vector<16xf32>,
      %gather3A_402 = tpu.vector_load_idx %arg11[%get3A_392] : memref<30000xf32, #tpu.memory_space<vmem>>[vector<16xi32>], vector<16xf32>,
      %add3A_403 = arith.constant 10000 : i32
      %add3A_404 = vector.broadcast %add3A_403 : i32 to vector<16xi32>
      %add3A_405 = arith.addi %get3A_392, %add3A_404 : vector<16xi32>
      %gather3A_406 = tpu.vector_load_idx %arg11[%add3A_405] : memref<30000xf32, #tpu.memory_space<vmem>>[vector<16xi32>], vector<16xf32>,
      %add3A_407 = arith.constant 20000 : i32
      %add3A_408 = vector.broadcast %add3A_407 : i32 to vector<16xi32>
      %add3A_409 = arith.addi %get3A_392, %add3A_408 : vector<16xi32>
      %gather3A_410 = tpu.vector_load_idx %arg11[%add3A_409] : memref<30000xf32, #tpu.memory_space<vmem>>[vector<16xi32>], vector<16xf32>,
      %get3A_411 = arith.constant 0 : i32
      %get3A_412 = arith.index_cast %get3A_411 : i32 to index
      %get3A_413 = arith.constant 80 : index
      %get3A_414 = tpu.vector_load %arg14[%get3A_412, %get3A_413] {strides = array<i32>} : memref<3x128xf32, #tpu.memory_space<vmem>>, vector<16xf32>,
      %get3A_415 = arith.constant 1 : i32
      %get3A_416 = arith.index_cast %get3A_415 : i32 to index
      %get3A_417 = arith.constant 80 : index
      %get3A_418 = tpu.vector_load %arg14[%get3A_416, %get3A_417] {strides = array<i32>} : memref<3x128xf32, #tpu.memory_space<vmem>>, vector<16xf32>,
      %get3A_419 = arith.constant 2 : i32
      %get3A_420 = arith.index_cast %get3A_419 : i32 to index
      %get3A_421 = arith.constant 80 : index
      %get3A_422 = tpu.vector_load %arg14[%get3A_420, %get3A_421] {strides = array<i32>} : memref<3x128xf32, #tpu.memory_space<vmem>>, vector<16xf32>,
      %mul3A_423 = arith.mulf %gather3A_393, %get3A_414 : vector<16xf32>
      %mul3A_424 = arith.mulf %gather3A_397, %get3A_418 : vector<16xf32>
      %add3A_425 = arith.addf %mul3A_423, %mul3A_424 : vector<16xf32>
      %mul3A_426 = arith.mulf %gather3A_401, %get3A_422 : vector<16xf32>
      %add3A_427 = arith.addf %add3A_425, %mul3A_426 : vector<16xf32>
      %sub3A_428 = arith.constant 1.000000e+00 : f32
      %sub3A_429 = vector.broadcast %sub3A_428 : f32 to vector<16xf32>
      %sub3A_430 = arith.subf %sub3A_429, %add3A_427 : vector<16xf32>
      %swap3A_431 = arith.constant 80 : index
      %swap3A_432 = tpu.vector_load %arg17[%swap3A_431] {strides = array<i32>} : memref<128xf32, #tpu.memory_space<vmem>>, vector<16xf32>,
      tpu.vector_store %arg17[%swap3A_431], %sub3A_430 {strides = array<i32>} : memref<128xf32, #tpu.memory_space<vmem>>, vector<16xf32>,
      %mul3A_433 = arith.mulf %gather3A_402, %get3A_414 : vector<16xf32>
      %mul3A_434 = arith.mulf %gather3A_406, %get3A_418 : vector<16xf32>
      %add3A_435 = arith.addf %mul3A_433, %mul3A_434 : vector<16xf32>
      %mul3A_436 = arith.mulf %gather3A_410, %get3A_422 : vector<16xf32>
      %add3A_437 = arith.addf %add3A_435, %mul3A_436 : vector<16xf32>
      %add3A_438 = arith.constant 1.000000e+00 : f32
      %add3A_439 = vector.broadcast %add3A_438 : f32 to vector<16xf32>
      %add3A_440 = arith.addf %add3A_439, %add3A_437 : vector<16xf32>
      %swap3A_441 = arith.constant 80 : index
      %swap3A_442 = tpu.vector_load %arg18[%swap3A_441] {strides = array<i32>} : memref<128xf32, #tpu.memory_space<vmem>>, vector<16xf32>,
      tpu.vector_store %arg18[%swap3A_441], %add3A_440 {strides = array<i32>} : memref<128xf32, #tpu.memory_space<vmem>>, vector<16xf32>,
      %mul3A_443 = arith.mulf %gather3A_397, %gather3A_410 : vector<16xf32>
      %mul3A_444 = arith.mulf %gather3A_401, %gather3A_406 : vector<16xf32>
      %sub3A_445 = arith.subf %mul3A_443, %mul3A_444 : vector<16xf32>
      %mul3A_446 = arith.mulf %gather3A_401, %gather3A_402 : vector<16xf32>
      %mul3A_447 = arith.mulf %gather3A_393, %gather3A_410 : vector<16xf32>
      %sub3A_448 = arith.subf %mul3A_446, %mul3A_447 : vector<16xf32>
      %mul3A_449 = arith.mulf %gather3A_393, %gather3A_406 : vector<16xf32>
      %mul3A_450 = arith.mulf %gather3A_397, %gather3A_402 : vector<16xf32>
      %sub3A_451 = arith.subf %mul3A_449, %mul3A_450 : vector<16xf32>
      %mul3A_452 = arith.mulf %sub3A_445, %sub3A_445 : vector<16xf32>
      %mul3A_453 = arith.mulf %sub3A_448, %sub3A_448 : vector<16xf32>
      %add3A_454 = arith.addf %mul3A_452, %mul3A_453 : vector<16xf32>
      %mul3A_455 = arith.mulf %sub3A_451, %sub3A_451 : vector<16xf32>
      %add3A_456 = arith.addf %add3A_454, %mul3A_455 : vector<16xf32>
      %swap3A_457 = arith.constant 80 : index
      %swap3A_458 = tpu.vector_load %arg19[%swap3A_457] {strides = array<i32>} : memref<128xf32, #tpu.memory_space<vmem>>, vector<16xf32>,
      tpu.vector_store %arg19[%swap3A_457], %add3A_456 {strides = array<i32>} : memref<128xf32, #tpu.memory_space<vmem>>, vector<16xf32>,
      %get3A_459 = arith.constant 96 : index
      %get3A_460 = tpu.vector_load %arg12[%get3A_459] {strides = array<i32>} : memref<128xi32, #tpu.memory_space<vmem>>, vector<16xi32>,
      %get3A_461 = arith.constant 96 : index
      %get3A_462 = tpu.vector_load %arg13[%get3A_461] {strides = array<i32>} : memref<128xi32, #tpu.memory_space<vmem>>, vector<16xi32>,
      %gather3A_463 = tpu.vector_load_idx %arg11[%get3A_460] : memref<30000xf32, #tpu.memory_space<vmem>>[vector<16xi32>], vector<16xf32>,
      %add3A_464 = arith.constant 10000 : i32
      %add3A_465 = vector.broadcast %add3A_464 : i32 to vector<16xi32>
      %add3A_466 = arith.addi %get3A_460, %add3A_465 : vector<16xi32>
      %gather3A_467 = tpu.vector_load_idx %arg11[%add3A_466] : memref<30000xf32, #tpu.memory_space<vmem>>[vector<16xi32>], vector<16xf32>,
      %add3A_468 = arith.constant 20000 : i32
      %add3A_469 = vector.broadcast %add3A_468 : i32 to vector<16xi32>
      %add3A_470 = arith.addi %get3A_460, %add3A_469 : vector<16xi32>
      %gather3A_471 = tpu.vector_load_idx %arg11[%add3A_470] : memref<30000xf32, #tpu.memory_space<vmem>>[vector<16xi32>], vector<16xf32>,
      %gather3A_472 = tpu.vector_load_idx %arg11[%get3A_462] : memref<30000xf32, #tpu.memory_space<vmem>>[vector<16xi32>], vector<16xf32>,
      %add3A_473 = arith.constant 10000 : i32
      %add3A_474 = vector.broadcast %add3A_473 : i32 to vector<16xi32>
      %add3A_475 = arith.addi %get3A_462, %add3A_474 : vector<16xi32>
      %gather3A_476 = tpu.vector_load_idx %arg11[%add3A_475] : memref<30000xf32, #tpu.memory_space<vmem>>[vector<16xi32>], vector<16xf32>,
      %add3A_477 = arith.constant 20000 : i32
      %add3A_478 = vector.broadcast %add3A_477 : i32 to vector<16xi32>
      %add3A_479 = arith.addi %get3A_462, %add3A_478 : vector<16xi32>
      %gather3A_480 = tpu.vector_load_idx %arg11[%add3A_479] : memref<30000xf32, #tpu.memory_space<vmem>>[vector<16xi32>], vector<16xf32>,
      %get3A_481 = arith.constant 0 : i32
      %get3A_482 = arith.index_cast %get3A_481 : i32 to index
      %get3A_483 = arith.constant 96 : index
      %get3A_484 = tpu.vector_load %arg14[%get3A_482, %get3A_483] {strides = array<i32>} : memref<3x128xf32, #tpu.memory_space<vmem>>, vector<16xf32>,
      %get3A_485 = arith.constant 1 : i32
      %get3A_486 = arith.index_cast %get3A_485 : i32 to index
      %get3A_487 = arith.constant 96 : index
      %get3A_488 = tpu.vector_load %arg14[%get3A_486, %get3A_487] {strides = array<i32>} : memref<3x128xf32, #tpu.memory_space<vmem>>, vector<16xf32>,
      %get3A_489 = arith.constant 2 : i32
      %get3A_490 = arith.index_cast %get3A_489 : i32 to index
      %get3A_491 = arith.constant 96 : index
      %get3A_492 = tpu.vector_load %arg14[%get3A_490, %get3A_491] {strides = array<i32>} : memref<3x128xf32, #tpu.memory_space<vmem>>, vector<16xf32>,
      %mul3A_493 = arith.mulf %gather3A_463, %get3A_484 : vector<16xf32>
      %mul3A_494 = arith.mulf %gather3A_467, %get3A_488 : vector<16xf32>
      %add3A_495 = arith.addf %mul3A_493, %mul3A_494 : vector<16xf32>
      %mul3A_496 = arith.mulf %gather3A_471, %get3A_492 : vector<16xf32>
      %add3A_497 = arith.addf %add3A_495, %mul3A_496 : vector<16xf32>
      %sub3A_498 = arith.constant 1.000000e+00 : f32
      %sub3A_499 = vector.broadcast %sub3A_498 : f32 to vector<16xf32>
      %sub3A_500 = arith.subf %sub3A_499, %add3A_497 : vector<16xf32>
      %swap3A_501 = arith.constant 96 : index
      %swap3A_502 = tpu.vector_load %arg17[%swap3A_501] {strides = array<i32>} : memref<128xf32, #tpu.memory_space<vmem>>, vector<16xf32>,
      tpu.vector_store %arg17[%swap3A_501], %sub3A_500 {strides = array<i32>} : memref<128xf32, #tpu.memory_space<vmem>>, vector<16xf32>,
      %mul3A_503 = arith.mulf %gather3A_472, %get3A_484 : vector<16xf32>
      %mul3A_504 = arith.mulf %gather3A_476, %get3A_488 : vector<16xf32>
      %add3A_505 = arith.addf %mul3A_503, %mul3A_504 : vector<16xf32>
      %mul3A_506 = arith.mulf %gather3A_480, %get3A_492 : vector<16xf32>
      %add3A_507 = arith.addf %add3A_505, %mul3A_506 : vector<16xf32>
      %add3A_508 = arith.constant 1.000000e+00 : f32
      %add3A_509 = vector.broadcast %add3A_508 : f32 to vector<16xf32>
      %add3A_510 = arith.addf %add3A_509, %add3A_507 : vector<16xf32>
      %swap3A_511 = arith.constant 96 : index
      %swap3A_512 = tpu.vector_load %arg18[%swap3A_511] {strides = array<i32>} : memref<128xf32, #tpu.memory_space<vmem>>, vector<16xf32>,
      tpu.vector_store %arg18[%swap3A_511], %add3A_510 {strides = array<i32>} : memref<128xf32, #tpu.memory_space<vmem>>, vector<16xf32>,
      %mul3A_513 = arith.mulf %gather3A_467, %gather3A_480 : vector<16xf32>
      %mul3A_514 = arith.mulf %gather3A_471, %gather3A_476 : vector<16xf32>
      %sub3A_515 = arith.subf %mul3A_513, %mul3A_514 : vector<16xf32>
      %mul3A_516 = arith.mulf %gather3A_471, %gather3A_472 : vector<16xf32>
      %mul3A_517 = arith.mulf %gather3A_463, %gather3A_480 : vector<16xf32>
      %sub3A_518 = arith.subf %mul3A_516, %mul3A_517 : vector<16xf32>
      %mul3A_519 = arith.mulf %gather3A_463, %gather3A_476 : vector<16xf32>
      %mul3A_520 = arith.mulf %gather3A_467, %gather3A_472 : vector<16xf32>
      %sub3A_521 = arith.subf %mul3A_519, %mul3A_520 : vector<16xf32>
      %mul3A_522 = arith.mulf %sub3A_515, %sub3A_515 : vector<16xf32>
      %mul3A_523 = arith.mulf %sub3A_518, %sub3A_518 : vector<16xf32>
      %add3A_524 = arith.addf %mul3A_522, %mul3A_523 : vector<16xf32>
      %mul3A_525 = arith.mulf %sub3A_521, %sub3A_521 : vector<16xf32>
      %add3A_526 = arith.addf %add3A_524, %mul3A_525 : vector<16xf32>
      %swap3A_527 = arith.constant 96 : index
      %swap3A_528 = tpu.vector_load %arg19[%swap3A_527] {strides = array<i32>} : memref<128xf32, #tpu.memory_space<vmem>>, vector<16xf32>,
      tpu.vector_store %arg19[%swap3A_527], %add3A_526 {strides = array<i32>} : memref<128xf32, #tpu.memory_space<vmem>>, vector<16xf32>,
      %get3A_529 = arith.constant 112 : index
      %get3A_530 = tpu.vector_load %arg12[%get3A_529] {strides = array<i32>} : memref<128xi32, #tpu.memory_space<vmem>>, vector<16xi32>,
      %get3A_531 = arith.constant 112 : index
      %get3A_532 = tpu.vector_load %arg13[%get3A_531] {strides = array<i32>} : memref<128xi32, #tpu.memory_space<vmem>>, vector<16xi32>,
      %gather3A_533 = tpu.vector_load_idx %arg11[%get3A_530] : memref<30000xf32, #tpu.memory_space<vmem>>[vector<16xi32>], vector<16xf32>,
      %add3A_534 = arith.constant 10000 : i32
      %add3A_535 = vector.broadcast %add3A_534 : i32 to vector<16xi32>
      %add3A_536 = arith.addi %get3A_530, %add3A_535 : vector<16xi32>
      %gather3A_537 = tpu.vector_load_idx %arg11[%add3A_536] : memref<30000xf32, #tpu.memory_space<vmem>>[vector<16xi32>], vector<16xf32>,
      %add3A_538 = arith.constant 20000 : i32
      %add3A_539 = vector.broadcast %add3A_538 : i32 to vector<16xi32>
      %add3A_540 = arith.addi %get3A_530, %add3A_539 : vector<16xi32>
      %gather3A_541 = tpu.vector_load_idx %arg11[%add3A_540] : memref<30000xf32, #tpu.memory_space<vmem>>[vector<16xi32>], vector<16xf32>,
      %gather3A_542 = tpu.vector_load_idx %arg11[%get3A_532] : memref<30000xf32, #tpu.memory_space<vmem>>[vector<16xi32>], vector<16xf32>,
      %add3A_543 = arith.constant 10000 : i32
      %add3A_544 = vector.broadcast %add3A_543 : i32 to vector<16xi32>
      %add3A_545 = arith.addi %get3A_532, %add3A_544 : vector<16xi32>
      %gather3A_546 = tpu.vector_load_idx %arg11[%add3A_545] : memref<30000xf32, #tpu.memory_space<vmem>>[vector<16xi32>], vector<16xf32>,
      %add3A_547 = arith.constant 20000 : i32
      %add3A_548 = vector.broadcast %add3A_547 : i32 to vector<16xi32>
      %add3A_549 = arith.addi %get3A_532, %add3A_548 : vector<16xi32>
      %gather3A_550 = tpu.vector_load_idx %arg11[%add3A_549] : memref<30000xf32, #tpu.memory_space<vmem>>[vector<16xi32>], vector<16xf32>,
      %get3A_551 = arith.constant 0 : i32
      %get3A_552 = arith.index_cast %get3A_551 : i32 to index
      %get3A_553 = arith.constant 112 : index
      %get3A_554 = tpu.vector_load %arg14[%get3A_552, %get3A_553] {strides = array<i32>} : memref<3x128xf32, #tpu.memory_space<vmem>>, vector<16xf32>,
      %get3A_555 = arith.constant 1 : i32
      %get3A_556 = arith.index_cast %get3A_555 : i32 to index
      %get3A_557 = arith.constant 112 : index
      %get3A_558 = tpu.vector_load %arg14[%get3A_556, %get3A_557] {strides = array<i32>} : memref<3x128xf32, #tpu.memory_space<vmem>>, vector<16xf32>,
      %get3A_559 = arith.constant 2 : i32
      %get3A_560 = arith.index_cast %get3A_559 : i32 to index
      %get3A_561 = arith.constant 112 : index
      %get3A_562 = tpu.vector_load %arg14[%get3A_560, %get3A_561] {strides = array<i32>} : memref<3x128xf32, #tpu.memory_space<vmem>>, vector<16xf32>,
      %mul3A_563 = arith.mulf %gather3A_533, %get3A_554 : vector<16xf32>
      %mul3A_564 = arith.mulf %gather3A_537, %get3A_558 : vector<16xf32>
      %add3A_565 = arith.addf %mul3A_563, %mul3A_564 : vector<16xf32>
      %mul3A_566 = arith.mulf %gather3A_541, %get3A_562 : vector<16xf32>
      %add3A_567 = arith.addf %add3A_565, %mul3A_566 : vector<16xf32>
      %sub3A_568 = arith.constant 1.000000e+00 : f32
      %sub3A_569 = vector.broadcast %sub3A_568 : f32 to vector<16xf32>
      %sub3A_570 = arith.subf %sub3A_569, %add3A_567 : vector<16xf32>
      %swap3A_571 = arith.constant 112 : index
      %swap3A_572 = tpu.vector_load %arg17[%swap3A_571] {strides = array<i32>} : memref<128xf32, #tpu.memory_space<vmem>>, vector<16xf32>,
      tpu.vector_store %arg17[%swap3A_571], %sub3A_570 {strides = array<i32>} : memref<128xf32, #tpu.memory_space<vmem>>, vector<16xf32>,
      %mul3A_573 = arith.mulf %gather3A_542, %get3A_554 : vector<16xf32>
      %mul3A_574 = arith.mulf %gather3A_546, %get3A_558 : vector<16xf32>
      %add3A_575 = arith.addf %mul3A_573, %mul3A_574 : vector<16xf32>
      %mul3A_576 = arith.mulf %gather3A_550, %get3A_562 : vector<16xf32>
      %add3A_577 = arith.addf %add3A_575, %mul3A_576 : vector<16xf32>
      %add3A_578 = arith.constant 1.000000e+00 : f32
      %add3A_579 = vector.broadcast %add3A_578 : f32 to vector<16xf32>
      %add3A_580 = arith.addf %add3A_579, %add3A_577 : vector<16xf32>
      %swap3A_581 = arith.constant 112 : index
      %swap3A_582 = tpu.vector_load %arg18[%swap3A_581] {strides = array<i32>} : memref<128xf32, #tpu.memory_space<vmem>>, vector<16xf32>,
      tpu.vector_store %arg18[%swap3A_581], %add3A_580 {strides = array<i32>} : memref<128xf32, #tpu.memory_space<vmem>>, vector<16xf32>,
      %mul3A_583 = arith.mulf %gather3A_537, %gather3A_550 : vector<16xf32>
      %mul3A_584 = arith.mulf %gather3A_541, %gather3A_546 : vector<16xf32>
      %sub3A_585 = arith.subf %mul3A_583, %mul3A_584 : vector<16xf32>
      %mul3A_586 = arith.mulf %gather3A_541, %gather3A_542 : vector<16xf32>
      %mul3A_587 = arith.mulf %gather3A_533, %gather3A_550 : vector<16xf32>
      %sub3A_588 = arith.subf %mul3A_586, %mul3A_587 : vector<16xf32>
      %mul3A_589 = arith.mulf %gather3A_533, %gather3A_546 : vector<16xf32>
      %mul3A_590 = arith.mulf %gather3A_537, %gather3A_542 : vector<16xf32>
      %sub3A_591 = arith.subf %mul3A_589, %mul3A_590 : vector<16xf32>
      %mul3A_592 = arith.mulf %sub3A_585, %sub3A_585 : vector<16xf32>
      %mul3A_593 = arith.mulf %sub3A_588, %sub3A_588 : vector<16xf32>
      %add3A_594 = arith.addf %mul3A_592, %mul3A_593 : vector<16xf32>
      %mul3A_595 = arith.mulf %sub3A_591, %sub3A_591 : vector<16xf32>
      %add3A_596 = arith.addf %add3A_594, %mul3A_595 : vector<16xf32>
      %swap3A_597 = arith.constant 112 : index
      %swap3A_598 = tpu.vector_load %arg19[%swap3A_597] {strides = array<i32>} : memref<128xf32, #tpu.memory_space<vmem>>, vector<16xf32>,
      tpu.vector_store %arg19[%swap3A_597], %add3A_596 {strides = array<i32>} : memref<128xf32, #tpu.memory_space<vmem>>, vector<16xf32>,
      "tpu.region"() ({
        %run_scoped3A_604 = tpu.sem_alloc : memref<!tpu.dma_semaphore, #tpu.memory_space<semaphore_mem>>
        %dma_start3A_605 = tpu.memref_slice %arg8[%mul3A_35] : memref<320000xf32, #tpu.memory_space<hbm>> -> memref<128xf32, #tpu.memory_space<hbm>>
        %dma_start3A_606 = tpu.memref_slice %arg8[%mul3A_35] : memref<320000xf32, #tpu.memory_space<hbm>> -> memref<128xf32, #tpu.memory_space<hbm>>
        tpu.enqueue_dma source(%arg17 : memref<128xf32, #tpu.memory_space<vmem>>) target(%dma_start3A_606 : memref<128xf32, #tpu.memory_space<hbm>>) target_semaphore(%run_scoped3A_604 : memref<!tpu.dma_semaphore, #tpu.memory_space<semaphore_mem>>)
        %dma_wait3A_607 = tpu.memref_slice %arg8[%mul3A_35] : memref<320000xf32, #tpu.memory_space<hbm>> -> memref<128xf32, #tpu.memory_space<hbm>>
        %dma_wait3A_608 = tpu.memref_slice %arg8[%mul3A_35] : memref<320000xf32, #tpu.memory_space<hbm>> -> memref<128xf32, #tpu.memory_space<hbm>>
        tpu.wait_dma2 semaphore(%run_scoped3A_604 : memref<!tpu.dma_semaphore, #tpu.memory_space<semaphore_mem>>) src(%arg17 : memref<128xf32, #tpu.memory_space<vmem>>) dst(%dma_wait3A_608 : memref<128xf32, #tpu.memory_space<hbm>>)
        tpu.yield
      }) : () -> ()
      "tpu.region"() ({
        %run_scoped3A_604 = tpu.sem_alloc : memref<!tpu.dma_semaphore, #tpu.memory_space<semaphore_mem>>
        %dma_start3A_605 = tpu.memref_slice %arg9[%mul3A_35] : memref<320000xf32, #tpu.memory_space<hbm>> -> memref<128xf32, #tpu.memory_space<hbm>>
        %dma_start3A_606 = tpu.memref_slice %arg9[%mul3A_35] : memref<320000xf32, #tpu.memory_space<hbm>> -> memref<128xf32, #tpu.memory_space<hbm>>
        tpu.enqueue_dma source(%arg18 : memref<128xf32, #tpu.memory_space<vmem>>) target(%dma_start3A_606 : memref<128xf32, #tpu.memory_space<hbm>>) target_semaphore(%run_scoped3A_604 : memref<!tpu.dma_semaphore, #tpu.memory_space<semaphore_mem>>)
        %dma_wait3A_607 = tpu.memref_slice %arg9[%mul3A_35] : memref<320000xf32, #tpu.memory_space<hbm>> -> memref<128xf32, #tpu.memory_space<hbm>>
        %dma_wait3A_608 = tpu.memref_slice %arg9[%mul3A_35] : memref<320000xf32, #tpu.memory_space<hbm>> -> memref<128xf32, #tpu.memory_space<hbm>>
        tpu.wait_dma2 semaphore(%run_scoped3A_604 : memref<!tpu.dma_semaphore, #tpu.memory_space<semaphore_mem>>) src(%arg18 : memref<128xf32, #tpu.memory_space<vmem>>) dst(%dma_wait3A_608 : memref<128xf32, #tpu.memory_space<hbm>>)
        tpu.yield
      }) : () -> ()
      "tpu.region"() ({
        %run_scoped3A_604 = tpu.sem_alloc : memref<!tpu.dma_semaphore, #tpu.memory_space<semaphore_mem>>
        %dma_start3A_605 = tpu.memref_slice %arg10[%mul3A_35] : memref<320000xf32, #tpu.memory_space<hbm>> -> memref<128xf32, #tpu.memory_space<hbm>>
        %dma_start3A_606 = tpu.memref_slice %arg10[%mul3A_35] : memref<320000xf32, #tpu.memory_space<hbm>> -> memref<128xf32, #tpu.memory_space<hbm>>
        tpu.enqueue_dma source(%arg19 : memref<128xf32, #tpu.memory_space<vmem>>) target(%dma_start3A_606 : memref<128xf32, #tpu.memory_space<hbm>>) target_semaphore(%run_scoped3A_604 : memref<!tpu.dma_semaphore, #tpu.memory_space<semaphore_mem>>)
        %dma_wait3A_607 = tpu.memref_slice %arg10[%mul3A_35] : memref<320000xf32, #tpu.memory_space<hbm>> -> memref<128xf32, #tpu.memory_space<hbm>>
        %dma_wait3A_608 = tpu.memref_slice %arg10[%mul3A_35] : memref<320000xf32, #tpu.memory_space<hbm>> -> memref<128xf32, #tpu.memory_space<hbm>>
        tpu.wait_dma2 semaphore(%run_scoped3A_604 : memref<!tpu.dma_semaphore, #tpu.memory_space<semaphore_mem>>) src(%arg19 : memref<128xf32, #tpu.memory_space<vmem>>) dst(%dma_wait3A_608 : memref<128xf32, #tpu.memory_space<hbm>>)
        tpu.yield
      }) : () -> ()
      %dma_wait3A = arith.constant 0 : i32
      %dma_wait3A_599 = arith.constant 0 : i32
      %dma_wait3A_600 = tpu.memref_slice %arg2[%dma_wait3A, %dma_wait3A_599] : memref<10000x128xf32, #tpu.memory_space<hbm>> -> memref<10000x128xf32, #tpu.memory_space<hbm>>
      tpu.wait_indirect_dma semaphore(%arg20 : memref<!tpu.dma_semaphore, #tpu.memory_space<semaphore_mem>>) src(%dma_wait3A_600 : memref<10000x128xf32, #tpu.memory_space<hbm>>) dst(%arg15 : memref<128x128xf32, #tpu.memory_space<vmem>>)
      %dma_wait3A_601 = arith.constant 0 : i32
      %dma_wait3A_602 = arith.constant 0 : i32
      %dma_wait3A_603 = tpu.memref_slice %arg2[%dma_wait3A_601, %dma_wait3A_602] : memref<10000x128xf32, #tpu.memory_space<hbm>> -> memref<10000x128xf32, #tpu.memory_space<hbm>>
      tpu.wait_indirect_dma semaphore(%arg21 : memref<!tpu.dma_semaphore, #tpu.memory_space<semaphore_mem>>) src(%dma_wait3A_603 : memref<10000x128xf32, #tpu.memory_space<hbm>>) dst(%arg16 : memref<128x128xf32, #tpu.memory_space<vmem>>)
      "tpu.region"() ({
        %run_scoped3A_604 = tpu.sem_alloc : memref<!tpu.dma_semaphore, #tpu.memory_space<semaphore_mem>>
        %dma_start3A_605 = arith.constant 0 : i32
        %dma_start3A_606 = tpu.memref_slice %arg6[%mul3A_35, %dma_start3A_605] : memref<320000x128xf32, #tpu.memory_space<hbm>> -> memref<128x128xf32, #tpu.memory_space<hbm>>
        %dma_start3A_607 = arith.constant 0 : i32
        %dma_start3A_608 = tpu.memref_slice %arg6[%mul3A_35, %dma_start3A_607] : memref<320000x128xf32, #tpu.memory_space<hbm>> -> memref<128x128xf32, #tpu.memory_space<hbm>>
        tpu.enqueue_dma source(%arg15 : memref<128x128xf32, #tpu.memory_space<vmem>>) target(%dma_start3A_608 : memref<128x128xf32, #tpu.memory_space<hbm>>) target_semaphore(%run_scoped3A_604 : memref<!tpu.dma_semaphore, #tpu.memory_space<semaphore_mem>>)
        %dma_wait3A_609 = arith.constant 0 : i32
        %dma_wait3A_610 = tpu.memref_slice %arg6[%mul3A_35, %dma_wait3A_609] : memref<320000x128xf32, #tpu.memory_space<hbm>> -> memref<128x128xf32, #tpu.memory_space<hbm>>
        %dma_wait3A_611 = arith.constant 0 : i32
        %dma_wait3A_612 = tpu.memref_slice %arg6[%mul3A_35, %dma_wait3A_611] : memref<320000x128xf32, #tpu.memory_space<hbm>> -> memref<128x128xf32, #tpu.memory_space<hbm>>
        tpu.wait_dma2 semaphore(%run_scoped3A_604 : memref<!tpu.dma_semaphore, #tpu.memory_space<semaphore_mem>>) src(%arg15 : memref<128x128xf32, #tpu.memory_space<vmem>>) dst(%dma_wait3A_612 : memref<128x128xf32, #tpu.memory_space<hbm>>)
        tpu.yield
      }) : () -> ()
      "tpu.region"() ({
        %run_scoped3A_604 = tpu.sem_alloc : memref<!tpu.dma_semaphore, #tpu.memory_space<semaphore_mem>>
        %dma_start3A_605 = arith.constant 0 : i32
        %dma_start3A_606 = tpu.memref_slice %arg7[%mul3A_35, %dma_start3A_605] : memref<320000x128xf32, #tpu.memory_space<hbm>> -> memref<128x128xf32, #tpu.memory_space<hbm>>
        %dma_start3A_607 = arith.constant 0 : i32
        %dma_start3A_608 = tpu.memref_slice %arg7[%mul3A_35, %dma_start3A_607] : memref<320000x128xf32, #tpu.memory_space<hbm>> -> memref<128x128xf32, #tpu.memory_space<hbm>>
        tpu.enqueue_dma source(%arg16 : memref<128x128xf32, #tpu.memory_space<vmem>>) target(%dma_start3A_608 : memref<128x128xf32, #tpu.memory_space<hbm>>) target_semaphore(%run_scoped3A_604 : memref<!tpu.dma_semaphore, #tpu.memory_space<semaphore_mem>>)
        %dma_wait3A_609 = arith.constant 0 : i32
        %dma_wait3A_610 = tpu.memref_slice %arg7[%mul3A_35, %dma_wait3A_609] : memref<320000x128xf32, #tpu.memory_space<hbm>> -> memref<128x128xf32, #tpu.memory_space<hbm>>
        %dma_wait3A_611 = arith.constant 0 : i32
        %dma_wait3A_612 = tpu.memref_slice %arg7[%mul3A_35, %dma_wait3A_611] : memref<320000x128xf32, #tpu.memory_space<hbm>> -> memref<128x128xf32, #tpu.memory_space<hbm>>
        tpu.wait_dma2 semaphore(%run_scoped3A_604 : memref<!tpu.dma_semaphore, #tpu.memory_space<semaphore_mem>>) src(%arg16 : memref<128x128xf32, #tpu.memory_space<vmem>>) dst(%dma_wait3A_612 : memref<128x128xf32, #tpu.memory_space<hbm>>)
        tpu.yield
      }) : () -> ()
    }
    %while3A_29 = arith.constant 1 : i32
    scf.for %while3A_30 = %while3A_27 to %while3A_23 step %while3A_29  : i32 {
      %mul3A_31 = arith.constant 32 : i32
      %mul3A_32 = arith.muli %while3A_30, %mul3A_31 : i32
      %add3A_33 = arith.addi %add3A, %mul3A_32 : i32
      %mul3A_34 = arith.constant 128 : i32
      %mul3A_35 = arith.muli %add3A_33, %mul3A_34 : i32
      %run_scoped3A = arith.constant 0 : i32
      "tpu.region"() ({
        %run_scoped3A_604 = tpu.sem_alloc : memref<!tpu.dma_semaphore, #tpu.memory_space<semaphore_mem>>
        %dma_start3A_605 = tpu.memref_slice %arg4[%run_scoped3A, %mul3A_35] : memref<2x320000xi32, #tpu.memory_space<hbm>> -> memref<1x128xi32, #tpu.memory_space<hbm>>
        %dma_start3A_606 = tpu.memref_squeeze %dma_start3A_605 : memref<1x128xi32, #tpu.memory_space<hbm>> -> memref<128xi32, #tpu.memory_space<hbm>>
        %dma_start3A_607 = tpu.memref_slice %arg4[%run_scoped3A, %mul3A_35] : memref<2x320000xi32, #tpu.memory_space<hbm>> -> memref<1x128xi32, #tpu.memory_space<hbm>>
        %dma_start3A_608 = tpu.memref_squeeze %dma_start3A_607 : memref<1x128xi32, #tpu.memory_space<hbm>> -> memref<128xi32, #tpu.memory_space<hbm>>
        tpu.enqueue_dma source(%dma_start3A_608 : memref<128xi32, #tpu.memory_space<hbm>>) target(%arg12 : memref<128xi32, #tpu.memory_space<vmem>>) target_semaphore(%run_scoped3A_604 : memref<!tpu.dma_semaphore, #tpu.memory_space<semaphore_mem>>)
        %dma_wait3A_609 = tpu.memref_slice %arg4[%run_scoped3A, %mul3A_35] : memref<2x320000xi32, #tpu.memory_space<hbm>> -> memref<1x128xi32, #tpu.memory_space<hbm>>
        %dma_wait3A_610 = tpu.memref_squeeze %dma_wait3A_609 : memref<1x128xi32, #tpu.memory_space<hbm>> -> memref<128xi32, #tpu.memory_space<hbm>>
        %dma_wait3A_611 = tpu.memref_slice %arg4[%run_scoped3A, %mul3A_35] : memref<2x320000xi32, #tpu.memory_space<hbm>> -> memref<1x128xi32, #tpu.memory_space<hbm>>
        %dma_wait3A_612 = tpu.memref_squeeze %dma_wait3A_611 : memref<1x128xi32, #tpu.memory_space<hbm>> -> memref<128xi32, #tpu.memory_space<hbm>>
        tpu.wait_dma2 semaphore(%run_scoped3A_604 : memref<!tpu.dma_semaphore, #tpu.memory_space<semaphore_mem>>) src(%dma_wait3A_612 : memref<128xi32, #tpu.memory_space<hbm>>) dst(%arg12 : memref<128xi32, #tpu.memory_space<vmem>>)
        tpu.yield
      }) : () -> ()
      %run_scoped3A_36 = arith.constant 1 : i32
      "tpu.region"() ({
        %run_scoped3A_604 = tpu.sem_alloc : memref<!tpu.dma_semaphore, #tpu.memory_space<semaphore_mem>>
        %dma_start3A_605 = tpu.memref_slice %arg4[%run_scoped3A_36, %mul3A_35] : memref<2x320000xi32, #tpu.memory_space<hbm>> -> memref<1x128xi32, #tpu.memory_space<hbm>>
        %dma_start3A_606 = tpu.memref_squeeze %dma_start3A_605 : memref<1x128xi32, #tpu.memory_space<hbm>> -> memref<128xi32, #tpu.memory_space<hbm>>
        %dma_start3A_607 = tpu.memref_slice %arg4[%run_scoped3A_36, %mul3A_35] : memref<2x320000xi32, #tpu.memory_space<hbm>> -> memref<1x128xi32, #tpu.memory_space<hbm>>
        %dma_start3A_608 = tpu.memref_squeeze %dma_start3A_607 : memref<1x128xi32, #tpu.memory_space<hbm>> -> memref<128xi32, #tpu.memory_space<hbm>>
        tpu.enqueue_dma source(%dma_start3A_608 : memref<128xi32, #tpu.memory_space<hbm>>) target(%arg13 : memref<128xi32, #tpu.memory_space<vmem>>) target_semaphore(%run_scoped3A_604 : memref<!tpu.dma_semaphore, #tpu.memory_space<semaphore_mem>>)
        %dma_wait3A_609 = tpu.memref_slice %arg4[%run_scoped3A_36, %mul3A_35] : memref<2x320000xi32, #tpu.memory_space<hbm>> -> memref<1x128xi32, #tpu.memory_space<hbm>>
        %dma_wait3A_610 = tpu.memref_squeeze %dma_wait3A_609 : memref<1x128xi32, #tpu.memory_space<hbm>> -> memref<128xi32, #tpu.memory_space<hbm>>
        %dma_wait3A_611 = tpu.memref_slice %arg4[%run_scoped3A_36, %mul3A_35] : memref<2x320000xi32, #tpu.memory_space<hbm>> -> memref<1x128xi32, #tpu.memory_space<hbm>>
        %dma_wait3A_612 = tpu.memref_squeeze %dma_wait3A_611 : memref<1x128xi32, #tpu.memory_space<hbm>> -> memref<128xi32, #tpu.memory_space<hbm>>
        tpu.wait_dma2 semaphore(%run_scoped3A_604 : memref<!tpu.dma_semaphore, #tpu.memory_space<semaphore_mem>>) src(%dma_wait3A_612 : memref<128xi32, #tpu.memory_space<hbm>>) dst(%arg13 : memref<128xi32, #tpu.memory_space<vmem>>)
        tpu.yield
      }) : () -> ()
      "tpu.region"() ({
        %run_scoped3A_604 = tpu.sem_alloc : memref<!tpu.dma_semaphore, #tpu.memory_space<semaphore_mem>>
        %dma_start3A_605 = arith.constant 0 : i32
        %dma_start3A_606 = tpu.memref_slice %arg5[%dma_start3A_605, %mul3A_35] : memref<3x320000xf32, #tpu.memory_space<hbm>> -> memref<3x128xf32, #tpu.memory_space<hbm>>
        %dma_start3A_607 = arith.constant 0 : i32
        %dma_start3A_608 = tpu.memref_slice %arg5[%dma_start3A_607, %mul3A_35] : memref<3x320000xf32, #tpu.memory_space<hbm>> -> memref<3x128xf32, #tpu.memory_space<hbm>>
        tpu.enqueue_dma source(%dma_start3A_608 : memref<3x128xf32, #tpu.memory_space<hbm>>) target(%arg14 : memref<3x128xf32, #tpu.memory_space<vmem>>) target_semaphore(%run_scoped3A_604 : memref<!tpu.dma_semaphore, #tpu.memory_space<semaphore_mem>>)
        %dma_wait3A_609 = arith.constant 0 : i32
        %dma_wait3A_610 = tpu.memref_slice %arg5[%dma_wait3A_609, %mul3A_35] : memref<3x320000xf32, #tpu.memory_space<hbm>> -> memref<3x128xf32, #tpu.memory_space<hbm>>
        %dma_wait3A_611 = arith.constant 0 : i32
        %dma_wait3A_612 = tpu.memref_slice %arg5[%dma_wait3A_611, %mul3A_35] : memref<3x320000xf32, #tpu.memory_space<hbm>> -> memref<3x128xf32, #tpu.memory_space<hbm>>
        tpu.wait_dma2 semaphore(%run_scoped3A_604 : memref<!tpu.dma_semaphore, #tpu.memory_space<semaphore_mem>>) src(%dma_wait3A_612 : memref<3x128xf32, #tpu.memory_space<hbm>>) dst(%arg14 : memref<3x128xf32, #tpu.memory_space<vmem>>)
        tpu.yield
      }) : () -> ()
      %dma_start3A = arith.constant 0 : i32
      %dma_start3A_37 = arith.constant 0 : i32
      %dma_start3A_38 = tpu.memref_slice %arg2[%dma_start3A, %dma_start3A_37] : memref<10000x128xf32, #tpu.memory_space<hbm>> -> memref<10000x128xf32, #tpu.memory_space<hbm>>
      tpu.enqueue_indirect_dma source(%dma_start3A_38 : memref<10000x128xf32, #tpu.memory_space<hbm>>) target(%arg15 : memref<128x128xf32, #tpu.memory_space<vmem>>) offsets(%arg12 : memref<128xi32, #tpu.memory_space<vmem>>) semaphore(%arg20 : memref<!tpu.dma_semaphore, #tpu.memory_space<semaphore_mem>>)
      %dma_start3A_39 = arith.constant 0 : i32
      %dma_start3A_40 = arith.constant 0 : i32
      %dma_start3A_41 = tpu.memref_slice %arg2[%dma_start3A_39, %dma_start3A_40] : memref<10000x128xf32, #tpu.memory_space<hbm>> -> memref<10000x128xf32, #tpu.memory_space<hbm>>
      tpu.enqueue_indirect_dma source(%dma_start3A_41 : memref<10000x128xf32, #tpu.memory_space<hbm>>) target(%arg16 : memref<128x128xf32, #tpu.memory_space<vmem>>) offsets(%arg13 : memref<128xi32, #tpu.memory_space<vmem>>) semaphore(%arg21 : memref<!tpu.dma_semaphore, #tpu.memory_space<semaphore_mem>>)
      %get3A = arith.constant 0 : index
      %get3A_42 = tpu.vector_load %arg12[%get3A] {strides = array<i32>} : memref<128xi32, #tpu.memory_space<vmem>>, vector<16xi32>,
      %get3A_43 = arith.constant 0 : index
      %get3A_44 = tpu.vector_load %arg13[%get3A_43] {strides = array<i32>} : memref<128xi32, #tpu.memory_space<vmem>>, vector<16xi32>,
      %gather3A = tpu.vector_load_idx %arg11[%get3A_42] : memref<30000xf32, #tpu.memory_space<vmem>>[vector<16xi32>], vector<16xf32>,
      %add3A_45 = arith.constant 10000 : i32
      %add3A_46 = vector.broadcast %add3A_45 : i32 to vector<16xi32>
      %add3A_47 = arith.addi %get3A_42, %add3A_46 : vector<16xi32>
      %gather3A_48 = tpu.vector_load_idx %arg11[%add3A_47] : memref<30000xf32, #tpu.memory_space<vmem>>[vector<16xi32>], vector<16xf32>,
      %add3A_49 = arith.constant 20000 : i32
      %add3A_50 = vector.broadcast %add3A_49 : i32 to vector<16xi32>
      %add3A_51 = arith.addi %get3A_42, %add3A_50 : vector<16xi32>
      %gather3A_52 = tpu.vector_load_idx %arg11[%add3A_51] : memref<30000xf32, #tpu.memory_space<vmem>>[vector<16xi32>], vector<16xf32>,
      %gather3A_53 = tpu.vector_load_idx %arg11[%get3A_44] : memref<30000xf32, #tpu.memory_space<vmem>>[vector<16xi32>], vector<16xf32>,
      %add3A_54 = arith.constant 10000 : i32
      %add3A_55 = vector.broadcast %add3A_54 : i32 to vector<16xi32>
      %add3A_56 = arith.addi %get3A_44, %add3A_55 : vector<16xi32>
      %gather3A_57 = tpu.vector_load_idx %arg11[%add3A_56] : memref<30000xf32, #tpu.memory_space<vmem>>[vector<16xi32>], vector<16xf32>,
      %add3A_58 = arith.constant 20000 : i32
      %add3A_59 = vector.broadcast %add3A_58 : i32 to vector<16xi32>
      %add3A_60 = arith.addi %get3A_44, %add3A_59 : vector<16xi32>
      %gather3A_61 = tpu.vector_load_idx %arg11[%add3A_60] : memref<30000xf32, #tpu.memory_space<vmem>>[vector<16xi32>], vector<16xf32>,
      %get3A_62 = arith.constant 0 : i32
      %get3A_63 = arith.index_cast %get3A_62 : i32 to index
      %get3A_64 = arith.constant 0 : index
      %get3A_65 = tpu.vector_load %arg14[%get3A_63, %get3A_64] {strides = array<i32>} : memref<3x128xf32, #tpu.memory_space<vmem>>, vector<16xf32>,
      %get3A_66 = arith.constant 1 : i32
      %get3A_67 = arith.index_cast %get3A_66 : i32 to index
      %get3A_68 = arith.constant 0 : index
      %get3A_69 = tpu.vector_load %arg14[%get3A_67, %get3A_68] {strides = array<i32>} : memref<3x128xf32, #tpu.memory_space<vmem>>, vector<16xf32>,
      %get3A_70 = arith.constant 2 : i32
      %get3A_71 = arith.index_cast %get3A_70 : i32 to index
      %get3A_72 = arith.constant 0 : index
      %get3A_73 = tpu.vector_load %arg14[%get3A_71, %get3A_72] {strides = array<i32>} : memref<3x128xf32, #tpu.memory_space<vmem>>, vector<16xf32>,
      %mul3A_74 = arith.mulf %gather3A, %get3A_65 : vector<16xf32>
      %mul3A_75 = arith.mulf %gather3A_48, %get3A_69 : vector<16xf32>
      %add3A_76 = arith.addf %mul3A_74, %mul3A_75 : vector<16xf32>
      %mul3A_77 = arith.mulf %gather3A_52, %get3A_73 : vector<16xf32>
      %add3A_78 = arith.addf %add3A_76, %mul3A_77 : vector<16xf32>
      %sub3A_79 = arith.constant 1.000000e+00 : f32
      %sub3A_80 = vector.broadcast %sub3A_79 : f32 to vector<16xf32>
      %sub3A_81 = arith.subf %sub3A_80, %add3A_78 : vector<16xf32>
      %swap3A = arith.constant 0 : index
      %swap3A_82 = tpu.vector_load %arg17[%swap3A] {strides = array<i32>} : memref<128xf32, #tpu.memory_space<vmem>>, vector<16xf32>,
      tpu.vector_store %arg17[%swap3A], %sub3A_81 {strides = array<i32>} : memref<128xf32, #tpu.memory_space<vmem>>, vector<16xf32>,
      %mul3A_83 = arith.mulf %gather3A_53, %get3A_65 : vector<16xf32>
      %mul3A_84 = arith.mulf %gather3A_57, %get3A_69 : vector<16xf32>
      %add3A_85 = arith.addf %mul3A_83, %mul3A_84 : vector<16xf32>
      %mul3A_86 = arith.mulf %gather3A_61, %get3A_73 : vector<16xf32>
      %add3A_87 = arith.addf %add3A_85, %mul3A_86 : vector<16xf32>
      %add3A_88 = arith.constant 1.000000e+00 : f32
      %add3A_89 = vector.broadcast %add3A_88 : f32 to vector<16xf32>
      %add3A_90 = arith.addf %add3A_89, %add3A_87 : vector<16xf32>
      %swap3A_91 = arith.constant 0 : index
      %swap3A_92 = tpu.vector_load %arg18[%swap3A_91] {strides = array<i32>} : memref<128xf32, #tpu.memory_space<vmem>>, vector<16xf32>,
      tpu.vector_store %arg18[%swap3A_91], %add3A_90 {strides = array<i32>} : memref<128xf32, #tpu.memory_space<vmem>>, vector<16xf32>,
      %mul3A_93 = arith.mulf %gather3A_48, %gather3A_61 : vector<16xf32>
      %mul3A_94 = arith.mulf %gather3A_52, %gather3A_57 : vector<16xf32>
      %sub3A_95 = arith.subf %mul3A_93, %mul3A_94 : vector<16xf32>
      %mul3A_96 = arith.mulf %gather3A_52, %gather3A_53 : vector<16xf32>
      %mul3A_97 = arith.mulf %gather3A, %gather3A_61 : vector<16xf32>
      %sub3A_98 = arith.subf %mul3A_96, %mul3A_97 : vector<16xf32>
      %mul3A_99 = arith.mulf %gather3A, %gather3A_57 : vector<16xf32>
      %mul3A_100 = arith.mulf %gather3A_48, %gather3A_53 : vector<16xf32>
      %sub3A_101 = arith.subf %mul3A_99, %mul3A_100 : vector<16xf32>
      %mul3A_102 = arith.mulf %sub3A_95, %sub3A_95 : vector<16xf32>
      %mul3A_103 = arith.mulf %sub3A_98, %sub3A_98 : vector<16xf32>
      %add3A_104 = arith.addf %mul3A_102, %mul3A_103 : vector<16xf32>
      %mul3A_105 = arith.mulf %sub3A_101, %sub3A_101 : vector<16xf32>
      %add3A_106 = arith.addf %add3A_104, %mul3A_105 : vector<16xf32>
      %swap3A_107 = arith.constant 0 : index
      %swap3A_108 = tpu.vector_load %arg19[%swap3A_107] {strides = array<i32>} : memref<128xf32, #tpu.memory_space<vmem>>, vector<16xf32>,
      tpu.vector_store %arg19[%swap3A_107], %add3A_106 {strides = array<i32>} : memref<128xf32, #tpu.memory_space<vmem>>, vector<16xf32>,
      %get3A_109 = arith.constant 16 : index
      %get3A_110 = tpu.vector_load %arg12[%get3A_109] {strides = array<i32>} : memref<128xi32, #tpu.memory_space<vmem>>, vector<16xi32>,
      %get3A_111 = arith.constant 16 : index
      %get3A_112 = tpu.vector_load %arg13[%get3A_111] {strides = array<i32>} : memref<128xi32, #tpu.memory_space<vmem>>, vector<16xi32>,
      %gather3A_113 = tpu.vector_load_idx %arg11[%get3A_110] : memref<30000xf32, #tpu.memory_space<vmem>>[vector<16xi32>], vector<16xf32>,
      %add3A_114 = arith.constant 10000 : i32
      %add3A_115 = vector.broadcast %add3A_114 : i32 to vector<16xi32>
      %add3A_116 = arith.addi %get3A_110, %add3A_115 : vector<16xi32>
      %gather3A_117 = tpu.vector_load_idx %arg11[%add3A_116] : memref<30000xf32, #tpu.memory_space<vmem>>[vector<16xi32>], vector<16xf32>,
      %add3A_118 = arith.constant 20000 : i32
      %add3A_119 = vector.broadcast %add3A_118 : i32 to vector<16xi32>
      %add3A_120 = arith.addi %get3A_110, %add3A_119 : vector<16xi32>
      %gather3A_121 = tpu.vector_load_idx %arg11[%add3A_120] : memref<30000xf32, #tpu.memory_space<vmem>>[vector<16xi32>], vector<16xf32>,
      %gather3A_122 = tpu.vector_load_idx %arg11[%get3A_112] : memref<30000xf32, #tpu.memory_space<vmem>>[vector<16xi32>], vector<16xf32>,
      %add3A_123 = arith.constant 10000 : i32
      %add3A_124 = vector.broadcast %add3A_123 : i32 to vector<16xi32>
      %add3A_125 = arith.addi %get3A_112, %add3A_124 : vector<16xi32>
      %gather3A_126 = tpu.vector_load_idx %arg11[%add3A_125] : memref<30000xf32, #tpu.memory_space<vmem>>[vector<16xi32>], vector<16xf32>,
      %add3A_127 = arith.constant 20000 : i32
      %add3A_128 = vector.broadcast %add3A_127 : i32 to vector<16xi32>
      %add3A_129 = arith.addi %get3A_112, %add3A_128 : vector<16xi32>
      %gather3A_130 = tpu.vector_load_idx %arg11[%add3A_129] : memref<30000xf32, #tpu.memory_space<vmem>>[vector<16xi32>], vector<16xf32>,
      %get3A_131 = arith.constant 0 : i32
      %get3A_132 = arith.index_cast %get3A_131 : i32 to index
      %get3A_133 = arith.constant 16 : index
      %get3A_134 = tpu.vector_load %arg14[%get3A_132, %get3A_133] {strides = array<i32>} : memref<3x128xf32, #tpu.memory_space<vmem>>, vector<16xf32>,
      %get3A_135 = arith.constant 1 : i32
      %get3A_136 = arith.index_cast %get3A_135 : i32 to index
      %get3A_137 = arith.constant 16 : index
      %get3A_138 = tpu.vector_load %arg14[%get3A_136, %get3A_137] {strides = array<i32>} : memref<3x128xf32, #tpu.memory_space<vmem>>, vector<16xf32>,
      %get3A_139 = arith.constant 2 : i32
      %get3A_140 = arith.index_cast %get3A_139 : i32 to index
      %get3A_141 = arith.constant 16 : index
      %get3A_142 = tpu.vector_load %arg14[%get3A_140, %get3A_141] {strides = array<i32>} : memref<3x128xf32, #tpu.memory_space<vmem>>, vector<16xf32>,
      %mul3A_143 = arith.mulf %gather3A_113, %get3A_134 : vector<16xf32>
      %mul3A_144 = arith.mulf %gather3A_117, %get3A_138 : vector<16xf32>
      %add3A_145 = arith.addf %mul3A_143, %mul3A_144 : vector<16xf32>
      %mul3A_146 = arith.mulf %gather3A_121, %get3A_142 : vector<16xf32>
      %add3A_147 = arith.addf %add3A_145, %mul3A_146 : vector<16xf32>
      %sub3A_148 = arith.constant 1.000000e+00 : f32
      %sub3A_149 = vector.broadcast %sub3A_148 : f32 to vector<16xf32>
      %sub3A_150 = arith.subf %sub3A_149, %add3A_147 : vector<16xf32>
      %swap3A_151 = arith.constant 16 : index
      %swap3A_152 = tpu.vector_load %arg17[%swap3A_151] {strides = array<i32>} : memref<128xf32, #tpu.memory_space<vmem>>, vector<16xf32>,
      tpu.vector_store %arg17[%swap3A_151], %sub3A_150 {strides = array<i32>} : memref<128xf32, #tpu.memory_space<vmem>>, vector<16xf32>,
      %mul3A_153 = arith.mulf %gather3A_122, %get3A_134 : vector<16xf32>
      %mul3A_154 = arith.mulf %gather3A_126, %get3A_138 : vector<16xf32>
      %add3A_155 = arith.addf %mul3A_153, %mul3A_154 : vector<16xf32>
      %mul3A_156 = arith.mulf %gather3A_130, %get3A_142 : vector<16xf32>
      %add3A_157 = arith.addf %add3A_155, %mul3A_156 : vector<16xf32>
      %add3A_158 = arith.constant 1.000000e+00 : f32
      %add3A_159 = vector.broadcast %add3A_158 : f32 to vector<16xf32>
      %add3A_160 = arith.addf %add3A_159, %add3A_157 : vector<16xf32>
      %swap3A_161 = arith.constant 16 : index
      %swap3A_162 = tpu.vector_load %arg18[%swap3A_161] {strides = array<i32>} : memref<128xf32, #tpu.memory_space<vmem>>, vector<16xf32>,
      tpu.vector_store %arg18[%swap3A_161], %add3A_160 {strides = array<i32>} : memref<128xf32, #tpu.memory_space<vmem>>, vector<16xf32>,
      %mul3A_163 = arith.mulf %gather3A_117, %gather3A_130 : vector<16xf32>
      %mul3A_164 = arith.mulf %gather3A_121, %gather3A_126 : vector<16xf32>
      %sub3A_165 = arith.subf %mul3A_163, %mul3A_164 : vector<16xf32>
      %mul3A_166 = arith.mulf %gather3A_121, %gather3A_122 : vector<16xf32>
      %mul3A_167 = arith.mulf %gather3A_113, %gather3A_130 : vector<16xf32>
      %sub3A_168 = arith.subf %mul3A_166, %mul3A_167 : vector<16xf32>
      %mul3A_169 = arith.mulf %gather3A_113, %gather3A_126 : vector<16xf32>
      %mul3A_170 = arith.mulf %gather3A_117, %gather3A_122 : vector<16xf32>
      %sub3A_171 = arith.subf %mul3A_169, %mul3A_170 : vector<16xf32>
      %mul3A_172 = arith.mulf %sub3A_165, %sub3A_165 : vector<16xf32>
      %mul3A_173 = arith.mulf %sub3A_168, %sub3A_168 : vector<16xf32>
      %add3A_174 = arith.addf %mul3A_172, %mul3A_173 : vector<16xf32>
      %mul3A_175 = arith.mulf %sub3A_171, %sub3A_171 : vector<16xf32>
      %add3A_176 = arith.addf %add3A_174, %mul3A_175 : vector<16xf32>
      %swap3A_177 = arith.constant 16 : index
      %swap3A_178 = tpu.vector_load %arg19[%swap3A_177] {strides = array<i32>} : memref<128xf32, #tpu.memory_space<vmem>>, vector<16xf32>,
      tpu.vector_store %arg19[%swap3A_177], %add3A_176 {strides = array<i32>} : memref<128xf32, #tpu.memory_space<vmem>>, vector<16xf32>,
      %get3A_179 = arith.constant 32 : index
      %get3A_180 = tpu.vector_load %arg12[%get3A_179] {strides = array<i32>} : memref<128xi32, #tpu.memory_space<vmem>>, vector<16xi32>,
      %get3A_181 = arith.constant 32 : index
      %get3A_182 = tpu.vector_load %arg13[%get3A_181] {strides = array<i32>} : memref<128xi32, #tpu.memory_space<vmem>>, vector<16xi32>,
      %gather3A_183 = tpu.vector_load_idx %arg11[%get3A_180] : memref<30000xf32, #tpu.memory_space<vmem>>[vector<16xi32>], vector<16xf32>,
      %add3A_184 = arith.constant 10000 : i32
      %add3A_185 = vector.broadcast %add3A_184 : i32 to vector<16xi32>
      %add3A_186 = arith.addi %get3A_180, %add3A_185 : vector<16xi32>
      %gather3A_187 = tpu.vector_load_idx %arg11[%add3A_186] : memref<30000xf32, #tpu.memory_space<vmem>>[vector<16xi32>], vector<16xf32>,
      %add3A_188 = arith.constant 20000 : i32
      %add3A_189 = vector.broadcast %add3A_188 : i32 to vector<16xi32>
      %add3A_190 = arith.addi %get3A_180, %add3A_189 : vector<16xi32>
      %gather3A_191 = tpu.vector_load_idx %arg11[%add3A_190] : memref<30000xf32, #tpu.memory_space<vmem>>[vector<16xi32>], vector<16xf32>,
      %gather3A_192 = tpu.vector_load_idx %arg11[%get3A_182] : memref<30000xf32, #tpu.memory_space<vmem>>[vector<16xi32>], vector<16xf32>,
      %add3A_193 = arith.constant 10000 : i32
      %add3A_194 = vector.broadcast %add3A_193 : i32 to vector<16xi32>
      %add3A_195 = arith.addi %get3A_182, %add3A_194 : vector<16xi32>
      %gather3A_196 = tpu.vector_load_idx %arg11[%add3A_195] : memref<30000xf32, #tpu.memory_space<vmem>>[vector<16xi32>], vector<16xf32>,
      %add3A_197 = arith.constant 20000 : i32
      %add3A_198 = vector.broadcast %add3A_197 : i32 to vector<16xi32>
      %add3A_199 = arith.addi %get3A_182, %add3A_198 : vector<16xi32>
      %gather3A_200 = tpu.vector_load_idx %arg11[%add3A_199] : memref<30000xf32, #tpu.memory_space<vmem>>[vector<16xi32>], vector<16xf32>,
      %get3A_201 = arith.constant 0 : i32
      %get3A_202 = arith.index_cast %get3A_201 : i32 to index
      %get3A_203 = arith.constant 32 : index
      %get3A_204 = tpu.vector_load %arg14[%get3A_202, %get3A_203] {strides = array<i32>} : memref<3x128xf32, #tpu.memory_space<vmem>>, vector<16xf32>,
      %get3A_205 = arith.constant 1 : i32
      %get3A_206 = arith.index_cast %get3A_205 : i32 to index
      %get3A_207 = arith.constant 32 : index
      %get3A_208 = tpu.vector_load %arg14[%get3A_206, %get3A_207] {strides = array<i32>} : memref<3x128xf32, #tpu.memory_space<vmem>>, vector<16xf32>,
      %get3A_209 = arith.constant 2 : i32
      %get3A_210 = arith.index_cast %get3A_209 : i32 to index
      %get3A_211 = arith.constant 32 : index
      %get3A_212 = tpu.vector_load %arg14[%get3A_210, %get3A_211] {strides = array<i32>} : memref<3x128xf32, #tpu.memory_space<vmem>>, vector<16xf32>,
      %mul3A_213 = arith.mulf %gather3A_183, %get3A_204 : vector<16xf32>
      %mul3A_214 = arith.mulf %gather3A_187, %get3A_208 : vector<16xf32>
      %add3A_215 = arith.addf %mul3A_213, %mul3A_214 : vector<16xf32>
      %mul3A_216 = arith.mulf %gather3A_191, %get3A_212 : vector<16xf32>
      %add3A_217 = arith.addf %add3A_215, %mul3A_216 : vector<16xf32>
      %sub3A_218 = arith.constant 1.000000e+00 : f32
      %sub3A_219 = vector.broadcast %sub3A_218 : f32 to vector<16xf32>
      %sub3A_220 = arith.subf %sub3A_219, %add3A_217 : vector<16xf32>
      %swap3A_221 = arith.constant 32 : index
      %swap3A_222 = tpu.vector_load %arg17[%swap3A_221] {strides = array<i32>} : memref<128xf32, #tpu.memory_space<vmem>>, vector<16xf32>,
      tpu.vector_store %arg17[%swap3A_221], %sub3A_220 {strides = array<i32>} : memref<128xf32, #tpu.memory_space<vmem>>, vector<16xf32>,
      %mul3A_223 = arith.mulf %gather3A_192, %get3A_204 : vector<16xf32>
      %mul3A_224 = arith.mulf %gather3A_196, %get3A_208 : vector<16xf32>
      %add3A_225 = arith.addf %mul3A_223, %mul3A_224 : vector<16xf32>
      %mul3A_226 = arith.mulf %gather3A_200, %get3A_212 : vector<16xf32>
      %add3A_227 = arith.addf %add3A_225, %mul3A_226 : vector<16xf32>
      %add3A_228 = arith.constant 1.000000e+00 : f32
      %add3A_229 = vector.broadcast %add3A_228 : f32 to vector<16xf32>
      %add3A_230 = arith.addf %add3A_229, %add3A_227 : vector<16xf32>
      %swap3A_231 = arith.constant 32 : index
      %swap3A_232 = tpu.vector_load %arg18[%swap3A_231] {strides = array<i32>} : memref<128xf32, #tpu.memory_space<vmem>>, vector<16xf32>,
      tpu.vector_store %arg18[%swap3A_231], %add3A_230 {strides = array<i32>} : memref<128xf32, #tpu.memory_space<vmem>>, vector<16xf32>,
      %mul3A_233 = arith.mulf %gather3A_187, %gather3A_200 : vector<16xf32>
      %mul3A_234 = arith.mulf %gather3A_191, %gather3A_196 : vector<16xf32>
      %sub3A_235 = arith.subf %mul3A_233, %mul3A_234 : vector<16xf32>
      %mul3A_236 = arith.mulf %gather3A_191, %gather3A_192 : vector<16xf32>
      %mul3A_237 = arith.mulf %gather3A_183, %gather3A_200 : vector<16xf32>
      %sub3A_238 = arith.subf %mul3A_236, %mul3A_237 : vector<16xf32>
      %mul3A_239 = arith.mulf %gather3A_183, %gather3A_196 : vector<16xf32>
      %mul3A_240 = arith.mulf %gather3A_187, %gather3A_192 : vector<16xf32>
      %sub3A_241 = arith.subf %mul3A_239, %mul3A_240 : vector<16xf32>
      %mul3A_242 = arith.mulf %sub3A_235, %sub3A_235 : vector<16xf32>
      %mul3A_243 = arith.mulf %sub3A_238, %sub3A_238 : vector<16xf32>
      %add3A_244 = arith.addf %mul3A_242, %mul3A_243 : vector<16xf32>
      %mul3A_245 = arith.mulf %sub3A_241, %sub3A_241 : vector<16xf32>
      %add3A_246 = arith.addf %add3A_244, %mul3A_245 : vector<16xf32>
      %swap3A_247 = arith.constant 32 : index
      %swap3A_248 = tpu.vector_load %arg19[%swap3A_247] {strides = array<i32>} : memref<128xf32, #tpu.memory_space<vmem>>, vector<16xf32>,
      tpu.vector_store %arg19[%swap3A_247], %add3A_246 {strides = array<i32>} : memref<128xf32, #tpu.memory_space<vmem>>, vector<16xf32>,
      %get3A_249 = arith.constant 48 : index
      %get3A_250 = tpu.vector_load %arg12[%get3A_249] {strides = array<i32>} : memref<128xi32, #tpu.memory_space<vmem>>, vector<16xi32>,
      %get3A_251 = arith.constant 48 : index
      %get3A_252 = tpu.vector_load %arg13[%get3A_251] {strides = array<i32>} : memref<128xi32, #tpu.memory_space<vmem>>, vector<16xi32>,
      %gather3A_253 = tpu.vector_load_idx %arg11[%get3A_250] : memref<30000xf32, #tpu.memory_space<vmem>>[vector<16xi32>], vector<16xf32>,
      %add3A_254 = arith.constant 10000 : i32
      %add3A_255 = vector.broadcast %add3A_254 : i32 to vector<16xi32>
      %add3A_256 = arith.addi %get3A_250, %add3A_255 : vector<16xi32>
      %gather3A_257 = tpu.vector_load_idx %arg11[%add3A_256] : memref<30000xf32, #tpu.memory_space<vmem>>[vector<16xi32>], vector<16xf32>,
      %add3A_258 = arith.constant 20000 : i32
      %add3A_259 = vector.broadcast %add3A_258 : i32 to vector<16xi32>
      %add3A_260 = arith.addi %get3A_250, %add3A_259 : vector<16xi32>
      %gather3A_261 = tpu.vector_load_idx %arg11[%add3A_260] : memref<30000xf32, #tpu.memory_space<vmem>>[vector<16xi32>], vector<16xf32>,
      %gather3A_262 = tpu.vector_load_idx %arg11[%get3A_252] : memref<30000xf32, #tpu.memory_space<vmem>>[vector<16xi32>], vector<16xf32>,
      %add3A_263 = arith.constant 10000 : i32
      %add3A_264 = vector.broadcast %add3A_263 : i32 to vector<16xi32>
      %add3A_265 = arith.addi %get3A_252, %add3A_264 : vector<16xi32>
      %gather3A_266 = tpu.vector_load_idx %arg11[%add3A_265] : memref<30000xf32, #tpu.memory_space<vmem>>[vector<16xi32>], vector<16xf32>,
      %add3A_267 = arith.constant 20000 : i32
      %add3A_268 = vector.broadcast %add3A_267 : i32 to vector<16xi32>
      %add3A_269 = arith.addi %get3A_252, %add3A_268 : vector<16xi32>
      %gather3A_270 = tpu.vector_load_idx %arg11[%add3A_269] : memref<30000xf32, #tpu.memory_space<vmem>>[vector<16xi32>], vector<16xf32>,
      %get3A_271 = arith.constant 0 : i32
      %get3A_272 = arith.index_cast %get3A_271 : i32 to index
      %get3A_273 = arith.constant 48 : index
      %get3A_274 = tpu.vector_load %arg14[%get3A_272, %get3A_273] {strides = array<i32>} : memref<3x128xf32, #tpu.memory_space<vmem>>, vector<16xf32>,
      %get3A_275 = arith.constant 1 : i32
      %get3A_276 = arith.index_cast %get3A_275 : i32 to index
      %get3A_277 = arith.constant 48 : index
      %get3A_278 = tpu.vector_load %arg14[%get3A_276, %get3A_277] {strides = array<i32>} : memref<3x128xf32, #tpu.memory_space<vmem>>, vector<16xf32>,
      %get3A_279 = arith.constant 2 : i32
      %get3A_280 = arith.index_cast %get3A_279 : i32 to index
      %get3A_281 = arith.constant 48 : index
      %get3A_282 = tpu.vector_load %arg14[%get3A_280, %get3A_281] {strides = array<i32>} : memref<3x128xf32, #tpu.memory_space<vmem>>, vector<16xf32>,
      %mul3A_283 = arith.mulf %gather3A_253, %get3A_274 : vector<16xf32>
      %mul3A_284 = arith.mulf %gather3A_257, %get3A_278 : vector<16xf32>
      %add3A_285 = arith.addf %mul3A_283, %mul3A_284 : vector<16xf32>
      %mul3A_286 = arith.mulf %gather3A_261, %get3A_282 : vector<16xf32>
      %add3A_287 = arith.addf %add3A_285, %mul3A_286 : vector<16xf32>
      %sub3A_288 = arith.constant 1.000000e+00 : f32
      %sub3A_289 = vector.broadcast %sub3A_288 : f32 to vector<16xf32>
      %sub3A_290 = arith.subf %sub3A_289, %add3A_287 : vector<16xf32>
      %swap3A_291 = arith.constant 48 : index
      %swap3A_292 = tpu.vector_load %arg17[%swap3A_291] {strides = array<i32>} : memref<128xf32, #tpu.memory_space<vmem>>, vector<16xf32>,
      tpu.vector_store %arg17[%swap3A_291], %sub3A_290 {strides = array<i32>} : memref<128xf32, #tpu.memory_space<vmem>>, vector<16xf32>,
      %mul3A_293 = arith.mulf %gather3A_262, %get3A_274 : vector<16xf32>
      %mul3A_294 = arith.mulf %gather3A_266, %get3A_278 : vector<16xf32>
      %add3A_295 = arith.addf %mul3A_293, %mul3A_294 : vector<16xf32>
      %mul3A_296 = arith.mulf %gather3A_270, %get3A_282 : vector<16xf32>
      %add3A_297 = arith.addf %add3A_295, %mul3A_296 : vector<16xf32>
      %add3A_298 = arith.constant 1.000000e+00 : f32
      %add3A_299 = vector.broadcast %add3A_298 : f32 to vector<16xf32>
      %add3A_300 = arith.addf %add3A_299, %add3A_297 : vector<16xf32>
      %swap3A_301 = arith.constant 48 : index
      %swap3A_302 = tpu.vector_load %arg18[%swap3A_301] {strides = array<i32>} : memref<128xf32, #tpu.memory_space<vmem>>, vector<16xf32>,
      tpu.vector_store %arg18[%swap3A_301], %add3A_300 {strides = array<i32>} : memref<128xf32, #tpu.memory_space<vmem>>, vector<16xf32>,
      %mul3A_303 = arith.mulf %gather3A_257, %gather3A_270 : vector<16xf32>
      %mul3A_304 = arith.mulf %gather3A_261, %gather3A_266 : vector<16xf32>
      %sub3A_305 = arith.subf %mul3A_303, %mul3A_304 : vector<16xf32>
      %mul3A_306 = arith.mulf %gather3A_261, %gather3A_262 : vector<16xf32>
      %mul3A_307 = arith.mulf %gather3A_253, %gather3A_270 : vector<16xf32>
      %sub3A_308 = arith.subf %mul3A_306, %mul3A_307 : vector<16xf32>
      %mul3A_309 = arith.mulf %gather3A_253, %gather3A_266 : vector<16xf32>
      %mul3A_310 = arith.mulf %gather3A_257, %gather3A_262 : vector<16xf32>
      %sub3A_311 = arith.subf %mul3A_309, %mul3A_310 : vector<16xf32>
      %mul3A_312 = arith.mulf %sub3A_305, %sub3A_305 : vector<16xf32>
      %mul3A_313 = arith.mulf %sub3A_308, %sub3A_308 : vector<16xf32>
      %add3A_314 = arith.addf %mul3A_312, %mul3A_313 : vector<16xf32>
      %mul3A_315 = arith.mulf %sub3A_311, %sub3A_311 : vector<16xf32>
      %add3A_316 = arith.addf %add3A_314, %mul3A_315 : vector<16xf32>
      %swap3A_317 = arith.constant 48 : index
      %swap3A_318 = tpu.vector_load %arg19[%swap3A_317] {strides = array<i32>} : memref<128xf32, #tpu.memory_space<vmem>>, vector<16xf32>,
      tpu.vector_store %arg19[%swap3A_317], %add3A_316 {strides = array<i32>} : memref<128xf32, #tpu.memory_space<vmem>>, vector<16xf32>,
      %get3A_319 = arith.constant 64 : index
      %get3A_320 = tpu.vector_load %arg12[%get3A_319] {strides = array<i32>} : memref<128xi32, #tpu.memory_space<vmem>>, vector<16xi32>,
      %get3A_321 = arith.constant 64 : index
      %get3A_322 = tpu.vector_load %arg13[%get3A_321] {strides = array<i32>} : memref<128xi32, #tpu.memory_space<vmem>>, vector<16xi32>,
      %gather3A_323 = tpu.vector_load_idx %arg11[%get3A_320] : memref<30000xf32, #tpu.memory_space<vmem>>[vector<16xi32>], vector<16xf32>,
      %add3A_324 = arith.constant 10000 : i32
      %add3A_325 = vector.broadcast %add3A_324 : i32 to vector<16xi32>
      %add3A_326 = arith.addi %get3A_320, %add3A_325 : vector<16xi32>
      %gather3A_327 = tpu.vector_load_idx %arg11[%add3A_326] : memref<30000xf32, #tpu.memory_space<vmem>>[vector<16xi32>], vector<16xf32>,
      %add3A_328 = arith.constant 20000 : i32
      %add3A_329 = vector.broadcast %add3A_328 : i32 to vector<16xi32>
      %add3A_330 = arith.addi %get3A_320, %add3A_329 : vector<16xi32>
      %gather3A_331 = tpu.vector_load_idx %arg11[%add3A_330] : memref<30000xf32, #tpu.memory_space<vmem>>[vector<16xi32>], vector<16xf32>,
      %gather3A_332 = tpu.vector_load_idx %arg11[%get3A_322] : memref<30000xf32, #tpu.memory_space<vmem>>[vector<16xi32>], vector<16xf32>,
      %add3A_333 = arith.constant 10000 : i32
      %add3A_334 = vector.broadcast %add3A_333 : i32 to vector<16xi32>
      %add3A_335 = arith.addi %get3A_322, %add3A_334 : vector<16xi32>
      %gather3A_336 = tpu.vector_load_idx %arg11[%add3A_335] : memref<30000xf32, #tpu.memory_space<vmem>>[vector<16xi32>], vector<16xf32>,
      %add3A_337 = arith.constant 20000 : i32
      %add3A_338 = vector.broadcast %add3A_337 : i32 to vector<16xi32>
      %add3A_339 = arith.addi %get3A_322, %add3A_338 : vector<16xi32>
      %gather3A_340 = tpu.vector_load_idx %arg11[%add3A_339] : memref<30000xf32, #tpu.memory_space<vmem>>[vector<16xi32>], vector<16xf32>,
      %get3A_341 = arith.constant 0 : i32
      %get3A_342 = arith.index_cast %get3A_341 : i32 to index
      %get3A_343 = arith.constant 64 : index
      %get3A_344 = tpu.vector_load %arg14[%get3A_342, %get3A_343] {strides = array<i32>} : memref<3x128xf32, #tpu.memory_space<vmem>>, vector<16xf32>,
      %get3A_345 = arith.constant 1 : i32
      %get3A_346 = arith.index_cast %get3A_345 : i32 to index
      %get3A_347 = arith.constant 64 : index
      %get3A_348 = tpu.vector_load %arg14[%get3A_346, %get3A_347] {strides = array<i32>} : memref<3x128xf32, #tpu.memory_space<vmem>>, vector<16xf32>,
      %get3A_349 = arith.constant 2 : i32
      %get3A_350 = arith.index_cast %get3A_349 : i32 to index
      %get3A_351 = arith.constant 64 : index
      %get3A_352 = tpu.vector_load %arg14[%get3A_350, %get3A_351] {strides = array<i32>} : memref<3x128xf32, #tpu.memory_space<vmem>>, vector<16xf32>,
      %mul3A_353 = arith.mulf %gather3A_323, %get3A_344 : vector<16xf32>
      %mul3A_354 = arith.mulf %gather3A_327, %get3A_348 : vector<16xf32>
      %add3A_355 = arith.addf %mul3A_353, %mul3A_354 : vector<16xf32>
      %mul3A_356 = arith.mulf %gather3A_331, %get3A_352 : vector<16xf32>
      %add3A_357 = arith.addf %add3A_355, %mul3A_356 : vector<16xf32>
      %sub3A_358 = arith.constant 1.000000e+00 : f32
      %sub3A_359 = vector.broadcast %sub3A_358 : f32 to vector<16xf32>
      %sub3A_360 = arith.subf %sub3A_359, %add3A_357 : vector<16xf32>
      %swap3A_361 = arith.constant 64 : index
      %swap3A_362 = tpu.vector_load %arg17[%swap3A_361] {strides = array<i32>} : memref<128xf32, #tpu.memory_space<vmem>>, vector<16xf32>,
      tpu.vector_store %arg17[%swap3A_361], %sub3A_360 {strides = array<i32>} : memref<128xf32, #tpu.memory_space<vmem>>, vector<16xf32>,
      %mul3A_363 = arith.mulf %gather3A_332, %get3A_344 : vector<16xf32>
      %mul3A_364 = arith.mulf %gather3A_336, %get3A_348 : vector<16xf32>
      %add3A_365 = arith.addf %mul3A_363, %mul3A_364 : vector<16xf32>
      %mul3A_366 = arith.mulf %gather3A_340, %get3A_352 : vector<16xf32>
      %add3A_367 = arith.addf %add3A_365, %mul3A_366 : vector<16xf32>
      %add3A_368 = arith.constant 1.000000e+00 : f32
      %add3A_369 = vector.broadcast %add3A_368 : f32 to vector<16xf32>
      %add3A_370 = arith.addf %add3A_369, %add3A_367 : vector<16xf32>
      %swap3A_371 = arith.constant 64 : index
      %swap3A_372 = tpu.vector_load %arg18[%swap3A_371] {strides = array<i32>} : memref<128xf32, #tpu.memory_space<vmem>>, vector<16xf32>,
      tpu.vector_store %arg18[%swap3A_371], %add3A_370 {strides = array<i32>} : memref<128xf32, #tpu.memory_space<vmem>>, vector<16xf32>,
      %mul3A_373 = arith.mulf %gather3A_327, %gather3A_340 : vector<16xf32>
      %mul3A_374 = arith.mulf %gather3A_331, %gather3A_336 : vector<16xf32>
      %sub3A_375 = arith.subf %mul3A_373, %mul3A_374 : vector<16xf32>
      %mul3A_376 = arith.mulf %gather3A_331, %gather3A_332 : vector<16xf32>
      %mul3A_377 = arith.mulf %gather3A_323, %gather3A_340 : vector<16xf32>
      %sub3A_378 = arith.subf %mul3A_376, %mul3A_377 : vector<16xf32>
      %mul3A_379 = arith.mulf %gather3A_323, %gather3A_336 : vector<16xf32>
      %mul3A_380 = arith.mulf %gather3A_327, %gather3A_332 : vector<16xf32>
      %sub3A_381 = arith.subf %mul3A_379, %mul3A_380 : vector<16xf32>
      %mul3A_382 = arith.mulf %sub3A_375, %sub3A_375 : vector<16xf32>
      %mul3A_383 = arith.mulf %sub3A_378, %sub3A_378 : vector<16xf32>
      %add3A_384 = arith.addf %mul3A_382, %mul3A_383 : vector<16xf32>
      %mul3A_385 = arith.mulf %sub3A_381, %sub3A_381 : vector<16xf32>
      %add3A_386 = arith.addf %add3A_384, %mul3A_385 : vector<16xf32>
      %swap3A_387 = arith.constant 64 : index
      %swap3A_388 = tpu.vector_load %arg19[%swap3A_387] {strides = array<i32>} : memref<128xf32, #tpu.memory_space<vmem>>, vector<16xf32>,
      tpu.vector_store %arg19[%swap3A_387], %add3A_386 {strides = array<i32>} : memref<128xf32, #tpu.memory_space<vmem>>, vector<16xf32>,
      %get3A_389 = arith.constant 80 : index
      %get3A_390 = tpu.vector_load %arg12[%get3A_389] {strides = array<i32>} : memref<128xi32, #tpu.memory_space<vmem>>, vector<16xi32>,
      %get3A_391 = arith.constant 80 : index
      %get3A_392 = tpu.vector_load %arg13[%get3A_391] {strides = array<i32>} : memref<128xi32, #tpu.memory_space<vmem>>, vector<16xi32>,
      %gather3A_393 = tpu.vector_load_idx %arg11[%get3A_390] : memref<30000xf32, #tpu.memory_space<vmem>>[vector<16xi32>], vector<16xf32>,
      %add3A_394 = arith.constant 10000 : i32
      %add3A_395 = vector.broadcast %add3A_394 : i32 to vector<16xi32>
      %add3A_396 = arith.addi %get3A_390, %add3A_395 : vector<16xi32>
      %gather3A_397 = tpu.vector_load_idx %arg11[%add3A_396] : memref<30000xf32, #tpu.memory_space<vmem>>[vector<16xi32>], vector<16xf32>,
      %add3A_398 = arith.constant 20000 : i32
      %add3A_399 = vector.broadcast %add3A_398 : i32 to vector<16xi32>
      %add3A_400 = arith.addi %get3A_390, %add3A_399 : vector<16xi32>
      %gather3A_401 = tpu.vector_load_idx %arg11[%add3A_400] : memref<30000xf32, #tpu.memory_space<vmem>>[vector<16xi32>], vector<16xf32>,
      %gather3A_402 = tpu.vector_load_idx %arg11[%get3A_392] : memref<30000xf32, #tpu.memory_space<vmem>>[vector<16xi32>], vector<16xf32>,
      %add3A_403 = arith.constant 10000 : i32
      %add3A_404 = vector.broadcast %add3A_403 : i32 to vector<16xi32>
      %add3A_405 = arith.addi %get3A_392, %add3A_404 : vector<16xi32>
      %gather3A_406 = tpu.vector_load_idx %arg11[%add3A_405] : memref<30000xf32, #tpu.memory_space<vmem>>[vector<16xi32>], vector<16xf32>,
      %add3A_407 = arith.constant 20000 : i32
      %add3A_408 = vector.broadcast %add3A_407 : i32 to vector<16xi32>
      %add3A_409 = arith.addi %get3A_392, %add3A_408 : vector<16xi32>
      %gather3A_410 = tpu.vector_load_idx %arg11[%add3A_409] : memref<30000xf32, #tpu.memory_space<vmem>>[vector<16xi32>], vector<16xf32>,
      %get3A_411 = arith.constant 0 : i32
      %get3A_412 = arith.index_cast %get3A_411 : i32 to index
      %get3A_413 = arith.constant 80 : index
      %get3A_414 = tpu.vector_load %arg14[%get3A_412, %get3A_413] {strides = array<i32>} : memref<3x128xf32, #tpu.memory_space<vmem>>, vector<16xf32>,
      %get3A_415 = arith.constant 1 : i32
      %get3A_416 = arith.index_cast %get3A_415 : i32 to index
      %get3A_417 = arith.constant 80 : index
      %get3A_418 = tpu.vector_load %arg14[%get3A_416, %get3A_417] {strides = array<i32>} : memref<3x128xf32, #tpu.memory_space<vmem>>, vector<16xf32>,
      %get3A_419 = arith.constant 2 : i32
      %get3A_420 = arith.index_cast %get3A_419 : i32 to index
      %get3A_421 = arith.constant 80 : index
      %get3A_422 = tpu.vector_load %arg14[%get3A_420, %get3A_421] {strides = array<i32>} : memref<3x128xf32, #tpu.memory_space<vmem>>, vector<16xf32>,
      %mul3A_423 = arith.mulf %gather3A_393, %get3A_414 : vector<16xf32>
      %mul3A_424 = arith.mulf %gather3A_397, %get3A_418 : vector<16xf32>
      %add3A_425 = arith.addf %mul3A_423, %mul3A_424 : vector<16xf32>
      %mul3A_426 = arith.mulf %gather3A_401, %get3A_422 : vector<16xf32>
      %add3A_427 = arith.addf %add3A_425, %mul3A_426 : vector<16xf32>
      %sub3A_428 = arith.constant 1.000000e+00 : f32
      %sub3A_429 = vector.broadcast %sub3A_428 : f32 to vector<16xf32>
      %sub3A_430 = arith.subf %sub3A_429, %add3A_427 : vector<16xf32>
      %swap3A_431 = arith.constant 80 : index
      %swap3A_432 = tpu.vector_load %arg17[%swap3A_431] {strides = array<i32>} : memref<128xf32, #tpu.memory_space<vmem>>, vector<16xf32>,
      tpu.vector_store %arg17[%swap3A_431], %sub3A_430 {strides = array<i32>} : memref<128xf32, #tpu.memory_space<vmem>>, vector<16xf32>,
      %mul3A_433 = arith.mulf %gather3A_402, %get3A_414 : vector<16xf32>
      %mul3A_434 = arith.mulf %gather3A_406, %get3A_418 : vector<16xf32>
      %add3A_435 = arith.addf %mul3A_433, %mul3A_434 : vector<16xf32>
      %mul3A_436 = arith.mulf %gather3A_410, %get3A_422 : vector<16xf32>
      %add3A_437 = arith.addf %add3A_435, %mul3A_436 : vector<16xf32>
      %add3A_438 = arith.constant 1.000000e+00 : f32
      %add3A_439 = vector.broadcast %add3A_438 : f32 to vector<16xf32>
      %add3A_440 = arith.addf %add3A_439, %add3A_437 : vector<16xf32>
      %swap3A_441 = arith.constant 80 : index
      %swap3A_442 = tpu.vector_load %arg18[%swap3A_441] {strides = array<i32>} : memref<128xf32, #tpu.memory_space<vmem>>, vector<16xf32>,
      tpu.vector_store %arg18[%swap3A_441], %add3A_440 {strides = array<i32>} : memref<128xf32, #tpu.memory_space<vmem>>, vector<16xf32>,
      %mul3A_443 = arith.mulf %gather3A_397, %gather3A_410 : vector<16xf32>
      %mul3A_444 = arith.mulf %gather3A_401, %gather3A_406 : vector<16xf32>
      %sub3A_445 = arith.subf %mul3A_443, %mul3A_444 : vector<16xf32>
      %mul3A_446 = arith.mulf %gather3A_401, %gather3A_402 : vector<16xf32>
      %mul3A_447 = arith.mulf %gather3A_393, %gather3A_410 : vector<16xf32>
      %sub3A_448 = arith.subf %mul3A_446, %mul3A_447 : vector<16xf32>
      %mul3A_449 = arith.mulf %gather3A_393, %gather3A_406 : vector<16xf32>
      %mul3A_450 = arith.mulf %gather3A_397, %gather3A_402 : vector<16xf32>
      %sub3A_451 = arith.subf %mul3A_449, %mul3A_450 : vector<16xf32>
      %mul3A_452 = arith.mulf %sub3A_445, %sub3A_445 : vector<16xf32>
      %mul3A_453 = arith.mulf %sub3A_448, %sub3A_448 : vector<16xf32>
      %add3A_454 = arith.addf %mul3A_452, %mul3A_453 : vector<16xf32>
      %mul3A_455 = arith.mulf %sub3A_451, %sub3A_451 : vector<16xf32>
      %add3A_456 = arith.addf %add3A_454, %mul3A_455 : vector<16xf32>
      %swap3A_457 = arith.constant 80 : index
      %swap3A_458 = tpu.vector_load %arg19[%swap3A_457] {strides = array<i32>} : memref<128xf32, #tpu.memory_space<vmem>>, vector<16xf32>,
      tpu.vector_store %arg19[%swap3A_457], %add3A_456 {strides = array<i32>} : memref<128xf32, #tpu.memory_space<vmem>>, vector<16xf32>,
      %get3A_459 = arith.constant 96 : index
      %get3A_460 = tpu.vector_load %arg12[%get3A_459] {strides = array<i32>} : memref<128xi32, #tpu.memory_space<vmem>>, vector<16xi32>,
      %get3A_461 = arith.constant 96 : index
      %get3A_462 = tpu.vector_load %arg13[%get3A_461] {strides = array<i32>} : memref<128xi32, #tpu.memory_space<vmem>>, vector<16xi32>,
      %gather3A_463 = tpu.vector_load_idx %arg11[%get3A_460] : memref<30000xf32, #tpu.memory_space<vmem>>[vector<16xi32>], vector<16xf32>,
      %add3A_464 = arith.constant 10000 : i32
      %add3A_465 = vector.broadcast %add3A_464 : i32 to vector<16xi32>
      %add3A_466 = arith.addi %get3A_460, %add3A_465 : vector<16xi32>
      %gather3A_467 = tpu.vector_load_idx %arg11[%add3A_466] : memref<30000xf32, #tpu.memory_space<vmem>>[vector<16xi32>], vector<16xf32>,
      %add3A_468 = arith.constant 20000 : i32
      %add3A_469 = vector.broadcast %add3A_468 : i32 to vector<16xi32>
      %add3A_470 = arith.addi %get3A_460, %add3A_469 : vector<16xi32>
      %gather3A_471 = tpu.vector_load_idx %arg11[%add3A_470] : memref<30000xf32, #tpu.memory_space<vmem>>[vector<16xi32>], vector<16xf32>,
      %gather3A_472 = tpu.vector_load_idx %arg11[%get3A_462] : memref<30000xf32, #tpu.memory_space<vmem>>[vector<16xi32>], vector<16xf32>,
      %add3A_473 = arith.constant 10000 : i32
      %add3A_474 = vector.broadcast %add3A_473 : i32 to vector<16xi32>
      %add3A_475 = arith.addi %get3A_462, %add3A_474 : vector<16xi32>
      %gather3A_476 = tpu.vector_load_idx %arg11[%add3A_475] : memref<30000xf32, #tpu.memory_space<vmem>>[vector<16xi32>], vector<16xf32>,
      %add3A_477 = arith.constant 20000 : i32
      %add3A_478 = vector.broadcast %add3A_477 : i32 to vector<16xi32>
      %add3A_479 = arith.addi %get3A_462, %add3A_478 : vector<16xi32>
      %gather3A_480 = tpu.vector_load_idx %arg11[%add3A_479] : memref<30000xf32, #tpu.memory_space<vmem>>[vector<16xi32>], vector<16xf32>,
      %get3A_481 = arith.constant 0 : i32
      %get3A_482 = arith.index_cast %get3A_481 : i32 to index
      %get3A_483 = arith.constant 96 : index
      %get3A_484 = tpu.vector_load %arg14[%get3A_482, %get3A_483] {strides = array<i32>} : memref<3x128xf32, #tpu.memory_space<vmem>>, vector<16xf32>,
      %get3A_485 = arith.constant 1 : i32
      %get3A_486 = arith.index_cast %get3A_485 : i32 to index
      %get3A_487 = arith.constant 96 : index
      %get3A_488 = tpu.vector_load %arg14[%get3A_486, %get3A_487] {strides = array<i32>} : memref<3x128xf32, #tpu.memory_space<vmem>>, vector<16xf32>,
      %get3A_489 = arith.constant 2 : i32
      %get3A_490 = arith.index_cast %get3A_489 : i32 to index
      %get3A_491 = arith.constant 96 : index
      %get3A_492 = tpu.vector_load %arg14[%get3A_490, %get3A_491] {strides = array<i32>} : memref<3x128xf32, #tpu.memory_space<vmem>>, vector<16xf32>,
      %mul3A_493 = arith.mulf %gather3A_463, %get3A_484 : vector<16xf32>
      %mul3A_494 = arith.mulf %gather3A_467, %get3A_488 : vector<16xf32>
      %add3A_495 = arith.addf %mul3A_493, %mul3A_494 : vector<16xf32>
      %mul3A_496 = arith.mulf %gather3A_471, %get3A_492 : vector<16xf32>
      %add3A_497 = arith.addf %add3A_495, %mul3A_496 : vector<16xf32>
      %sub3A_498 = arith.constant 1.000000e+00 : f32
      %sub3A_499 = vector.broadcast %sub3A_498 : f32 to vector<16xf32>
      %sub3A_500 = arith.subf %sub3A_499, %add3A_497 : vector<16xf32>
      %swap3A_501 = arith.constant 96 : index
      %swap3A_502 = tpu.vector_load %arg17[%swap3A_501] {strides = array<i32>} : memref<128xf32, #tpu.memory_space<vmem>>, vector<16xf32>,
      tpu.vector_store %arg17[%swap3A_501], %sub3A_500 {strides = array<i32>} : memref<128xf32, #tpu.memory_space<vmem>>, vector<16xf32>,
      %mul3A_503 = arith.mulf %gather3A_472, %get3A_484 : vector<16xf32>
      %mul3A_504 = arith.mulf %gather3A_476, %get3A_488 : vector<16xf32>
      %add3A_505 = arith.addf %mul3A_503, %mul3A_504 : vector<16xf32>
      %mul3A_506 = arith.mulf %gather3A_480, %get3A_492 : vector<16xf32>
      %add3A_507 = arith.addf %add3A_505, %mul3A_506 : vector<16xf32>
      %add3A_508 = arith.constant 1.000000e+00 : f32
      %add3A_509 = vector.broadcast %add3A_508 : f32 to vector<16xf32>
      %add3A_510 = arith.addf %add3A_509, %add3A_507 : vector<16xf32>
      %swap3A_511 = arith.constant 96 : index
      %swap3A_512 = tpu.vector_load %arg18[%swap3A_511] {strides = array<i32>} : memref<128xf32, #tpu.memory_space<vmem>>, vector<16xf32>,
      tpu.vector_store %arg18[%swap3A_511], %add3A_510 {strides = array<i32>} : memref<128xf32, #tpu.memory_space<vmem>>, vector<16xf32>,
      %mul3A_513 = arith.mulf %gather3A_467, %gather3A_480 : vector<16xf32>
      %mul3A_514 = arith.mulf %gather3A_471, %gather3A_476 : vector<16xf32>
      %sub3A_515 = arith.subf %mul3A_513, %mul3A_514 : vector<16xf32>
      %mul3A_516 = arith.mulf %gather3A_471, %gather3A_472 : vector<16xf32>
      %mul3A_517 = arith.mulf %gather3A_463, %gather3A_480 : vector<16xf32>
      %sub3A_518 = arith.subf %mul3A_516, %mul3A_517 : vector<16xf32>
      %mul3A_519 = arith.mulf %gather3A_463, %gather3A_476 : vector<16xf32>
      %mul3A_520 = arith.mulf %gather3A_467, %gather3A_472 : vector<16xf32>
      %sub3A_521 = arith.subf %mul3A_519, %mul3A_520 : vector<16xf32>
      %mul3A_522 = arith.mulf %sub3A_515, %sub3A_515 : vector<16xf32>
      %mul3A_523 = arith.mulf %sub3A_518, %sub3A_518 : vector<16xf32>
      %add3A_524 = arith.addf %mul3A_522, %mul3A_523 : vector<16xf32>
      %mul3A_525 = arith.mulf %sub3A_521, %sub3A_521 : vector<16xf32>
      %add3A_526 = arith.addf %add3A_524, %mul3A_525 : vector<16xf32>
      %swap3A_527 = arith.constant 96 : index
      %swap3A_528 = tpu.vector_load %arg19[%swap3A_527] {strides = array<i32>} : memref<128xf32, #tpu.memory_space<vmem>>, vector<16xf32>,
      tpu.vector_store %arg19[%swap3A_527], %add3A_526 {strides = array<i32>} : memref<128xf32, #tpu.memory_space<vmem>>, vector<16xf32>,
      %get3A_529 = arith.constant 112 : index
      %get3A_530 = tpu.vector_load %arg12[%get3A_529] {strides = array<i32>} : memref<128xi32, #tpu.memory_space<vmem>>, vector<16xi32>,
      %get3A_531 = arith.constant 112 : index
      %get3A_532 = tpu.vector_load %arg13[%get3A_531] {strides = array<i32>} : memref<128xi32, #tpu.memory_space<vmem>>, vector<16xi32>,
      %gather3A_533 = tpu.vector_load_idx %arg11[%get3A_530] : memref<30000xf32, #tpu.memory_space<vmem>>[vector<16xi32>], vector<16xf32>,
      %add3A_534 = arith.constant 10000 : i32
      %add3A_535 = vector.broadcast %add3A_534 : i32 to vector<16xi32>
      %add3A_536 = arith.addi %get3A_530, %add3A_535 : vector<16xi32>
      %gather3A_537 = tpu.vector_load_idx %arg11[%add3A_536] : memref<30000xf32, #tpu.memory_space<vmem>>[vector<16xi32>], vector<16xf32>,
      %add3A_538 = arith.constant 20000 : i32
      %add3A_539 = vector.broadcast %add3A_538 : i32 to vector<16xi32>
      %add3A_540 = arith.addi %get3A_530, %add3A_539 : vector<16xi32>
      %gather3A_541 = tpu.vector_load_idx %arg11[%add3A_540] : memref<30000xf32, #tpu.memory_space<vmem>>[vector<16xi32>], vector<16xf32>,
      %gather3A_542 = tpu.vector_load_idx %arg11[%get3A_532] : memref<30000xf32, #tpu.memory_space<vmem>>[vector<16xi32>], vector<16xf32>,
      %add3A_543 = arith.constant 10000 : i32
      %add3A_544 = vector.broadcast %add3A_543 : i32 to vector<16xi32>
      %add3A_545 = arith.addi %get3A_532, %add3A_544 : vector<16xi32>
      %gather3A_546 = tpu.vector_load_idx %arg11[%add3A_545] : memref<30000xf32, #tpu.memory_space<vmem>>[vector<16xi32>], vector<16xf32>,
      %add3A_547 = arith.constant 20000 : i32
      %add3A_548 = vector.broadcast %add3A_547 : i32 to vector<16xi32>
      %add3A_549 = arith.addi %get3A_532, %add3A_548 : vector<16xi32>
      %gather3A_550 = tpu.vector_load_idx %arg11[%add3A_549] : memref<30000xf32, #tpu.memory_space<vmem>>[vector<16xi32>], vector<16xf32>,
      %get3A_551 = arith.constant 0 : i32
      %get3A_552 = arith.index_cast %get3A_551 : i32 to index
      %get3A_553 = arith.constant 112 : index
      %get3A_554 = tpu.vector_load %arg14[%get3A_552, %get3A_553] {strides = array<i32>} : memref<3x128xf32, #tpu.memory_space<vmem>>, vector<16xf32>,
      %get3A_555 = arith.constant 1 : i32
      %get3A_556 = arith.index_cast %get3A_555 : i32 to index
      %get3A_557 = arith.constant 112 : index
      %get3A_558 = tpu.vector_load %arg14[%get3A_556, %get3A_557] {strides = array<i32>} : memref<3x128xf32, #tpu.memory_space<vmem>>, vector<16xf32>,
      %get3A_559 = arith.constant 2 : i32
      %get3A_560 = arith.index_cast %get3A_559 : i32 to index
      %get3A_561 = arith.constant 112 : index
      %get3A_562 = tpu.vector_load %arg14[%get3A_560, %get3A_561] {strides = array<i32>} : memref<3x128xf32, #tpu.memory_space<vmem>>, vector<16xf32>,
      %mul3A_563 = arith.mulf %gather3A_533, %get3A_554 : vector<16xf32>
      %mul3A_564 = arith.mulf %gather3A_537, %get3A_558 : vector<16xf32>
      %add3A_565 = arith.addf %mul3A_563, %mul3A_564 : vector<16xf32>
      %mul3A_566 = arith.mulf %gather3A_541, %get3A_562 : vector<16xf32>
      %add3A_567 = arith.addf %add3A_565, %mul3A_566 : vector<16xf32>
      %sub3A_568 = arith.constant 1.000000e+00 : f32
      %sub3A_569 = vector.broadcast %sub3A_568 : f32 to vector<16xf32>
      %sub3A_570 = arith.subf %sub3A_569, %add3A_567 : vector<16xf32>
      %swap3A_571 = arith.constant 112 : index
      %swap3A_572 = tpu.vector_load %arg17[%swap3A_571] {strides = array<i32>} : memref<128xf32, #tpu.memory_space<vmem>>, vector<16xf32>,
      tpu.vector_store %arg17[%swap3A_571], %sub3A_570 {strides = array<i32>} : memref<128xf32, #tpu.memory_space<vmem>>, vector<16xf32>,
      %mul3A_573 = arith.mulf %gather3A_542, %get3A_554 : vector<16xf32>
      %mul3A_574 = arith.mulf %gather3A_546, %get3A_558 : vector<16xf32>
      %add3A_575 = arith.addf %mul3A_573, %mul3A_574 : vector<16xf32>
      %mul3A_576 = arith.mulf %gather3A_550, %get3A_562 : vector<16xf32>
      %add3A_577 = arith.addf %add3A_575, %mul3A_576 : vector<16xf32>
      %add3A_578 = arith.constant 1.000000e+00 : f32
      %add3A_579 = vector.broadcast %add3A_578 : f32 to vector<16xf32>
      %add3A_580 = arith.addf %add3A_579, %add3A_577 : vector<16xf32>
      %swap3A_581 = arith.constant 112 : index
      %swap3A_582 = tpu.vector_load %arg18[%swap3A_581] {strides = array<i32>} : memref<128xf32, #tpu.memory_space<vmem>>, vector<16xf32>,
      tpu.vector_store %arg18[%swap3A_581], %add3A_580 {strides = array<i32>} : memref<128xf32, #tpu.memory_space<vmem>>, vector<16xf32>,
      %mul3A_583 = arith.mulf %gather3A_537, %gather3A_550 : vector<16xf32>
      %mul3A_584 = arith.mulf %gather3A_541, %gather3A_546 : vector<16xf32>
      %sub3A_585 = arith.subf %mul3A_583, %mul3A_584 : vector<16xf32>
      %mul3A_586 = arith.mulf %gather3A_541, %gather3A_542 : vector<16xf32>
      %mul3A_587 = arith.mulf %gather3A_533, %gather3A_550 : vector<16xf32>
      %sub3A_588 = arith.subf %mul3A_586, %mul3A_587 : vector<16xf32>
      %mul3A_589 = arith.mulf %gather3A_533, %gather3A_546 : vector<16xf32>
      %mul3A_590 = arith.mulf %gather3A_537, %gather3A_542 : vector<16xf32>
      %sub3A_591 = arith.subf %mul3A_589, %mul3A_590 : vector<16xf32>
      %mul3A_592 = arith.mulf %sub3A_585, %sub3A_585 : vector<16xf32>
      %mul3A_593 = arith.mulf %sub3A_588, %sub3A_588 : vector<16xf32>
      %add3A_594 = arith.addf %mul3A_592, %mul3A_593 : vector<16xf32>
      %mul3A_595 = arith.mulf %sub3A_591, %sub3A_591 : vector<16xf32>
      %add3A_596 = arith.addf %add3A_594, %mul3A_595 : vector<16xf32>
      %swap3A_597 = arith.constant 112 : index
      %swap3A_598 = tpu.vector_load %arg19[%swap3A_597] {strides = array<i32>} : memref<128xf32, #tpu.memory_space<vmem>>, vector<16xf32>,
      tpu.vector_store %arg19[%swap3A_597], %add3A_596 {strides = array<i32>} : memref<128xf32, #tpu.memory_space<vmem>>, vector<16xf32>,
      "tpu.region"() ({
        %run_scoped3A_604 = tpu.sem_alloc : memref<!tpu.dma_semaphore, #tpu.memory_space<semaphore_mem>>
        %dma_start3A_605 = tpu.memref_slice %arg8[%mul3A_35] : memref<320000xf32, #tpu.memory_space<hbm>> -> memref<128xf32, #tpu.memory_space<hbm>>
        %dma_start3A_606 = tpu.memref_slice %arg8[%mul3A_35] : memref<320000xf32, #tpu.memory_space<hbm>> -> memref<128xf32, #tpu.memory_space<hbm>>
        tpu.enqueue_dma source(%arg17 : memref<128xf32, #tpu.memory_space<vmem>>) target(%dma_start3A_606 : memref<128xf32, #tpu.memory_space<hbm>>) target_semaphore(%run_scoped3A_604 : memref<!tpu.dma_semaphore, #tpu.memory_space<semaphore_mem>>)
        %dma_wait3A_607 = tpu.memref_slice %arg8[%mul3A_35] : memref<320000xf32, #tpu.memory_space<hbm>> -> memref<128xf32, #tpu.memory_space<hbm>>
        %dma_wait3A_608 = tpu.memref_slice %arg8[%mul3A_35] : memref<320000xf32, #tpu.memory_space<hbm>> -> memref<128xf32, #tpu.memory_space<hbm>>
        tpu.wait_dma2 semaphore(%run_scoped3A_604 : memref<!tpu.dma_semaphore, #tpu.memory_space<semaphore_mem>>) src(%arg17 : memref<128xf32, #tpu.memory_space<vmem>>) dst(%dma_wait3A_608 : memref<128xf32, #tpu.memory_space<hbm>>)
        tpu.yield
      }) : () -> ()
      "tpu.region"() ({
        %run_scoped3A_604 = tpu.sem_alloc : memref<!tpu.dma_semaphore, #tpu.memory_space<semaphore_mem>>
        %dma_start3A_605 = tpu.memref_slice %arg9[%mul3A_35] : memref<320000xf32, #tpu.memory_space<hbm>> -> memref<128xf32, #tpu.memory_space<hbm>>
        %dma_start3A_606 = tpu.memref_slice %arg9[%mul3A_35] : memref<320000xf32, #tpu.memory_space<hbm>> -> memref<128xf32, #tpu.memory_space<hbm>>
        tpu.enqueue_dma source(%arg18 : memref<128xf32, #tpu.memory_space<vmem>>) target(%dma_start3A_606 : memref<128xf32, #tpu.memory_space<hbm>>) target_semaphore(%run_scoped3A_604 : memref<!tpu.dma_semaphore, #tpu.memory_space<semaphore_mem>>)
        %dma_wait3A_607 = tpu.memref_slice %arg9[%mul3A_35] : memref<320000xf32, #tpu.memory_space<hbm>> -> memref<128xf32, #tpu.memory_space<hbm>>
        %dma_wait3A_608 = tpu.memref_slice %arg9[%mul3A_35] : memref<320000xf32, #tpu.memory_space<hbm>> -> memref<128xf32, #tpu.memory_space<hbm>>
        tpu.wait_dma2 semaphore(%run_scoped3A_604 : memref<!tpu.dma_semaphore, #tpu.memory_space<semaphore_mem>>) src(%arg18 : memref<128xf32, #tpu.memory_space<vmem>>) dst(%dma_wait3A_608 : memref<128xf32, #tpu.memory_space<hbm>>)
        tpu.yield
      }) : () -> ()
      "tpu.region"() ({
        %run_scoped3A_604 = tpu.sem_alloc : memref<!tpu.dma_semaphore, #tpu.memory_space<semaphore_mem>>
        %dma_start3A_605 = tpu.memref_slice %arg10[%mul3A_35] : memref<320000xf32, #tpu.memory_space<hbm>> -> memref<128xf32, #tpu.memory_space<hbm>>
        %dma_start3A_606 = tpu.memref_slice %arg10[%mul3A_35] : memref<320000xf32, #tpu.memory_space<hbm>> -> memref<128xf32, #tpu.memory_space<hbm>>
        tpu.enqueue_dma source(%arg19 : memref<128xf32, #tpu.memory_space<vmem>>) target(%dma_start3A_606 : memref<128xf32, #tpu.memory_space<hbm>>) target_semaphore(%run_scoped3A_604 : memref<!tpu.dma_semaphore, #tpu.memory_space<semaphore_mem>>)
        %dma_wait3A_607 = tpu.memref_slice %arg10[%mul3A_35] : memref<320000xf32, #tpu.memory_space<hbm>> -> memref<128xf32, #tpu.memory_space<hbm>>
        %dma_wait3A_608 = tpu.memref_slice %arg10[%mul3A_35] : memref<320000xf32, #tpu.memory_space<hbm>> -> memref<128xf32, #tpu.memory_space<hbm>>
        tpu.wait_dma2 semaphore(%run_scoped3A_604 : memref<!tpu.dma_semaphore, #tpu.memory_space<semaphore_mem>>) src(%arg19 : memref<128xf32, #tpu.memory_space<vmem>>) dst(%dma_wait3A_608 : memref<128xf32, #tpu.memory_space<hbm>>)
        tpu.yield
      }) : () -> ()
      %dma_wait3A = arith.constant 0 : i32
      %dma_wait3A_599 = arith.constant 0 : i32
      %dma_wait3A_600 = tpu.memref_slice %arg2[%dma_wait3A, %dma_wait3A_599] : memref<10000x128xf32, #tpu.memory_space<hbm>> -> memref<10000x128xf32, #tpu.memory_space<hbm>>
      tpu.wait_indirect_dma semaphore(%arg20 : memref<!tpu.dma_semaphore, #tpu.memory_space<semaphore_mem>>) src(%dma_wait3A_600 : memref<10000x128xf32, #tpu.memory_space<hbm>>) dst(%arg15 : memref<128x128xf32, #tpu.memory_space<vmem>>)
      %dma_wait3A_601 = arith.constant 0 : i32
      %dma_wait3A_602 = arith.constant 0 : i32
      %dma_wait3A_603 = tpu.memref_slice %arg2[%dma_wait3A_601, %dma_wait3A_602] : memref<10000x128xf32, #tpu.memory_space<hbm>> -> memref<10000x128xf32, #tpu.memory_space<hbm>>
      tpu.wait_indirect_dma semaphore(%arg21 : memref<!tpu.dma_semaphore, #tpu.memory_space<semaphore_mem>>) src(%dma_wait3A_603 : memref<10000x128xf32, #tpu.memory_space<hbm>>) dst(%arg16 : memref<128x128xf32, #tpu.memory_space<vmem>>)
      "tpu.region"() ({
        %run_scoped3A_604 = tpu.sem_alloc : memref<!tpu.dma_semaphore, #tpu.memory_space<semaphore_mem>>
        %dma_start3A_605 = arith.constant 0 : i32
        %dma_start3A_606 = tpu.memref_slice %arg6[%mul3A_35, %dma_start3A_605] : memref<320000x128xf32, #tpu.memory_space<hbm>> -> memref<128x128xf32, #tpu.memory_space<hbm>>
        %dma_start3A_607 = arith.constant 0 : i32
        %dma_start3A_608 = tpu.memref_slice %arg6[%mul3A_35, %dma_start3A_607] : memref<320000x128xf32, #tpu.memory_space<hbm>> -> memref<128x128xf32, #tpu.memory_space<hbm>>
        tpu.enqueue_dma source(%arg15 : memref<128x128xf32, #tpu.memory_space<vmem>>) target(%dma_start3A_608 : memref<128x128xf32, #tpu.memory_space<hbm>>) target_semaphore(%run_scoped3A_604 : memref<!tpu.dma_semaphore, #tpu.memory_space<semaphore_mem>>)
        %dma_wait3A_609 = arith.constant 0 : i32
        %dma_wait3A_610 = tpu.memref_slice %arg6[%mul3A_35, %dma_wait3A_609] : memref<320000x128xf32, #tpu.memory_space<hbm>> -> memref<128x128xf32, #tpu.memory_space<hbm>>
        %dma_wait3A_611 = arith.constant 0 : i32
        %dma_wait3A_612 = tpu.memref_slice %arg6[%mul3A_35, %dma_wait3A_611] : memref<320000x128xf32, #tpu.memory_space<hbm>> -> memref<128x128xf32, #tpu.memory_space<hbm>>
        tpu.wait_dma2 semaphore(%run_scoped3A_604 : memref<!tpu.dma_semaphore, #tpu.memory_space<semaphore_mem>>) src(%arg15 : memref<128x128xf32, #tpu.memory_space<vmem>>) dst(%dma_wait3A_612 : memref<128x128xf32, #tpu.memory_space<hbm>>)
        tpu.yield
      }) : () -> ()
      "tpu.region"() ({
        %run_scoped3A_604 = tpu.sem_alloc : memref<!tpu.dma_semaphore, #tpu.memory_space<semaphore_mem>>
        %dma_start3A_605 = arith.constant 0 : i32
        %dma_start3A_606 = tpu.memref_slice %arg7[%mul3A_35, %dma_start3A_605] : memref<320000x128xf32, #tpu.memory_space<hbm>> -> memref<128x128xf32, #tpu.memory_space<hbm>>
        %dma_start3A_607 = arith.constant 0 : i32
        %dma_start3A_608 = tpu.memref_slice %arg7[%mul3A_35, %dma_start3A_607] : memref<320000x128xf32, #tpu.memory_space<hbm>> -> memref<128x128xf32, #tpu.memory_space<hbm>>
        tpu.enqueue_dma source(%arg16 : memref<128x128xf32, #tpu.memory_space<vmem>>) target(%dma_start3A_608 : memref<128x128xf32, #tpu.memory_space<hbm>>) target_semaphore(%run_scoped3A_604 : memref<!tpu.dma_semaphore, #tpu.memory_space<semaphore_mem>>)
        %dma_wait3A_609 = arith.constant 0 : i32
        %dma_wait3A_610 = tpu.memref_slice %arg7[%mul3A_35, %dma_wait3A_609] : memref<320000x128xf32, #tpu.memory_space<hbm>> -> memref<128x128xf32, #tpu.memory_space<hbm>>
        %dma_wait3A_611 = arith.constant 0 : i32
        %dma_wait3A_612 = tpu.memref_slice %arg7[%mul3A_35, %dma_wait3A_611] : memref<320000x128xf32, #tpu.memory_space<hbm>> -> memref<128x128xf32, #tpu.memory_space<hbm>>
        tpu.wait_dma2 semaphore(%run_scoped3A_604 : memref<!tpu.dma_semaphore, #tpu.memory_space<semaphore_mem>>) src(%arg16 : memref<128x128xf32, #tpu.memory_space<vmem>>) dst(%dma_wait3A_612 : memref<128x128xf32, #tpu.memory_space<hbm>>)
        tpu.yield
      }) : () -> ()
    }
    return
  }
}

module attributes {stable_mosaic.version = 14 : i64} {
  func.func @_prep_body(%arg0: memref<10000x128xf32, #tpu.memory_space<vmem>>, %arg1: memref<128x128xf32, #tpu.memory_space<vmem>>, %arg2: memref<1x128xf32, #tpu.memory_space<vmem>>, %arg3: memref<128x128xf32, #tpu.memory_space<vmem>>, %arg4: memref<128x128xf32, #tpu.memory_space<vmem>>, %arg5: memref<384x256xf32, #tpu.memory_space<vmem>>, %arg6: memref<1x256xf32, #tpu.memory_space<vmem>>, %arg7: memref<1x128xf32, #tpu.memory_space<vmem>>, %arg8: memref<1x128xf32, #tpu.memory_space<vmem>>, %arg9: memref<10000x128xf32, #tpu.memory_space<vmem>>, %arg10: memref<128x256xf32, #tpu.memory_space<vmem>>, %arg11: memref<128x256xf32, #tpu.memory_space<vmem>>, %arg12: memref<128x256xf32, #tpu.memory_space<vmem>>, %arg13: memref<1x256xf32, #tpu.memory_space<vmem>>) attributes {dimension_semantics = [], scalar_prefetch = 0 : i64, scratch_operands = 0 : i64, tpu.core_type = #tpu.core_type<tc>} {
    %get3A = arith.constant 0 : index
    %get3A_0 = arith.constant 0 : index
    %get3A_1 = vector.load %arg0[%get3A, %get3A_0] : memref<10000x128xf32, #tpu.memory_space<vmem>>, vector<10000x128xf32>
    %get3A_2 = arith.constant 0 : index
    %get3A_3 = arith.constant 0 : index
    %get3A_4 = vector.load %arg1[%get3A_2, %get3A_3] : memref<128x128xf32, #tpu.memory_space<vmem>>, vector<128x128xf32>
    %dot_general3A = arith.constant dense<0.000000e+00> : vector<10000x128xf32>
    %dot_general3A_5 = tpu.matmul %get3A_1, %get3A_4, %dot_general3A {dimension_numbers = #tpu.dot_dimension_numbers<[1], [0], [0], [1], [0, 0, 1, 1], [], []>, transpose_lhs_hint = false} : vector<10000x128xf32>, vector<128x128xf32>, vector<10000x128xf32> -> vector<10000x128xf32>
    %get3A_6 = arith.constant 0 : index
    %get3A_7 = arith.constant 0 : index
    %get3A_8 = vector.load %arg2[%get3A_6, %get3A_7] : memref<1x128xf32, #tpu.memory_space<vmem>>, vector<1x128xf32>
    %add3A = vector.broadcast %get3A_8 : vector<1x128xf32> to vector<10000x128xf32>
    %add3A_9 = arith.addf %dot_general3A_5, %add3A : vector<10000x128xf32>
    %swap3A = arith.constant 0 : index
    %swap3A_10 = arith.constant 0 : index
    %swap3A_11 = vector.load %arg9[%swap3A, %swap3A_10] : memref<10000x128xf32, #tpu.memory_space<vmem>>, vector<10000x128xf32>
    tpu.vector_store %arg9[%swap3A, %swap3A_10], %add3A_9 {strides = array<i32>} : memref<10000x128xf32, #tpu.memory_space<vmem>>, vector<10000x128xf32>,
    %get3A_12 = arith.constant 0 : index
    %get3A_13 = arith.constant 0 : index
    %get3A_14 = vector.load %arg5[%get3A_12, %get3A_13] : memref<384x256xf32, #tpu.memory_space<vmem>>, vector<384x256xf32>
    %slice3A = vector.extract_strided_slice %get3A_14 {offsets = [0, 0], sizes = [128, 256], strides = [1, 1]} : vector<384x256xf32> to vector<128x256xf32>
    %slice3A_15 = vector.extract_strided_slice %get3A_14 {offsets = [128, 0], sizes = [128, 256], strides = [1, 1]} : vector<384x256xf32> to vector<128x256xf32>
    %slice3A_16 = vector.extract_strided_slice %get3A_14 {offsets = [256, 0], sizes = [128, 256], strides = [1, 1]} : vector<384x256xf32> to vector<128x256xf32>
    %get3A_17 = arith.constant 0 : index
    %get3A_18 = arith.constant 0 : index
    %get3A_19 = vector.load %arg3[%get3A_17, %get3A_18] : memref<128x128xf32, #tpu.memory_space<vmem>>, vector<128x128xf32>
    %dot_general3A_20 = arith.constant dense<0.000000e+00> : vector<128x256xf32>
    %dot_general3A_21 = tpu.matmul %get3A_19, %slice3A, %dot_general3A_20 {dimension_numbers = #tpu.dot_dimension_numbers<[1], [0], [0], [1], [0, 0, 1, 1], [], []>, transpose_lhs_hint = false} : vector<128x128xf32>, vector<128x256xf32>, vector<128x256xf32> -> vector<128x256xf32>
    %swap3A_22 = arith.constant 0 : index
    %swap3A_23 = arith.constant 0 : index
    %swap3A_24 = vector.load %arg10[%swap3A_22, %swap3A_23] : memref<128x256xf32, #tpu.memory_space<vmem>>, vector<128x256xf32>
    tpu.vector_store %arg10[%swap3A_22, %swap3A_23], %dot_general3A_21 {strides = array<i32>} : memref<128x256xf32, #tpu.memory_space<vmem>>, vector<128x256xf32>,
    %get3A_25 = arith.constant 0 : index
    %get3A_26 = arith.constant 0 : index
    %get3A_27 = vector.load %arg3[%get3A_25, %get3A_26] : memref<128x128xf32, #tpu.memory_space<vmem>>, vector<128x128xf32>
    %dot_general3A_28 = arith.constant dense<0.000000e+00> : vector<128x256xf32>
    %dot_general3A_29 = tpu.matmul %get3A_27, %slice3A_15, %dot_general3A_28 {dimension_numbers = #tpu.dot_dimension_numbers<[1], [0], [0], [1], [0, 0, 1, 1], [], []>, transpose_lhs_hint = false} : vector<128x128xf32>, vector<128x256xf32>, vector<128x256xf32> -> vector<128x256xf32>
    %swap3A_30 = arith.constant 0 : index
    %swap3A_31 = arith.constant 0 : index
    %swap3A_32 = vector.load %arg11[%swap3A_30, %swap3A_31] : memref<128x256xf32, #tpu.memory_space<vmem>>, vector<128x256xf32>
    tpu.vector_store %arg11[%swap3A_30, %swap3A_31], %dot_general3A_29 {strides = array<i32>} : memref<128x256xf32, #tpu.memory_space<vmem>>, vector<128x256xf32>,
    %get3A_33 = arith.constant 0 : index
    %get3A_34 = arith.constant 0 : index
    %get3A_35 = vector.load %arg4[%get3A_33, %get3A_34] : memref<128x128xf32, #tpu.memory_space<vmem>>, vector<128x128xf32>
    %dot_general3A_36 = arith.constant dense<0.000000e+00> : vector<128x256xf32>
    %dot_general3A_37 = tpu.matmul %get3A_35, %slice3A_16, %dot_general3A_36 {dimension_numbers = #tpu.dot_dimension_numbers<[1], [0], [0], [1], [0, 0, 1, 1], [], []>, transpose_lhs_hint = false} : vector<128x128xf32>, vector<128x256xf32>, vector<128x256xf32> -> vector<128x256xf32>
    %swap3A_38 = arith.constant 0 : index
    %swap3A_39 = arith.constant 0 : index
    %swap3A_40 = vector.load %arg12[%swap3A_38, %swap3A_39] : memref<128x256xf32, #tpu.memory_space<vmem>>, vector<128x256xf32>
    tpu.vector_store %arg12[%swap3A_38, %swap3A_39], %dot_general3A_37 {strides = array<i32>} : memref<128x256xf32, #tpu.memory_space<vmem>>, vector<128x256xf32>,
    %get3A_41 = arith.constant 0 : index
    %get3A_42 = arith.constant 0 : index
    %get3A_43 = vector.load %arg7[%get3A_41, %get3A_42] : memref<1x128xf32, #tpu.memory_space<vmem>>, vector<1x128xf32>
    %add3A_44 = arith.addf %slice3A, %slice3A_15 : vector<128x256xf32>
    %dot_general3A_45 = arith.constant dense<0.000000e+00> : vector<1x256xf32>
    %dot_general3A_46 = tpu.matmul %get3A_43, %add3A_44, %dot_general3A_45 {dimension_numbers = #tpu.dot_dimension_numbers<[1], [0], [0], [1], [0, 0, 1, 1], [], []>, transpose_lhs_hint = false} : vector<1x128xf32>, vector<128x256xf32>, vector<1x256xf32> -> vector<1x256xf32>
    %get3A_47 = arith.constant 0 : index
    %get3A_48 = arith.constant 0 : index
    %get3A_49 = vector.load %arg8[%get3A_47, %get3A_48] : memref<1x128xf32, #tpu.memory_space<vmem>>, vector<1x128xf32>
    %dot_general3A_50 = arith.constant dense<0.000000e+00> : vector<1x256xf32>
    %dot_general3A_51 = tpu.matmul %get3A_49, %slice3A_16, %dot_general3A_50 {dimension_numbers = #tpu.dot_dimension_numbers<[1], [0], [0], [1], [0, 0, 1, 1], [], []>, transpose_lhs_hint = false} : vector<1x128xf32>, vector<128x256xf32>, vector<1x256xf32> -> vector<1x256xf32>
    %add3A_52 = arith.addf %dot_general3A_46, %dot_general3A_51 : vector<1x256xf32>
    %get3A_53 = arith.constant 0 : index
    %get3A_54 = arith.constant 0 : index
    %get3A_55 = vector.load %arg6[%get3A_53, %get3A_54] : memref<1x256xf32, #tpu.memory_space<vmem>>, vector<1x256xf32>
    %add3A_56 = arith.addf %add3A_52, %get3A_55 : vector<1x256xf32>
    %swap3A_57 = arith.constant 0 : index
    %swap3A_58 = arith.constant 0 : index
    %swap3A_59 = vector.load %arg13[%swap3A_57, %swap3A_58] : memref<1x256xf32, #tpu.memory_space<vmem>>, vector<1x256xf32>
    tpu.vector_store %arg13[%swap3A_57, %swap3A_58], %add3A_56 {strides = array<i32>} : memref<1x256xf32, #tpu.memory_space<vmem>>, vector<1x256xf32>,
    return
  }
}

module attributes {stable_mosaic.version = 14 : i64} {
  func.func @_mlp_body(%arg0: i32, %arg1: memref<512x128xf32, #tpu.memory_space<vmem>>, %arg2: memref<512x128xf32, #tpu.memory_space<vmem>>, %arg3: memref<512x128xf32, #tpu.memory_space<vmem>>, %arg4: memref<512x1xf32, #tpu.memory_space<vmem>>, %arg5: memref<512x1xf32, #tpu.memory_space<vmem>>, %arg6: memref<512x1xf32, #tpu.memory_space<vmem>>, %arg7: memref<1x128xf32, #tpu.memory_space<vmem>>, %arg8: memref<1x128xf32, #tpu.memory_space<vmem>>, %arg9: memref<128x128xf32, #tpu.memory_space<vmem>>, %arg10: memref<1x128xf32, #tpu.memory_space<vmem>>, %arg11: memref<128x256xf32, #tpu.memory_space<vmem>>, %arg12: memref<128x256xf32, #tpu.memory_space<vmem>>, %arg13: memref<128x256xf32, #tpu.memory_space<vmem>>, %arg14: memref<1x256xf32, #tpu.memory_space<vmem>>, %arg15: memref<256x128xf32, #tpu.memory_space<vmem>>, %arg16: memref<1x128xf32, #tpu.memory_space<vmem>>, %arg17: memref<128x1xf32, #tpu.memory_space<vmem>>, %arg18: memref<1x1xf32, #tpu.memory_space<vmem>>, %arg19: memref<512x128xf32, #tpu.memory_space<vmem>>, %arg20: memref<512x1xf32, #tpu.memory_space<vmem>>) attributes {dimension_semantics = [#tpu.dimension_semantics<arbitrary>], iteration_bounds = array<i64: 625>, scalar_prefetch = 0 : i64, scratch_operands = 0 : i64, tpu.core_type = #tpu.core_type<tc>, window_params = [{transform_indices = @transform_0, window_bounds = array<i64: 512, 128>}, {transform_indices = @transform_1, window_bounds = array<i64: 512, 128>}, {transform_indices = @transform_2, window_bounds = array<i64: 512, 128>}, {transform_indices = @transform_3, window_bounds = array<i64: 512, 1>}, {transform_indices = @transform_4, window_bounds = array<i64: 512, 1>}, {transform_indices = @transform_5, window_bounds = array<i64: 512, 1>}, {pipeline_mode = #tpu.pipeline_mode<synchronous>, transform_indices = @transform_6, window_bounds = array<i64: 1, 128>}, {pipeline_mode = #tpu.pipeline_mode<synchronous>, transform_indices = @transform_7, window_bounds = array<i64: 1, 128>}, {pipeline_mode = #tpu.pipeline_mode<synchronous>, transform_indices = @transform_8, window_bounds = array<i64: 128, 128>}, {pipeline_mode = #tpu.pipeline_mode<synchronous>, transform_indices = @transform_9, window_bounds = array<i64: 1, 128>}, {pipeline_mode = #tpu.pipeline_mode<synchronous>, transform_indices = @transform_10, window_bounds = array<i64: 128, 256>}, {pipeline_mode = #tpu.pipeline_mode<synchronous>, transform_indices = @transform_11, window_bounds = array<i64: 128, 256>}, {pipeline_mode = #tpu.pipeline_mode<synchronous>, transform_indices = @transform_12, window_bounds = array<i64: 128, 256>}, {pipeline_mode = #tpu.pipeline_mode<synchronous>, transform_indices = @transform_13, window_bounds = array<i64: 1, 256>}, {pipeline_mode = #tpu.pipeline_mode<synchronous>, transform_indices = @transform_14, window_bounds = array<i64: 256, 128>}, {pipeline_mode = #tpu.pipeline_mode<synchronous>, transform_indices = @transform_15, window_bounds = array<i64: 1, 128>}, {pipeline_mode = #tpu.pipeline_mode<synchronous>, transform_indices = @transform_16, window_bounds = array<i64: 128, 1>}, {pipeline_mode = #tpu.pipeline_mode<synchronous>, transform_indices = @transform_17, window_bounds = array<i64: 1, 1>}, {transform_indices = @transform_18, window_bounds = array<i64: 512, 128>}, {transform_indices = @transform_19, window_bounds = array<i64: 512, 1>}]} {
    %get3A = arith.constant 0 : index
    %get3A_0 = arith.constant 0 : index
    %get3A_1 = vector.load %arg4[%get3A, %get3A_0] : memref<512x1xf32, #tpu.memory_space<vmem>>, vector<512x1xf32>
    %get3A_2 = arith.constant 0 : index
    %get3A_3 = arith.constant 0 : index
    %get3A_4 = vector.load %arg5[%get3A_2, %get3A_3] : memref<512x1xf32, #tpu.memory_space<vmem>>, vector<512x1xf32>
    %get3A_5 = arith.constant 0 : index
    %get3A_6 = arith.constant 0 : index
    %get3A_7 = vector.load %arg6[%get3A_5, %get3A_6] : memref<512x1xf32, #tpu.memory_space<vmem>>, vector<512x1xf32>
    %sqrt3A = math.sqrt %get3A_7 : vector<512x1xf32>
    %get3A_8 = arith.constant 0 : index
    %get3A_9 = arith.constant 0 : index
    %get3A_10 = vector.load %arg7[%get3A_8, %get3A_9] : memref<1x128xf32, #tpu.memory_space<vmem>>, vector<1x128xf32>
    %get3A_11 = arith.constant 0 : index
    %get3A_12 = arith.constant 0 : index
    %get3A_13 = vector.load %arg1[%get3A_11, %get3A_12] : memref<512x128xf32, #tpu.memory_space<vmem>>, vector<512x128xf32>
    %mul3A = vector.broadcast %get3A_1 : vector<512x1xf32> to vector<512x128xf32>
    %mul3A_14 = vector.broadcast %get3A_10 : vector<1x128xf32> to vector<512x128xf32>
    %mul3A_15 = arith.mulf %mul3A, %mul3A_14 : vector<512x128xf32>
    %add3A = arith.addf %get3A_13, %mul3A_15 : vector<512x128xf32>
    %logistic3A = arith.negf %add3A : vector<512x128xf32>
    %logistic3A_16 = math.exp %logistic3A : vector<512x128xf32>
    %logistic3A_17 = arith.constant 1.000000e+00 : f32
    %logistic3A_18 = vector.broadcast %logistic3A_17 : f32 to vector<512x128xf32>
    %logistic3A_19 = arith.addf %logistic3A_18, %logistic3A_16 : vector<512x128xf32>
    %logistic3A_20 = arith.divf %logistic3A_18, %logistic3A_19 : vector<512x128xf32>
    %mul3A_21 = arith.mulf %add3A, %logistic3A_20 : vector<512x128xf32>
    %get3A_22 = arith.constant 0 : index
    %get3A_23 = arith.constant 0 : index
    %get3A_24 = vector.load %arg2[%get3A_22, %get3A_23] : memref<512x128xf32, #tpu.memory_space<vmem>>, vector<512x128xf32>
    %mul3A_25 = vector.broadcast %get3A_4 : vector<512x1xf32> to vector<512x128xf32>
    %mul3A_26 = vector.broadcast %get3A_10 : vector<1x128xf32> to vector<512x128xf32>
    %mul3A_27 = arith.mulf %mul3A_25, %mul3A_26 : vector<512x128xf32>
    %add3A_28 = arith.addf %get3A_24, %mul3A_27 : vector<512x128xf32>
    %logistic3A_29 = arith.negf %add3A_28 : vector<512x128xf32>
    %logistic3A_30 = math.exp %logistic3A_29 : vector<512x128xf32>
    %logistic3A_31 = arith.constant 1.000000e+00 : f32
    %logistic3A_32 = vector.broadcast %logistic3A_31 : f32 to vector<512x128xf32>
    %logistic3A_33 = arith.addf %logistic3A_32, %logistic3A_30 : vector<512x128xf32>
    %logistic3A_34 = arith.divf %logistic3A_32, %logistic3A_33 : vector<512x128xf32>
    %mul3A_35 = arith.mulf %add3A_28, %logistic3A_34 : vector<512x128xf32>
    %get3A_36 = arith.constant 0 : index
    %get3A_37 = arith.constant 0 : index
    %get3A_38 = vector.load %arg3[%get3A_36, %get3A_37] : memref<512x128xf32, #tpu.memory_space<vmem>>, vector<512x128xf32>
    %get3A_39 = arith.constant 0 : index
    %get3A_40 = arith.constant 0 : index
    %get3A_41 = vector.load %arg9[%get3A_39, %get3A_40] : memref<128x128xf32, #tpu.memory_space<vmem>>, vector<128x128xf32>
    %dot_general3A = arith.constant dense<0.000000e+00> : vector<512x128xf32>
    %dot_general3A_42 = tpu.matmul %get3A_38, %get3A_41, %dot_general3A {dimension_numbers = #tpu.dot_dimension_numbers<[1], [0], [0], [1], [0, 0, 1, 1], [], []>, transpose_lhs_hint = false} : vector<512x128xf32>, vector<128x128xf32>, vector<512x128xf32> -> vector<512x128xf32>
    %get3A_43 = arith.constant 0 : index
    %get3A_44 = arith.constant 0 : index
    %get3A_45 = vector.load %arg8[%get3A_43, %get3A_44] : memref<1x128xf32, #tpu.memory_space<vmem>>, vector<1x128xf32>
    %mul3A_46 = vector.broadcast %sqrt3A : vector<512x1xf32> to vector<512x128xf32>
    %mul3A_47 = vector.broadcast %get3A_45 : vector<1x128xf32> to vector<512x128xf32>
    %mul3A_48 = arith.mulf %mul3A_46, %mul3A_47 : vector<512x128xf32>
    %add3A_49 = arith.addf %dot_general3A_42, %mul3A_48 : vector<512x128xf32>
    %get3A_50 = arith.constant 0 : index
    %get3A_51 = arith.constant 0 : index
    %get3A_52 = vector.load %arg10[%get3A_50, %get3A_51] : memref<1x128xf32, #tpu.memory_space<vmem>>, vector<1x128xf32>
    %add3A_53 = vector.broadcast %get3A_52 : vector<1x128xf32> to vector<512x128xf32>
    %add3A_54 = arith.addf %add3A_49, %add3A_53 : vector<512x128xf32>
    %logistic3A_55 = arith.negf %add3A_54 : vector<512x128xf32>
    %logistic3A_56 = math.exp %logistic3A_55 : vector<512x128xf32>
    %logistic3A_57 = arith.constant 1.000000e+00 : f32
    %logistic3A_58 = vector.broadcast %logistic3A_57 : f32 to vector<512x128xf32>
    %logistic3A_59 = arith.addf %logistic3A_58, %logistic3A_56 : vector<512x128xf32>
    %logistic3A_60 = arith.divf %logistic3A_58, %logistic3A_59 : vector<512x128xf32>
    %mul3A_61 = arith.mulf %add3A_54, %logistic3A_60 : vector<512x128xf32>
    %get3A_62 = arith.constant 0 : index
    %get3A_63 = arith.constant 0 : index
    %get3A_64 = vector.load %arg11[%get3A_62, %get3A_63] : memref<128x256xf32, #tpu.memory_space<vmem>>, vector<128x256xf32>
    %dot_general3A_65 = arith.constant dense<0.000000e+00> : vector<512x256xf32>
    %dot_general3A_66 = tpu.matmul %mul3A_21, %get3A_64, %dot_general3A_65 {dimension_numbers = #tpu.dot_dimension_numbers<[1], [0], [0], [1], [0, 0, 1, 1], [], []>, transpose_lhs_hint = false} : vector<512x128xf32>, vector<128x256xf32>, vector<512x256xf32> -> vector<512x256xf32>
    %get3A_67 = arith.constant 0 : index
    %get3A_68 = arith.constant 0 : index
    %get3A_69 = vector.load %arg12[%get3A_67, %get3A_68] : memref<128x256xf32, #tpu.memory_space<vmem>>, vector<128x256xf32>
    %dot_general3A_70 = arith.constant dense<0.000000e+00> : vector<512x256xf32>
    %dot_general3A_71 = tpu.matmul %mul3A_35, %get3A_69, %dot_general3A_70 {dimension_numbers = #tpu.dot_dimension_numbers<[1], [0], [0], [1], [0, 0, 1, 1], [], []>, transpose_lhs_hint = false} : vector<512x128xf32>, vector<128x256xf32>, vector<512x256xf32> -> vector<512x256xf32>
    %add3A_72 = arith.addf %dot_general3A_66, %dot_general3A_71 : vector<512x256xf32>
    %get3A_73 = arith.constant 0 : index
    %get3A_74 = arith.constant 0 : index
    %get3A_75 = vector.load %arg13[%get3A_73, %get3A_74] : memref<128x256xf32, #tpu.memory_space<vmem>>, vector<128x256xf32>
    %dot_general3A_76 = arith.constant dense<0.000000e+00> : vector<512x256xf32>
    %dot_general3A_77 = tpu.matmul %mul3A_61, %get3A_75, %dot_general3A_76 {dimension_numbers = #tpu.dot_dimension_numbers<[1], [0], [0], [1], [0, 0, 1, 1], [], []>, transpose_lhs_hint = false} : vector<512x128xf32>, vector<128x256xf32>, vector<512x256xf32> -> vector<512x256xf32>
    %add3A_78 = arith.addf %add3A_72, %dot_general3A_77 : vector<512x256xf32>
    %get3A_79 = arith.constant 0 : index
    %get3A_80 = arith.constant 0 : index
    %get3A_81 = vector.load %arg14[%get3A_79, %get3A_80] : memref<1x256xf32, #tpu.memory_space<vmem>>, vector<1x256xf32>
    %add3A_82 = vector.broadcast %get3A_81 : vector<1x256xf32> to vector<512x256xf32>
    %add3A_83 = arith.addf %add3A_78, %add3A_82 : vector<512x256xf32>
    %logistic3A_84 = arith.negf %add3A_83 : vector<512x256xf32>
    %logistic3A_85 = math.exp %logistic3A_84 : vector<512x256xf32>
    %logistic3A_86 = arith.constant 1.000000e+00 : f32
    %logistic3A_87 = vector.broadcast %logistic3A_86 : f32 to vector<512x256xf32>
    %logistic3A_88 = arith.addf %logistic3A_87, %logistic3A_85 : vector<512x256xf32>
    %logistic3A_89 = arith.divf %logistic3A_87, %logistic3A_88 : vector<512x256xf32>
    %mul3A_90 = arith.mulf %add3A_83, %logistic3A_89 : vector<512x256xf32>
    %get3A_91 = arith.constant 0 : index
    %get3A_92 = arith.constant 0 : index
    %get3A_93 = vector.load %arg15[%get3A_91, %get3A_92] : memref<256x128xf32, #tpu.memory_space<vmem>>, vector<256x128xf32>
    %dot_general3A_94 = arith.constant dense<0.000000e+00> : vector<512x128xf32>
    %dot_general3A_95 = tpu.matmul %mul3A_90, %get3A_93, %dot_general3A_94 {dimension_numbers = #tpu.dot_dimension_numbers<[1], [0], [0], [1], [0, 0, 1, 1], [], []>, transpose_lhs_hint = false} : vector<512x256xf32>, vector<256x128xf32>, vector<512x128xf32> -> vector<512x128xf32>
    %get3A_96 = arith.constant 0 : index
    %get3A_97 = arith.constant 0 : index
    %get3A_98 = vector.load %arg16[%get3A_96, %get3A_97] : memref<1x128xf32, #tpu.memory_space<vmem>>, vector<1x128xf32>
    %add3A_99 = vector.broadcast %get3A_98 : vector<1x128xf32> to vector<512x128xf32>
    %add3A_100 = arith.addf %dot_general3A_95, %add3A_99 : vector<512x128xf32>
    %swap3A = arith.constant 0 : index
    %swap3A_101 = arith.constant 0 : index
    %swap3A_102 = vector.load %arg19[%swap3A, %swap3A_101] : memref<512x128xf32, #tpu.memory_space<vmem>>, vector<512x128xf32>
    tpu.vector_store %arg19[%swap3A, %swap3A_101], %add3A_100 {strides = array<i32>} : memref<512x128xf32, #tpu.memory_space<vmem>>, vector<512x128xf32>,
    %get3A_103 = arith.constant 0 : index
    %get3A_104 = arith.constant 0 : index
    %get3A_105 = vector.load %arg17[%get3A_103, %get3A_104] : memref<128x1xf32, #tpu.memory_space<vmem>>, vector<128x1xf32>
    %dot_general3A_106 = arith.constant dense<0.000000e+00> : vector<512x1xf32>
    %dot_general3A_107 = tpu.matmul %add3A_100, %get3A_105, %dot_general3A_106 {dimension_numbers = #tpu.dot_dimension_numbers<[1], [0], [0], [1], [0, 0, 1, 1], [], []>, transpose_lhs_hint = false} : vector<512x128xf32>, vector<128x1xf32>, vector<512x1xf32> -> vector<512x1xf32>
    %get3A_108 = arith.constant 0 : index
    %get3A_109 = arith.constant 0 : index
    %get3A_110 = vector.load %arg18[%get3A_108, %get3A_109] : memref<1x1xf32, #tpu.memory_space<vmem>>, vector<1x1xf32>
    %add3A_111 = vector.broadcast %get3A_110 : vector<1x1xf32> to vector<512x1xf32>
    %add3A_112 = arith.addf %dot_general3A_107, %add3A_111 : vector<512x1xf32>
    %swap3A_113 = arith.constant 0 : index
    %swap3A_114 = arith.constant 0 : index
    %swap3A_115 = vector.load %arg20[%swap3A_113, %swap3A_114] : memref<512x1xf32, #tpu.memory_space<vmem>>, vector<512x1xf32>
    tpu.vector_store %arg20[%swap3A_113, %swap3A_114], %add3A_112 {strides = array<i32>} : memref<512x1xf32, #tpu.memory_space<vmem>>, vector<512x1xf32>,
    return
  }
  func.func @transform_0(%arg0: i32) -> (i32, i32) {
    %c0_i32 = arith.constant 0 : i32
    %c0_i32_0 = arith.constant 0 : i32
    return %arg0, %c0_i32 : i32, i32
  }
  func.func @transform_1(%arg0: i32) -> (i32, i32) {
    %c0_i32 = arith.constant 0 : i32
    %c0_i32_0 = arith.constant 0 : i32
    return %arg0, %c0_i32 : i32, i32
  }
  func.func @transform_2(%arg0: i32) -> (i32, i32) {
    %c0_i32 = arith.constant 0 : i32
    %c0_i32_0 = arith.constant 0 : i32
    return %arg0, %c0_i32 : i32, i32
  }
  func.func @transform_3(%arg0: i32) -> (i32, i32) {
    %c0_i32 = arith.constant 0 : i32
    %c0_i32_0 = arith.constant 0 : i32
    return %arg0, %c0_i32 : i32, i32
  }
  func.func @transform_4(%arg0: i32) -> (i32, i32) {
    %c0_i32 = arith.constant 0 : i32
    %c0_i32_0 = arith.constant 0 : i32
    return %arg0, %c0_i32 : i32, i32
  }
  func.func @transform_5(%arg0: i32) -> (i32, i32) {
    %c0_i32 = arith.constant 0 : i32
    %c0_i32_0 = arith.constant 0 : i32
    return %arg0, %c0_i32 : i32, i32
  }
  func.func @transform_6(%arg0: i32) -> (i32, i32) {
    %c0_i32 = arith.constant 0 : i32
    %c0_i32_0 = arith.constant 0 : i32
    %c0_i32_1 = arith.constant 0 : i32
    return %c0_i32, %c0_i32_0 : i32, i32
  }
  func.func @transform_7(%arg0: i32) -> (i32, i32) {
    %c0_i32 = arith.constant 0 : i32
    %c0_i32_0 = arith.constant 0 : i32
    %c0_i32_1 = arith.constant 0 : i32
    return %c0_i32, %c0_i32_0 : i32, i32
  }
  func.func @transform_8(%arg0: i32) -> (i32, i32) {
    %c0_i32 = arith.constant 0 : i32
    %c0_i32_0 = arith.constant 0 : i32
    %c0_i32_1 = arith.constant 0 : i32
    return %c0_i32, %c0_i32_0 : i32, i32
  }
  func.func @transform_9(%arg0: i32) -> (i32, i32) {
    %c0_i32 = arith.constant 0 : i32
    %c0_i32_0 = arith.constant 0 : i32
    %c0_i32_1 = arith.constant 0 : i32
    return %c0_i32, %c0_i32_0 : i32, i32
  }
  func.func @transform_10(%arg0: i32) -> (i32, i32) {
    %c0_i32 = arith.constant 0 : i32
    %c0_i32_0 = arith.constant 0 : i32
    %c0_i32_1 = arith.constant 0 : i32
    return %c0_i32, %c0_i32_0 : i32, i32
  }
  func.func @transform_11(%arg0: i32) -> (i32, i32) {
    %c0_i32 = arith.constant 0 : i32
    %c0_i32_0 = arith.constant 0 : i32
    %c0_i32_1 = arith.constant 0 : i32
    return %c0_i32, %c0_i32_0 : i32, i32
  }
  func.func @transform_12(%arg0: i32) -> (i32, i32) {
    %c0_i32 = arith.constant 0 : i32
    %c0_i32_0 = arith.constant 0 : i32
    %c0_i32_1 = arith.constant 0 : i32
    return %c0_i32, %c0_i32_0 : i32, i32
  }
  func.func @transform_13(%arg0: i32) -> (i32, i32) {
    %c0_i32 = arith.constant 0 : i32
    %c0_i32_0 = arith.constant 0 : i32
    %c0_i32_1 = arith.constant 0 : i32
    return %c0_i32, %c0_i32_0 : i32, i32
  }
  func.func @transform_14(%arg0: i32) -> (i32, i32) {
    %c0_i32 = arith.constant 0 : i32
    %c0_i32_0 = arith.constant 0 : i32
    %c0_i32_1 = arith.constant 0 : i32
    return %c0_i32, %c0_i32_0 : i32, i32
  }
  func.func @transform_15(%arg0: i32) -> (i32, i32) {
    %c0_i32 = arith.constant 0 : i32
    %c0_i32_0 = arith.constant 0 : i32
    %c0_i32_1 = arith.constant 0 : i32
    return %c0_i32, %c0_i32_0 : i32, i32
  }
  func.func @transform_16(%arg0: i32) -> (i32, i32) {
    %c0_i32 = arith.constant 0 : i32
    %c0_i32_0 = arith.constant 0 : i32
    %c0_i32_1 = arith.constant 0 : i32
    return %c0_i32, %c0_i32_0 : i32, i32
  }
  func.func @transform_17(%arg0: i32) -> (i32, i32) {
    %c0_i32 = arith.constant 0 : i32
    %c0_i32_0 = arith.constant 0 : i32
    %c0_i32_1 = arith.constant 0 : i32
    return %c0_i32, %c0_i32_0 : i32, i32
  }
  func.func @transform_18(%arg0: i32) -> (i32, i32) {
    %c0_i32 = arith.constant 0 : i32
    %c0_i32_0 = arith.constant 0 : i32
    return %arg0, %c0_i32 : i32, i32
  }
  func.func @transform_19(%arg0: i32) -> (i32, i32) {
    %c0_i32 = arith.constant 0 : i32
    %c0_i32_0 = arith.constant 0 : i32
    return %arg0, %c0_i32 : i32, i32
  }
}

module attributes {stable_mosaic.version = 14 : i64} {
  func.func @_final_body(%arg0: memref<10000x128xf32, #tpu.memory_space<vmem>>, %arg1: memref<2x10000x128xf32, #tpu.memory_space<vmem>>, %arg2: memref<3x10000xf32, #tpu.memory_space<vmem>>, %arg3: memref<2x3x10000xf32, #tpu.memory_space<vmem>>, %arg4: memref<128x128xf32, #tpu.memory_space<vmem>>, %arg5: memref<1x128xf32, #tpu.memory_space<vmem>>, %arg6: memref<1x128xf32, #tpu.memory_space<vmem>>, %arg7: memref<1x128xf32, #tpu.memory_space<vmem>>, %arg8: memref<10000x128xf32, #tpu.memory_space<vmem>>, %arg9: memref<3x10000xf32, #tpu.memory_space<vmem>>) attributes {dimension_semantics = [], scalar_prefetch = 0 : i64, scratch_operands = 0 : i64, tpu.core_type = #tpu.core_type<tc>} {
    %get3A = arith.constant 0 : index
    %get3A_0 = arith.constant 0 : index
    %get3A_1 = arith.constant 0 : index
    %get3A_2 = vector.load %arg1[%get3A, %get3A_0, %get3A_1] : memref<2x10000x128xf32, #tpu.memory_space<vmem>>, vector<1x10000x128xf32>
    %get3A_3 = vector.shape_cast %get3A_2 : vector<1x10000x128xf32> to vector<10000x128xf32>
    %get3A_4 = arith.constant 1 : index
    %get3A_5 = arith.constant 0 : index
    %get3A_6 = arith.constant 0 : index
    %get3A_7 = vector.load %arg1[%get3A_4, %get3A_5, %get3A_6] : memref<2x10000x128xf32, #tpu.memory_space<vmem>>, vector<1x10000x128xf32>
    %get3A_8 = vector.shape_cast %get3A_7 : vector<1x10000x128xf32> to vector<10000x128xf32>
    %add3A = arith.addf %get3A_3, %get3A_8 : vector<10000x128xf32>
    %logistic3A = arith.negf %add3A : vector<10000x128xf32>
    %logistic3A_9 = math.exp %logistic3A : vector<10000x128xf32>
    %logistic3A_10 = arith.constant 1.000000e+00 : f32
    %logistic3A_11 = vector.broadcast %logistic3A_10 : f32 to vector<10000x128xf32>
    %logistic3A_12 = arith.addf %logistic3A_11, %logistic3A_9 : vector<10000x128xf32>
    %logistic3A_13 = arith.divf %logistic3A_11, %logistic3A_12 : vector<10000x128xf32>
    %mul3A = arith.mulf %add3A, %logistic3A_13 : vector<10000x128xf32>
    %get3A_14 = arith.constant 0 : index
    %get3A_15 = arith.constant 0 : index
    %get3A_16 = vector.load %arg4[%get3A_14, %get3A_15] : memref<128x128xf32, #tpu.memory_space<vmem>>, vector<128x128xf32>
    %dot_general3A = arith.constant dense<0.000000e+00> : vector<10000x128xf32>
    %dot_general3A_17 = tpu.matmul %mul3A, %get3A_16, %dot_general3A {dimension_numbers = #tpu.dot_dimension_numbers<[1], [0], [0], [1], [0, 0, 1, 1], [], []>, transpose_lhs_hint = false} : vector<10000x128xf32>, vector<128x128xf32>, vector<10000x128xf32> -> vector<10000x128xf32>
    %get3A_18 = arith.constant 0 : index
    %get3A_19 = arith.constant 0 : index
    %get3A_20 = vector.load %arg5[%get3A_18, %get3A_19] : memref<1x128xf32, #tpu.memory_space<vmem>>, vector<1x128xf32>
    %add3A_21 = vector.broadcast %get3A_20 : vector<1x128xf32> to vector<10000x128xf32>
    %add3A_22 = arith.addf %dot_general3A_17, %add3A_21 : vector<10000x128xf32>
    %get3A_23 = arith.constant 0 : index
    %get3A_24 = arith.constant 0 : index
    %get3A_25 = vector.load %arg0[%get3A_23, %get3A_24] : memref<10000x128xf32, #tpu.memory_space<vmem>>, vector<10000x128xf32>
    %add3A_26 = arith.addf %add3A_22, %get3A_25 : vector<10000x128xf32>
    %reduce_sum3A = arith.constant dense<0.000000e+00> : vector<10000xf32>
    %reduce_sum3A_27 = vector.multi_reduction <add>, %add3A_26, %reduce_sum3A [1] : vector<10000x128xf32> to vector<10000xf32>
    %broadcast_in_dim3A = vector.shape_cast %reduce_sum3A_27 : vector<10000xf32> to vector<10000x1xf32>
    %div3A = arith.constant 1.280000e+02 : f32
    %div3A_28 = vector.broadcast %div3A : f32 to vector<10000x1xf32>
    %div3A_29 = arith.divf %broadcast_in_dim3A, %div3A_28 : vector<10000x1xf32>
    %sub3A = vector.broadcast %div3A_29 : vector<10000x1xf32> to vector<10000x128xf32>
    %sub3A_30 = arith.subf %add3A_26, %sub3A : vector<10000x128xf32>
    %integer_pow3A = arith.mulf %sub3A_30, %sub3A_30 : vector<10000x128xf32>
    %reduce_sum3A_31 = arith.constant dense<0.000000e+00> : vector<10000xf32>
    %reduce_sum3A_32 = vector.multi_reduction <add>, %integer_pow3A, %reduce_sum3A_31 [1] : vector<10000x128xf32> to vector<10000xf32>
    %broadcast_in_dim3A_33 = vector.shape_cast %reduce_sum3A_32 : vector<10000xf32> to vector<10000x1xf32>
    %div3A_34 = arith.constant 1.280000e+02 : f32
    %div3A_35 = vector.broadcast %div3A_34 : f32 to vector<10000x1xf32>
    %div3A_36 = arith.divf %broadcast_in_dim3A_33, %div3A_35 : vector<10000x1xf32>
    %sub3A_37 = vector.broadcast %div3A_29 : vector<10000x1xf32> to vector<10000x128xf32>
    %sub3A_38 = arith.subf %add3A_26, %sub3A_37 : vector<10000x128xf32>
    %add3A_39 = arith.constant 9.99999974E-6 : f32
    %add3A_40 = vector.broadcast %add3A_39 : f32 to vector<10000x1xf32>
    %add3A_41 = arith.addf %div3A_36, %add3A_40 : vector<10000x1xf32>
    %sqrt3A = math.sqrt %add3A_41 : vector<10000x1xf32>
    %div3A_42 = vector.broadcast %sqrt3A : vector<10000x1xf32> to vector<10000x128xf32>
    %div3A_43 = arith.divf %sub3A_38, %div3A_42 : vector<10000x128xf32>
    %get3A_44 = arith.constant 0 : index
    %get3A_45 = arith.constant 0 : index
    %get3A_46 = vector.load %arg6[%get3A_44, %get3A_45] : memref<1x128xf32, #tpu.memory_space<vmem>>, vector<1x128xf32>
    %mul3A_47 = vector.broadcast %get3A_46 : vector<1x128xf32> to vector<10000x128xf32>
    %mul3A_48 = arith.mulf %div3A_43, %mul3A_47 : vector<10000x128xf32>
    %get3A_49 = arith.constant 0 : index
    %get3A_50 = arith.constant 0 : index
    %get3A_51 = vector.load %arg7[%get3A_49, %get3A_50] : memref<1x128xf32, #tpu.memory_space<vmem>>, vector<1x128xf32>
    %add3A_52 = vector.broadcast %get3A_51 : vector<1x128xf32> to vector<10000x128xf32>
    %add3A_53 = arith.addf %mul3A_48, %add3A_52 : vector<10000x128xf32>
    %swap3A = arith.constant 0 : index
    %swap3A_54 = arith.constant 0 : index
    %swap3A_55 = vector.load %arg8[%swap3A, %swap3A_54] : memref<10000x128xf32, #tpu.memory_space<vmem>>, vector<10000x128xf32>
    tpu.vector_store %arg8[%swap3A, %swap3A_54], %add3A_53 {strides = array<i32>} : memref<10000x128xf32, #tpu.memory_space<vmem>>, vector<10000x128xf32>,
    %get3A_56 = arith.constant 0 : index
    %get3A_57 = arith.constant 0 : index
    %get3A_58 = vector.load %arg2[%get3A_56, %get3A_57] : memref<3x10000xf32, #tpu.memory_space<vmem>>, vector<3x10000xf32>
    %get3A_59 = arith.constant 0 : index
    %get3A_60 = arith.constant 0 : index
    %get3A_61 = arith.constant 0 : index
    %get3A_62 = vector.load %arg3[%get3A_59, %get3A_60, %get3A_61] : memref<2x3x10000xf32, #tpu.memory_space<vmem>>, vector<1x3x10000xf32>
    %get3A_63 = vector.shape_cast %get3A_62 : vector<1x3x10000xf32> to vector<3x10000xf32>
    %add3A_64 = arith.addf %get3A_58, %get3A_63 : vector<3x10000xf32>
    %get3A_65 = arith.constant 1 : index
    %get3A_66 = arith.constant 0 : index
    %get3A_67 = arith.constant 0 : index
    %get3A_68 = vector.load %arg3[%get3A_65, %get3A_66, %get3A_67] : memref<2x3x10000xf32, #tpu.memory_space<vmem>>, vector<1x3x10000xf32>
    %get3A_69 = vector.shape_cast %get3A_68 : vector<1x3x10000xf32> to vector<3x10000xf32>
    %add3A_70 = arith.addf %add3A_64, %get3A_69 : vector<3x10000xf32>
    %slice3A = vector.extract_strided_slice %add3A_70 {offsets = [0, 0], sizes = [1, 10000], strides = [1, 1]} : vector<3x10000xf32> to vector<1x10000xf32>
    %slice3A_71 = vector.extract_strided_slice %add3A_70 {offsets = [1, 0], sizes = [1, 10000], strides = [1, 1]} : vector<3x10000xf32> to vector<1x10000xf32>
    %slice3A_72 = vector.extract_strided_slice %add3A_70 {offsets = [2, 0], sizes = [1, 10000], strides = [1, 1]} : vector<3x10000xf32> to vector<1x10000xf32>
    %mul3A_73 = arith.mulf %slice3A, %slice3A : vector<1x10000xf32>
    %mul3A_74 = arith.mulf %slice3A_71, %slice3A_71 : vector<1x10000xf32>
    %add3A_75 = arith.addf %mul3A_73, %mul3A_74 : vector<1x10000xf32>
    %mul3A_76 = arith.mulf %slice3A_72, %slice3A_72 : vector<1x10000xf32>
    %add3A_77 = arith.addf %add3A_75, %mul3A_76 : vector<1x10000xf32>
    %sqrt3A_78 = math.sqrt %add3A_77 : vector<1x10000xf32>
    %max3A = arith.constant 9.99999997E-7 : f32
    %max3A_79 = vector.broadcast %max3A : f32 to vector<1x10000xf32>
    %max3A_80 = arith.maximumf %sqrt3A_78, %max3A_79 : vector<1x10000xf32>
    %div3A_81 = vector.broadcast %max3A_80 : vector<1x10000xf32> to vector<3x10000xf32>
    %div3A_82 = arith.divf %add3A_70, %div3A_81 : vector<3x10000xf32>
    %swap3A_83 = arith.constant 0 : index
    %swap3A_84 = arith.constant 0 : index
    %swap3A_85 = vector.load %arg9[%swap3A_83, %swap3A_84] : memref<3x10000xf32, #tpu.memory_space<vmem>>, vector<3x10000xf32>
    tpu.vector_store %arg9[%swap3A_83, %swap3A_84], %div3A_82 {strides = array<i32>} : memref<3x10000xf32, #tpu.memory_space<vmem>>, vector<3x10000xf32>,
    return
  }
}

</mosaic_0001>

<sc_bundles>
// kernel: kernel.10.cloned.1.call-start
scs
__scs_entry_jumppad:
0x0: {  	(pc) =	sbr.rel $0x88, $3  }
0x1: {  	(tag) =	ssettag $0x0;
	lr =	simm.s32 $0x1  }
0x2: {  	[smem:$0x3F8A] =	sst lr;
	_ =	strace $0xD0000000  }
0x3: {  	_ = 	snop  }
0x4: {  	_ = 	snop  }
0x5: {  	_ = 	snop  }
0x6: {  	_ = 	snop  }
0x7: {  	_ = 	snop  }
__scs_overlays_trampoline_lowered:
0x8: {  	[smem:$0x3F99] =	sst s0  }
0x9: {  	[smem:$0x3F9A] =	sst s1  }
0xa: {  	[smem:$0x3F9B] =	sst s2  }
0xb: {  	[smem:$0x3F9C] =	sst s3  }
0xc: {  	[smem:$0x3F9D] =	sst s4  }
0xd: {  	[smem:$0x3F9E] =	sst s5  }
0xe: {  	[smem:$0x3F9F] =	sst s6  }
0xf: {  	[smem:$0x3FA0] =	sst s7  }
0x10: {  	[smem:$0x3FA1] =	sst s8  }
0x11: {  	[smem:$0x3FA2] =	sst s9;
	s0 =	simm.s32 @!p0 $0x0  }
0x12: {  	s1 =	sld [smem:$0x3F88];
	s0 =	simm.s32 @p0 $0x1  }
0x13: {  	[smem:$0x3FA3] =	sst s0;
	s0 =	simm.s32 @!p1 $0x0  }
0x14: {  	s2 =	sld [smem:$0x3F87];
	s0 =	simm.s32 @p1 $0x1  }
0x15: {  	[smem:$0x3FA4] =	sst s0;
	s0 =	simm.s32 @!p2 $0x0  }
0x16: {  	s3 =	sld [smem:$0x3FDB];
	s0 =	simm.s32 @p2 $0x1  }
0x17: {  	s4 =	simm.s32 $0x1BF5;
	[smem:$0x3FA6] =	sst s0  }
0x18: {  	s0 =	sld [smem:$0x3F89];
	_ =	swait.ge [sflag:s4], $0x0  }
0x19: {  	s7 =	sld [smem:$0x3F8A]  }
0x1a: {  	s8 =	sadd.s32 $0xFFFFE003, lr  }
0x1b: {  	s9 =	sadd.s32 $0xFFFFFEF7, lr;
	s5 =	simm.s32 $0xFFFFFFFF;
	p2 =	slt.u32 s8, $0xFFFFF086  }
0x1c: {  	p1 =	slt.u32 s9, $0xF7A;
	s5 =	simm.s32 @!p2 $0x0  }
0x1d: {  	s5 =	simm.s32 @p1 $0x1;
	p0 =	seq.s32 s7, s2  }
0x1e: {  	s7 =	smul.u32 @!p0 $0xF7A, s2;
	p2 =	seq.s32 @!p0 s5, $0x0  }
0x1f: {  	s9 =	smul.u32 $0xF7A, s1;
	s8 =	simm.s32 @!p0 $0x1BF5;
	p2 =	por !p2, p0  }
0x20: {  	[sflag:s8] =	ssyncset.s32 @!p0 $0xFFFFF086;
	s6 =	sadd.s32 @!p0 s3, s7;
	s7 =	simm.s32 @!p0 $0x108  }
0x21: {  	s3 =	sadd.s32 s3, s9;
	s6 =	sadd.s32 @!p0 $0x88, s6;
	s7 =	simm.s32 @p2 $0x1082  }
0x22: {  	[simem:s7], [sflag:s8] =	dma.local @!p0 [hbm:s6], $0xF7A  }
0x23: {  	s9 =	sor.u32 $0xD0000000, s2;
	s6 =	simm.s32 $0x108;
	_ =	swait.ge @!p0 [sflag:s8], $0x0  }
0x24: {  	s3 =	sadd.s32 $0x88, s3;
	s6 =	simm.s32 @!p1 $0x1082;
	[sflag:s4] =	ssyncset.s32 $0xFFFFF086  }
0x25: {  	[simem:s6], [sflag:s4] =	dma.local [hbm:s3], $0xF7A  }
0x26: {  	[smem:$0x3F8A] =	sst s1;
	(tag) =	ssettag s2;
	_ =	strace s9  }
0x27: {  	s1 =	sld [smem:$0x3F9A]  }
0x28: {  	s2 =	sld [smem:$0x3F9B]  }
0x29: {  	s4 =	sld [smem:$0x3F9D]  }
0x2a: {  	p0 =	seq.s32 s5, $0x0;
	s5 =	sld [smem:$0x3F9E]  }
0x2b: {  	s6 =	sld [smem:$0x3F9F]  }
0x2c: {  	s7 =	sld [smem:$0x3FA0]  }
0x2d: {  	s3 =	simm.s32 $0x108;
	s8 =	sld [smem:$0x3FA1]  }
0x2e: {  	s3 =	simm.s32 @!p0 $0x1082;
	s9 =	sld [smem:$0x3FA2]  }
0x2f: {  	lr =	sadd.s32 s0, s3;
	s0 =	sld [smem:$0x3F99]  }
0x30: {  	s3 =	sld [smem:$0x3F9C]  }
0x31: {  	[smem:$0x3FA5] =	sst s10  }
0x32: {  	s10 =	sld [smem:$0x3FA3];
	_ =	sdelay $0x3  }
0x33: {  	p0 =	seq.s32 s10, $0x1;
	s10 =	sld [smem:$0x3FA5];
	_ =	sdelay $0x3  }
0x34: {  	[smem:$0x3FA5] =	sst s10  }
0x35: {  	s10 =	sld [smem:$0x3FA4];
	_ =	sdelay $0x3  }
0x36: {  	p1 =	seq.s32 s10, $0x1;
	s10 =	sld [smem:$0x3FA5];
	_ =	sdelay $0x3  }
0x37: {  	[smem:$0x3FA5] =	sst s10  }
0x38: {  	s10 =	sld [smem:$0x3FA6]  }
0x39: {  	_ = 	snop;
	(pc) =	sbr.ind lr, $3  }
0x3a: {  	_ = 	snop  }
0x3b: {  	_ = 	snop  }
0x3c: {  	p2 =	seq.s32 s10, $0x1;
	s10 =	sld [smem:$0x3FA5]  }
0x3d: {  	_ =	shalt  }
0x3e: {  	_ =	shalt  }
0x3f: {  	_ =	shalt  }
0x40: {  	_ =	shalt  }
0x41: {  	_ =	shalt  }
0x42: {  	_ =	shalt  }
0x43: {  	_ =	shalt  }
0x44: {  	_ =	shalt  }
0x45: {  	_ =	shalt  }
0x46: {  	_ =	shalt  }
0x47: {  	_ =	shalt  }
0x48: {  	_ =	shalt  }
0x49: {  	_ =	shalt  }
0x4a: {  	_ =	shalt  }
0x4b: {  	_ =	shalt  }
0x4c: {  	_ =	shalt  }
0x4d: {  	_ =	shalt  }
0x4e: {  	_ =	shalt  }
0x4f: {  	_ =	shalt  }
0x50: {  	_ =	shalt  }
0x51: {  	_ =	shalt  }
0x52: {  	_ =	shalt  }
0x53: {  	_ =	shalt  }
0x54: {  	_ =	shalt  }
0x55: {  	_ =	shalt  }
0x56: {  	_ =	shalt  }
0x57: {  	_ =	shalt  }
0x58: {  	_ =	shalt  }
0x59: {  	_ =	shalt  }
0x5a: {  	_ =	shalt  }
0x5b: {  	_ =	shalt  }
0x5c: {  	_ =	shalt  }
0x5d: {  	_ =	shalt  }
0x5e: {  	_ =	shalt  }
0x5f: {  	_ =	shalt  }
0x60: {  	_ =	shalt  }
0x61: {  	_ =	shalt  }
0x62: {  	_ =	shalt  }
0x63: {  	_ =	shalt  }
0x64: {  	_ =	shalt  }
0x65: {  	_ =	shalt  }
0x66: {  	_ =	shalt  }
0x67: {  	_ =	shalt  }
0x68: {  	_ =	shalt  }
0x69: {  	_ =	shalt  }
0x6a: {  	_ =	shalt  }
0x6b: {  	_ =	shalt  }
0x6c: {  	_ =	shalt  }
0x6d: {  	_ =	shalt  }
0x6e: {  	_ =	shalt  }
0x6f: {  	_ =	shalt  }
0x70: {  	_ =	shalt  }
0x71: {  	_ =	shalt  }
0x72: {  	_ =	shalt  }
0x73: {  	_ =	shalt  }
0x74: {  	_ =	shalt  }
0x75: {  	_ =	shalt  }
0x76: {  	_ =	shalt  }
0x77: {  	_ =	shalt  }
0x78: {  	_ =	shalt  }
0x79: {  	_ =	shalt  }
0x7a: {  	_ =	shalt  }
0x7b: {  	_ =	shalt  }
0x7c: {  	_ =	shalt  }
0x7d: {  	_ =	shalt  }
0x7e: {  	_ =	shalt  }
0x7f: {  	_ =	shalt  }
0x80: {  	_ =	shalt  }
0x81: {  	_ =	shalt  }
0x82: {  	_ =	shalt  }
0x83: {  	_ =	shalt  }
0x84: {  	_ =	shalt  }
0x85: {  	_ =	shalt  }
0x86: {  	_ =	shalt  }
0x87: {  	_ =	shalt  }
.Lfunc_end0:
.L_simem_size_0:
called_computation.1_lowered:
.L_overlay_start_0:
0x88: {  	s2 =	sld [smem:$0x3FD9]  }
0x89: {  	s3 =	sld [smem:$0x3FFE];
	_ =	sdelay $0x1  }
0x8a: {  	s1 =	srdreg.scid  }
0x8b: {  	s0 =	sand.u32 $0x1, s1  }
0x8c: {  	s14 =	sshll.u32 s0, $0xA;
	s2 =	sadd.s32 s3, s2  }
0x8d: {  	s2 =	sadd.s32 s2, s14  }
0x8e: {  	[smem:$0x3FB1] =	sst s2  }
0x8f: {  	_ = 	snop  }
0x90: {  	s2 =	sld [smem:$0x3FD0];
	_ =	sdelay $0x2  }
0x91: {  	s4 =	simm.s32 $0xA;
	s5 =	simm.s32 $0x10;
	s15 =	sld [smem:$0x3FC5]  }
0x92: {  	[smem:s5], [sflag:s4] =	dma.local [hbm:s2], $0x1  }
0x93: {  	_ =	swait.eq [sflag:s4], $0x1  }
0x94: {  	[sflag:s4] =	ssyncset.done $0x0  }
0x95: {  	s16 =	sld [smem:$0x10];
	[sflag:s4] =	ssyncadd.s32 $0xFFFFFFFF  }
0x96: {  	s17 =	sld [smem:$0x11];
	(tm) =	ssettm $0x1  }
0x97: {  	s18 =	sld [smem:$0x3FFB];
	_ =	sdelay $0x3  }
0x98: {  	_ =	strace s18  }
0x99: {  	s5 =	sld [smem:$0x3FFC];
	_ =	sdelay $0x3  }
0x9a: {  	_ =	strace s5  }
0x9b: {  	s5 =	sld [smem:$0x3FFD];
	_ =	sdelay $0x3  }
0x9c: {  	_ =	strace s5  }
0x9d: {  	_ =	strace $0x8FFFFFFF  }
0x9e: {  	s19 =	sld [smem:$0x3FDB];
	_ =	sdelay $0x1  }
0x9f: {  	s6 =	simm.s32 $_scs_section_size  }
0xa0: {  	s7 =	simm.s32 $_size__tile_overlayer_lowered;
	s8 =	simm.s32 $_tile_overlayer_lowered  }
0xa1: {  	s22 =	simm.s32 $0x1BFF;
	s21 =	sshll.u32 s8, $0x1;
	s5 =	sadd.s32 s6, s19  }
0xa2: {  	s9 =	simm.s32 $0x0;
	s20 =	sshll.u32 s7, $0x1;
	s7 =	sadd.s32 s21, s5  }
0xa3: {  	[timem:s9], [sflag:s22] =	dma.local [hbm:s7], s20  }
0xa4: {  	_ =	swait.ge [sflag:s22], s20  }
0xa5: {  	s6 =	ssub.s32 $0x0, s20;
	[sflag:s22] =	ssyncset.done $0x0  }
0xa6: {  	[sflag:s22] =	ssyncadd.s32 s6;
	_ =	sdelay $0x1  }
0xa7: {  	s23 =	simm.s32 $0x1B8B  }
0xa8: {  	_ =	swait.ge [sflag:s23], $0x1  }
0xa9: {  	[sflag:s23] =	ssyncset.done $0x0  }
0xaa: {  	s25 =	simm.s32 $0x1B8E;
	s24 =	sld [smem:$0x3FFE];
	[sflag:s23] =	ssyncadd.s32 $0xFFFFFFFF  }
0xab: {  	s26 =	simm.s32 $execute0_lowered;
	[smem:$0x3FD2] =	sst s25  }
0xac: {  	s7 =	sshll.u32 s26, $0x1;
	_ =	strace $0x80000049;
	[dreg:$0x1] =	wrdreg $0xFFFFFFFF  }
0xad: {  	s28 =	simm.s32 $_size_execute0_lowered;
	s5 =	sadd.s32 s5, s7;
	[dreg:$0x0] =	wrdreg $0x0  }
0xae: {  	s7 =	sshll.u32 s28, $0x1;
	[dreg:$0x2] =	wrdreg s5  }
0xaf: {  	[dreg:$0x3] =	wrdreg s7  }
0xb0: {  	[dreg:$0x4] =	wrdreg $0xC0  }
0xb1: {  	_ =	task [dreg:s9], $0x5FFFF  }
0xb2: {  	[dreg:$0x1] =	wrdreg $0xFFFFFFFF  }
0xb3: {  	[dreg:$0x0] =	wrdreg $0x60  }
0xb4: {  	[dreg:$0x2] =	wrdreg s24  }
0xb5: {  	[dreg:$0x3] =	wrdreg s15  }
0xb6: {  	[dreg:$0x4] =	wrdreg s16  }
0xb7: {  	[dreg:$0x5] =	wrdreg s17  }
0xb8: {  	[dreg:$0x6] =	wrdreg $0x0  }
0xb9: {  	[dreg:$0x7] =	wrdreg $0x138800  }
0xba: {  	[dreg:$0x8] =	wrdreg $0x9  }
0xbb: {  	_ =	task.clear_ibuf [dreg:s9], $0x9FFFF;
	_ =	strace $0x90000049  }
0xbc: {  	s29 =	simm.s32 $0x9;
	_ =	strace $0x8000004B  }
0xbd: {  	_ =	swait.ge [sflag:s29], $0x1  }
0xbe: {  	[sflag:s29] =	ssyncadd.s32 $0xFFFFFFFF  }
0xbf: {  	_ =	strace $0x9000004B  }
0xc0: {  	_ =	sfence  }
0xc1: {  	s30 =	sld [smem:$0x0];
	_ =	sdelay $0x2  }
0xc2: {  	s31 =	sshll.u32 s1, $0xD;
	s1 =	sshrl.u32 s1, $0x2  }
0xc3: {  	s3 =	sand.u32 $0x4000, s31;
	s1 =	sadd.s32 s1, s30  }
0xc4: {  	s0 =	sor.u32 s3, s0;
	s1 =	sshll.u32 s1, $0x11  }
0xc5: {  	s0 =	sor.u32 s1, s0  }
0xc6: {  	s0 =	sadd.s32 $0x8F2B, s0  }
0xc7: {  	[sflag:s0] =	ssyncadd.remote.s32 $0x1  }
0xc8: {  	_ =	sfence.sel $0xFFFF  }
0xc9: {  	[dreg:$0x0] =	wrdreg $0xFFFFFFFF;
	(pc) =	sbr.abs _section_cstart, $3  }
0xca: {  	[dreg:$0x1] =	wrdreg $0xFFFFFFFF  }
0xcb: {  	_ =	task.clear_ibuf [dreg:s9], $0x2FFFF;
	_ =	strace $0x9FFFFFFF  }
0xcc: {  	(tm) =	ssettm $0x7FFFFFFF  }
0xcd: {  	_ =	shalt  }
tec
execute0_lowered:
.L_overlay_start_1:
0x0: {  	(tag) =	ssettag $0x1  }
0x1: {  	s0 =	rddreg [dreg:$0x0]  }
0x2: {  	s1 =	rddreg [dreg:$0x1]  }
0x3: {  	s2 =	rddreg [dreg:$0x2]  }
0x4: {  	s3 =	rddreg [dreg:$0x4]  }
0x5: {  	s5 =	rddreg [dreg:$0x5];
	s6 =	simm.s32 $0x0;
	s17 =	stileid.u32  }
0x6: {  	s9 =	srdreg.scid;
	s28 =	simm.s32 $0x18058;
	s29 =	simm.s32 $0x200  }
0x7: {  	s30 =	simm.s32 $0x138800;
	s31 =	simm.s32 $0x180D8;
	[smem:$0x7FF] =	sst s6  }
0x8: {  	s4 =	sshll.u32 s17, $0xC;
	s7 =	sadd.s32 $0x4C00, s0;
	s11 =	smul.u32 $0x4F000, s17  }
0x9: {  	s8 =	sadd.s32 $0x9E9A00, s0;
	s10 =	sadd.s32 $0x10800, s0;
	s14 =	smul.u32 $0x2780, s17  }
0xa: {  	s9 =	sand.u32 $0x1, s9;
	s23 =	smul.u32 $0x13C00, s17;
	s16 =	sshll.u32 s17, $0x1  }
0xb: {  	p0 =	sne.s32 s17, $0xF;
	p3 =	seq.s32 s17, $0xF;
	_ =	strace $0x8000004A  }
0xc: {  	s4 =	sadd.s32 s4, s0;
	s12 =	sshll.u32 s9, $0x4;
	s13 =	ssub.s32 $0x2, s9  }
0xd: {  	s15 =	smul.u32 $0x138800, s9;
	s20 =	sor.u32 s16, s9;
	p2 =	sne.s32 @p0 s17, $0x0  }
0xe: {  	s0 =	sadd.s32 s12, s0;
	s22 =	sshrl.u32 s13, $0x1;
	s11 =	sshrl.u32 s11, $0x2  }
0xf: {  	s24 =	sadd.s32 s2, s14;
	s14 =	sadd.s32 $0x128400, s3;
	s2 =	sadd.s32 $0x25080, s2  }
0x10: {  	s21 =	ssub.s32 $0x9C3, s20;
	p1 =	por p2, !p0;
	p2 =	por !p2, !p0  }
0x11: {  	s12 =	ssub.s32 s13, s22;
	s18 =	sadd.s32 s11, s3;
	[dreg:$0x7] =	wrdreg s24  }
0x12: {  	s25 =	sadd.s32 s23, s15;
	s26 =	sshrl.u32 s15, $0x3;
	[dreg:$0x8] =	wrdreg s2  }
0x13: {  	s0 =	sadd.s32 $0xEA00, s0;
	s22 =	sshll.u32 s9, $0xB;
	s13 =	simm.s32 $0x18358  }
0x14: {  	s11 =	sshrl.u32 s25, $0x3;
	s15 =	sadd.s32 s10, s26;
	[dreg:$0xb] =	wrdreg s0  }
0x15: {  	s23 =	smax.u32 s12, $0x1;
	s0 =	sshrl.u32 s21, $0x5;
	s25 =	sshll.u32 s17, $0x8  }
0x16: {  	s26 =	sshll.u32 s9, $0x7;
	s20 =	smov.u32 s18;
	s21 =	smov.u32 s14  }
0x17: {  	s12 =	simm.s32 $0x18558;
	s9 =	simm.s32 $0x185D8;
	s2 =	sadd.s32 s10, s11  }
0x18: {  	s19 =	sadd.s32 $0x25080, s15;
	[dreg:$0xc] =	wrdreg s23;
	s0 =	sxor.u32 $0xFFFFFFFF, s0  }
0x19: {  	s23 =	sshrl.u32 @!p0 s14, $0x3;
	s10 =	simm.s32 $0x182D8;
	[dreg:$0x9] =	wrdreg s2  }
0x1a: {  	s14 =	simm.s32 $0x183D8;
	s11 =	simm.s32 $0x0;
	[dreg:$0xa] =	wrdreg s19  }
0x1b: {  	s2 =	sadd.s32 s22, s4;
	[dreg:$0xd] =	wrdreg s0;
	s0 =	sor.u32 s26, s25  }
0x1c: {  	s24 =	sadd.s32 $0x1D7B800, s2;
	[dreg:$0xf] =	wrdreg s0;
	s0 =	sshll.u32 @p0 s17, $0x6  }
0x1d: {  	s25 =	simm.s32 $0x1;
	[dreg:$0xe] =	wrdreg s24;
	s0 =	sor.u32 @p0 $0x1C01, s0  }
0x1e: {  	s26 =	simm.s32 $0x17FD8;
	[dreg:$0x10] =	wrdreg s0;
	s0 =	sshrl.u32 @p0 s18, $0x3  }
0x1f: {  	s2 =	simm.s32 $0x184D8;
	[dreg:$0x11] =	wrdreg s0;
	s0 =	sshrl.u32 @!p1 s5, $0x3  }
0x20: {  	s24 =	simm.s32 $0x13FD8;
	[dreg:$0x12] =	wrdreg s0;
	s0 =	simm.s32 $0x80  }
.LBB2_1:
0x21: {  	s4 =	rddreg [dreg:$0x7]  }
0x22: {  	s15 =	rddreg [dreg:$0x10]  }
0x23: {  	s16 =	rddreg [dreg:$0x11];
	s17 =	simm.s32 @p0 $0x1  }
0x24: {  	[spmem:s16], [sflag:s15] =	dma.local @p0 [hbm:s4], $0x2780  }
0x25: {  	_ =	swait.ge @p0 [sflag:s17], $0x2780  }
0x26: {  	[sflag:s17] =	ssyncset.done @p0 $0x0  }
0x27: {  	s15 =	rddreg [dreg:$0x12];
	[sflag:s17] =	ssyncadd.s32 @p0 $0xFFFFD880  }
0x28: {  	s17 =	simm.s32 @!p1 $0x1C01;
	s4 =	rddreg [dreg:$0x3]  }
0x29: {  	[spmem:s15], [sflag:s17] =	dma.local @!p1 [hbm:s4], $0xEB0  }
0x2a: {  	s17 =	simm.s32 @!p1 $0x1  }
0x2b: {  	_ =	swait.ge @!p1 [sflag:s17], $0xEB0  }
0x2c: {  	[sflag:s17] =	ssyncset.done @!p1 $0x0  }
0x2d: {  	s4 =	rddreg [dreg:$0x8];
	[sflag:s17] =	ssyncadd.s32 @!p1 $0xFFFFF150;
	s17 =	simm.s32 @!p0 $0x1FC1  }
0x2e: {  	[spmem:s23], [sflag:s17] =	dma.local @!p0 [hbm:s4], $0x2080  }
0x2f: {  	s17 =	simm.s32 @!p0 $0x1  }
0x30: {  	_ =	swait.ge @!p0 [sflag:s17], $0x2080  }
0x31: {  	[sflag:s17] =	ssyncset.done @!p0 $0x0  }
0x32: {  	[sflag:s17] =	ssyncadd.s32 @!p0 $0xFFFFDF80  }
0x33: {  	[bflag:$0x0] =	sbarrier.arrive $0xFFFF  }
0x34: {  	p5 =	por @p0 $0x0, $0x0;
	p4 =	por @!p1 $0x1, $0x1;
	s19 =	rddreg [dreg:$0xf]  }
0x35: {  	p4 =	por @!p2 p5, p5;
	p5 =	por @!p0 $0x0, $0x0;
	s18 =	rddreg [dreg:$0xe]  }
0x36: {  	p4 =	por @!p0 p5, p5;
	s17 =	rddreg [dreg:$0xd]  }
.LBB2_2:
0x37: {  	[tilespmem:s24], [sflag:$0x1] =	stream.linear.gather [hbm4b:s18+s6], $0x4000, $0x38;
	[tilespmem:$0x186D8] =	vst v63  }
0x38: {  	_ =	swait.ge [sflag:s25], $0x4000  }
0x39: {  	s4 =	sshrl.u32 s19, $0x3;
	[sflag:s25] =	ssyncset.done $0x0  }
0x3a: {  	s16 =	sadd.s32 s8, s4;
	[sflag:s25] =	ssyncadd.s32 $0xFFFFC000  }
0x3b: {  	[tilespmem:s26], [sflag:$0x1] =	stream.linear.gather [hbm4b:s16+s6], $0x80, $0x38;
	[tilespmem:$0x186D8] =	vst v63  }
0x3c: {  	_ =	swait.ge [sflag:s25], $0x80  }
0x3d: {  	[sflag:s25] =	ssyncset.done $0x0  }
0x3e: {  	s4 =	sadd.s32 s7, s4;
	[sflag:s25] =	ssyncadd.s32 $0xFFFFFF80  }
0x3f: {  	[tilespmem:s28], [sflag:$0x1] =	stream.linear.gather [hbm4b:s4+s6], $0x80, $0x38;
	[tilespmem:$0x186D8] =	vst v63  }
0x40: {  	_ =	swait.ge [sflag:s25], $0x80  }
0x41: {  	s22 =	sshrl.u32 s19, $0x1;
	[sflag:s25] =	ssyncset.done $0x0  }
0x42: {  	s4 =	sadd.s32 s1, s22;
	[sflag:s25] =	ssyncadd.s32 $0xFFFFFF80  }
0x43: {  	[tilespmem:s31], [sflag:$0x1] =	stream.strided.gather [hbm4b:s4+s29], $0x0, s30, s29, $0x38;
	[tilespmem:$0x186D8] =	vst v63  }
0x44: {  	_ = 	snop  }
0x45: {  	[tilespmem:s31], [sflag:$0x1] =	stream.linear.gather [hbm4b:s4+s6], $0x180, $0x38;
	[tilespmem:$0x186D8] =	vst v63  }
0x46: {  	_ =	swait.ge [sflag:s25], $0x180  }
0x47: {  	[sflag:s25] =	ssyncset.done $0x0  }
0x48: {  	[sflag:s25] =	ssyncadd.s32 $0xFFFFFE80  }
0x49: {  	[spmem:s3] =	stream.indirect.scatter.add.f32 [tilespmem:s24], [sflag:$0x1], $0x80, s26, s0, $0xb8;
	[tilespmem:$0x186D8] =	vst v63  }
0x4a: {  	_ =	swait.ge [sflag:s25], $0x4000  }
0x4b: {  	[sflag:s25] =	ssyncset.done $0x0  }
0x4c: {  	[sflag:s25] =	ssyncadd.s32 $0xFFFFC000  }
0x4d: {  	v0 =	vld [tilespmem:$0x17FD8]  }
0x4e: {  	v6 =	vld [tilespmem:$0x17FE8]  }
0x4f: {  	v14 =	vld [tilespmem:$0x17FF8]  }
0x50: {  	v22 =	vld [tilespmem:$0x18008]  }
0x51: {  	v30 =	vld [tilespmem:$0x18018]  }
0x52: {  	v38 =	vld [tilespmem:$0x18028];
	[tilespmem:$0x184D8] =	vst v0  }
0x53: {  	v46 =	vld [tilespmem:$0x18038];
	[tilespmem:$0x184E8] =	vst v6  }
0x54: {  	v54 =	vld [tilespmem:$0x18048];
	[tilespmem:$0x184F8] =	vst v14  }
0x55: {  	[tilespmem:$0x18508] =	vst v22  }
0x56: {  	[tilespmem:$0x18518] =	vst v30  }
0x57: {  	[tilespmem:$0x18528] =	vst v38  }
0x58: {  	[tilespmem:$0x18538] =	vst v46  }
0x59: {  	v5 =	vadd.s32 $0x2710, v0;
	[tilespmem:$0x18548] =	vst v54  }
0x5a: {  	v0 =	vadd.s32 $0x4E20, v0;
	[tilespmem:$0x18558] =	vst v5  }
0x5b: {  	v1 =	vld [tilespmem:$0x18058];
	v13 =	vadd.s32 $0x2710, v6;
	[tilespmem:$0x185D8] =	vst v0  }
0x5c: {  	v2 =	vld [tilespmem:$0x180D8];
	v15 =	vadd.s32 $0x4E20, v6;
	[tilespmem:$0x18568] =	vst v13  }
0x5d: {  	v3 =	vld [tilespmem:$0x18158];
	v21 =	vadd.s32 $0x2710, v14;
	[tilespmem:$0x185E8] =	vst v15  }
0x5e: {  	v4 =	vld [tilespmem:$0x181D8];
	v23 =	vadd.s32 $0x4E20, v14;
	[tilespmem:$0x18578] =	vst v21  }
0x5f: {  	v63 =	vld [tilespmem:$0x18068];
	v29 =	vadd.s32 $0x2710, v22;
	[tilespmem:$0x185F8] =	vst v23  }
0x60: {  	v10 =	vld [tilespmem:$0x180E8];
	v31 =	vadd.s32 $0x4E20, v22;
	[tilespmem:$0x18588] =	vst v29  }
0x61: {  	v11 =	vld [tilespmem:$0x18168];
	v37 =	vadd.s32 $0x2710, v30;
	[tilespmem:$0x18608] =	vst v31  }
0x62: {  	v12 =	vld [tilespmem:$0x181E8];
	v39 =	vadd.s32 $0x4E20, v30;
	[tilespmem:$0x18598] =	vst v37  }
0x63: {  	v16 =	vld [tilespmem:$0x18078];
	v45 =	vadd.s32 $0x2710, v38;
	[tilespmem:$0x18618] =	vst v39  }
0x64: {  	v19 =	vld [tilespmem:$0x18178];
	v47 =	vadd.s32 $0x4E20, v38;
	[tilespmem:$0x185A8] =	vst v45  }
0x65: {  	v24 =	vld [tilespmem:$0x18088];
	v53 =	vadd.s32 $0x2710, v46;
	[tilespmem:$0x18628] =	vst v47  }
0x66: {  	v27 =	vld [tilespmem:$0x18188];
	v55 =	vadd.s32 $0x4E20, v46;
	[tilespmem:$0x185B8] =	vst v53  }
0x67: {  	v32 =	vld [tilespmem:$0x18098];
	v61 =	vadd.s32 $0x2710, v54;
	[tilespmem:$0x18638] =	vst v55  }
0x68: {  	v35 =	vld [tilespmem:$0x18198];
	v2 =	vmul.f32 v2, v1;
	v62 =	vadd.s32 $0x4E20, v54;
	[tilespmem:$0x185C8] =	vst v61  }
0x69: {  	v40 =	vld [tilespmem:$0x180A8];
	v9 =	vmul.f32 v3, v1;
	[tilespmem:$0x18648] =	vst v62  }
0x6a: {  	v43 =	vld [tilespmem:$0x181A8];
	v1 =	vmul.f32 v4, v1;
	[tilespmem:$0x182D8] =	vst v2  }
0x6b: {  	v48 =	vld [tilespmem:$0x180B8];
	v3 =	vmul.f32 v10, v63;
	[tilespmem:$0x18358] =	vst v9  }
0x6c: {  	v51 =	vld [tilespmem:$0x181B8];
	v17 =	vmul.f32 v11, v63;
	[tilespmem:$0x183D8] =	vst v1  }
0x6d: {  	v56 =	vld [tilespmem:$0x180C8];
	v25 =	vmul.f32 v19, v16;
	[tilespmem:$0x182E8] =	vst v3  }
0x6e: {  	v59 =	vld [tilespmem:$0x181C8];
	v33 =	vmul.f32 v27, v24;
	[tilespmem:$0x18368] =	vst v17  }
0x6f: {  	v18 =	vld [tilespmem:$0x180F8];
	v41 =	vmul.f32 v35, v32;
	[tilespmem:$0x18378] =	vst v25  }
0x70: {  	v20 =	vld [tilespmem:$0x181F8];
	v49 =	vmul.f32 v43, v40;
	[tilespmem:$0x18388] =	vst v33  }
0x71: {  	v26 =	vld [tilespmem:$0x18108];
	v57 =	vmul.f32 v51, v48;
	[tilespmem:$0x18398] =	vst v41  }
0x72: {  	v28 =	vld [tilespmem:$0x18208];
	v0 =	vmul.f32 v12, v63;
	[tilespmem:$0x183A8] =	vst v49  }
0x73: {  	v34 =	vld [tilespmem:$0x18118];
	v63 =	vmul.f32 v59, v56;
	[tilespmem:$0x183B8] =	vst v57  }
0x74: {  	v36 =	vld [tilespmem:$0x18218];
	v2 =	vmul.f32 v18, v16;
	[tilespmem:$0x183E8] =	vst v0  }
0x75: {  	v42 =	vld [tilespmem:$0x18128];
	v1 =	vmul.f32 v20, v16;
	[tilespmem:$0x183C8] =	vst v63  }
0x76: {  	v44 =	vld [tilespmem:$0x18228];
	v3 =	vmul.f32 v26, v24;
	[tilespmem:$0x182F8] =	vst v2  }
0x77: {  	v50 =	vld [tilespmem:$0x18138];
	v0 =	vmul.f32 v28, v24;
	[tilespmem:$0x183F8] =	vst v1  }
0x78: {  	v52 =	vld [tilespmem:$0x18238];
	[tilespmem:$0x18308] =	vst v3;
	v2 =	vmul.f32 v34, v32  }
0x79: {  	v58 =	vld [tilespmem:$0x18148];
	v1 =	vmul.f32 v36, v32;
	[tilespmem:$0x18408] =	vst v0  }
0x7a: {  	v60 =	vld [tilespmem:$0x18248];
	v3 =	vmul.f32 v42, v40;
	[tilespmem:$0x18318] =	vst v2  }
0x7b: {  	v0 =	vmul.f32 v44, v40;
	[tilespmem:$0x18418] =	vst v1  }
0x7c: {  	[tilespmem:$0x18328] =	vst v3;
	v2 =	vmul.f32 v50, v48  }
0x7d: {  	v1 =	vmul.f32 v52, v48;
	[tilespmem:$0x18428] =	vst v0  }
0x7e: {  	v3 =	vmul.f32 v58, v56;
	[tilespmem:$0x18338] =	vst v2  }
0x7f: {  	v0 =	vmul.f32 v60, v56;
	[tilespmem:$0x18438] =	vst v1  }
0x80: {  	[tilespmem:$0x18348] =	vst v3  }
0x81: {  	[tilespmem:$0x18448] =	vst v0  }
0x82: {  	[spmem:s5] =	stream.indirect.scatter.add.f32 [tilespmem:s10], [sflag:$0x1], $0x1, s2, s0, $0xb8;
	[tilespmem:$0x186D8] =	vst v63  }
0x83: {  	_ =	swait.ge [sflag:s25], $0x80  }
0x84: {  	[sflag:s25] =	ssyncset.done $0x0  }
0x85: {  	[sflag:s25] =	ssyncadd.s32 $0xFFFFFF80  }
0x86: {  	[spmem:s5] =	stream.indirect.scatter.add.f32 [tilespmem:s13], [sflag:$0x1], $0x1, s12, s0, $0xb8;
	[tilespmem:$0x186D8] =	vst v63  }
0x87: {  	s17 =	sadd.s32 $0x1, s17;
	_ =	swait.ge [sflag:s25], $0x80  }
0x88: {  	p5 =	seq.s32 s17, $0x0;
	[sflag:s25] =	ssyncset.done $0x0  }
.Ltmp0:
0x89: {  	[sflag:s25] =	ssyncadd.s32 $0xFFFFFF80;
	(pc) =	sbr.rel @!p5 .LBB2_2-.Ltmp0, $4  }
0x8a: {  	[spmem:s5] =	stream.indirect.scatter.add.f32 [tilespmem:s14], [sflag:$0x1], $0x1, s9, s0, $0xb8;
	[tilespmem:$0x186D8] =	vst v63  }
0x8b: {  	_ =	swait.ge [sflag:s25], $0x80  }
0x8c: {  	[sflag:s25] =	ssyncset.done $0x0  }
0x8d: {  	s18 =	sadd.s32 $0x10000, s18;
	s19 =	sadd.s32 $0x1000, s19;
	[sflag:s25] =	ssyncadd.s32 $0xFFFFFF80  }
0x8e: {  	[bflag:$0x0] =	sbarrier.arrive $0xFFFF  }
0x8f: {  	s4 =	sshrl.u32 @p3 s21, $0x3;
	s16 =	simm.s32 @p3 $0x1FC1;
	s15 =	rddreg [dreg:$0xa]  }
0x90: {  	[hbm:s15], [sflag:s16] =	dma.local @p3 [spmem:s4], $0x2080  }
0x91: {  	s4 =	simm.s32 @p3 $0x1  }
0x92: {  	s17 =	stileid.u32;
	_ =	swait.ge @p3 [sflag:s4], $0x2080  }
0x93: {  	s16 =	sshll.u32 @!p3 s17, $0x6;
	[sflag:s4] =	ssyncset.done @p3 $0x0;
	s15 =	rddreg [dreg:$0x9]  }
0x94: {  	[sflag:s4] =	ssyncadd.s32 @p3 $0xFFFFDF80;
	s4 =	sor.u32 @!p3 $0x1C01, s16;
	s16 =	sshrl.u32 @!p3 s20, $0x3  }
0x95: {  	[hbm:s15], [sflag:s4] =	dma.local @!p3 [spmem:s16], $0x2780  }
0x96: {  	s18 =	simm.s32 @p4 $0x20;
	s4 =	simm.s32 @!p3 $0x1  }
0x97: {  	s19 =	simm.s32 @p4 $0x10;
	s16 =	sshll.u32 @p4 s17, $0x6;
	_ =	swait.ge @!p3 [sflag:s4], $0x2780  }
0x98: {  	s17 =	simm.s32 @p4 $0x1;
	[sflag:s4] =	ssyncset.done @!p3 $0x0;
	s22 =	rddreg [dreg:$0xb]  }
0x99: {  	[sflag:s4] =	ssyncadd.s32 @!p3 $0xFFFFD880;
	s4 =	sor.u32 @p4 $0x1C01, s16;
	s16 =	sshrl.u32 @p4 s5, $0x3  }
0x9a: {  	[hbm:s22@s18], [sflag:s4] =	dma.strided @p4 [spmem:s16@s19], $0xEB0, s17, $0x10   }
0x9b: {  	_ =	swait.ge @p4 [sflag:s17], $0xEB0  }
0x9c: {  	s11 =	sadd.s32 $0x1, s11;
	s22 =	rddreg [dreg:$0xc]  }
0x9d: {  	p5 =	sne.s32 s11, s22  }
.Ltmp1:
0x9e: {  	_ = 	snop;
	(pc) =	sbr.rel @p5 .LBB2_1-.Ltmp1, $3  }
0x9f: {  	_ =	sdelay $0x1  }
0xa0: {  	[sflag:s17] =	ssyncset.done @p4 $0x0  }
0xa1: {  	s15 =	stileid.u32;
	[sflag:s17] =	ssyncadd.s32 @p4 $0xFFFFF150  }
0xa2: {  	_ =	sfence.sel $0x180000  }
0xa3: {  	[bflag:$0x0] =	sbarrier.arrive $0xFFFF  }
0xa4: {  	_ =	strace $0x9000004A  }
0xa5: {  	[bflag:$0x2] =	sbarrier.arrive $0xFFFF  }
0xa6: {  	p0 =	sne.s32 s15, $0x0;
	s0 =	rddreg [dreg:$0x6]  }
0xa7: {  	s0 =	sadd.s32 @!p0 $0x100000, s0  }
0xa8: {  	[sflag:s0] =	ssyncadd.tile.s32 @!p0 $0x1;
	_ =	shalt  }
.Lfunc_end2:
_tile_overlayer_lowered:
.L_overlay_start_2:
0xa9: {  	(tag) =	ssettag $0x2  }
0xaa: {  	s0 =	rddreg [dreg:$0x0];
	s2 =	stileid.u32  }
0xab: {  	s1 =	rddreg [dreg:$0x1];
	p0 =	sne.s32 s2, $0x0  }
0xac: {  	s3 =	rddreg [dreg:$0x2];
	[bflag:$0x3] =	sbarrier.arrive $0xFFFF;
	s2 =	simm.s32 @!p0 $0x1C01  }
0xad: {  	[timem:s3], [sflag:s2] =	dma.local @!p0 [hbm:s0], s1  }
0xae: {  	s0 =	simm.s32 @!p0 $0x1  }
0xaf: {  	_ =	swait.ge @!p0 [sflag:s0], s1  }
0xb0: {  	s1 =	ssub.s32 @!p0 $0x0, s1;
	[sflag:s0] =	ssyncset.done @!p0 $0x0  }
0xb1: {  	[sflag:s0] =	ssyncadd.s32 @!p0 s1  }
0xb2: {  	[bflag:$0x3] =	sbarrier.arrive $0xFFFF  }
0xb3: {  	_ =	shalt  }

// kernel: kernel.7.cloned.1.call-start
scs
__scs_entry_jumppad:
0x0: {  	(pc) =	sbr.rel $0x88, $3  }
0x1: {  	(tag) =	ssettag $0x0;
	lr =	simm.s32 $0x1  }
0x2: {  	[smem:$0x3F8A] =	sst lr;
	_ =	strace $0xD0000000  }
0x3: {  	_ = 	snop  }
0x4: {  	_ = 	snop  }
0x5: {  	_ = 	snop  }
0x6: {  	_ = 	snop  }
0x7: {  	_ = 	snop  }
__scs_overlays_trampoline_lowered:
0x8: {  	[smem:$0x3F99] =	sst s0  }
0x9: {  	[smem:$0x3F9A] =	sst s1  }
0xa: {  	[smem:$0x3F9B] =	sst s2  }
0xb: {  	[smem:$0x3F9C] =	sst s3  }
0xc: {  	[smem:$0x3F9D] =	sst s4  }
0xd: {  	[smem:$0x3F9E] =	sst s5  }
0xe: {  	[smem:$0x3F9F] =	sst s6  }
0xf: {  	[smem:$0x3FA0] =	sst s7  }
0x10: {  	[smem:$0x3FA1] =	sst s8  }
0x11: {  	[smem:$0x3FA2] =	sst s9;
	s0 =	simm.s32 @!p0 $0x0  }
0x12: {  	s1 =	sld [smem:$0x3F88];
	s0 =	simm.s32 @p0 $0x1  }
0x13: {  	[smem:$0x3FA3] =	sst s0;
	s0 =	simm.s32 @!p1 $0x0  }
0x14: {  	s2 =	sld [smem:$0x3F87];
	s0 =	simm.s32 @p1 $0x1  }
0x15: {  	[smem:$0x3FA4] =	sst s0;
	s0 =	simm.s32 @!p2 $0x0  }
0x16: {  	s3 =	sld [smem:$0x3FDB];
	s0 =	simm.s32 @p2 $0x1  }
0x17: {  	s4 =	simm.s32 $0x1BF5;
	[smem:$0x3FA6] =	sst s0  }
0x18: {  	s0 =	sld [smem:$0x3F89];
	_ =	swait.ge [sflag:s4], $0x0  }
0x19: {  	s7 =	sld [smem:$0x3F8A]  }
0x1a: {  	s8 =	sadd.s32 $0xFFFFE003, lr  }
0x1b: {  	s9 =	sadd.s32 $0xFFFFFEF7, lr;
	s5 =	simm.s32 $0xFFFFFFFF;
	p2 =	slt.u32 s8, $0xFFFFF086  }
0x1c: {  	p1 =	slt.u32 s9, $0xF7A;
	s5 =	simm.s32 @!p2 $0x0  }
0x1d: {  	s5 =	simm.s32 @p1 $0x1;
	p0 =	seq.s32 s7, s2  }
0x1e: {  	s7 =	smul.u32 @!p0 $0xF7A, s2;
	p2 =	seq.s32 @!p0 s5, $0x0  }
0x1f: {  	s9 =	smul.u32 $0xF7A, s1;
	s8 =	simm.s32 @!p0 $0x1BF5;
	p2 =	por !p2, p0  }
0x20: {  	[sflag:s8] =	ssyncset.s32 @!p0 $0xFFFFF086;
	s6 =	sadd.s32 @!p0 s3, s7;
	s7 =	simm.s32 @!p0 $0x108  }
0x21: {  	s3 =	sadd.s32 s3, s9;
	s6 =	sadd.s32 @!p0 $0x88, s6;
	s7 =	simm.s32 @p2 $0x1082  }
0x22: {  	[simem:s7], [sflag:s8] =	dma.local @!p0 [hbm:s6], $0xF7A  }
0x23: {  	s9 =	sor.u32 $0xD0000000, s2;
	s6 =	simm.s32 $0x108;
	_ =	swait.ge @!p0 [sflag:s8], $0x0  }
0x24: {  	s3 =	sadd.s32 $0x88, s3;
	s6 =	simm.s32 @!p1 $0x1082;
	[sflag:s4] =	ssyncset.s32 $0xFFFFF086  }
0x25: {  	[simem:s6], [sflag:s4] =	dma.local [hbm:s3], $0xF7A  }
0x26: {  	[smem:$0x3F8A] =	sst s1;
	(tag) =	ssettag s2;
	_ =	strace s9  }
0x27: {  	s1 =	sld [smem:$0x3F9A]  }
0x28: {  	s2 =	sld [smem:$0x3F9B]  }
0x29: {  	s4 =	sld [smem:$0x3F9D]  }
0x2a: {  	p0 =	seq.s32 s5, $0x0;
	s5 =	sld [smem:$0x3F9E]  }
0x2b: {  	s6 =	sld [smem:$0x3F9F]  }
0x2c: {  	s7 =	sld [smem:$0x3FA0]  }
0x2d: {  	s3 =	simm.s32 $0x108;
	s8 =	sld [smem:$0x3FA1]  }
0x2e: {  	s3 =	simm.s32 @!p0 $0x1082;
	s9 =	sld [smem:$0x3FA2]  }
0x2f: {  	lr =	sadd.s32 s0, s3;
	s0 =	sld [smem:$0x3F99]  }
0x30: {  	s3 =	sld [smem:$0x3F9C]  }
0x31: {  	[smem:$0x3FA5] =	sst s10  }
0x32: {  	s10 =	sld [smem:$0x3FA3];
	_ =	sdelay $0x3  }
0x33: {  	p0 =	seq.s32 s10, $0x1;
	s10 =	sld [smem:$0x3FA5];
	_ =	sdelay $0x3  }
0x34: {  	[smem:$0x3FA5] =	sst s10  }
0x35: {  	s10 =	sld [smem:$0x3FA4];
	_ =	sdelay $0x3  }
0x36: {  	p1 =	seq.s32 s10, $0x1;
	s10 =	sld [smem:$0x3FA5];
	_ =	sdelay $0x3  }
0x37: {  	[smem:$0x3FA5] =	sst s10  }
0x38: {  	s10 =	sld [smem:$0x3FA6]  }
0x39: {  	_ = 	snop;
	(pc) =	sbr.ind lr, $3  }
0x3a: {  	_ = 	snop  }
0x3b: {  	_ = 	snop  }
0x3c: {  	p2 =	seq.s32 s10, $0x1;
	s10 =	sld [smem:$0x3FA5]  }
0x3d: {  	_ =	shalt  }
0x3e: {  	_ =	shalt  }
0x3f: {  	_ =	shalt  }
0x40: {  	_ =	shalt  }
0x41: {  	_ =	shalt  }
0x42: {  	_ =	shalt  }
0x43: {  	_ =	shalt  }
0x44: {  	_ =	shalt  }
0x45: {  	_ =	shalt  }
0x46: {  	_ =	shalt  }
0x47: {  	_ =	shalt  }
0x48: {  	_ =	shalt  }
0x49: {  	_ =	shalt  }
0x4a: {  	_ =	shalt  }
0x4b: {  	_ =	shalt  }
0x4c: {  	_ =	shalt  }
0x4d: {  	_ =	shalt  }
0x4e: {  	_ =	shalt  }
0x4f: {  	_ =	shalt  }
0x50: {  	_ =	shalt  }
0x51: {  	_ =	shalt  }
0x52: {  	_ =	shalt  }
0x53: {  	_ =	shalt  }
0x54: {  	_ =	shalt  }
0x55: {  	_ =	shalt  }
0x56: {  	_ =	shalt  }
0x57: {  	_ =	shalt  }
0x58: {  	_ =	shalt  }
0x59: {  	_ =	shalt  }
0x5a: {  	_ =	shalt  }
0x5b: {  	_ =	shalt  }
0x5c: {  	_ =	shalt  }
0x5d: {  	_ =	shalt  }
0x5e: {  	_ =	shalt  }
0x5f: {  	_ =	shalt  }
0x60: {  	_ =	shalt  }
0x61: {  	_ =	shalt  }
0x62: {  	_ =	shalt  }
0x63: {  	_ =	shalt  }
0x64: {  	_ =	shalt  }
0x65: {  	_ =	shalt  }
0x66: {  	_ =	shalt  }
0x67: {  	_ =	shalt  }
0x68: {  	_ =	shalt  }
0x69: {  	_ =	shalt  }
0x6a: {  	_ =	shalt  }
0x6b: {  	_ =	shalt  }
0x6c: {  	_ =	shalt  }
0x6d: {  	_ =	shalt  }
0x6e: {  	_ =	shalt  }
0x6f: {  	_ =	shalt  }
0x70: {  	_ =	shalt  }
0x71: {  	_ =	shalt  }
0x72: {  	_ =	shalt  }
0x73: {  	_ =	shalt  }
0x74: {  	_ =	shalt  }
0x75: {  	_ =	shalt  }
0x76: {  	_ =	shalt  }
0x77: {  	_ =	shalt  }
0x78: {  	_ =	shalt  }
0x79: {  	_ =	shalt  }
0x7a: {  	_ =	shalt  }
0x7b: {  	_ =	shalt  }
0x7c: {  	_ =	shalt  }
0x7d: {  	_ =	shalt  }
0x7e: {  	_ =	shalt  }
0x7f: {  	_ =	shalt  }
0x80: {  	_ =	shalt  }
0x81: {  	_ =	shalt  }
0x82: {  	_ =	shalt  }
0x83: {  	_ =	shalt  }
0x84: {  	_ =	shalt  }
0x85: {  	_ =	shalt  }
0x86: {  	_ =	shalt  }
0x87: {  	_ =	shalt  }
.Lfunc_end0:
.L_simem_size_0:
called_computation_lowered:
.L_overlay_start_0:
0x88: {  	s2 =	sld [smem:$0x3FD9]  }
0x89: {  	s3 =	sld [smem:$0x3FFE];
	_ =	sdelay $0x1  }
0x8a: {  	s1 =	srdreg.scid  }
0x8b: {  	s0 =	sand.u32 $0x1, s1  }
0x8c: {  	s14 =	sshll.u32 s0, $0xA;
	s2 =	sadd.s32 s3, s2  }
0x8d: {  	s2 =	sadd.s32 s2, s14  }
0x8e: {  	[smem:$0x3FB1] =	sst s2  }
0x8f: {  	_ = 	snop  }
0x90: {  	s2 =	sld [smem:$0x3FD0];
	_ =	sdelay $0x1  }
0x91: {  	s15 =	sld [smem:$0x3FC7]  }
0x92: {  	s5 =	simm.s32 $0xA;
	s6 =	simm.s32 $0x10;
	s4 =	sld [smem:$0x3FC5]  }
0x93: {  	[smem:s6], [sflag:s5] =	dma.local [hbm:s2], $0x1  }
0x94: {  	_ =	swait.eq [sflag:s5], $0x1  }
0x95: {  	[sflag:s5] =	ssyncset.done $0x0  }
0x96: {  	[sflag:s5] =	ssyncadd.s32 $0xFFFFFFFF  }
0x97: {  	s16 =	sld [smem:$0x10];
	(tm) =	ssettm $0x1  }
0x98: {  	s17 =	sld [smem:$0x3FFB];
	_ =	sdelay $0x3  }
0x99: {  	_ =	strace s17  }
0x9a: {  	s5 =	sld [smem:$0x3FFC];
	_ =	sdelay $0x3  }
0x9b: {  	_ =	strace s5  }
0x9c: {  	s5 =	sld [smem:$0x3FFD];
	_ =	sdelay $0x3  }
0x9d: {  	_ =	strace s5  }
0x9e: {  	_ =	strace $0x8FFFFFFF  }
0x9f: {  	s18 =	sld [smem:$0x3FDB];
	_ =	sdelay $0x1  }
0xa0: {  	s19 =	simm.s32 $_scs_section_size  }
0xa1: {  	s7 =	simm.s32 $_size__tile_overlayer_lowered;
	s8 =	simm.s32 $_tile_overlayer_lowered  }
0xa2: {  	s22 =	simm.s32 $0x1BFF;
	s21 =	sshll.u32 s8, $0x1;
	s5 =	sadd.s32 s19, s18  }
0xa3: {  	s9 =	simm.s32 $0x0;
	s20 =	sshll.u32 s7, $0x1;
	s7 =	sadd.s32 s21, s5  }
0xa4: {  	[timem:s9], [sflag:s22] =	dma.local [hbm:s7], s20  }
0xa5: {  	_ =	swait.ge [sflag:s22], s20  }
0xa6: {  	s6 =	ssub.s32 $0x0, s20;
	[sflag:s22] =	ssyncset.done $0x0  }
0xa7: {  	[sflag:s22] =	ssyncadd.s32 s6;
	_ =	sdelay $0x1  }
0xa8: {  	s23 =	simm.s32 $0x1B8B  }
0xa9: {  	_ =	swait.ge [sflag:s23], $0x1  }
0xaa: {  	[sflag:s23] =	ssyncset.done $0x0  }
0xab: {  	s25 =	simm.s32 $0x1B8E;
	s24 =	sld [smem:$0x3FFE];
	[sflag:s23] =	ssyncadd.s32 $0xFFFFFFFF  }
0xac: {  	s26 =	simm.s32 $execute0_lowered;
	[smem:$0x3FD2] =	sst s25  }
0xad: {  	s7 =	sshll.u32 s26, $0x1;
	_ =	strace $0x80000046;
	[dreg:$0x1] =	wrdreg $0xFFFFFFFF  }
0xae: {  	s28 =	simm.s32 $_size_execute0_lowered;
	s5 =	sadd.s32 s5, s7;
	[dreg:$0x0] =	wrdreg $0x0  }
0xaf: {  	s7 =	sshll.u32 s28, $0x1;
	[dreg:$0x2] =	wrdreg s5  }
0xb0: {  	[dreg:$0x3] =	wrdreg s7  }
0xb1: {  	[dreg:$0x4] =	wrdreg $0xC0  }
0xb2: {  	_ =	task [dreg:s9], $0x5FFFF  }
0xb3: {  	[dreg:$0x1] =	wrdreg $0xFFFFFFFF  }
0xb4: {  	[dreg:$0x0] =	wrdreg $0x60  }
0xb5: {  	[dreg:$0x2] =	wrdreg s16  }
0xb6: {  	[dreg:$0x3] =	wrdreg s24  }
0xb7: {  	[dreg:$0x4] =	wrdreg s15  }
0xb8: {  	[dreg:$0x5] =	wrdreg s4  }
0xb9: {  	[dreg:$0x6] =	wrdreg $0x9  }
0xba: {  	_ =	task.clear_ibuf [dreg:s9], $0x7FFFF;
	_ =	strace $0x90000046  }
0xbb: {  	s29 =	simm.s32 $0x9;
	_ =	strace $0x80000048  }
0xbc: {  	_ =	swait.ge [sflag:s29], $0x1  }
0xbd: {  	[sflag:s29] =	ssyncadd.s32 $0xFFFFFFFF  }
0xbe: {  	_ =	strace $0x90000048  }
0xbf: {  	_ =	sfence  }
0xc0: {  	s30 =	sld [smem:$0x0];
	_ =	sdelay $0x2  }
0xc1: {  	s31 =	sshll.u32 s1, $0xD;
	s1 =	sshrl.u32 s1, $0x2  }
0xc2: {  	s3 =	sand.u32 $0x4000, s31;
	s1 =	sadd.s32 s1, s30  }
0xc3: {  	s0 =	sor.u32 s3, s0;
	s1 =	sshll.u32 s1, $0x11  }
0xc4: {  	s0 =	sor.u32 s1, s0  }
0xc5: {  	s0 =	sadd.s32 $0x8F2B, s0  }
0xc6: {  	[sflag:s0] =	ssyncadd.remote.s32 $0x1  }
0xc7: {  	_ =	sfence.sel $0xFFFF  }
0xc8: {  	[dreg:$0x0] =	wrdreg $0xFFFFFFFF;
	(pc) =	sbr.abs _section_cstart, $3  }
0xc9: {  	[dreg:$0x1] =	wrdreg $0xFFFFFFFF  }
0xca: {  	_ =	task.clear_ibuf [dreg:s9], $0x2FFFF;
	_ =	strace $0x9FFFFFFF  }
0xcb: {  	(tm) =	ssettm $0x7FFFFFFF  }
tec
execute0_lowered:
.L_overlay_start_1:
0x0: {  	(tag) =	ssettag $0x1  }
0x1: {  	s1 =	rddreg [dreg:$0x0]  }
0x2: {  	s6 =	rddreg [dreg:$0x1]  }
0x3: {  	s2 =	rddreg [dreg:$0x2]  }
0x4: {  	s0 =	rddreg [dreg:$0x3]  }
0x5: {  	s4 =	simm.s32 $0x0;
	s3 =	stileid.u32;
	s9 =	srdreg.scid  }
0x6: {  	s13 =	simm.s32 $0x200;
	s12 =	simm.s32 $0x7580;
	s14 =	simm.s32 $0x138800  }
0x7: {  	s15 =	simm.s32 $0x80;
	s16 =	simm.s32 $0x7880;
	s17 =	simm.s32 $0xB880  }
0x8: {  	s18 =	simm.s32 $0xF880;
	s19 =	simm.s32 $0xF900;
	s20 =	simm.s32 $0xF980  }
0x9: {  	s21 =	simm.s32 $0x1;
	s22 =	simm.s32 $0x2;
	[dreg:$0x5] =	wrdreg s0  }
0xa: {  	s23 =	simm.s32 $0x0;
	[smem:$0x7FF] =	sst s4;
	s7 =	sshll.u32 s3, $0xC  }
0xb: {  	s5 =	sadd.s32 $0x4C00, s6;
	s8 =	sadd.s32 $0x7E00, s6;
	s25 =	sadd.s32 $0x11C00, s6  }
0xc: {  	s26 =	sand.u32 $0x1, s9;
	s29 =	sshll.u32 s3, $0x1;
	s11 =	sadd.s32 $0x10, s2  }
0xd: {  	s31 =	sshll.u32 s3, $0x8;
	_ =	strace $0x80000047;
	[dreg:$0x6] =	wrdreg s8  }
0xe: {  	s7 =	sadd.s32 s7, s6;
	[dreg:$0x7] =	wrdreg s25;
	s6 =	sadd.s32 $0x1BA00, s6  }
0xf: {  	s28 =	ssub.s32 $0x2, s26;
	s9 =	sor.u32 s29, s26;
	[dreg:$0x9] =	wrdreg s11  }
0x10: {  	s30 =	sshll.u32 s26, $0xB;
	s8 =	sshll.u32 s26, $0x7;
	[dreg:$0xa] =	wrdreg s13  }
0x11: {  	s11 =	simm.s32 $0x3;
	s13 =	simm.s32 $0x7600;
	[dreg:$0xb] =	wrdreg s14  }
0x12: {  	s14 =	simm.s32 $0x7680;
	[dreg:$0x8] =	wrdreg s6;
	s10 =	sshrl.u32 s28, $0x1  }
0x13: {  	s9 =	ssub.s32 $0x9C3, s9;
	s8 =	sor.u32 s8, s31;
	s6 =	ssub.s32 s28, s10  }
0x14: {  	s9 =	sshrl.u32 s9, $0x5;
	s10 =	sadd.s32 s30, s7;
	s6 =	smax.u32 s6, $0x1  }
0x15: {  	s7 =	sxor.u32 $0xFFFFFFFF, s9;
	s9 =	sadd.s32 $0x25800, s10;
	s10 =	sadd.s32 $0x507800, s10  }
.LBB2_1:
0x16: {  	[tilespmem:s4], [sflag:$0x3] =	stream.linear.gather [hbm4b:s5+s4], $0x7580, $0x38;
	[tilespmem:$0xFA00] =	vst v63  }
0x17: {  	_ =	swait.ge [sflag:s11], $0x7580  }
0x18: {  	s24 =	smov.u32 s10;
	s25 =	smov.u32 s9;
	[sflag:s11] =	ssyncset.done $0x0  }
0x19: {  	s26 =	smov.u32 s8;
	s28 =	smov.u32 s7;
	[sflag:s11] =	ssyncadd.s32 $0xFFFF8A80  }
.LBB2_2:
0x1a: {  	s29 =	sshrl.u32 s26, $0x2  }
0x1b: {  	s29 =	sand.u32 $0x1FFFFFE0, s29  }
0x1c: {  	s30 =	sadd.s32 s2, s29  }
0x1d: {  	[tilespmem:s12], [sflag:$0x3] =	stream.linear.gather [hbm4b:s30+s4], $0x80, $0x38;
	[tilespmem:$0xFA00] =	vst v63  }
0x1e: {  	_ =	swait.ge [sflag:s11], $0x80  }
0x1f: {  	s0 =	rddreg [dreg:$0x9];
	[sflag:s11] =	ssyncset.done $0x0  }
0x20: {  	[sflag:s11] =	ssyncadd.s32 $0xFFFFFF80;
	s29 =	sadd.s32 s29, s0  }
0x21: {  	[tilespmem:s13], [sflag:$0x3] =	stream.linear.gather [hbm4b:s29+s4], $0x80, $0x38;
	[tilespmem:$0xFA00] =	vst v63  }
0x22: {  	_ =	swait.ge [sflag:s11], $0x80  }
0x23: {  	s29 =	rddreg [dreg:$0x5]  }
0x24: {  	s0 =	sshrl.u32 s26, $0x1;
	s30 =	rddreg [dreg:$0xa];
	[sflag:s11] =	ssyncset.done $0x0  }
0x25: {  	s31 =	rddreg [dreg:$0xb];
	s0 =	sadd.s32 s29, s0;
	[sflag:s11] =	ssyncadd.s32 $0xFFFFFF80  }
0x26: {  	[tilespmem:s14], [sflag:$0x3] =	stream.strided.gather [hbm4b:s0+s30], $0x0, s31, s30, $0x38;
	[tilespmem:$0xFA00] =	vst v63  }
0x27: {  	_ = 	snop  }
0x28: {  	[tilespmem:s14], [sflag:$0x3] =	stream.linear.gather [hbm4b:s0+s4], $0x180, $0x38;
	[tilespmem:$0xFA00] =	vst v63  }
0x29: {  	_ =	swait.ge [sflag:s11], $0x180  }
0x2a: {  	[sflag:s11] =	ssyncset.done $0x0  }
0x2b: {  	[sflag:s11] =	ssyncadd.s32 $0xFFFFFE80  }
0x2c: {  	[tilespmem:s16], [sflag:$0x1] =	stream.indirect.gather [hbm4b:s1+s15], $0x80, s12, s15, $0xb8;
	[tilespmem:$0xFA00] =	vst v63  }
0x2d: {  	_ = 	snop  }
0x2e: {  	[tilespmem:s17], [sflag:$0x2] =	stream.indirect.gather [hbm4b:s1+s15], $0x80, s13, s15, $0xb8;
	[tilespmem:$0xFA00] =	vst v63  }
0x2f: {  	v0 =	vld [tilespmem:$0x7580]  }
0x30: {  	v1 =	vld [tilespmem:$0x7600];
	_ =	sdelay $0x3  }
0x31: {  	v6 =	vld [tilespmem:$0x7680];
	v2 =	vadd.s32 $0x2710, v0  }
0x32: {  	v7 =	vld [tilespmem:$0x7700];
	v3 =	vadd.s32 $0x4E20, v0  }
0x33: {  	v8 =	vld [tilespmem:$0x7780];
	v5 =	vadd.s32 $0x4E20, v1  }
0x34: {  	v4 =	vadd.s32 $0x2710, v1;
	v0 =	vld.idx.msk [tilespmem:v0+s4+$0x0], $0xffff  }
0x35: {  	v1 =	vld.idx.msk [tilespmem:v1+s4+$0x0], $0xffff  }
0x36: {  	v2 =	vld.idx.msk [tilespmem:v2+s4+$0x0], $0xffff  }
0x37: {  	v3 =	vld.idx.msk [tilespmem:v3+s4+$0x0], $0xffff  }
0x38: {  	v5 =	vld.idx.msk [tilespmem:v5+s4+$0x0], $0xffff  }
0x39: {  	v4 =	vld.idx.msk [tilespmem:v4+s4+$0x0], $0xffff;
	_ =	sdelay $0x1  }
0x3a: {  	v9 =	vmul.f32 v6, v0  }
0x3b: {  	v6 =	vmul.f32 v6, v1;
	v10 =	vmul.f32 v7, v2  }
0x3c: {  	v11 =	vmul.f32 v8, v3;
	v12 =	vmul.f32 v5, v2  }
0x3d: {  	v13 =	vmul.f32 v4, v3;
	v3 =	vmul.f32 v1, v3  }
0x3e: {  	v63 =	vmul.f32 v5, v0;
	v7 =	vmul.f32 v7, v4  }
0x3f: {  	v0 =	vmul.f32 v4, v0;
	v1 =	vmul.f32 v1, v2;
	v9 =	vadd.f32 v10, v9  }
0x40: {  	v15 =	vld [tilespmem:$0x7610];
	v12 =	vsub.f32 v12, v13;
	v3 =	vsub.f32 v3, v63  }
0x41: {  	v5 =	vmul.f32 v8, v5;
	v10 =	vld [tilespmem:$0x7590];
	v6 =	vadd.f32 v7, v6;
	v0 =	vsub.f32 v0, v1  }
0x42: {  	v13 =	vadd.f32 v11, v9;
	v14 =	vmul.f32 v12, v12;
	v3 =	vmul.f32 v3, v3  }
0x43: {  	v5 =	vadd.f32 v5, v6  }
0x44: {  	v0 =	vmul.f32 v0, v0;
	v4 =	vsub.f32 $1.000000000e+00, v13;
	v1 =	vadd.f32 v3, v14  }
0x45: {  	v19 =	vadd.s32 $0x2710, v15;
	v16 =	vadd.f32 $1.000000000e+00, v5  }
0x46: {  	v22 =	vld [tilespmem:$0x7690];
	v21 =	vadd.s32 $0x4E20, v15;
	[tilespmem:$0xF880] =	vst v4;
	v0 =	vadd.f32 v1, v0  }
0x47: {  	v23 =	vld [tilespmem:$0x7710];
	[tilespmem:$0xF900] =	vst v16  }
0x48: {  	v24 =	vld [tilespmem:$0x7790];
	v17 =	vadd.s32 $0x2710, v10;
	[tilespmem:$0xF980] =	vst v0  }
0x49: {  	v18 =	vadd.s32 $0x4E20, v10;
	v0 =	vld.idx.msk [tilespmem:v10+s4+$0x0], $0xffff  }
0x4a: {  	v3 =	vld.idx.msk [tilespmem:v19+s4+$0x0], $0xffff  }
0x4b: {  	v4 =	vld.idx.msk [tilespmem:v21+s4+$0x0], $0xffff  }
0x4c: {  	v7 =	vld.idx.msk [tilespmem:v15+s4+$0x0], $0xffff  }
0x4d: {  	v20 =	vld.idx.msk [tilespmem:v17+s4+$0x0], $0xffff  }
0x4e: {  	v1 =	vld.idx.msk [tilespmem:v18+s4+$0x0], $0xffff;
	_ =	sdelay $0x1  }
0x4f: {  	v25 =	vmul.f32 v22, v0  }
0x50: {  	v30 =	vmul.f32 v4, v0;
	v5 =	vmul.f32 v22, v7  }
0x51: {  	v6 =	vmul.f32 v23, v3;
	v0 =	vmul.f32 v3, v0  }
0x52: {  	v27 =	vmul.f32 v24, v1;
	v28 =	vmul.f32 v4, v20  }
0x53: {  	v29 =	vmul.f32 v3, v1;
	v1 =	vmul.f32 v7, v1  }
0x54: {  	v26 =	vmul.f32 v23, v20;
	v2 =	vmul.f32 v7, v20;
	v5 =	vadd.f32 v6, v5  }
0x55: {  	v31 =	vld [tilespmem:$0x75A0];
	v4 =	vmul.f32 v24, v4;
	v12 =	vsub.f32 v28, v29;
	v1 =	vsub.f32 v1, v30  }
0x56: {  	v9 =	vadd.f32 v26, v25;
	v0 =	vsub.f32 v0, v2  }
0x57: {  	v34 =	vld [tilespmem:$0x7620];
	v4 =	vadd.f32 v4, v5;
	v33 =	vmul.f32 v12, v12;
	v1 =	vmul.f32 v1, v1  }
0x58: {  	v32 =	vadd.f32 v27, v9  }
0x59: {  	v0 =	vmul.f32 v0, v0;
	v36 =	vadd.f32 $1.000000000e+00, v4;
	v1 =	vadd.f32 v1, v33  }
0x5a: {  	v37 =	vadd.s32 $0x2710, v31;
	v35 =	vsub.f32 $1.000000000e+00, v32  }
0x5b: {  	v42 =	vld [tilespmem:$0x76A0];
	v38 =	vadd.s32 $0x4E20, v31;
	[tilespmem:$0xF910] =	vst v36;
	v0 =	vadd.f32 v1, v0  }
0x5c: {  	v43 =	vld [tilespmem:$0x7720];
	v39 =	vadd.s32 $0x2710, v34;
	[tilespmem:$0xF890] =	vst v35  }
0x5d: {  	v44 =	vld [tilespmem:$0x77A0];
	v41 =	vadd.s32 $0x4E20, v34;
	[tilespmem:$0xF990] =	vst v0  }
0x5e: {  	v0 =	vld.idx.msk [tilespmem:v31+s4+$0x0], $0xffff  }
0x5f: {  	v40 =	vld.idx.msk [tilespmem:v37+s4+$0x0], $0xffff  }
0x60: {  	v1 =	vld.idx.msk [tilespmem:v38+s4+$0x0], $0xffff  }
0x61: {  	v2 =	vld.idx.msk [tilespmem:v39+s4+$0x0], $0xffff  }
0x62: {  	v4 =	vld.idx.msk [tilespmem:v41+s4+$0x0], $0xffff  }
0x63: {  	v6 =	vld.idx.msk [tilespmem:v34+s4+$0x0], $0xffff;
	_ =	sdelay $0x1  }
0x64: {  	v45 =	vmul.f32 v42, v0  }
0x65: {  	v46 =	vmul.f32 v43, v40;
	v47 =	vmul.f32 v44, v1  }
0x66: {  	v48 =	vmul.f32 v4, v40;
	v49 =	vmul.f32 v2, v1  }
0x67: {  	v1 =	vmul.f32 v6, v1;
	v50 =	vmul.f32 v4, v0  }
0x68: {  	v5 =	vmul.f32 v42, v6;
	v7 =	vmul.f32 v43, v2  }
0x69: {  	v0 =	vmul.f32 v2, v0;
	v51 =	vmul.f32 v6, v40;
	v9 =	vadd.f32 v46, v45  }
0x6a: {  	v52 =	vld [tilespmem:$0x75B0];
	v12 =	vsub.f32 v48, v49;
	v1 =	vsub.f32 v1, v50  }
0x6b: {  	v4 =	vmul.f32 v44, v4;
	v5 =	vadd.f32 v7, v5;
	v0 =	vsub.f32 v0, v51  }
0x6c: {  	v55 =	vld [tilespmem:$0x7630];
	v53 =	vadd.f32 v47, v9;
	v54 =	vmul.f32 v12, v12;
	v1 =	vmul.f32 v1, v1  }
0x6d: {  	v4 =	vadd.f32 v4, v5  }
0x6e: {  	v0 =	vmul.f32 v0, v0;
	v56 =	vsub.f32 $1.000000000e+00, v53;
	v1 =	vadd.f32 v1, v54  }
0x6f: {  	v58 =	vadd.s32 $0x2710, v52;
	v57 =	vadd.f32 $1.000000000e+00, v4  }
0x70: {  	v59 =	vadd.s32 $0x4E20, v52;
	v63 =	vld [tilespmem:$0x76B0];
	[tilespmem:$0xF8A0] =	vst v56;
	v0 =	vadd.f32 v1, v0  }
0x71: {  	v60 =	vadd.s32 $0x2710, v55;
	v16 =	vld [tilespmem:$0x7730];
	[tilespmem:$0xF920] =	vst v57  }
0x72: {  	v62 =	vadd.s32 $0x4E20, v55;
	v17 =	vld [tilespmem:$0x77B0];
	[tilespmem:$0xF9A0] =	vst v0  }
0x73: {  	v0 =	vld.idx.msk [tilespmem:v52+s4+$0x0], $0xffff  }
0x74: {  	v61 =	vld.idx.msk [tilespmem:v58+s4+$0x0], $0xffff  }
0x75: {  	v1 =	vld.idx.msk [tilespmem:v59+s4+$0x0], $0xffff  }
0x76: {  	v2 =	vld.idx.msk [tilespmem:v60+s4+$0x0], $0xffff  }
0x77: {  	v4 =	vld.idx.msk [tilespmem:v62+s4+$0x0], $0xffff  }
0x78: {  	v7 =	vld.idx.msk [tilespmem:v55+s4+$0x0], $0xffff;
	_ =	sdelay $0x1  }
0x79: {  	v18 =	vmul.f32 v63, v0  }
0x7a: {  	v19 =	vmul.f32 v16, v61;
	v20 =	vmul.f32 v17, v1  }
0x7b: {  	v21 =	vmul.f32 v4, v61;
	v22 =	vmul.f32 v2, v1  }
0x7c: {  	v1 =	vmul.f32 v7, v1;
	v23 =	vmul.f32 v4, v0  }
0x7d: {  	v5 =	vmul.f32 v63, v7;
	v6 =	vmul.f32 v16, v2  }
0x7e: {  	v0 =	vmul.f32 v2, v0;
	v24 =	vmul.f32 v7, v61;
	v9 =	vadd.f32 v19, v18  }
0x7f: {  	v25 =	vld [tilespmem:$0x75C0];
	v12 =	vsub.f32 v21, v22;
	v1 =	vsub.f32 v1, v23  }
0x80: {  	v4 =	vmul.f32 v17, v4;
	v5 =	vadd.f32 v6, v5;
	v0 =	vsub.f32 v0, v24  }
0x81: {  	v28 =	vld [tilespmem:$0x7640];
	v26 =	vadd.f32 v20, v9;
	v27 =	vmul.f32 v12, v12;
	v1 =	vmul.f32 v1, v1  }
0x82: {  	v4 =	vadd.f32 v4, v5  }
0x83: {  	v0 =	vmul.f32 v0, v0;
	v29 =	vsub.f32 $1.000000000e+00, v26;
	v1 =	vadd.f32 v1, v27  }
0x84: {  	v31 =	vadd.s32 $0x2710, v25;
	v30 =	vadd.f32 $1.000000000e+00, v4  }
0x85: {  	v32 =	vadd.s32 $0x4E20, v25;
	v36 =	vld [tilespmem:$0x76C0];
	[tilespmem:$0xF8B0] =	vst v29;
	v0 =	vadd.f32 v1, v0  }
0x86: {  	v33 =	vadd.s32 $0x2710, v28;
	v37 =	vld [tilespmem:$0x7740];
	[tilespmem:$0xF930] =	vst v30  }
0x87: {  	v35 =	vadd.s32 $0x4E20, v28;
	v38 =	vld [tilespmem:$0x77C0];
	[tilespmem:$0xF9B0] =	vst v0  }
0x88: {  	v0 =	vld.idx.msk [tilespmem:v25+s4+$0x0], $0xffff  }
0x89: {  	v34 =	vld.idx.msk [tilespmem:v31+s4+$0x0], $0xffff  }
0x8a: {  	v1 =	vld.idx.msk [tilespmem:v32+s4+$0x0], $0xffff  }
0x8b: {  	v2 =	vld.idx.msk [tilespmem:v33+s4+$0x0], $0xffff  }
0x8c: {  	v4 =	vld.idx.msk [tilespmem:v35+s4+$0x0], $0xffff  }
0x8d: {  	v6 =	vld.idx.msk [tilespmem:v28+s4+$0x0], $0xffff;
	_ =	sdelay $0x1  }
0x8e: {  	v39 =	vmul.f32 v36, v0  }
0x8f: {  	v40 =	vmul.f32 v37, v34;
	v41 =	vmul.f32 v38, v1  }
0x90: {  	v42 =	vmul.f32 v4, v34;
	v43 =	vmul.f32 v2, v1  }
0x91: {  	v1 =	vmul.f32 v6, v1;
	v44 =	vmul.f32 v4, v0  }
0x92: {  	v5 =	vmul.f32 v36, v6;
	v7 =	vmul.f32 v37, v2  }
0x93: {  	v0 =	vmul.f32 v2, v0;
	v45 =	vmul.f32 v6, v34;
	v9 =	vadd.f32 v40, v39  }
0x94: {  	v46 =	vld [tilespmem:$0x75D0];
	v12 =	vsub.f32 v42, v43;
	v1 =	vsub.f32 v1, v44  }
0x95: {  	v4 =	vmul.f32 v38, v4;
	v5 =	vadd.f32 v7, v5;
	v0 =	vsub.f32 v0, v45  }
0x96: {  	v49 =	vld [tilespmem:$0x7650];
	v47 =	vadd.f32 v41, v9;
	v48 =	vmul.f32 v12, v12;
	v1 =	vmul.f32 v1, v1  }
0x97: {  	v4 =	vadd.f32 v4, v5  }
0x98: {  	v0 =	vmul.f32 v0, v0;
	v50 =	vsub.f32 $1.000000000e+00, v47;
	v1 =	vadd.f32 v1, v48  }
0x99: {  	v52 =	vadd.s32 $0x2710, v46;
	v51 =	vadd.f32 $1.000000000e+00, v4  }
0x9a: {  	v53 =	vadd.s32 $0x4E20, v46;
	v57 =	vld [tilespmem:$0x76D0];
	[tilespmem:$0xF8C0] =	vst v50;
	v0 =	vadd.f32 v1, v0  }
0x9b: {  	v54 =	vadd.s32 $0x2710, v49;
	v58 =	vld [tilespmem:$0x7750];
	[tilespmem:$0xF940] =	vst v51  }
0x9c: {  	v56 =	vadd.s32 $0x4E20, v49;
	v59 =	vld [tilespmem:$0x77D0];
	[tilespmem:$0xF9C0] =	vst v0  }
0x9d: {  	v0 =	vld.idx.msk [tilespmem:v46+s4+$0x0], $0xffff  }
0x9e: {  	v55 =	vld.idx.msk [tilespmem:v52+s4+$0x0], $0xffff  }
0x9f: {  	v1 =	vld.idx.msk [tilespmem:v53+s4+$0x0], $0xffff  }
0xa0: {  	v2 =	vld.idx.msk [tilespmem:v54+s4+$0x0], $0xffff  }
0xa1: {  	v4 =	vld.idx.msk [tilespmem:v56+s4+$0x0], $0xffff  }
0xa2: {  	v7 =	vld.idx.msk [tilespmem:v49+s4+$0x0], $0xffff;
	_ =	sdelay $0x1  }
0xa3: {  	v60 =	vmul.f32 v57, v0  }
0xa4: {  	v61 =	vmul.f32 v58, v55;
	v62 =	vmul.f32 v59, v1  }
0xa5: {  	v63 =	vmul.f32 v4, v55;
	v16 =	vmul.f32 v2, v1  }
0xa6: {  	v1 =	vmul.f32 v7, v1;
	v17 =	vmul.f32 v4, v0  }
0xa7: {  	v5 =	vmul.f32 v57, v7;
	v6 =	vmul.f32 v58, v2  }
0xa8: {  	v0 =	vmul.f32 v2, v0;
	v18 =	vmul.f32 v7, v55;
	v9 =	vadd.f32 v61, v60  }
0xa9: {  	v19 =	vld [tilespmem:$0x75E0];
	v12 =	vsub.f32 v63, v16;
	v1 =	vsub.f32 v1, v17  }
0xaa: {  	v4 =	vmul.f32 v59, v4;
	v5 =	vadd.f32 v6, v5;
	v0 =	vsub.f32 v0, v18  }
0xab: {  	v22 =	vld [tilespmem:$0x7660];
	v20 =	vadd.f32 v62, v9;
	v21 =	vmul.f32 v12, v12;
	v1 =	vmul.f32 v1, v1  }
0xac: {  	v4 =	vadd.f32 v4, v5  }
0xad: {  	v0 =	vmul.f32 v0, v0;
	v23 =	vsub.f32 $1.000000000e+00, v20;
	v1 =	vadd.f32 v1, v21  }
0xae: {  	v25 =	vadd.s32 $0x2710, v19;
	v24 =	vadd.f32 $1.000000000e+00, v4  }
0xaf: {  	v26 =	vadd.s32 $0x4E20, v19;
	v30 =	vld [tilespmem:$0x76E0];
	[tilespmem:$0xF8D0] =	vst v23;
	v0 =	vadd.f32 v1, v0  }
0xb0: {  	v27 =	vadd.s32 $0x2710, v22;
	v31 =	vld [tilespmem:$0x7760];
	[tilespmem:$0xF950] =	vst v24  }
0xb1: {  	v29 =	vadd.s32 $0x4E20, v22;
	v32 =	vld [tilespmem:$0x77E0];
	[tilespmem:$0xF9D0] =	vst v0  }
0xb2: {  	v0 =	vld.idx.msk [tilespmem:v19+s4+$0x0], $0xffff  }
0xb3: {  	v28 =	vld.idx.msk [tilespmem:v25+s4+$0x0], $0xffff  }
0xb4: {  	v1 =	vld.idx.msk [tilespmem:v26+s4+$0x0], $0xffff  }
0xb5: {  	v2 =	vld.idx.msk [tilespmem:v27+s4+$0x0], $0xffff  }
0xb6: {  	v4 =	vld.idx.msk [tilespmem:v29+s4+$0x0], $0xffff  }
0xb7: {  	v6 =	vld.idx.msk [tilespmem:v22+s4+$0x0], $0xffff;
	_ =	sdelay $0x1  }
0xb8: {  	v33 =	vmul.f32 v30, v0  }
0xb9: {  	v34 =	vmul.f32 v31, v28;
	v35 =	vmul.f32 v32, v1  }
0xba: {  	v36 =	vmul.f32 v4, v28;
	v37 =	vmul.f32 v2, v1  }
0xbb: {  	v1 =	vmul.f32 v6, v1;
	v38 =	vmul.f32 v4, v0  }
0xbc: {  	v5 =	vmul.f32 v30, v6;
	v7 =	vmul.f32 v31, v2  }
0xbd: {  	v0 =	vmul.f32 v2, v0;
	v39 =	vmul.f32 v6, v28;
	v9 =	vadd.f32 v34, v33  }
0xbe: {  	v40 =	vld [tilespmem:$0x75F0];
	v12 =	vsub.f32 v36, v37;
	v1 =	vsub.f32 v1, v38  }
0xbf: {  	v4 =	vmul.f32 v32, v4;
	v5 =	vadd.f32 v7, v5;
	v0 =	vsub.f32 v0, v39  }
0xc0: {  	v43 =	vld [tilespmem:$0x7670];
	v41 =	vadd.f32 v35, v9;
	v42 =	vmul.f32 v12, v12;
	v1 =	vmul.f32 v1, v1  }
0xc1: {  	v4 =	vadd.f32 v4, v5  }
0xc2: {  	v0 =	vmul.f32 v0, v0;
	v44 =	vsub.f32 $1.000000000e+00, v41;
	v1 =	vadd.f32 v1, v42  }
0xc3: {  	v46 =	vadd.s32 $0x2710, v40;
	v45 =	vadd.f32 $1.000000000e+00, v4  }
0xc4: {  	v47 =	vadd.s32 $0x4E20, v40;
	v51 =	vld [tilespmem:$0x76F0];
	[tilespmem:$0xF8E0] =	vst v44;
	v0 =	vadd.f32 v1, v0  }
0xc5: {  	v48 =	vadd.s32 $0x2710, v43;
	v52 =	vld [tilespmem:$0x7770];
	[tilespmem:$0xF960] =	vst v45  }
0xc6: {  	v50 =	vadd.s32 $0x4E20, v43;
	v53 =	vld [tilespmem:$0x77F0];
	[tilespmem:$0xF9E0] =	vst v0  }
0xc7: {  	v0 =	vld.idx.msk [tilespmem:v40+s4+$0x0], $0xffff  }
0xc8: {  	v49 =	vld.idx.msk [tilespmem:v46+s4+$0x0], $0xffff  }
0xc9: {  	v1 =	vld.idx.msk [tilespmem:v47+s4+$0x0], $0xffff  }
0xca: {  	v2 =	vld.idx.msk [tilespmem:v48+s4+$0x0], $0xffff  }
0xcb: {  	v4 =	vld.idx.msk [tilespmem:v50+s4+$0x0], $0xffff  }
0xcc: {  	v7 =	vld.idx.msk [tilespmem:v43+s4+$0x0], $0xffff;
	_ =	sdelay $0x1  }
0xcd: {  	v54 =	vmul.f32 v51, v0  }
0xce: {  	v55 =	vmul.f32 v52, v49;
	v56 =	vmul.f32 v53, v1  }
0xcf: {  	v57 =	vmul.f32 v4, v49;
	v58 =	vmul.f32 v2, v1  }
0xd0: {  	v1 =	vmul.f32 v7, v1;
	v59 =	vmul.f32 v4, v0  }
0xd1: {  	v5 =	vmul.f32 v51, v7;
	v6 =	vmul.f32 v52, v2  }
0xd2: {  	v0 =	vmul.f32 v2, v0;
	v60 =	vmul.f32 v7, v49;
	v9 =	vadd.f32 v55, v54  }
0xd3: {  	v12 =	vsub.f32 v57, v58;
	v1 =	vsub.f32 v1, v59  }
0xd4: {  	v4 =	vmul.f32 v53, v4;
	v5 =	vadd.f32 v6, v5;
	v0 =	vsub.f32 v0, v60  }
0xd5: {  	v61 =	vadd.f32 v56, v9;
	v62 =	vmul.f32 v12, v12;
	v1 =	vmul.f32 v1, v1  }
0xd6: {  	v4 =	vadd.f32 v4, v5  }
0xd7: {  	v0 =	vmul.f32 v0, v0;
	v3 =	vsub.f32 $1.000000000e+00, v61;
	v1 =	vadd.f32 v1, v62  }
0xd8: {  	v63 =	vadd.f32 $1.000000000e+00, v4  }
0xd9: {  	[tilespmem:$0xF8F0] =	vst v3;
	v0 =	vadd.f32 v1, v0  }
0xda: {  	s29 =	sshrl.u32 s26, $0x3;
	s31 =	rddreg [dreg:$0x6];
	[tilespmem:$0xF970] =	vst v63  }
0xdb: {  	s0 =	sadd.s32 s31, s29;
	[tilespmem:$0xF9F0] =	vst v0  }
0xdc: {  	[hbm4b:s0+s4] =	stream.linear.scatter [tilespmem:s18], [sflag:$0x3], $0x80, $0x38;
	[tilespmem:$0xFA00] =	vst v63  }
0xdd: {  	_ =	swait.ge [sflag:s11], $0x80  }
0xde: {  	s30 =	rddreg [dreg:$0x7];
	[sflag:s11] =	ssyncset.done $0x0  }
0xdf: {  	[sflag:s11] =	ssyncadd.s32 $0xFFFFFF80;
	s0 =	sadd.s32 s30, s29  }
0xe0: {  	[hbm4b:s0+s4] =	stream.linear.scatter [tilespmem:s19], [sflag:$0x3], $0x80, $0x38;
	[tilespmem:$0xFA00] =	vst v63  }
0xe1: {  	_ =	swait.ge [sflag:s11], $0x80  }
0xe2: {  	s31 =	rddreg [dreg:$0x8];
	[sflag:s11] =	ssyncset.done $0x0  }
0xe3: {  	[sflag:s11] =	ssyncadd.s32 $0xFFFFFF80;
	s0 =	sadd.s32 s31, s29  }
0xe4: {  	[hbm4b:s0+s4] =	stream.linear.scatter [tilespmem:s20], [sflag:$0x3], $0x80, $0x38;
	[tilespmem:$0xFA00] =	vst v63  }
0xe5: {  	_ =	swait.ge [sflag:s11], $0x80  }
0xe6: {  	[sflag:s11] =	ssyncset.done $0x0  }
0xe7: {  	[sflag:s11] =	ssyncadd.s32 $0xFFFFFF80  }
0xe8: {  	_ =	swait.ge [sflag:s21], $0x4000  }
0xe9: {  	[sflag:s21] =	ssyncset.done $0x0  }
0xea: {  	[sflag:s21] =	ssyncadd.s32 $0xFFFFC000  }
0xeb: {  	_ =	swait.ge [sflag:s22], $0x4000  }
0xec: {  	[sflag:s22] =	ssyncset.done $0x0  }
0xed: {  	[sflag:s22] =	ssyncadd.s32 $0xFFFFC000  }
0xee: {  	[hbm4b:s25+s4] =	stream.linear.scatter [tilespmem:s16], [sflag:$0x3], $0x4000, $0x38;
	[tilespmem:$0xFA00] =	vst v63  }
0xef: {  	s28 =	sadd.s32 $0x1, s28;
	_ =	swait.ge [sflag:s11], $0x4000  }
0xf0: {  	p0 =	seq.s32 s28, $0x0;
	[sflag:s11] =	ssyncset.done $0x0  }
.Ltmp0:
0xf1: {  	[sflag:s11] =	ssyncadd.s32 $0xFFFFC000;
	(pc) =	sbr.rel @!p0 .LBB2_2-.Ltmp0, $4  }
0xf2: {  	[hbm4b:s24+s4] =	stream.linear.scatter [tilespmem:s17], [sflag:$0x3], $0x4000, $0x38;
	[tilespmem:$0xFA00] =	vst v63  }
0xf3: {  	_ =	swait.ge [sflag:s11], $0x4000  }
0xf4: {  	s26 =	sadd.s32 $0x1000, s26;
	[sflag:s11] =	ssyncset.done $0x0  }
0xf5: {  	s25 =	sadd.s32 $0x10000, s25;
	s24 =	sadd.s32 $0x10000, s24;
	[sflag:s11] =	ssyncadd.s32 $0xFFFFC000  }
0xf6: {  	s23 =	sadd.s32 $0x1, s23  }
0xf7: {  	p0 =	sne.s32 s23, s6  }
.Ltmp1:
0xf8: {  	_ = 	snop;
	(pc) =	sbr.rel @p0 .LBB2_1-.Ltmp1, $1  }
0xf9: {  	_ =	sdelay $0x3  }
0xfa: {  	_ =	sfence.sel $0x180000  }
0xfb: {  	[bflag:$0x0] =	sbarrier.arrive $0xFFFF  }
0xfc: {  	_ =	strace $0x90000047  }
0xfd: {  	[bflag:$0x2] =	sbarrier.arrive $0xFFFF  }
0xfe: {  	p0 =	sne.s32 s3, $0x0;
	s0 =	rddreg [dreg:$0x4]  }
0xff: {  	s0 =	sadd.s32 @!p0 $0x100000, s0  }
0x100: {  	[sflag:s0] =	ssyncadd.tile.s32 @!p0 $0x1;
	_ =	shalt  }
.Lfunc_end2:
_tile_overlayer_lowered:
.L_overlay_start_2:
0x101: {  	(tag) =	ssettag $0x2  }
0x102: {  	s0 =	rddreg [dreg:$0x0];
	s2 =	stileid.u32  }
0x103: {  	s1 =	rddreg [dreg:$0x1];
	p0 =	sne.s32 s2, $0x0  }
0x104: {  	s3 =	rddreg [dreg:$0x2];
	[bflag:$0x3] =	sbarrier.arrive $0xFFFF;
	s2 =	simm.s32 @!p0 $0x1C03  }
0x105: {  	[timem:s3], [sflag:s2] =	dma.local @!p0 [hbm:s0], s1  }
0x106: {  	s0 =	simm.s32 @!p0 $0x3  }
0x107: {  	_ =	swait.ge @!p0 [sflag:s0], s1  }
0x108: {  	s1 =	ssub.s32 @!p0 $0x0, s1;
	[sflag:s0] =	ssyncset.done @!p0 $0x0  }
0x109: {  	[sflag:s0] =	ssyncadd.s32 @!p0 s1  }
0x10a: {  	[bflag:$0x3] =	sbarrier.arrive $0xFFFF  }
0x10b: {  	_ =	shalt  }

</sc_bundles>
